<compile_context>
chip_gen: v7x
topology: tpu7x:2x2x1
jax: 0.10.2.dev20260603
libtpu: 0.0.44.dev20260713+nightly
codegen_flags: <defaults>
</compile_context>

<pallas_src>
import jax
import jax.numpy as jnp
from jax import lax
from jax.experimental import pallas as pl
from jax.experimental.pallas import tpu as pltpu
from jax.experimental.pallas import tpu_sc as plsc

N = 50000
C = 64
NC, NS = 2, 16
NW = NC * NS
CHUNK = 128
WV = 80
EPT = 25088
EPAD = EPT * NW
HALF = N // 2
ACC_ROWS = 25088
TRASH = 25080
NPT = 1568
NPAD = NPT * NW

_MESH = plsc.VectorSubcoreMesh(core_axis_name="c", subcore_axis_name="s")
_SC_PARAMS = pltpu.CompilerParams(use_tc_tiling_on_sc=False, needs_layout_passes=False)



def _embed_body(sidx, midx, stab, mtab, outa, outb, i_v, m_v, a_v, b_v, sem):
    wid = lax.axis_index("s") * NC + lax.axis_index("c")
    base = wid * NPT

    def chunk(ci, carry):
        cs = pl.multiple_of(base + ci * 112, 8)
        pltpu.sync_copy(sidx.at[pl.ds(cs, 112)], i_v)
        pltpu.sync_copy(midx.at[pl.ds(cs, 112)], m_v)
        pltpu.async_copy(stab.at[i_v], a_v, sem).wait()
        pltpu.async_copy(mtab.at[m_v], b_v, sem).wait()
        pltpu.sync_copy(a_v, outa.at[pl.ds(cs, 112)])
        pltpu.sync_copy(b_v, outb.at[pl.ds(cs, 112)])
        return carry

    lax.fori_loop(0, NPT // 112, chunk, 0)


def _embed(sidx, midx, stab, mtab):
    fn = pl.kernel(
        _embed_body,
        out_type=(
            jax.ShapeDtypeStruct((NPAD, 32), jnp.float32),
            jax.ShapeDtypeStruct((NPAD, 32), jnp.float32),
        ),
        mesh=_MESH,
        compiler_params=_SC_PARAMS,
        scratch_types=[
            pltpu.VMEM((112,), jnp.int32),
            pltpu.VMEM((112,), jnp.int32),
            pltpu.VMEM((112, 32), jnp.float32),
            pltpu.VMEM((112, 32), jnp.float32),
            pltpu.SemaphoreType.DMA,
        ],
    )
    return fn(sidx, midx, stab, mtab)



def _phase1_body(dstg, srcg, jidg, q, kv, etab, wvn_out, wden_out,
                 dst0, src0, jid0, q0, kv0, e0, on0, od0, sem0,
                 dst1, src1, jid1, q1, kv1, e1, on1, od1, sem1):
    wid = lax.axis_index("s") * NC + lax.axis_index("c")
    base = wid * EPT
    onehot0 = (1 - jnp.minimum(lax.iota(jnp.int32, 16), 1)).astype(jnp.float32)
    nch = EPT // CHUNK

    def load_idx(c, dv, sv, jv):
        cs = pl.multiple_of(base + c * CHUNK, 8)
        pltpu.sync_copy(dstg.at[pl.ds(cs, CHUNK)], dv)
        pltpu.sync_copy(srcg.at[pl.ds(cs, CHUNK)], sv)
        pltpu.sync_copy(jidg.at[pl.ds(cs, CHUNK)], jv)

    def start(dv, sv, jv, qv, kvv, ev, sem):
        pltpu.async_copy(q.at[dv], qv, sem)
        pltpu.async_copy(kv.at[sv], kvv, sem)
        pltpu.async_copy(etab.at[jv], ev, sem)

    def drain(dv, sv, jv, qv, kvv, ev, sem):
        pltpu.make_async_copy(q.at[dv], qv, sem).wait()
        pltpu.make_async_copy(kv.at[sv], kvv, sem).wait()
        pltpu.make_async_copy(etab.at[jv], ev, sem).wait()

    def compute(c, qv, kvv, ev, onv, odv):
        def edge(i4, carry2):
            for u in range(4):
                i = i4 * 4 + u
                acc = jnp.zeros((16,), jnp.float32)
                for cc in range(4):
                    qc = qv[i, pl.ds(cc * 16, 16)]
                    kc = kvv[i, pl.ds(cc * 16, 16)]
                    ec = ev[i, pl.ds(cc * 16, 16)]
                    acc = acc + qc * (kc + ec)
                s = jnp.sum(acc * 0.125)
                w16 = jnp.exp(jnp.full((16,), s, jnp.float32))
                for cc in range(4):
                    vc = kvv[i, pl.ds(64 + cc * 16, 16)]
                    ec = ev[i, pl.ds(cc * 16, 16)]
                    onv[i, pl.ds(cc * 16, 16)] = w16 * (vc + ec)
                odv[i, pl.ds(0, 16)] = w16 * onehot0
            return carry2

        lax.fori_loop(0, CHUNK // 4, edge, 0)
        cs = pl.multiple_of(base + c * CHUNK, 8)
        pltpu.sync_copy(onv, wvn_out.at[pl.ds(cs, CHUNK)])
        pltpu.sync_copy(odv, wden_out.at[pl.ds(cs, CHUNK)])

    load_idx(0, dst0, src0, jid0)
    start(dst0, src0, jid0, q0, kv0, e0, sem0)

    def pair(i, carry):
        ca = 2 * i
        cb = 2 * i + 1
        load_idx(cb, dst1, src1, jid1)
        start(dst1, src1, jid1, q1, kv1, e1, sem1)
        drain(dst0, src0, jid0, q0, kv0, e0, sem0)
        compute(ca, q0, kv0, e0, on0, od0)

        @pl.when(cb + 1 < nch)
        def _():
            load_idx(cb + 1, dst0, src0, jid0)
            start(dst0, src0, jid0, q0, kv0, e0, sem0)

        drain(dst1, src1, jid1, q1, kv1, e1, sem1)
        compute(cb, q1, kv1, e1, on1, od1)
        return carry

    lax.fori_loop(0, nch // 2, pair, 0)


def _phase1(dstg, srcg, jidg, q, kv, etab):
    bufs = [
        pltpu.VMEM((CHUNK,), jnp.int32),
        pltpu.VMEM((CHUNK,), jnp.int32),
        pltpu.VMEM((CHUNK,), jnp.int32),
        pltpu.VMEM((CHUNK, 64), jnp.float32),
        pltpu.VMEM((CHUNK, 128), jnp.float32),
        pltpu.VMEM((CHUNK, 64), jnp.float32),
        pltpu.VMEM((CHUNK, 64), jnp.float32),
        pltpu.VMEM((CHUNK, 16), jnp.float32),
        pltpu.SemaphoreType.DMA,
    ]
    fn = pl.kernel(
        _phase1_body,
        out_type=(jax.ShapeDtypeStruct((EPAD, 64), jnp.float32),
                  jax.ShapeDtypeStruct((EPAD, 16), jnp.float32)),
        mesh=_MESH,
        compiler_params=_SC_PARAMS,
        scratch_types=bufs + bufs,
    )
    return fn(dstg, srcg, jidg, q, kv, etab)



CHUNK2 = 64
ACC2 = 25088
TRASH2 = 25080


def _phase2_body(dstp, wvn, wden, num_out, den_out,
                 dst_v, lidx_v, wvn_v, wden_v, accn, accd, sem):
    cid = lax.axis_index("c")
    sid = lax.axis_index("s")
    sc_base = cid * HALF

    def zrow(i, carry):
        for cc in range(4):
            wvn_v[i, pl.ds(cc * 16, 16)] = jnp.zeros((16,), jnp.float32)
        wden_v[i, pl.ds(0, 16)] = jnp.zeros((16,), jnp.float32)
        return carry

    lax.fori_loop(0, CHUNK2, zrow, 0)

    rows_per_tile = ACC2 // NS

    def zchunk(ci, carry):
        off = pl.multiple_of(sid * rows_per_tile + ci * 56, 8)
        pltpu.sync_copy(wvn_v.at[pl.ds(0, 56)], accn.at[pl.ds(off, 56)])
        pltpu.sync_copy(wden_v.at[pl.ds(0, 56)], accd.at[pl.ds(off, 56)])
        return carry

    lax.fori_loop(0, rows_per_tile // 56, zchunk, 0)
    plsc.subcore_barrier()

    ept2 = EPAD // NS
    base = sid * ept2

    def chunk(ci, carry):
        cs = pl.multiple_of(base + ci * CHUNK2, 8)
        pltpu.sync_copy(dstp.at[pl.ds(cs, CHUNK2)], dst_v)
        pltpu.sync_copy(wvn.at[pl.ds(cs, CHUNK2)], wvn_v)
        pltpu.sync_copy(wden.at[pl.ds(cs, CHUNK2)], wden_v)
        for g in range(CHUNK2 // 16):
            dv = dst_v[pl.ds(g * 16, 16)] - sc_base
            ok = (dv >= 0) & (dv < HALF)
            lidx_v[pl.ds(g * 16, 16)] = jnp.where(ok, dv, TRASH2)
        pltpu.sync_copy(wvn_v, accn.at[lidx_v], add=True)
        pltpu.sync_copy(wden_v, accd.at[lidx_v], add=True)
        return carry

    lax.fori_loop(0, ept2 // CHUNK2, chunk, 0)
    plsc.subcore_barrier()

    nchunks = HALF // 125

    def dump(ci, carry):
        cidx = sid + NS * ci

        @pl.when(cidx < nchunks)
        def _():
            pltpu.sync_copy(accn.at[pl.ds(cidx * 125, 125)],
                            num_out.at[pl.ds(sc_base + cidx * 125, 125)])
            pltpu.sync_copy(accd.at[pl.ds(cidx * 125, 125)],
                            den_out.at[pl.ds(sc_base + cidx * 125, 125)])

        return carry

    lax.fori_loop(0, nchunks // NS + 1, dump, 0)


def _phase2(dstp, wvn, wden):
    fn = pl.kernel(
        _phase2_body,
        out_type=(jax.ShapeDtypeStruct((N, 64), jnp.float32),
                  jax.ShapeDtypeStruct((N, 16), jnp.float32)),
        mesh=_MESH,
        compiler_params=_SC_PARAMS,
        scratch_types=[
            pltpu.VMEM((CHUNK2,), jnp.int32),
            pltpu.VMEM((CHUNK2,), jnp.int32),
            pltpu.VMEM((CHUNK2, 64), jnp.float32),
            pltpu.VMEM((CHUNK2, 16), jnp.float32),
            pltpu.VMEM_SHARED((ACC2, 64), jnp.float32),
            pltpu.VMEM_SHARED((ACC2, 16), jnp.float32),
            pltpu.SemaphoreType.DMA,
        ],
    )
    return fn(dstp, wvn, wden)



def _proj_kernel(x_ref, wq_ref, wkv_ref, ws_ref, bq_ref, bkv_ref, bs_ref,
                 q_ref, kv_ref, s_ref):
    x = x_ref[...]
    q_ref[...] = jnp.dot(x, wq_ref[...], preferred_element_type=jnp.float32) + bq_ref[0:1, :]
    kv_ref[...] = jnp.dot(x, wkv_ref[...], preferred_element_type=jnp.float32) + bkv_ref[0:1, :]
    s_ref[...] = jnp.dot(x, ws_ref[...], preferred_element_type=jnp.float32) + bs_ref[0:1, :]


def _proj(x, Wq, Wkv, Ws, bq, bkv, bs):
    n, fin = x.shape
    BLK = 400
    return pl.pallas_call(
        _proj_kernel,
        grid=(n // BLK,),
        in_specs=[
            pl.BlockSpec((BLK, fin), lambda i: (i, 0)),
            pl.BlockSpec((fin, 64), lambda i: (0, 0)),
            pl.BlockSpec((fin, 128), lambda i: (0, 0)),
            pl.BlockSpec((fin, 64), lambda i: (0, 0)),
            pl.BlockSpec((8, 64), lambda i: (0, 0)),
            pl.BlockSpec((8, 128), lambda i: (0, 0)),
            pl.BlockSpec((8, 64), lambda i: (0, 0)),
        ],
        out_specs=[
            pl.BlockSpec((BLK, 64), lambda i: (i, 0)),
            pl.BlockSpec((BLK, 128), lambda i: (i, 0)),
            pl.BlockSpec((BLK, 64), lambda i: (i, 0)),
        ],
        out_shape=[
            jax.ShapeDtypeStruct((n, 64), jnp.float32),
            jax.ShapeDtypeStruct((n, 128), jnp.float32),
            jax.ShapeDtypeStruct((n, 64), jnp.float32),
        ],
    )(x, Wq, Wkv, Ws, bq, bkv, bs)


def _etab_kernel(a_ref, w_ref, o_ref):
    o_ref[...] = jnp.dot(a_ref[...], w_ref[...], preferred_element_type=jnp.float32)


def _etab(atom_tab, We):
    return pl.pallas_call(
        _etab_kernel,
        out_shape=jax.ShapeDtypeStruct((atom_tab.shape[0], We.shape[1]), jnp.float32),
    )(atom_tab, We)


def _epi_kernel(num_ref, den_ref, s_ref, o_ref):
    den = den_ref[:, 0:1]
    o_ref[...] = jnp.maximum(num_ref[...] / (den + 1e-16) + s_ref[...], 0.0)


def _epi(num, den, s):
    n = num.shape[0]
    BLK = 400
    return pl.pallas_call(
        _epi_kernel,
        grid=(n // BLK,),
        in_specs=[
            pl.BlockSpec((BLK, 64), lambda i: (i, 0)),
            pl.BlockSpec((BLK, 16), lambda i: (i, 0)),
            pl.BlockSpec((BLK, 64), lambda i: (i, 0)),
        ],
        out_specs=pl.BlockSpec((BLK, 64), lambda i: (i, 0)),
        out_shape=jax.ShapeDtypeStruct((n, 64), jnp.float32),
    )(num, den, s)



def _pad_bias(b):
    return jnp.pad(b[None, :], ((0, 7), (0, 0)))


def kernel(shape_node_idx, shape_node_mult, edge_index, join_identities,
           num_nodes_hgraph, z_graph, shape_id_table, shape_mult_table,
           atom_id_table, Wq0, bq0, Wk0, bk0, Wv0, bv0, We0, Ws0, bs0,
           Wq1, bq1, Wk1, bk1, Wv1, bv1, We1, Ws1, bs1):
    src = edge_index[0].astype(jnp.int32)
    dst = edge_index[1].astype(jnp.int32)
    jid = (join_identities - 1).astype(jnp.int32)
    e = src.shape[0]
    pad = EPAD - e
    zpad = jnp.zeros((pad,), jnp.int32)
    dstp = jnp.concatenate([dst, jnp.full((pad,), N, jnp.int32)])
    dstg = jnp.concatenate([dst, zpad])
    srcp = jnp.concatenate([src, zpad])
    jidp = jnp.concatenate([jid, zpad])

    npad = NPAD - N
    sidxp = jnp.concatenate([shape_node_idx.astype(jnp.int32),
                             jnp.zeros((npad,), jnp.int32)])
    midxp = jnp.concatenate([shape_node_mult.astype(jnp.int32),
                             jnp.zeros((npad,), jnp.int32)])

    xa, xb = _embed(sidxp, midxp, shape_id_table, shape_mult_table)
    x0 = jnp.concatenate([xa[:N], xb[:N]], axis=1)

    layers = (
        (Wq0, bq0, Wk0, bk0, Wv0, bv0, We0, Ws0, bs0),
        (Wq1, bq1, Wk1, bk1, Wv1, bv1, We1, Ws1, bs1),
    )
    h = x0
    for (Wq, bq, Wk, bk, Wv, bv, We, Ws, bs) in layers:
        Wkv = jnp.concatenate([Wk, Wv], axis=1)
        bkv = jnp.concatenate([bk, bv])
        q, kv, sp = _proj(h, Wq, Wkv, Ws, _pad_bias(bq), _pad_bias(bkv),
                          _pad_bias(bs))
        etab = _etab(atom_id_table, We)
        wvn, wden = _phase1(dstg, srcp, jidp, q, kv, etab)
        num, den = _phase2(dstp, wvn, wden)
        h = _epi(num, den, sp)

    z_rep = jnp.repeat(z_graph, num_nodes_hgraph, axis=0,
                       total_repeat_length=N)
    return jnp.concatenate([x0, h, z_rep], axis=-1)

# --- scband reference (transcript-rebuilt; emitter-appended) ---
"""Pipeline reference for scband-shape-graph-embedder-79413945303069 (READ-ONLY COPY).

The authoritative reference and input builder live on the scoring server;
editing this copy changes nothing except your own understanding.
"""

import jax, jax.numpy as jnp
import numpy as np

N = 50000
E = 800000
B = 50
SHAPE_VOCAB = 5000
MULT_VOCAB = 32
ATOM_VOCAB = 128
SHAPE_ID_DIM = 32
MULT_DIM = 32
GNN_DIM = 64
ATOM_DIM = 16
LATENT = 64
IN_DIM = SHAPE_ID_DIM + MULT_DIM
NUM_LAYERS = 2

def _lin(k, fan_in, fan_out):
    return jax.random.normal(k, (fan_in, fan_out), dtype=jnp.float32) * (1.0 / np.sqrt(fan_in))

def setup_inputs(seed: int = 0):
    key = jax.random.key(seed)
    ks = jax.random.split(key, 32)
    inp = {}
    inp["shape_node_idx"] = jax.random.randint(ks[0], (N,), 0, SHAPE_VOCAB)
    inp["shape_node_mult"] = jax.random.randint(ks[1], (N,), 0, MULT_VOCAB)
    inp["edge_index"] = jax.random.randint(ks[2], (2, E), 0, N)
    inp["join_identities"] = jax.random.randint(ks[3], (E,), 1, ATOM_VOCAB + 1)
    inp["num_nodes_hgraph"] = jnp.full((B,), N // B, dtype=jnp.int32)
    inp["z_graph"] = jax.random.normal(ks[4], (B, LATENT), dtype=jnp.float32)
    inp["shape_id_table"] = jax.random.normal(ks[5], (SHAPE_VOCAB, SHAPE_ID_DIM), dtype=jnp.float32) * 0.05
    inp["shape_mult_table"] = jax.random.normal(ks[6], (MULT_VOCAB, MULT_DIM), dtype=jnp.float32) * 0.05
    inp["atom_id_table"] = jax.random.normal(ks[7], (ATOM_VOCAB, ATOM_DIM), dtype=jnp.float32) * 0.05
    ki = 8
    for l in range(NUM_LAYERS):
        fin = IN_DIM if l == 0 else GNN_DIM
        inp["Wq%d" % l] = _lin(ks[ki], fin, GNN_DIM); ki += 1
        inp["bq%d" % l] = jnp.zeros((GNN_DIM,), dtype=jnp.float32)
        inp["Wk%d" % l] = _lin(ks[ki], fin, GNN_DIM); ki += 1
        inp["bk%d" % l] = jnp.zeros((GNN_DIM,), dtype=jnp.float32)
        inp["Wv%d" % l] = _lin(ks[ki], fin, GNN_DIM); ki += 1
        inp["bv%d" % l] = jnp.zeros((GNN_DIM,), dtype=jnp.float32)
        inp["We%d" % l] = _lin(ks[ki], ATOM_DIM, GNN_DIM); ki += 1
        inp["Ws%d" % l] = _lin(ks[ki], fin, GNN_DIM); ki += 1
        inp["bs%d" % l] = jnp.zeros((GNN_DIM,), dtype=jnp.float32)
    return inp

def _tconv(x, src, dst, edge_attr, Wq, bq, Wk, bk, Wv, bv, We, Ws, bs):
    n = x.shape[0]
    C = Wq.shape[1]
    q = x @ Wq + bq
    k = x @ Wk + bk
    v = x @ Wv + bv
    e = edge_attr @ We
    q_i = q[dst]
    k_j = k[src] + e
    v_j = v[src] + e
    alpha = jnp.sum(q_i * k_j, axis=-1) / np.float32(np.sqrt(C))
    amax = jax.ops.segment_max(alpha, dst, num_segments=n)
    amax = jnp.where(jnp.isfinite(amax), amax, 0.0)
    ex = jnp.exp(alpha - amax[dst])
    den = jax.ops.segment_sum(ex, dst, num_segments=n)
    alpha = ex / (den[dst] + 1e-16)
    out = jax.ops.segment_sum(v_j * alpha[:, None], dst, num_segments=n)
    return out + x @ Ws + bs

def _forward(shape_node_idx, shape_node_mult, src, dst, jid, num_nodes_hgraph, z_graph, shape_id_table, shape_mult_table, atom_id_table, ws):
    x0 = jnp.concatenate([shape_id_table[shape_node_idx], shape_mult_table[shape_node_mult]], axis=-1)
    edge_attr = atom_id_table[jid]
    h = x0
    for l in range(NUM_LAYERS):
        Wq, bq, Wk, bk, Wv, bv, We, Ws, bs = ws[l * 9:(l + 1) * 9]
        h = jax.nn.relu(_tconv(h, src, dst, edge_attr, Wq, bq, Wk, bk, Wv, bv, We, Ws, bs))
    x = jnp.concatenate([x0, h], axis=1)
    z_rep = jnp.repeat(z_graph, num_nodes_hgraph, axis=0, total_repeat_length=x.shape[0])
    return jnp.concatenate([x, z_rep], axis=-1)

def reference(shape_node_idx, shape_node_mult, edge_index, join_identities, num_nodes_hgraph, z_graph, shape_id_table, shape_mult_table, atom_id_table, Wq0, bq0, Wk0, bk0, Wv0, bv0, We0, Ws0, bs0, Wq1, bq1, Wk1, bk1, Wv1, bv1, We1, Ws1, bs1):
    ws = (Wq0, bq0, Wk0, bk0, Wv0, bv0, We0, Ws0, bs0, Wq1, bq1, Wk1, bk1, Wv1, bv1, We1, Ws1, bs1)
    src = edge_index[0]
    dst = edge_index[1]
    jid = join_identities - 1
    return _forward(shape_node_idx, shape_node_mult, src, dst, jid, num_nodes_hgraph, z_graph, shape_id_table, shape_mult_table, atom_id_table, ws)

if __name__ == "__main__":
    import jax
    _d = setup_inputs()
    print(jax.jit(kernel)(*tuple(_d.values())))

</pallas_src>

<mosaic_0001>
#map = affine_map<(d0, d1) -> (0)>
#map1 = affine_map<(d0, d1) -> (0, 0)>
module attributes {stable_mosaic.version = 14 : i64} {
  func.func @_phase2_body(%arg0: i32, %arg1: i32, %arg2: memref<802816xi32, #tpu.memory_space<hbm>>, %arg3: memref<802816x64xf32, #tpu.memory_space<hbm>>, %arg4: memref<802816x16xf32, #tpu.memory_space<hbm>>, %arg5: memref<50000x64xf32, #tpu.memory_space<hbm>>, %arg6: memref<50000x16xf32, #tpu.memory_space<hbm>>, %arg7: memref<64xi32, #tpu.memory_space<vmem>>, %arg8: memref<64xi32, #tpu.memory_space<vmem>>, %arg9: memref<64x64xf32, #tpu.memory_space<vmem>>, %arg10: memref<64x16xf32, #tpu.memory_space<vmem>>, %arg11: memref<25088x64xf32, #tpu.memory_space<vmem_shared>>, %arg12: memref<25088x16xf32, #tpu.memory_space<vmem_shared>>, %arg13: memref<!tpu.dma_semaphore, #tpu.memory_space<semaphore_mem>>) attributes {dimension_semantics = [#tpu.dimension_semantics<core_parallel>, #tpu.dimension_semantics<subcore_parallel>], iteration_bounds = array<i64: 2, 16>, scalar_prefetch = 0 : i64, scratch_operands = 7 : i64, tpu.core_type = #tpu.core_type<sc_vector_subcore>, window_params = [{transform_indices = #map}, {transform_indices = #map1}, {transform_indices = #map1}, {transform_indices = #map1}, {transform_indices = #map1}]} {
    %mul3A = arith.constant 25000 : i32
    %mul3A_0 = arith.muli %arg0, %mul3A : i32
    %scan3A = arith.constant 0 : i32
    %scan3A_1 = arith.constant 0 : i32
    %scan3A_2 = arith.constant 64 : i32
    %scan3A_3 = arith.addi %scan3A_1, %scan3A_2 : i32
    %scan3A_4 = arith.constant 1 : i32
    scf.for %scan3A_27 = %scan3A_1 to %scan3A_3 step %scan3A_4  : i32 {
      %broadcast_in_dim3A = arith.constant 0.000000e+00 : f32
      %broadcast_in_dim3A_28 = vector.broadcast %broadcast_in_dim3A : f32 to vector<16xf32>
      %swap3A = arith.index_cast %scan3A_27 : i32 to index
      %swap3A_29 = arith.constant 0 : index
      %swap3A_30 = tpu.vector_load %arg9[%swap3A, %swap3A_29] {strides = array<i32>} : memref<64x64xf32, #tpu.memory_space<vmem>>, vector<16xf32>,
      tpu.vector_store %arg9[%swap3A, %swap3A_29], %broadcast_in_dim3A_28 {strides = array<i32>} : memref<64x64xf32, #tpu.memory_space<vmem>>, vector<16xf32>,
      %broadcast_in_dim3A_31 = arith.constant 0.000000e+00 : f32
      %broadcast_in_dim3A_32 = vector.broadcast %broadcast_in_dim3A_31 : f32 to vector<16xf32>
      %swap3A_33 = arith.index_cast %scan3A_27 : i32 to index
      %swap3A_34 = arith.constant 16 : index
      %swap3A_35 = tpu.vector_load %arg9[%swap3A_33, %swap3A_34] {strides = array<i32>} : memref<64x64xf32, #tpu.memory_space<vmem>>, vector<16xf32>,
      tpu.vector_store %arg9[%swap3A_33, %swap3A_34], %broadcast_in_dim3A_32 {strides = array<i32>} : memref<64x64xf32, #tpu.memory_space<vmem>>, vector<16xf32>,
      %broadcast_in_dim3A_36 = arith.constant 0.000000e+00 : f32
      %broadcast_in_dim3A_37 = vector.broadcast %broadcast_in_dim3A_36 : f32 to vector<16xf32>
      %swap3A_38 = arith.index_cast %scan3A_27 : i32 to index
      %swap3A_39 = arith.constant 32 : index
      %swap3A_40 = tpu.vector_load %arg9[%swap3A_38, %swap3A_39] {strides = array<i32>} : memref<64x64xf32, #tpu.memory_space<vmem>>, vector<16xf32>,
      tpu.vector_store %arg9[%swap3A_38, %swap3A_39], %broadcast_in_dim3A_37 {strides = array<i32>} : memref<64x64xf32, #tpu.memory_space<vmem>>, vector<16xf32>,
      %broadcast_in_dim3A_41 = arith.constant 0.000000e+00 : f32
      %broadcast_in_dim3A_42 = vector.broadcast %broadcast_in_dim3A_41 : f32 to vector<16xf32>
      %swap3A_43 = arith.index_cast %scan3A_27 : i32 to index
      %swap3A_44 = arith.constant 48 : index
      %swap3A_45 = tpu.vector_load %arg9[%swap3A_43, %swap3A_44] {strides = array<i32>} : memref<64x64xf32, #tpu.memory_space<vmem>>, vector<16xf32>,
      tpu.vector_store %arg9[%swap3A_43, %swap3A_44], %broadcast_in_dim3A_42 {strides = array<i32>} : memref<64x64xf32, #tpu.memory_space<vmem>>, vector<16xf32>,
      %broadcast_in_dim3A_46 = arith.constant 0.000000e+00 : f32
      %broadcast_in_dim3A_47 = vector.broadcast %broadcast_in_dim3A_46 : f32 to vector<16xf32>
      %swap3A_48 = arith.index_cast %scan3A_27 : i32 to index
      %swap3A_49 = arith.constant 0 : index
      %swap3A_50 = tpu.vector_load %arg10[%swap3A_48, %swap3A_49] {strides = array<i32>} : memref<64x16xf32, #tpu.memory_space<vmem>>, vector<16xf32>,
      tpu.vector_store %arg10[%swap3A_48, %swap3A_49], %broadcast_in_dim3A_47 {strides = array<i32>} : memref<64x16xf32, #tpu.memory_space<vmem>>, vector<16xf32>,
    }
    %scan3A_5 = arith.constant 64 : i32
    %scan3A_6 = arith.constant 0 : i32
    %scan3A_7 = arith.constant 0 : i32
    %scan3A_8 = arith.constant 28 : i32
    %scan3A_9 = arith.addi %scan3A_7, %scan3A_8 : i32
    %scan3A_10 = arith.constant 1 : i32
    scf.for %scan3A_27 = %scan3A_7 to %scan3A_9 step %scan3A_10  : i32 {
      %mul3A_28 = arith.constant 1568 : i32
      %mul3A_29 = arith.muli %arg1, %mul3A_28 : i32
      %mul3A_30 = arith.constant 56 : i32
      %mul3A_31 = arith.muli %scan3A_27, %mul3A_30 : i32
      %add3A = arith.addi %mul3A_29, %mul3A_31 : i32
      %multiple_of3A = tpu.assume_multiple %add3A, 8 : i32
      "tpu.region"() ({
        %run_scoped3A = tpu.sem_alloc : memref<!tpu.dma_semaphore, #tpu.memory_space<semaphore_mem>>
        %dma_start3A = arith.constant 0 : i32
        %dma_start3A_32 = arith.constant 0 : i32
        %dma_start3A_33 = tpu.memref_slice %arg9[%dma_start3A, %dma_start3A_32] : memref<64x64xf32, #tpu.memory_space<vmem>> -> memref<56x64xf32, #tpu.memory_space<vmem>>
        %dma_start3A_34 = arith.constant 0 : i32
        %dma_start3A_35 = tpu.memref_slice %arg11[%multiple_of3A, %dma_start3A_34] : memref<25088x64xf32, #tpu.memory_space<vmem_shared>> -> memref<56x64xf32, #tpu.memory_space<vmem_shared>>
        %dma_start3A_36 = arith.constant 0 : i32
        %dma_start3A_37 = tpu.memref_slice %arg11[%multiple_of3A, %dma_start3A_36] : memref<25088x64xf32, #tpu.memory_space<vmem_shared>> -> memref<56x64xf32, #tpu.memory_space<vmem_shared>>
        %dma_start3A_38 = arith.constant 0 : i32
        %dma_start3A_39 = arith.constant 0 : i32
        %dma_start3A_40 = tpu.memref_slice %arg9[%dma_start3A_38, %dma_start3A_39] : memref<64x64xf32, #tpu.memory_space<vmem>> -> memref<56x64xf32, #tpu.memory_space<vmem>>
        tpu.enqueue_dma source(%dma_start3A_40 : memref<56x64xf32, #tpu.memory_space<vmem>>) target(%dma_start3A_37 : memref<56x64xf32, #tpu.memory_space<vmem_shared>>) target_semaphore(%run_scoped3A : memref<!tpu.dma_semaphore, #tpu.memory_space<semaphore_mem>>)
        %dma_wait3A = arith.constant 0 : i32
        %dma_wait3A_41 = arith.constant 0 : i32
        %dma_wait3A_42 = tpu.memref_slice %arg9[%dma_wait3A, %dma_wait3A_41] : memref<64x64xf32, #tpu.memory_space<vmem>> -> memref<56x64xf32, #tpu.memory_space<vmem>>
        %dma_wait3A_43 = arith.constant 0 : i32
        %dma_wait3A_44 = tpu.memref_slice %arg11[%multiple_of3A, %dma_wait3A_43] : memref<25088x64xf32, #tpu.memory_space<vmem_shared>> -> memref<56x64xf32, #tpu.memory_space<vmem_shared>>
        %dma_wait3A_45 = arith.constant 0 : i32
        %dma_wait3A_46 = tpu.memref_slice %arg11[%multiple_of3A, %dma_wait3A_45] : memref<25088x64xf32, #tpu.memory_space<vmem_shared>> -> memref<56x64xf32, #tpu.memory_space<vmem_shared>>
        %dma_wait3A_47 = arith.constant 0 : i32
        %dma_wait3A_48 = arith.constant 0 : i32
        %dma_wait3A_49 = tpu.memref_slice %arg9[%dma_wait3A_47, %dma_wait3A_48] : memref<64x64xf32, #tpu.memory_space<vmem>> -> memref<56x64xf32, #tpu.memory_space<vmem>>
        tpu.wait_dma2 semaphore(%run_scoped3A : memref<!tpu.dma_semaphore, #tpu.memory_space<semaphore_mem>>) src(%dma_wait3A_49 : memref<56x64xf32, #tpu.memory_space<vmem>>) dst(%dma_wait3A_46 : memref<56x64xf32, #tpu.memory_space<vmem_shared>>)
        tpu.yield
      }) : () -> ()
      "tpu.region"() ({
        %run_scoped3A = tpu.sem_alloc : memref<!tpu.dma_semaphore, #tpu.memory_space<semaphore_mem>>
        %dma_start3A = arith.constant 0 : i32
        %dma_start3A_32 = arith.constant 0 : i32
        %dma_start3A_33 = tpu.memref_slice %arg10[%dma_start3A, %dma_start3A_32] : memref<64x16xf32, #tpu.memory_space<vmem>> -> memref<56x16xf32, #tpu.memory_space<vmem>>
        %dma_start3A_34 = arith.constant 0 : i32
        %dma_start3A_35 = tpu.memref_slice %arg12[%multiple_of3A, %dma_start3A_34] : memref<25088x16xf32, #tpu.memory_space<vmem_shared>> -> memref<56x16xf32, #tpu.memory_space<vmem_shared>>
        %dma_start3A_36 = arith.constant 0 : i32
        %dma_start3A_37 = tpu.memref_slice %arg12[%multiple_of3A, %dma_start3A_36] : memref<25088x16xf32, #tpu.memory_space<vmem_shared>> -> memref<56x16xf32, #tpu.memory_space<vmem_shared>>
        %dma_start3A_38 = arith.constant 0 : i32
        %dma_start3A_39 = arith.constant 0 : i32
        %dma_start3A_40 = tpu.memref_slice %arg10[%dma_start3A_38, %dma_start3A_39] : memref<64x16xf32, #tpu.memory_space<vmem>> -> memref<56x16xf32, #tpu.memory_space<vmem>>
        tpu.enqueue_dma source(%dma_start3A_40 : memref<56x16xf32, #tpu.memory_space<vmem>>) target(%dma_start3A_37 : memref<56x16xf32, #tpu.memory_space<vmem_shared>>) target_semaphore(%run_scoped3A : memref<!tpu.dma_semaphore, #tpu.memory_space<semaphore_mem>>)
        %dma_wait3A = arith.constant 0 : i32
        %dma_wait3A_41 = arith.constant 0 : i32
        %dma_wait3A_42 = tpu.memref_slice %arg10[%dma_wait3A, %dma_wait3A_41] : memref<64x16xf32, #tpu.memory_space<vmem>> -> memref<56x16xf32, #tpu.memory_space<vmem>>
        %dma_wait3A_43 = arith.constant 0 : i32
        %dma_wait3A_44 = tpu.memref_slice %arg12[%multiple_of3A, %dma_wait3A_43] : memref<25088x16xf32, #tpu.memory_space<vmem_shared>> -> memref<56x16xf32, #tpu.memory_space<vmem_shared>>
        %dma_wait3A_45 = arith.constant 0 : i32
        %dma_wait3A_46 = tpu.memref_slice %arg12[%multiple_of3A, %dma_wait3A_45] : memref<25088x16xf32, #tpu.memory_space<vmem_shared>> -> memref<56x16xf32, #tpu.memory_space<vmem_shared>>
        %dma_wait3A_47 = arith.constant 0 : i32
        %dma_wait3A_48 = arith.constant 0 : i32
        %dma_wait3A_49 = tpu.memref_slice %arg10[%dma_wait3A_47, %dma_wait3A_48] : memref<64x16xf32, #tpu.memory_space<vmem>> -> memref<56x16xf32, #tpu.memory_space<vmem>>
        tpu.wait_dma2 semaphore(%run_scoped3A : memref<!tpu.dma_semaphore, #tpu.memory_space<semaphore_mem>>) src(%dma_wait3A_49 : memref<56x16xf32, #tpu.memory_space<vmem>>) dst(%dma_wait3A_46 : memref<56x16xf32, #tpu.memory_space<vmem_shared>>)
        tpu.yield
      }) : () -> ()
    }
    %scan3A_11 = arith.constant 28 : i32
    %barrier3A = arith.constant 0 : index
    tpu.barrier barrier_id(%barrier3A)
    %mul3A_12 = arith.constant 50176 : i32
    %mul3A_13 = arith.muli %arg1, %mul3A_12 : i32
    %scan3A_14 = arith.constant 0 : i32
    %scan3A_15 = arith.constant 0 : i32
    %scan3A_16 = arith.constant 784 : i32
    %scan3A_17 = arith.addi %scan3A_15, %scan3A_16 : i32
    %scan3A_18 = arith.constant 1 : i32
    scf.for %scan3A_27 = %scan3A_15 to %scan3A_17 step %scan3A_18  : i32 {
      %mul3A_28 = arith.constant 64 : i32
      %mul3A_29 = arith.muli %scan3A_27, %mul3A_28 : i32
      %add3A = arith.addi %mul3A_13, %mul3A_29 : i32
      %multiple_of3A = tpu.assume_multiple %add3A, 8 : i32
      "tpu.region"() ({
        %run_scoped3A = tpu.sem_alloc : memref<!tpu.dma_semaphore, #tpu.memory_space<semaphore_mem>>
        %dma_start3A = tpu.memref_slice %arg2[%multiple_of3A] : memref<802816xi32, #tpu.memory_space<hbm>> -> memref<64xi32, #tpu.memory_space<hbm>>
        %dma_start3A_85 = tpu.memref_slice %arg2[%multiple_of3A] : memref<802816xi32, #tpu.memory_space<hbm>> -> memref<64xi32, #tpu.memory_space<hbm>>
        tpu.enqueue_dma source(%dma_start3A_85 : memref<64xi32, #tpu.memory_space<hbm>>) target(%arg7 : memref<64xi32, #tpu.memory_space<vmem>>) target_semaphore(%run_scoped3A : memref<!tpu.dma_semaphore, #tpu.memory_space<semaphore_mem>>)
        %dma_wait3A = tpu.memref_slice %arg2[%multiple_of3A] : memref<802816xi32, #tpu.memory_space<hbm>> -> memref<64xi32, #tpu.memory_space<hbm>>
        %dma_wait3A_86 = tpu.memref_slice %arg2[%multiple_of3A] : memref<802816xi32, #tpu.memory_space<hbm>> -> memref<64xi32, #tpu.memory_space<hbm>>
        tpu.wait_dma2 semaphore(%run_scoped3A : memref<!tpu.dma_semaphore, #tpu.memory_space<semaphore_mem>>) src(%dma_wait3A_86 : memref<64xi32, #tpu.memory_space<hbm>>) dst(%arg7 : memref<64xi32, #tpu.memory_space<vmem>>)
        tpu.yield
      }) : () -> ()
      "tpu.region"() ({
        %run_scoped3A = tpu.sem_alloc : memref<!tpu.dma_semaphore, #tpu.memory_space<semaphore_mem>>
        %dma_start3A = arith.constant 0 : i32
        %dma_start3A_85 = tpu.memref_slice %arg3[%multiple_of3A, %dma_start3A] : memref<802816x64xf32, #tpu.memory_space<hbm>> -> memref<64x64xf32, #tpu.memory_space<hbm>>
        %dma_start3A_86 = arith.constant 0 : i32
        %dma_start3A_87 = tpu.memref_slice %arg3[%multiple_of3A, %dma_start3A_86] : memref<802816x64xf32, #tpu.memory_space<hbm>> -> memref<64x64xf32, #tpu.memory_space<hbm>>
        tpu.enqueue_dma source(%dma_start3A_87 : memref<64x64xf32, #tpu.memory_space<hbm>>) target(%arg9 : memref<64x64xf32, #tpu.memory_space<vmem>>) target_semaphore(%run_scoped3A : memref<!tpu.dma_semaphore, #tpu.memory_space<semaphore_mem>>)
        %dma_wait3A = arith.constant 0 : i32
        %dma_wait3A_88 = tpu.memref_slice %arg3[%multiple_of3A, %dma_wait3A] : memref<802816x64xf32, #tpu.memory_space<hbm>> -> memref<64x64xf32, #tpu.memory_space<hbm>>
        %dma_wait3A_89 = arith.constant 0 : i32
        %dma_wait3A_90 = tpu.memref_slice %arg3[%multiple_of3A, %dma_wait3A_89] : memref<802816x64xf32, #tpu.memory_space<hbm>> -> memref<64x64xf32, #tpu.memory_space<hbm>>
        tpu.wait_dma2 semaphore(%run_scoped3A : memref<!tpu.dma_semaphore, #tpu.memory_space<semaphore_mem>>) src(%dma_wait3A_90 : memref<64x64xf32, #tpu.memory_space<hbm>>) dst(%arg9 : memref<64x64xf32, #tpu.memory_space<vmem>>)
        tpu.yield
      }) : () -> ()
      "tpu.region"() ({
        %run_scoped3A = tpu.sem_alloc : memref<!tpu.dma_semaphore, #tpu.memory_space<semaphore_mem>>
        %dma_start3A = arith.constant 0 : i32
        %dma_start3A_85 = tpu.memref_slice %arg4[%multiple_of3A, %dma_start3A] : memref<802816x16xf32, #tpu.memory_space<hbm>> -> memref<64x16xf32, #tpu.memory_space<hbm>>
        %dma_start3A_86 = arith.constant 0 : i32
        %dma_start3A_87 = tpu.memref_slice %arg4[%multiple_of3A, %dma_start3A_86] : memref<802816x16xf32, #tpu.memory_space<hbm>> -> memref<64x16xf32, #tpu.memory_space<hbm>>
        tpu.enqueue_dma source(%dma_start3A_87 : memref<64x16xf32, #tpu.memory_space<hbm>>) target(%arg10 : memref<64x16xf32, #tpu.memory_space<vmem>>) target_semaphore(%run_scoped3A : memref<!tpu.dma_semaphore, #tpu.memory_space<semaphore_mem>>)
        %dma_wait3A = arith.constant 0 : i32
        %dma_wait3A_88 = tpu.memref_slice %arg4[%multiple_of3A, %dma_wait3A] : memref<802816x16xf32, #tpu.memory_space<hbm>> -> memref<64x16xf32, #tpu.memory_space<hbm>>
        %dma_wait3A_89 = arith.constant 0 : i32
        %dma_wait3A_90 = tpu.memref_slice %arg4[%multiple_of3A, %dma_wait3A_89] : memref<802816x16xf32, #tpu.memory_space<hbm>> -> memref<64x16xf32, #tpu.memory_space<hbm>>
        tpu.wait_dma2 semaphore(%run_scoped3A : memref<!tpu.dma_semaphore, #tpu.memory_space<semaphore_mem>>) src(%dma_wait3A_90 : memref<64x16xf32, #tpu.memory_space<hbm>>) dst(%arg10 : memref<64x16xf32, #tpu.memory_space<vmem>>)
        tpu.yield
      }) : () -> ()
      %get3A = arith.constant 0 : index
      %get3A_30 = tpu.vector_load %arg7[%get3A] {strides = array<i32>} : memref<64xi32, #tpu.memory_space<vmem>>, vector<16xi32>,
      %sub3A = vector.broadcast %mul3A_0 : i32 to vector<16xi32>
      %sub3A_31 = arith.subi %get3A_30, %sub3A : vector<16xi32>
      %ge3A = arith.constant 0 : i32
      %ge3A_32 = vector.broadcast %ge3A : i32 to vector<16xi32>
      %ge3A_33 = arith.cmpi sge, %sub3A_31, %ge3A_32 : vector<16xi32>
      %lt3A = arith.constant 25000 : i32
      %lt3A_34 = vector.broadcast %lt3A : i32 to vector<16xi32>
      %lt3A_35 = arith.cmpi slt, %sub3A_31, %lt3A_34 : vector<16xi32>
      %and3A = arith.andi %ge3A_33, %lt3A_35 : vector<16xi1>
      %jit3A = arith.constant 25080 : i32
      %broadcast_in_dim3A = vector.broadcast %jit3A : i32 to vector<16xi32>
      %select_n3A = arith.select %and3A, %sub3A_31, %broadcast_in_dim3A : vector<16xi1>, vector<16xi32>
      %swap3A = arith.constant 0 : index
      %swap3A_36 = tpu.vector_load %arg8[%swap3A] {strides = array<i32>} : memref<64xi32, #tpu.memory_space<vmem>>, vector<16xi32>,
      tpu.vector_store %arg8[%swap3A], %select_n3A {strides = array<i32>} : memref<64xi32, #tpu.memory_space<vmem>>, vector<16xi32>,
      %get3A_37 = arith.constant 16 : index
      %get3A_38 = tpu.vector_load %arg7[%get3A_37] {strides = array<i32>} : memref<64xi32, #tpu.memory_space<vmem>>, vector<16xi32>,
      %sub3A_39 = vector.broadcast %mul3A_0 : i32 to vector<16xi32>
      %sub3A_40 = arith.subi %get3A_38, %sub3A_39 : vector<16xi32>
      %ge3A_41 = arith.constant 0 : i32
      %ge3A_42 = vector.broadcast %ge3A_41 : i32 to vector<16xi32>
      %ge3A_43 = arith.cmpi sge, %sub3A_40, %ge3A_42 : vector<16xi32>
      %lt3A_44 = arith.constant 25000 : i32
      %lt3A_45 = vector.broadcast %lt3A_44 : i32 to vector<16xi32>
      %lt3A_46 = arith.cmpi slt, %sub3A_40, %lt3A_45 : vector<16xi32>
      %and3A_47 = arith.andi %ge3A_43, %lt3A_46 : vector<16xi1>
      %jit3A_48 = arith.constant 25080 : i32
      %broadcast_in_dim3A_49 = vector.broadcast %jit3A_48 : i32 to vector<16xi32>
      %select_n3A_50 = arith.select %and3A_47, %sub3A_40, %broadcast_in_dim3A_49 : vector<16xi1>, vector<16xi32>
      %swap3A_51 = arith.constant 16 : index
      %swap3A_52 = tpu.vector_load %arg8[%swap3A_51] {strides = array<i32>} : memref<64xi32, #tpu.memory_space<vmem>>, vector<16xi32>,
      tpu.vector_store %arg8[%swap3A_51], %select_n3A_50 {strides = array<i32>} : memref<64xi32, #tpu.memory_space<vmem>>, vector<16xi32>,
      %get3A_53 = arith.constant 32 : index
      %get3A_54 = tpu.vector_load %arg7[%get3A_53] {strides = array<i32>} : memref<64xi32, #tpu.memory_space<vmem>>, vector<16xi32>,
      %sub3A_55 = vector.broadcast %mul3A_0 : i32 to vector<16xi32>
      %sub3A_56 = arith.subi %get3A_54, %sub3A_55 : vector<16xi32>
      %ge3A_57 = arith.constant 0 : i32
      %ge3A_58 = vector.broadcast %ge3A_57 : i32 to vector<16xi32>
      %ge3A_59 = arith.cmpi sge, %sub3A_56, %ge3A_58 : vector<16xi32>
      %lt3A_60 = arith.constant 25000 : i32
      %lt3A_61 = vector.broadcast %lt3A_60 : i32 to vector<16xi32>
      %lt3A_62 = arith.cmpi slt, %sub3A_56, %lt3A_61 : vector<16xi32>
      %and3A_63 = arith.andi %ge3A_59, %lt3A_62 : vector<16xi1>
      %jit3A_64 = arith.constant 25080 : i32
      %broadcast_in_dim3A_65 = vector.broadcast %jit3A_64 : i32 to vector<16xi32>
      %select_n3A_66 = arith.select %and3A_63, %sub3A_56, %broadcast_in_dim3A_65 : vector<16xi1>, vector<16xi32>
      %swap3A_67 = arith.constant 32 : index
      %swap3A_68 = tpu.vector_load %arg8[%swap3A_67] {strides = array<i32>} : memref<64xi32, #tpu.memory_space<vmem>>, vector<16xi32>,
      tpu.vector_store %arg8[%swap3A_67], %select_n3A_66 {strides = array<i32>} : memref<64xi32, #tpu.memory_space<vmem>>, vector<16xi32>,
      %get3A_69 = arith.constant 48 : index
      %get3A_70 = tpu.vector_load %arg7[%get3A_69] {strides = array<i32>} : memref<64xi32, #tpu.memory_space<vmem>>, vector<16xi32>,
      %sub3A_71 = vector.broadcast %mul3A_0 : i32 to vector<16xi32>
      %sub3A_72 = arith.subi %get3A_70, %sub3A_71 : vector<16xi32>
      %ge3A_73 = arith.constant 0 : i32
      %ge3A_74 = vector.broadcast %ge3A_73 : i32 to vector<16xi32>
      %ge3A_75 = arith.cmpi sge, %sub3A_72, %ge3A_74 : vector<16xi32>
      %lt3A_76 = arith.constant 25000 : i32
      %lt3A_77 = vector.broadcast %lt3A_76 : i32 to vector<16xi32>
      %lt3A_78 = arith.cmpi slt, %sub3A_72, %lt3A_77 : vector<16xi32>
      %and3A_79 = arith.andi %ge3A_75, %lt3A_78 : vector<16xi1>
      %jit3A_80 = arith.constant 25080 : i32
      %broadcast_in_dim3A_81 = vector.broadcast %jit3A_80 : i32 to vector<16xi32>
      %select_n3A_82 = arith.select %and3A_79, %sub3A_72, %broadcast_in_dim3A_81 : vector<16xi1>, vector<16xi32>
      %swap3A_83 = arith.constant 48 : index
      %swap3A_84 = tpu.vector_load %arg8[%swap3A_83] {strides = array<i32>} : memref<64xi32, #tpu.memory_space<vmem>>, vector<16xi32>,
      tpu.vector_store %arg8[%swap3A_83], %select_n3A_82 {strides = array<i32>} : memref<64xi32, #tpu.memory_space<vmem>>, vector<16xi32>,
      "tpu.region"() ({
        %run_scoped3A = tpu.sem_alloc : memref<!tpu.dma_semaphore, #tpu.memory_space<semaphore_mem>>
        %dma_start3A = arith.constant 0 : i32
        %dma_start3A_85 = arith.constant 0 : i32
        %dma_start3A_86 = tpu.memref_slice %arg11[%dma_start3A, %dma_start3A_85] : memref<25088x64xf32, #tpu.memory_space<vmem_shared>> -> memref<25088x64xf32, #tpu.memory_space<vmem_shared>>
        tpu.enqueue_indirect_dma source(%arg9 : memref<64x64xf32, #tpu.memory_space<vmem>>) target(%dma_start3A_86 : memref<25088x64xf32, #tpu.memory_space<vmem_shared>>) offsets(%arg8 : memref<64xi32, #tpu.memory_space<vmem>>) semaphore(%run_scoped3A : memref<!tpu.dma_semaphore, #tpu.memory_space<semaphore_mem>>) {add = true}
        %dma_wait3A = arith.constant 0 : i32
        %dma_wait3A_87 = arith.constant 0 : i32
        %dma_wait3A_88 = tpu.memref_slice %arg11[%dma_wait3A, %dma_wait3A_87] : memref<25088x64xf32, #tpu.memory_space<vmem_shared>> -> memref<25088x64xf32, #tpu.memory_space<vmem_shared>>
        tpu.wait_indirect_dma semaphore(%run_scoped3A : memref<!tpu.dma_semaphore, #tpu.memory_space<semaphore_mem>>) src(%arg9 : memref<64x64xf32, #tpu.memory_space<vmem>>) dst(%dma_wait3A_88 : memref<25088x64xf32, #tpu.memory_space<vmem_shared>>)
        tpu.yield
      }) : () -> ()
      "tpu.region"() ({
        %run_scoped3A = tpu.sem_alloc : memref<!tpu.dma_semaphore, #tpu.memory_space<semaphore_mem>>
        %dma_start3A = arith.constant 0 : i32
        %dma_start3A_85 = arith.constant 0 : i32
        %dma_start3A_86 = tpu.memref_slice %arg12[%dma_start3A, %dma_start3A_85] : memref<25088x16xf32, #tpu.memory_space<vmem_shared>> -> memref<25088x16xf32, #tpu.memory_space<vmem_shared>>
        tpu.enqueue_indirect_dma source(%arg10 : memref<64x16xf32, #tpu.memory_space<vmem>>) target(%dma_start3A_86 : memref<25088x16xf32, #tpu.memory_space<vmem_shared>>) offsets(%arg8 : memref<64xi32, #tpu.memory_space<vmem>>) semaphore(%run_scoped3A : memref<!tpu.dma_semaphore, #tpu.memory_space<semaphore_mem>>) {add = true}
        %dma_wait3A = arith.constant 0 : i32
        %dma_wait3A_87 = arith.constant 0 : i32
        %dma_wait3A_88 = tpu.memref_slice %arg12[%dma_wait3A, %dma_wait3A_87] : memref<25088x16xf32, #tpu.memory_space<vmem_shared>> -> memref<25088x16xf32, #tpu.memory_space<vmem_shared>>
        tpu.wait_indirect_dma semaphore(%run_scoped3A : memref<!tpu.dma_semaphore, #tpu.memory_space<semaphore_mem>>) src(%arg10 : memref<64x16xf32, #tpu.memory_space<vmem>>) dst(%dma_wait3A_88 : memref<25088x16xf32, #tpu.memory_space<vmem_shared>>)
        tpu.yield
      }) : () -> ()
    }
    %scan3A_19 = arith.constant 784 : i32
    %barrier3A_20 = arith.constant 0 : index
    tpu.barrier barrier_id(%barrier3A_20)
    %scan3A_21 = arith.constant 0 : i32
    %scan3A_22 = arith.constant 0 : i32
    %scan3A_23 = arith.constant 13 : i32
    %scan3A_24 = arith.addi %scan3A_22, %scan3A_23 : i32
    %scan3A_25 = arith.constant 1 : i32
    scf.for %scan3A_27 = %scan3A_22 to %scan3A_24 step %scan3A_25  : i32 {
      %mul3A_28 = arith.constant 16 : i32
      %mul3A_29 = arith.muli %mul3A_28, %scan3A_27 : i32
      %add3A = arith.addi %arg1, %mul3A_29 : i32
      %lt3A = arith.constant 200 : i32
      %lt3A_30 = arith.cmpi slt, %add3A, %lt3A : i32
      %convert_element_type3A = arith.extui %lt3A_30 : i1 to i32
      %cond3A = arith.constant 0 : i32
      %cond3A_31 = arith.cmpi ne, %convert_element_type3A, %cond3A : i32
      scf.if %cond3A_31 {
        %mul3A_32 = arith.constant 125 : i32
        %mul3A_33 = arith.muli %add3A, %mul3A_32 : i32
        %mul3A_34 = arith.constant 125 : i32
        %mul3A_35 = arith.muli %add3A, %mul3A_34 : i32
        %add3A_36 = arith.addi %mul3A_0, %mul3A_35 : i32
        "tpu.region"() ({
          %run_scoped3A = tpu.sem_alloc : memref<!tpu.dma_semaphore, #tpu.memory_space<semaphore_mem>>
          %dma_start3A = arith.constant 0 : i32
          %dma_start3A_42 = tpu.memref_slice %arg5[%add3A_36, %dma_start3A] : memref<50000x64xf32, #tpu.memory_space<hbm>> -> memref<125x64xf32, #tpu.memory_space<hbm>>
          %dma_start3A_43 = arith.constant 0 : i32
          %dma_start3A_44 = tpu.memref_slice %arg11[%mul3A_33, %dma_start3A_43] : memref<25088x64xf32, #tpu.memory_space<vmem_shared>> -> memref<125x64xf32, #tpu.memory_space<vmem_shared>>
          tpu.enqueue_dma source(%dma_start3A_44 : memref<125x64xf32, #tpu.memory_space<vmem_shared>>) target(%dma_start3A_42 : memref<125x64xf32, #tpu.memory_space<hbm>>) target_semaphore(%run_scoped3A : memref<!tpu.dma_semaphore, #tpu.memory_space<semaphore_mem>>)
          %dma_wait3A = arith.constant 0 : i32
          %dma_wait3A_45 = tpu.memref_slice %arg5[%add3A_36, %dma_wait3A] : memref<50000x64xf32, #tpu.memory_space<hbm>> -> memref<125x64xf32, #tpu.memory_space<hbm>>
          %dma_wait3A_46 = arith.constant 0 : i32
          %dma_wait3A_47 = tpu.memref_slice %arg11[%mul3A_33, %dma_wait3A_46] : memref<25088x64xf32, #tpu.memory_space<vmem_shared>> -> memref<125x64xf32, #tpu.memory_space<vmem_shared>>
          tpu.wait_dma2 semaphore(%run_scoped3A : memref<!tpu.dma_semaphore, #tpu.memory_space<semaphore_mem>>) src(%dma_wait3A_47 : memref<125x64xf32, #tpu.memory_space<vmem_shared>>) dst(%dma_wait3A_45 : memref<125x64xf32, #tpu.memory_space<hbm>>)
          tpu.yield
        }) : () -> ()
        %mul3A_37 = arith.constant 125 : i32
        %mul3A_38 = arith.muli %add3A, %mul3A_37 : i32
        %mul3A_39 = arith.constant 125 : i32
        %mul3A_40 = arith.muli %add3A, %mul3A_39 : i32
        %add3A_41 = arith.addi %mul3A_0, %mul3A_40 : i32
        "tpu.region"() ({
          %run_scoped3A = tpu.sem_alloc : memref<!tpu.dma_semaphore, #tpu.memory_space<semaphore_mem>>
          %dma_start3A = arith.constant 0 : i32
          %dma_start3A_42 = tpu.memref_slice %arg6[%add3A_41, %dma_start3A] : memref<50000x16xf32, #tpu.memory_space<hbm>> -> memref<125x16xf32, #tpu.memory_space<hbm>>
          %dma_start3A_43 = arith.constant 0 : i32
          %dma_start3A_44 = tpu.memref_slice %arg12[%mul3A_38, %dma_start3A_43] : memref<25088x16xf32, #tpu.memory_space<vmem_shared>> -> memref<125x16xf32, #tpu.memory_space<vmem_shared>>
          tpu.enqueue_dma source(%dma_start3A_44 : memref<125x16xf32, #tpu.memory_space<vmem_shared>>) target(%dma_start3A_42 : memref<125x16xf32, #tpu.memory_space<hbm>>) target_semaphore(%run_scoped3A : memref<!tpu.dma_semaphore, #tpu.memory_space<semaphore_mem>>)
          %dma_wait3A = arith.constant 0 : i32
          %dma_wait3A_45 = tpu.memref_slice %arg6[%add3A_41, %dma_wait3A] : memref<50000x16xf32, #tpu.memory_space<hbm>> -> memref<125x16xf32, #tpu.memory_space<hbm>>
          %dma_wait3A_46 = arith.constant 0 : i32
          %dma_wait3A_47 = tpu.memref_slice %arg12[%mul3A_38, %dma_wait3A_46] : memref<25088x16xf32, #tpu.memory_space<vmem_shared>> -> memref<125x16xf32, #tpu.memory_space<vmem_shared>>
          tpu.wait_dma2 semaphore(%run_scoped3A : memref<!tpu.dma_semaphore, #tpu.memory_space<semaphore_mem>>) src(%dma_wait3A_47 : memref<125x16xf32, #tpu.memory_space<vmem_shared>>) dst(%dma_wait3A_45 : memref<125x16xf32, #tpu.memory_space<hbm>>)
          tpu.yield
        }) : () -> ()
      } else {
      }
    }
    %scan3A_26 = arith.constant 13 : i32
    return
  }
}

#map = affine_map<(d0, d1) -> (0)>
#map1 = affine_map<(d0, d1) -> (0, 0)>
module attributes {stable_mosaic.version = 14 : i64} {
  func.func @_phase1_body(%arg0: i32, %arg1: i32, %arg2: memref<802816xi32, #tpu.memory_space<hbm>>, %arg3: memref<802816xi32, #tpu.memory_space<hbm>>, %arg4: memref<802816xi32, #tpu.memory_space<hbm>>, %arg5: memref<50000x64xf32, #tpu.memory_space<hbm>>, %arg6: memref<50000x128xf32, #tpu.memory_space<hbm>>, %arg7: memref<128x64xf32, #tpu.memory_space<hbm>>, %arg8: memref<802816x64xf32, #tpu.memory_space<hbm>>, %arg9: memref<802816x16xf32, #tpu.memory_space<hbm>>, %arg10: memref<128xi32, #tpu.memory_space<vmem>>, %arg11: memref<128xi32, #tpu.memory_space<vmem>>, %arg12: memref<128xi32, #tpu.memory_space<vmem>>, %arg13: memref<128x64xf32, #tpu.memory_space<vmem>>, %arg14: memref<128x128xf32, #tpu.memory_space<vmem>>, %arg15: memref<128x64xf32, #tpu.memory_space<vmem>>, %arg16: memref<128x64xf32, #tpu.memory_space<vmem>>, %arg17: memref<128x16xf32, #tpu.memory_space<vmem>>, %arg18: memref<!tpu.dma_semaphore, #tpu.memory_space<semaphore_mem>>, %arg19: memref<128xi32, #tpu.memory_space<vmem>>, %arg20: memref<128xi32, #tpu.memory_space<vmem>>, %arg21: memref<128xi32, #tpu.memory_space<vmem>>, %arg22: memref<128x64xf32, #tpu.memory_space<vmem>>, %arg23: memref<128x128xf32, #tpu.memory_space<vmem>>, %arg24: memref<128x64xf32, #tpu.memory_space<vmem>>, %arg25: memref<128x64xf32, #tpu.memory_space<vmem>>, %arg26: memref<128x16xf32, #tpu.memory_space<vmem>>, %arg27: memref<!tpu.dma_semaphore, #tpu.memory_space<semaphore_mem>>) attributes {dimension_semantics = [#tpu.dimension_semantics<core_parallel>, #tpu.dimension_semantics<subcore_parallel>], iteration_bounds = array<i64: 2, 16>, scalar_prefetch = 0 : i64, scratch_operands = 18 : i64, tpu.core_type = #tpu.core_type<sc_vector_subcore>, window_params = [{transform_indices = #map}, {transform_indices = #map}, {transform_indices = #map}, {transform_indices = #map1}, {transform_indices = #map1}, {transform_indices = #map1}, {transform_indices = #map1}, {transform_indices = #map1}]} {
    %mul3A = arith.constant 2 : i32
    %mul3A_0 = arith.muli %arg1, %mul3A : i32
    %add3A = arith.addi %mul3A_0, %arg0 : i32
    %mul3A_1 = arith.constant 25088 : i32
    %mul3A_2 = arith.muli %add3A, %mul3A_1 : i32
    %iota3A = tpu.iota {dimensions = array<i32: 0>} : vector<16xi32>
    %min3A = arith.constant 1 : i32
    %min3A_3 = vector.broadcast %min3A : i32 to vector<16xi32>
    %min3A_4 = arith.minsi %iota3A, %min3A_3 : vector<16xi32>
    %sub3A = arith.constant 1 : i32
    %sub3A_5 = vector.broadcast %sub3A : i32 to vector<16xi32>
    %sub3A_6 = arith.subi %sub3A_5, %min3A_4 : vector<16xi32>
    %convert_element_type3A = arith.sitofp %sub3A_6 : vector<16xi32> to vector<16xf32>
    %add3A_7 = arith.constant 0 : i32
    %add3A_8 = arith.addi %mul3A_2, %add3A_7 : i32
    %multiple_of3A = tpu.assume_multiple %add3A_8, 8 : i32
    "tpu.region"() ({
      %run_scoped3A = tpu.sem_alloc : memref<!tpu.dma_semaphore, #tpu.memory_space<semaphore_mem>>
      %dma_start3A_22 = tpu.memref_slice %arg2[%multiple_of3A] : memref<802816xi32, #tpu.memory_space<hbm>> -> memref<128xi32, #tpu.memory_space<hbm>>
      %dma_start3A_23 = tpu.memref_slice %arg2[%multiple_of3A] : memref<802816xi32, #tpu.memory_space<hbm>> -> memref<128xi32, #tpu.memory_space<hbm>>
      tpu.enqueue_dma source(%dma_start3A_23 : memref<128xi32, #tpu.memory_space<hbm>>) target(%arg10 : memref<128xi32, #tpu.memory_space<vmem>>) target_semaphore(%run_scoped3A : memref<!tpu.dma_semaphore, #tpu.memory_space<semaphore_mem>>)
      %dma_wait3A = tpu.memref_slice %arg2[%multiple_of3A] : memref<802816xi32, #tpu.memory_space<hbm>> -> memref<128xi32, #tpu.memory_space<hbm>>
      %dma_wait3A_24 = tpu.memref_slice %arg2[%multiple_of3A] : memref<802816xi32, #tpu.memory_space<hbm>> -> memref<128xi32, #tpu.memory_space<hbm>>
      tpu.wait_dma2 semaphore(%run_scoped3A : memref<!tpu.dma_semaphore, #tpu.memory_space<semaphore_mem>>) src(%dma_wait3A_24 : memref<128xi32, #tpu.memory_space<hbm>>) dst(%arg10 : memref<128xi32, #tpu.memory_space<vmem>>)
      tpu.yield
    }) : () -> ()
    "tpu.region"() ({
      %run_scoped3A = tpu.sem_alloc : memref<!tpu.dma_semaphore, #tpu.memory_space<semaphore_mem>>
      %dma_start3A_22 = tpu.memref_slice %arg3[%multiple_of3A] : memref<802816xi32, #tpu.memory_space<hbm>> -> memref<128xi32, #tpu.memory_space<hbm>>
      %dma_start3A_23 = tpu.memref_slice %arg3[%multiple_of3A] : memref<802816xi32, #tpu.memory_space<hbm>> -> memref<128xi32, #tpu.memory_space<hbm>>
      tpu.enqueue_dma source(%dma_start3A_23 : memref<128xi32, #tpu.memory_space<hbm>>) target(%arg11 : memref<128xi32, #tpu.memory_space<vmem>>) target_semaphore(%run_scoped3A : memref<!tpu.dma_semaphore, #tpu.memory_space<semaphore_mem>>)
      %dma_wait3A = tpu.memref_slice %arg3[%multiple_of3A] : memref<802816xi32, #tpu.memory_space<hbm>> -> memref<128xi32, #tpu.memory_space<hbm>>
      %dma_wait3A_24 = tpu.memref_slice %arg3[%multiple_of3A] : memref<802816xi32, #tpu.memory_space<hbm>> -> memref<128xi32, #tpu.memory_space<hbm>>
      tpu.wait_dma2 semaphore(%run_scoped3A : memref<!tpu.dma_semaphore, #tpu.memory_space<semaphore_mem>>) src(%dma_wait3A_24 : memref<128xi32, #tpu.memory_space<hbm>>) dst(%arg11 : memref<128xi32, #tpu.memory_space<vmem>>)
      tpu.yield
    }) : () -> ()
    "tpu.region"() ({
      %run_scoped3A = tpu.sem_alloc : memref<!tpu.dma_semaphore, #tpu.memory_space<semaphore_mem>>
      %dma_start3A_22 = tpu.memref_slice %arg4[%multiple_of3A] : memref<802816xi32, #tpu.memory_space<hbm>> -> memref<128xi32, #tpu.memory_space<hbm>>
      %dma_start3A_23 = tpu.memref_slice %arg4[%multiple_of3A] : memref<802816xi32, #tpu.memory_space<hbm>> -> memref<128xi32, #tpu.memory_space<hbm>>
      tpu.enqueue_dma source(%dma_start3A_23 : memref<128xi32, #tpu.memory_space<hbm>>) target(%arg12 : memref<128xi32, #tpu.memory_space<vmem>>) target_semaphore(%run_scoped3A : memref<!tpu.dma_semaphore, #tpu.memory_space<semaphore_mem>>)
      %dma_wait3A = tpu.memref_slice %arg4[%multiple_of3A] : memref<802816xi32, #tpu.memory_space<hbm>> -> memref<128xi32, #tpu.memory_space<hbm>>
      %dma_wait3A_24 = tpu.memref_slice %arg4[%multiple_of3A] : memref<802816xi32, #tpu.memory_space<hbm>> -> memref<128xi32, #tpu.memory_space<hbm>>
      tpu.wait_dma2 semaphore(%run_scoped3A : memref<!tpu.dma_semaphore, #tpu.memory_space<semaphore_mem>>) src(%dma_wait3A_24 : memref<128xi32, #tpu.memory_space<hbm>>) dst(%arg12 : memref<128xi32, #tpu.memory_space<vmem>>)
      tpu.yield
    }) : () -> ()
    %dma_start3A = arith.constant 0 : i32
    %dma_start3A_9 = arith.constant 0 : i32
    %dma_start3A_10 = tpu.memref_slice %arg5[%dma_start3A, %dma_start3A_9] : memref<50000x64xf32, #tpu.memory_space<hbm>> -> memref<50000x64xf32, #tpu.memory_space<hbm>>
    tpu.enqueue_indirect_dma source(%dma_start3A_10 : memref<50000x64xf32, #tpu.memory_space<hbm>>) target(%arg13 : memref<128x64xf32, #tpu.memory_space<vmem>>) offsets(%arg10 : memref<128xi32, #tpu.memory_space<vmem>>) semaphore(%arg18 : memref<!tpu.dma_semaphore, #tpu.memory_space<semaphore_mem>>)
    %dma_start3A_11 = arith.constant 0 : i32
    %dma_start3A_12 = arith.constant 0 : i32
    %dma_start3A_13 = tpu.memref_slice %arg6[%dma_start3A_11, %dma_start3A_12] : memref<50000x128xf32, #tpu.memory_space<hbm>> -> memref<50000x128xf32, #tpu.memory_space<hbm>>
    tpu.enqueue_indirect_dma source(%dma_start3A_13 : memref<50000x128xf32, #tpu.memory_space<hbm>>) target(%arg14 : memref<128x128xf32, #tpu.memory_space<vmem>>) offsets(%arg11 : memref<128xi32, #tpu.memory_space<vmem>>) semaphore(%arg18 : memref<!tpu.dma_semaphore, #tpu.memory_space<semaphore_mem>>)
    %dma_start3A_14 = arith.constant 0 : i32
    %dma_start3A_15 = arith.constant 0 : i32
    %dma_start3A_16 = tpu.memref_slice %arg7[%dma_start3A_14, %dma_start3A_15] : memref<128x64xf32, #tpu.memory_space<hbm>> -> memref<128x64xf32, #tpu.memory_space<hbm>>
    tpu.enqueue_indirect_dma source(%dma_start3A_16 : memref<128x64xf32, #tpu.memory_space<hbm>>) target(%arg15 : memref<128x64xf32, #tpu.memory_space<vmem>>) offsets(%arg12 : memref<128xi32, #tpu.memory_space<vmem>>) semaphore(%arg18 : memref<!tpu.dma_semaphore, #tpu.memory_space<semaphore_mem>>)
    %scan3A = arith.constant 0 : i32
    %scan3A_17 = arith.constant 0 : i32
    %scan3A_18 = arith.constant 98 : i32
    %scan3A_19 = arith.addi %scan3A_17, %scan3A_18 : i32
    %scan3A_20 = arith.constant 1 : i32
    scf.for %scan3A_22 = %scan3A_17 to %scan3A_19 step %scan3A_20  : i32 {
      %mul3A_23 = arith.constant 2 : i32
      %mul3A_24 = arith.muli %mul3A_23, %scan3A_22 : i32
      %mul3A_25 = arith.constant 2 : i32
      %mul3A_26 = arith.muli %mul3A_25, %scan3A_22 : i32
      %add3A_27 = arith.constant 1 : i32
      %add3A_28 = arith.addi %mul3A_26, %add3A_27 : i32
      %mul3A_29 = arith.constant 128 : i32
      %mul3A_30 = arith.muli %add3A_28, %mul3A_29 : i32
      %add3A_31 = arith.addi %mul3A_2, %mul3A_30 : i32
      %multiple_of3A_32 = tpu.assume_multiple %add3A_31, 8 : i32
      "tpu.region"() ({
        %run_scoped3A = tpu.sem_alloc : memref<!tpu.dma_semaphore, #tpu.memory_space<semaphore_mem>>
        %dma_start3A_84 = tpu.memref_slice %arg2[%multiple_of3A_32] : memref<802816xi32, #tpu.memory_space<hbm>> -> memref<128xi32, #tpu.memory_space<hbm>>
        %dma_start3A_85 = tpu.memref_slice %arg2[%multiple_of3A_32] : memref<802816xi32, #tpu.memory_space<hbm>> -> memref<128xi32, #tpu.memory_space<hbm>>
        tpu.enqueue_dma source(%dma_start3A_85 : memref<128xi32, #tpu.memory_space<hbm>>) target(%arg19 : memref<128xi32, #tpu.memory_space<vmem>>) target_semaphore(%run_scoped3A : memref<!tpu.dma_semaphore, #tpu.memory_space<semaphore_mem>>)
        %dma_wait3A_86 = tpu.memref_slice %arg2[%multiple_of3A_32] : memref<802816xi32, #tpu.memory_space<hbm>> -> memref<128xi32, #tpu.memory_space<hbm>>
        %dma_wait3A_87 = tpu.memref_slice %arg2[%multiple_of3A_32] : memref<802816xi32, #tpu.memory_space<hbm>> -> memref<128xi32, #tpu.memory_space<hbm>>
        tpu.wait_dma2 semaphore(%run_scoped3A : memref<!tpu.dma_semaphore, #tpu.memory_space<semaphore_mem>>) src(%dma_wait3A_87 : memref<128xi32, #tpu.memory_space<hbm>>) dst(%arg19 : memref<128xi32, #tpu.memory_space<vmem>>)
        tpu.yield
      }) : () -> ()
      "tpu.region"() ({
        %run_scoped3A = tpu.sem_alloc : memref<!tpu.dma_semaphore, #tpu.memory_space<semaphore_mem>>
        %dma_start3A_84 = tpu.memref_slice %arg3[%multiple_of3A_32] : memref<802816xi32, #tpu.memory_space<hbm>> -> memref<128xi32, #tpu.memory_space<hbm>>
        %dma_start3A_85 = tpu.memref_slice %arg3[%multiple_of3A_32] : memref<802816xi32, #tpu.memory_space<hbm>> -> memref<128xi32, #tpu.memory_space<hbm>>
        tpu.enqueue_dma source(%dma_start3A_85 : memref<128xi32, #tpu.memory_space<hbm>>) target(%arg20 : memref<128xi32, #tpu.memory_space<vmem>>) target_semaphore(%run_scoped3A : memref<!tpu.dma_semaphore, #tpu.memory_space<semaphore_mem>>)
        %dma_wait3A_86 = tpu.memref_slice %arg3[%multiple_of3A_32] : memref<802816xi32, #tpu.memory_space<hbm>> -> memref<128xi32, #tpu.memory_space<hbm>>
        %dma_wait3A_87 = tpu.memref_slice %arg3[%multiple_of3A_32] : memref<802816xi32, #tpu.memory_space<hbm>> -> memref<128xi32, #tpu.memory_space<hbm>>
        tpu.wait_dma2 semaphore(%run_scoped3A : memref<!tpu.dma_semaphore, #tpu.memory_space<semaphore_mem>>) src(%dma_wait3A_87 : memref<128xi32, #tpu.memory_space<hbm>>) dst(%arg20 : memref<128xi32, #tpu.memory_space<vmem>>)
        tpu.yield
      }) : () -> ()
      "tpu.region"() ({
        %run_scoped3A = tpu.sem_alloc : memref<!tpu.dma_semaphore, #tpu.memory_space<semaphore_mem>>
        %dma_start3A_84 = tpu.memref_slice %arg4[%multiple_of3A_32] : memref<802816xi32, #tpu.memory_space<hbm>> -> memref<128xi32, #tpu.memory_space<hbm>>
        %dma_start3A_85 = tpu.memref_slice %arg4[%multiple_of3A_32] : memref<802816xi32, #tpu.memory_space<hbm>> -> memref<128xi32, #tpu.memory_space<hbm>>
        tpu.enqueue_dma source(%dma_start3A_85 : memref<128xi32, #tpu.memory_space<hbm>>) target(%arg21 : memref<128xi32, #tpu.memory_space<vmem>>) target_semaphore(%run_scoped3A : memref<!tpu.dma_semaphore, #tpu.memory_space<semaphore_mem>>)
        %dma_wait3A_86 = tpu.memref_slice %arg4[%multiple_of3A_32] : memref<802816xi32, #tpu.memory_space<hbm>> -> memref<128xi32, #tpu.memory_space<hbm>>
        %dma_wait3A_87 = tpu.memref_slice %arg4[%multiple_of3A_32] : memref<802816xi32, #tpu.memory_space<hbm>> -> memref<128xi32, #tpu.memory_space<hbm>>
        tpu.wait_dma2 semaphore(%run_scoped3A : memref<!tpu.dma_semaphore, #tpu.memory_space<semaphore_mem>>) src(%dma_wait3A_87 : memref<128xi32, #tpu.memory_space<hbm>>) dst(%arg21 : memref<128xi32, #tpu.memory_space<vmem>>)
        tpu.yield
      }) : () -> ()
      %dma_start3A_33 = arith.constant 0 : i32
      %dma_start3A_34 = arith.constant 0 : i32
      %dma_start3A_35 = tpu.memref_slice %arg5[%dma_start3A_33, %dma_start3A_34] : memref<50000x64xf32, #tpu.memory_space<hbm>> -> memref<50000x64xf32, #tpu.memory_space<hbm>>
      tpu.enqueue_indirect_dma source(%dma_start3A_35 : memref<50000x64xf32, #tpu.memory_space<hbm>>) target(%arg22 : memref<128x64xf32, #tpu.memory_space<vmem>>) offsets(%arg19 : memref<128xi32, #tpu.memory_space<vmem>>) semaphore(%arg27 : memref<!tpu.dma_semaphore, #tpu.memory_space<semaphore_mem>>)
      %dma_start3A_36 = arith.constant 0 : i32
      %dma_start3A_37 = arith.constant 0 : i32
      %dma_start3A_38 = tpu.memref_slice %arg6[%dma_start3A_36, %dma_start3A_37] : memref<50000x128xf32, #tpu.memory_space<hbm>> -> memref<50000x128xf32, #tpu.memory_space<hbm>>
      tpu.enqueue_indirect_dma source(%dma_start3A_38 : memref<50000x128xf32, #tpu.memory_space<hbm>>) target(%arg23 : memref<128x128xf32, #tpu.memory_space<vmem>>) offsets(%arg20 : memref<128xi32, #tpu.memory_space<vmem>>) semaphore(%arg27 : memref<!tpu.dma_semaphore, #tpu.memory_space<semaphore_mem>>)
      %dma_start3A_39 = arith.constant 0 : i32
      %dma_start3A_40 = arith.constant 0 : i32
      %dma_start3A_41 = tpu.memref_slice %arg7[%dma_start3A_39, %dma_start3A_40] : memref<128x64xf32, #tpu.memory_space<hbm>> -> memref<128x64xf32, #tpu.memory_space<hbm>>
      tpu.enqueue_indirect_dma source(%dma_start3A_41 : memref<128x64xf32, #tpu.memory_space<hbm>>) target(%arg24 : memref<128x64xf32, #tpu.memory_space<vmem>>) offsets(%arg21 : memref<128xi32, #tpu.memory_space<vmem>>) semaphore(%arg27 : memref<!tpu.dma_semaphore, #tpu.memory_space<semaphore_mem>>)
      %dma_wait3A = arith.constant 0 : i32
      %dma_wait3A_42 = arith.constant 0 : i32
      %dma_wait3A_43 = tpu.memref_slice %arg5[%dma_wait3A, %dma_wait3A_42] : memref<50000x64xf32, #tpu.memory_space<hbm>> -> memref<50000x64xf32, #tpu.memory_space<hbm>>
      tpu.wait_indirect_dma semaphore(%arg18 : memref<!tpu.dma_semaphore, #tpu.memory_space<semaphore_mem>>) src(%dma_wait3A_43 : memref<50000x64xf32, #tpu.memory_space<hbm>>) dst(%arg13 : memref<128x64xf32, #tpu.memory_space<vmem>>)
      %dma_wait3A_44 = arith.constant 0 : i32
      %dma_wait3A_45 = arith.constant 0 : i32
      %dma_wait3A_46 = tpu.memref_slice %arg6[%dma_wait3A_44, %dma_wait3A_45] : memref<50000x128xf32, #tpu.memory_space<hbm>> -> memref<50000x128xf32, #tpu.memory_space<hbm>>
      tpu.wait_indirect_dma semaphore(%arg18 : memref<!tpu.dma_semaphore, #tpu.memory_space<semaphore_mem>>) src(%dma_wait3A_46 : memref<50000x128xf32, #tpu.memory_space<hbm>>) dst(%arg14 : memref<128x128xf32, #tpu.memory_space<vmem>>)
      %dma_wait3A_47 = arith.constant 0 : i32
      %dma_wait3A_48 = arith.constant 0 : i32
      %dma_wait3A_49 = tpu.memref_slice %arg7[%dma_wait3A_47, %dma_wait3A_48] : memref<128x64xf32, #tpu.memory_space<hbm>> -> memref<128x64xf32, #tpu.memory_space<hbm>>
      tpu.wait_indirect_dma semaphore(%arg18 : memref<!tpu.dma_semaphore, #tpu.memory_space<semaphore_mem>>) src(%dma_wait3A_49 : memref<128x64xf32, #tpu.memory_space<hbm>>) dst(%arg15 : memref<128x64xf32, #tpu.memory_space<vmem>>)
      %scan3A_50 = arith.constant 0 : i32
      %scan3A_51 = arith.constant 0 : i32
      %scan3A_52 = arith.constant 32 : i32
      %scan3A_53 = arith.addi %scan3A_51, %scan3A_52 : i32
      %scan3A_54 = arith.constant 1 : i32
      scf.for %scan3A_84 = %scan3A_51 to %scan3A_53 step %scan3A_54  : i32 {
        %mul3A_85 = arith.constant 4 : i32
        %mul3A_86 = arith.muli %scan3A_84, %mul3A_85 : i32
        %add3A_87 = arith.constant 0 : i32
        %add3A_88 = arith.addi %mul3A_86, %add3A_87 : i32
        %broadcast_in_dim3A = arith.constant 0.000000e+00 : f32
        %broadcast_in_dim3A_89 = vector.broadcast %broadcast_in_dim3A : f32 to vector<16xf32>
        %get3A = arith.index_cast %add3A_88 : i32 to index
        %get3A_90 = arith.constant 0 : index
        %get3A_91 = tpu.vector_load %arg13[%get3A, %get3A_90] {strides = array<i32>} : memref<128x64xf32, #tpu.memory_space<vmem>>, vector<16xf32>,
        %get3A_92 = arith.index_cast %add3A_88 : i32 to index
        %get3A_93 = arith.constant 0 : index
        %get3A_94 = tpu.vector_load %arg14[%get3A_92, %get3A_93] {strides = array<i32>} : memref<128x128xf32, #tpu.memory_space<vmem>>, vector<16xf32>,
        %get3A_95 = arith.index_cast %add3A_88 : i32 to index
        %get3A_96 = arith.constant 0 : index
        %get3A_97 = tpu.vector_load %arg15[%get3A_95, %get3A_96] {strides = array<i32>} : memref<128x64xf32, #tpu.memory_space<vmem>>, vector<16xf32>,
        %add3A_98 = arith.addf %get3A_94, %get3A_97 : vector<16xf32>
        %mul3A_99 = arith.mulf %get3A_91, %add3A_98 : vector<16xf32>
        %add3A_100 = arith.addf %broadcast_in_dim3A_89, %mul3A_99 : vector<16xf32>
        %get3A_101 = arith.index_cast %add3A_88 : i32 to index
        %get3A_102 = arith.constant 16 : index
        %get3A_103 = tpu.vector_load %arg13[%get3A_101, %get3A_102] {strides = array<i32>} : memref<128x64xf32, #tpu.memory_space<vmem>>, vector<16xf32>,
        %get3A_104 = arith.index_cast %add3A_88 : i32 to index
        %get3A_105 = arith.constant 16 : index
        %get3A_106 = tpu.vector_load %arg14[%get3A_104, %get3A_105] {strides = array<i32>} : memref<128x128xf32, #tpu.memory_space<vmem>>, vector<16xf32>,
        %get3A_107 = arith.index_cast %add3A_88 : i32 to index
        %get3A_108 = arith.constant 16 : index
        %get3A_109 = tpu.vector_load %arg15[%get3A_107, %get3A_108] {strides = array<i32>} : memref<128x64xf32, #tpu.memory_space<vmem>>, vector<16xf32>,
        %add3A_110 = arith.addf %get3A_106, %get3A_109 : vector<16xf32>
        %mul3A_111 = arith.mulf %get3A_103, %add3A_110 : vector<16xf32>
        %add3A_112 = arith.addf %add3A_100, %mul3A_111 : vector<16xf32>
        %get3A_113 = arith.index_cast %add3A_88 : i32 to index
        %get3A_114 = arith.constant 32 : index
        %get3A_115 = tpu.vector_load %arg13[%get3A_113, %get3A_114] {strides = array<i32>} : memref<128x64xf32, #tpu.memory_space<vmem>>, vector<16xf32>,
        %get3A_116 = arith.index_cast %add3A_88 : i32 to index
        %get3A_117 = arith.constant 32 : index
        %get3A_118 = tpu.vector_load %arg14[%get3A_116, %get3A_117] {strides = array<i32>} : memref<128x128xf32, #tpu.memory_space<vmem>>, vector<16xf32>,
        %get3A_119 = arith.index_cast %add3A_88 : i32 to index
        %get3A_120 = arith.constant 32 : index
        %get3A_121 = tpu.vector_load %arg15[%get3A_119, %get3A_120] {strides = array<i32>} : memref<128x64xf32, #tpu.memory_space<vmem>>, vector<16xf32>,
        %add3A_122 = arith.addf %get3A_118, %get3A_121 : vector<16xf32>
        %mul3A_123 = arith.mulf %get3A_115, %add3A_122 : vector<16xf32>
        %add3A_124 = arith.addf %add3A_112, %mul3A_123 : vector<16xf32>
        %get3A_125 = arith.index_cast %add3A_88 : i32 to index
        %get3A_126 = arith.constant 48 : index
        %get3A_127 = tpu.vector_load %arg13[%get3A_125, %get3A_126] {strides = array<i32>} : memref<128x64xf32, #tpu.memory_space<vmem>>, vector<16xf32>,
        %get3A_128 = arith.index_cast %add3A_88 : i32 to index
        %get3A_129 = arith.constant 48 : index
        %get3A_130 = tpu.vector_load %arg14[%get3A_128, %get3A_129] {strides = array<i32>} : memref<128x128xf32, #tpu.memory_space<vmem>>, vector<16xf32>,
        %get3A_131 = arith.index_cast %add3A_88 : i32 to index
        %get3A_132 = arith.constant 48 : index
        %get3A_133 = tpu.vector_load %arg15[%get3A_131, %get3A_132] {strides = array<i32>} : memref<128x64xf32, #tpu.memory_space<vmem>>, vector<16xf32>,
        %add3A_134 = arith.addf %get3A_130, %get3A_133 : vector<16xf32>
        %mul3A_135 = arith.mulf %get3A_127, %add3A_134 : vector<16xf32>
        %add3A_136 = arith.addf %add3A_124, %mul3A_135 : vector<16xf32>
        %mul3A_137 = arith.constant 1.250000e-01 : f32
        %mul3A_138 = vector.broadcast %mul3A_137 : f32 to vector<16xf32>
        %mul3A_139 = arith.mulf %add3A_136, %mul3A_138 : vector<16xf32>
        %reduce_sum3A = arith.constant true
        %reduce_sum3A_140 = vector.broadcast %reduce_sum3A : i1 to vector<16xi1>
        %reduce_sum3A_141 = tpu.scan <sum>, %mul3A_139 masked %reduce_sum3A_140 : vector<16xf32>, vector<16xi1> -> vector<16xf32>
        %reduce_sum3A_142 = vector.extract %reduce_sum3A_141[15] : f32 from vector<16xf32>
        %broadcast_in_dim3A_143 = vector.broadcast %reduce_sum3A_142 : f32 to vector<16xf32>
        %exp3A = math.exp %broadcast_in_dim3A_143 : vector<16xf32>
        %get3A_144 = arith.index_cast %add3A_88 : i32 to index
        %get3A_145 = arith.constant 64 : index
        %get3A_146 = tpu.vector_load %arg14[%get3A_144, %get3A_145] {strides = array<i32>} : memref<128x128xf32, #tpu.memory_space<vmem>>, vector<16xf32>,
        %get3A_147 = arith.index_cast %add3A_88 : i32 to index
        %get3A_148 = arith.constant 0 : index
        %get3A_149 = tpu.vector_load %arg15[%get3A_147, %get3A_148] {strides = array<i32>} : memref<128x64xf32, #tpu.memory_space<vmem>>, vector<16xf32>,
        %add3A_150 = arith.addf %get3A_146, %get3A_149 : vector<16xf32>
        %mul3A_151 = arith.mulf %exp3A, %add3A_150 : vector<16xf32>
        %swap3A = arith.index_cast %add3A_88 : i32 to index
        %swap3A_152 = arith.constant 0 : index
        %swap3A_153 = tpu.vector_load %arg16[%swap3A, %swap3A_152] {strides = array<i32>} : memref<128x64xf32, #tpu.memory_space<vmem>>, vector<16xf32>,
        tpu.vector_store %arg16[%swap3A, %swap3A_152], %mul3A_151 {strides = array<i32>} : memref<128x64xf32, #tpu.memory_space<vmem>>, vector<16xf32>,
        %get3A_154 = arith.index_cast %add3A_88 : i32 to index
        %get3A_155 = arith.constant 80 : index
        %get3A_156 = tpu.vector_load %arg14[%get3A_154, %get3A_155] {strides = array<i32>} : memref<128x128xf32, #tpu.memory_space<vmem>>, vector<16xf32>,
        %get3A_157 = arith.index_cast %add3A_88 : i32 to index
        %get3A_158 = arith.constant 16 : index
        %get3A_159 = tpu.vector_load %arg15[%get3A_157, %get3A_158] {strides = array<i32>} : memref<128x64xf32, #tpu.memory_space<vmem>>, vector<16xf32>,
        %add3A_160 = arith.addf %get3A_156, %get3A_159 : vector<16xf32>
        %mul3A_161 = arith.mulf %exp3A, %add3A_160 : vector<16xf32>
        %swap3A_162 = arith.index_cast %add3A_88 : i32 to index
        %swap3A_163 = arith.constant 16 : index
        %swap3A_164 = tpu.vector_load %arg16[%swap3A_162, %swap3A_163] {strides = array<i32>} : memref<128x64xf32, #tpu.memory_space<vmem>>, vector<16xf32>,
        tpu.vector_store %arg16[%swap3A_162, %swap3A_163], %mul3A_161 {strides = array<i32>} : memref<128x64xf32, #tpu.memory_space<vmem>>, vector<16xf32>,
        %get3A_165 = arith.index_cast %add3A_88 : i32 to index
        %get3A_166 = arith.constant 96 : index
        %get3A_167 = tpu.vector_load %arg14[%get3A_165, %get3A_166] {strides = array<i32>} : memref<128x128xf32, #tpu.memory_space<vmem>>, vector<16xf32>,
        %get3A_168 = arith.index_cast %add3A_88 : i32 to index
        %get3A_169 = arith.constant 32 : index
        %get3A_170 = tpu.vector_load %arg15[%get3A_168, %get3A_169] {strides = array<i32>} : memref<128x64xf32, #tpu.memory_space<vmem>>, vector<16xf32>,
        %add3A_171 = arith.addf %get3A_167, %get3A_170 : vector<16xf32>
        %mul3A_172 = arith.mulf %exp3A, %add3A_171 : vector<16xf32>
        %swap3A_173 = arith.index_cast %add3A_88 : i32 to index
        %swap3A_174 = arith.constant 32 : index
        %swap3A_175 = tpu.vector_load %arg16[%swap3A_173, %swap3A_174] {strides = array<i32>} : memref<128x64xf32, #tpu.memory_space<vmem>>, vector<16xf32>,
        tpu.vector_store %arg16[%swap3A_173, %swap3A_174], %mul3A_172 {strides = array<i32>} : memref<128x64xf32, #tpu.memory_space<vmem>>, vector<16xf32>,
        %get3A_176 = arith.index_cast %add3A_88 : i32 to index
        %get3A_177 = arith.constant 112 : index
        %get3A_178 = tpu.vector_load %arg14[%get3A_176, %get3A_177] {strides = array<i32>} : memref<128x128xf32, #tpu.memory_space<vmem>>, vector<16xf32>,
        %get3A_179 = arith.index_cast %add3A_88 : i32 to index
        %get3A_180 = arith.constant 48 : index
        %get3A_181 = tpu.vector_load %arg15[%get3A_179, %get3A_180] {strides = array<i32>} : memref<128x64xf32, #tpu.memory_space<vmem>>, vector<16xf32>,
        %add3A_182 = arith.addf %get3A_178, %get3A_181 : vector<16xf32>
        %mul3A_183 = arith.mulf %exp3A, %add3A_182 : vector<16xf32>
        %swap3A_184 = arith.index_cast %add3A_88 : i32 to index
        %swap3A_185 = arith.constant 48 : index
        %swap3A_186 = tpu.vector_load %arg16[%swap3A_184, %swap3A_185] {strides = array<i32>} : memref<128x64xf32, #tpu.memory_space<vmem>>, vector<16xf32>,
        tpu.vector_store %arg16[%swap3A_184, %swap3A_185], %mul3A_183 {strides = array<i32>} : memref<128x64xf32, #tpu.memory_space<vmem>>, vector<16xf32>,
        %mul3A_187 = arith.mulf %exp3A, %convert_element_type3A : vector<16xf32>
        %swap3A_188 = arith.index_cast %add3A_88 : i32 to index
        %swap3A_189 = arith.constant 0 : index
        %swap3A_190 = tpu.vector_load %arg17[%swap3A_188, %swap3A_189] {strides = array<i32>} : memref<128x16xf32, #tpu.memory_space<vmem>>, vector<16xf32>,
        tpu.vector_store %arg17[%swap3A_188, %swap3A_189], %mul3A_187 {strides = array<i32>} : memref<128x16xf32, #tpu.memory_space<vmem>>, vector<16xf32>,
        %mul3A_191 = arith.constant 4 : i32
        %mul3A_192 = arith.muli %scan3A_84, %mul3A_191 : i32
        %add3A_193 = arith.constant 1 : i32
        %add3A_194 = arith.addi %mul3A_192, %add3A_193 : i32
        %broadcast_in_dim3A_195 = arith.constant 0.000000e+00 : f32
        %broadcast_in_dim3A_196 = vector.broadcast %broadcast_in_dim3A_195 : f32 to vector<16xf32>
        %get3A_197 = arith.index_cast %add3A_194 : i32 to index
        %get3A_198 = arith.constant 0 : index
        %get3A_199 = tpu.vector_load %arg13[%get3A_197, %get3A_198] {strides = array<i32>} : memref<128x64xf32, #tpu.memory_space<vmem>>, vector<16xf32>,
        %get3A_200 = arith.index_cast %add3A_194 : i32 to index
        %get3A_201 = arith.constant 0 : index
        %get3A_202 = tpu.vector_load %arg14[%get3A_200, %get3A_201] {strides = array<i32>} : memref<128x128xf32, #tpu.memory_space<vmem>>, vector<16xf32>,
        %get3A_203 = arith.index_cast %add3A_194 : i32 to index
        %get3A_204 = arith.constant 0 : index
        %get3A_205 = tpu.vector_load %arg15[%get3A_203, %get3A_204] {strides = array<i32>} : memref<128x64xf32, #tpu.memory_space<vmem>>, vector<16xf32>,
        %add3A_206 = arith.addf %get3A_202, %get3A_205 : vector<16xf32>
        %mul3A_207 = arith.mulf %get3A_199, %add3A_206 : vector<16xf32>
        %add3A_208 = arith.addf %broadcast_in_dim3A_196, %mul3A_207 : vector<16xf32>
        %get3A_209 = arith.index_cast %add3A_194 : i32 to index
        %get3A_210 = arith.constant 16 : index
        %get3A_211 = tpu.vector_load %arg13[%get3A_209, %get3A_210] {strides = array<i32>} : memref<128x64xf32, #tpu.memory_space<vmem>>, vector<16xf32>,
        %get3A_212 = arith.index_cast %add3A_194 : i32 to index
        %get3A_213 = arith.constant 16 : index
        %get3A_214 = tpu.vector_load %arg14[%get3A_212, %get3A_213] {strides = array<i32>} : memref<128x128xf32, #tpu.memory_space<vmem>>, vector<16xf32>,
        %get3A_215 = arith.index_cast %add3A_194 : i32 to index
        %get3A_216 = arith.constant 16 : index
        %get3A_217 = tpu.vector_load %arg15[%get3A_215, %get3A_216] {strides = array<i32>} : memref<128x64xf32, #tpu.memory_space<vmem>>, vector<16xf32>,
        %add3A_218 = arith.addf %get3A_214, %get3A_217 : vector<16xf32>
        %mul3A_219 = arith.mulf %get3A_211, %add3A_218 : vector<16xf32>
        %add3A_220 = arith.addf %add3A_208, %mul3A_219 : vector<16xf32>
        %get3A_221 = arith.index_cast %add3A_194 : i32 to index
        %get3A_222 = arith.constant 32 : index
        %get3A_223 = tpu.vector_load %arg13[%get3A_221, %get3A_222] {strides = array<i32>} : memref<128x64xf32, #tpu.memory_space<vmem>>, vector<16xf32>,
        %get3A_224 = arith.index_cast %add3A_194 : i32 to index
        %get3A_225 = arith.constant 32 : index
        %get3A_226 = tpu.vector_load %arg14[%get3A_224, %get3A_225] {strides = array<i32>} : memref<128x128xf32, #tpu.memory_space<vmem>>, vector<16xf32>,
        %get3A_227 = arith.index_cast %add3A_194 : i32 to index
        %get3A_228 = arith.constant 32 : index
        %get3A_229 = tpu.vector_load %arg15[%get3A_227, %get3A_228] {strides = array<i32>} : memref<128x64xf32, #tpu.memory_space<vmem>>, vector<16xf32>,
        %add3A_230 = arith.addf %get3A_226, %get3A_229 : vector<16xf32>
        %mul3A_231 = arith.mulf %get3A_223, %add3A_230 : vector<16xf32>
        %add3A_232 = arith.addf %add3A_220, %mul3A_231 : vector<16xf32>
        %get3A_233 = arith.index_cast %add3A_194 : i32 to index
        %get3A_234 = arith.constant 48 : index
        %get3A_235 = tpu.vector_load %arg13[%get3A_233, %get3A_234] {strides = array<i32>} : memref<128x64xf32, #tpu.memory_space<vmem>>, vector<16xf32>,
        %get3A_236 = arith.index_cast %add3A_194 : i32 to index
        %get3A_237 = arith.constant 48 : index
        %get3A_238 = tpu.vector_load %arg14[%get3A_236, %get3A_237] {strides = array<i32>} : memref<128x128xf32, #tpu.memory_space<vmem>>, vector<16xf32>,
        %get3A_239 = arith.index_cast %add3A_194 : i32 to index
        %get3A_240 = arith.constant 48 : index
        %get3A_241 = tpu.vector_load %arg15[%get3A_239, %get3A_240] {strides = array<i32>} : memref<128x64xf32, #tpu.memory_space<vmem>>, vector<16xf32>,
        %add3A_242 = arith.addf %get3A_238, %get3A_241 : vector<16xf32>
        %mul3A_243 = arith.mulf %get3A_235, %add3A_242 : vector<16xf32>
        %add3A_244 = arith.addf %add3A_232, %mul3A_243 : vector<16xf32>
        %mul3A_245 = arith.constant 1.250000e-01 : f32
        %mul3A_246 = vector.broadcast %mul3A_245 : f32 to vector<16xf32>
        %mul3A_247 = arith.mulf %add3A_244, %mul3A_246 : vector<16xf32>
        %reduce_sum3A_248 = arith.constant true
        %reduce_sum3A_249 = vector.broadcast %reduce_sum3A_248 : i1 to vector<16xi1>
        %reduce_sum3A_250 = tpu.scan <sum>, %mul3A_247 masked %reduce_sum3A_249 : vector<16xf32>, vector<16xi1> -> vector<16xf32>
        %reduce_sum3A_251 = vector.extract %reduce_sum3A_250[15] : f32 from vector<16xf32>
        %broadcast_in_dim3A_252 = vector.broadcast %reduce_sum3A_251 : f32 to vector<16xf32>
        %exp3A_253 = math.exp %broadcast_in_dim3A_252 : vector<16xf32>
        %get3A_254 = arith.index_cast %add3A_194 : i32 to index
        %get3A_255 = arith.constant 64 : index
        %get3A_256 = tpu.vector_load %arg14[%get3A_254, %get3A_255] {strides = array<i32>} : memref<128x128xf32, #tpu.memory_space<vmem>>, vector<16xf32>,
        %get3A_257 = arith.index_cast %add3A_194 : i32 to index
        %get3A_258 = arith.constant 0 : index
        %get3A_259 = tpu.vector_load %arg15[%get3A_257, %get3A_258] {strides = array<i32>} : memref<128x64xf32, #tpu.memory_space<vmem>>, vector<16xf32>,
        %add3A_260 = arith.addf %get3A_256, %get3A_259 : vector<16xf32>
        %mul3A_261 = arith.mulf %exp3A_253, %add3A_260 : vector<16xf32>
        %swap3A_262 = arith.index_cast %add3A_194 : i32 to index
        %swap3A_263 = arith.constant 0 : index
        %swap3A_264 = tpu.vector_load %arg16[%swap3A_262, %swap3A_263] {strides = array<i32>} : memref<128x64xf32, #tpu.memory_space<vmem>>, vector<16xf32>,
        tpu.vector_store %arg16[%swap3A_262, %swap3A_263], %mul3A_261 {strides = array<i32>} : memref<128x64xf32, #tpu.memory_space<vmem>>, vector<16xf32>,
        %get3A_265 = arith.index_cast %add3A_194 : i32 to index
        %get3A_266 = arith.constant 80 : index
        %get3A_267 = tpu.vector_load %arg14[%get3A_265, %get3A_266] {strides = array<i32>} : memref<128x128xf32, #tpu.memory_space<vmem>>, vector<16xf32>,
        %get3A_268 = arith.index_cast %add3A_194 : i32 to index
        %get3A_269 = arith.constant 16 : index
        %get3A_270 = tpu.vector_load %arg15[%get3A_268, %get3A_269] {strides = array<i32>} : memref<128x64xf32, #tpu.memory_space<vmem>>, vector<16xf32>,
        %add3A_271 = arith.addf %get3A_267, %get3A_270 : vector<16xf32>
        %mul3A_272 = arith.mulf %exp3A_253, %add3A_271 : vector<16xf32>
        %swap3A_273 = arith.index_cast %add3A_194 : i32 to index
        %swap3A_274 = arith.constant 16 : index
        %swap3A_275 = tpu.vector_load %arg16[%swap3A_273, %swap3A_274] {strides = array<i32>} : memref<128x64xf32, #tpu.memory_space<vmem>>, vector<16xf32>,
        tpu.vector_store %arg16[%swap3A_273, %swap3A_274], %mul3A_272 {strides = array<i32>} : memref<128x64xf32, #tpu.memory_space<vmem>>, vector<16xf32>,
        %get3A_276 = arith.index_cast %add3A_194 : i32 to index
        %get3A_277 = arith.constant 96 : index
        %get3A_278 = tpu.vector_load %arg14[%get3A_276, %get3A_277] {strides = array<i32>} : memref<128x128xf32, #tpu.memory_space<vmem>>, vector<16xf32>,
        %get3A_279 = arith.index_cast %add3A_194 : i32 to index
        %get3A_280 = arith.constant 32 : index
        %get3A_281 = tpu.vector_load %arg15[%get3A_279, %get3A_280] {strides = array<i32>} : memref<128x64xf32, #tpu.memory_space<vmem>>, vector<16xf32>,
        %add3A_282 = arith.addf %get3A_278, %get3A_281 : vector<16xf32>
        %mul3A_283 = arith.mulf %exp3A_253, %add3A_282 : vector<16xf32>
        %swap3A_284 = arith.index_cast %add3A_194 : i32 to index
        %swap3A_285 = arith.constant 32 : index
        %swap3A_286 = tpu.vector_load %arg16[%swap3A_284, %swap3A_285] {strides = array<i32>} : memref<128x64xf32, #tpu.memory_space<vmem>>, vector<16xf32>,
        tpu.vector_store %arg16[%swap3A_284, %swap3A_285], %mul3A_283 {strides = array<i32>} : memref<128x64xf32, #tpu.memory_space<vmem>>, vector<16xf32>,
        %get3A_287 = arith.index_cast %add3A_194 : i32 to index
        %get3A_288 = arith.constant 112 : index
        %get3A_289 = tpu.vector_load %arg14[%get3A_287, %get3A_288] {strides = array<i32>} : memref<128x128xf32, #tpu.memory_space<vmem>>, vector<16xf32>,
        %get3A_290 = arith.index_cast %add3A_194 : i32 to index
        %get3A_291 = arith.constant 48 : index
        %get3A_292 = tpu.vector_load %arg15[%get3A_290, %get3A_291] {strides = array<i32>} : memref<128x64xf32, #tpu.memory_space<vmem>>, vector<16xf32>,
        %add3A_293 = arith.addf %get3A_289, %get3A_292 : vector<16xf32>
        %mul3A_294 = arith.mulf %exp3A_253, %add3A_293 : vector<16xf32>
        %swap3A_295 = arith.index_cast %add3A_194 : i32 to index
        %swap3A_296 = arith.constant 48 : index
        %swap3A_297 = tpu.vector_load %arg16[%swap3A_295, %swap3A_296] {strides = array<i32>} : memref<128x64xf32, #tpu.memory_space<vmem>>, vector<16xf32>,
        tpu.vector_store %arg16[%swap3A_295, %swap3A_296], %mul3A_294 {strides = array<i32>} : memref<128x64xf32, #tpu.memory_space<vmem>>, vector<16xf32>,
        %mul3A_298 = arith.mulf %exp3A_253, %convert_element_type3A : vector<16xf32>
        %swap3A_299 = arith.index_cast %add3A_194 : i32 to index
        %swap3A_300 = arith.constant 0 : index
        %swap3A_301 = tpu.vector_load %arg17[%swap3A_299, %swap3A_300] {strides = array<i32>} : memref<128x16xf32, #tpu.memory_space<vmem>>, vector<16xf32>,
        tpu.vector_store %arg17[%swap3A_299, %swap3A_300], %mul3A_298 {strides = array<i32>} : memref<128x16xf32, #tpu.memory_space<vmem>>, vector<16xf32>,
        %mul3A_302 = arith.constant 4 : i32
        %mul3A_303 = arith.muli %scan3A_84, %mul3A_302 : i32
        %add3A_304 = arith.constant 2 : i32
        %add3A_305 = arith.addi %mul3A_303, %add3A_304 : i32
        %broadcast_in_dim3A_306 = arith.constant 0.000000e+00 : f32
        %broadcast_in_dim3A_307 = vector.broadcast %broadcast_in_dim3A_306 : f32 to vector<16xf32>
        %get3A_308 = arith.index_cast %add3A_305 : i32 to index
        %get3A_309 = arith.constant 0 : index
        %get3A_310 = tpu.vector_load %arg13[%get3A_308, %get3A_309] {strides = array<i32>} : memref<128x64xf32, #tpu.memory_space<vmem>>, vector<16xf32>,
        %get3A_311 = arith.index_cast %add3A_305 : i32 to index
        %get3A_312 = arith.constant 0 : index
        %get3A_313 = tpu.vector_load %arg14[%get3A_311, %get3A_312] {strides = array<i32>} : memref<128x128xf32, #tpu.memory_space<vmem>>, vector<16xf32>,
        %get3A_314 = arith.index_cast %add3A_305 : i32 to index
        %get3A_315 = arith.constant 0 : index
        %get3A_316 = tpu.vector_load %arg15[%get3A_314, %get3A_315] {strides = array<i32>} : memref<128x64xf32, #tpu.memory_space<vmem>>, vector<16xf32>,
        %add3A_317 = arith.addf %get3A_313, %get3A_316 : vector<16xf32>
        %mul3A_318 = arith.mulf %get3A_310, %add3A_317 : vector<16xf32>
        %add3A_319 = arith.addf %broadcast_in_dim3A_307, %mul3A_318 : vector<16xf32>
        %get3A_320 = arith.index_cast %add3A_305 : i32 to index
        %get3A_321 = arith.constant 16 : index
        %get3A_322 = tpu.vector_load %arg13[%get3A_320, %get3A_321] {strides = array<i32>} : memref<128x64xf32, #tpu.memory_space<vmem>>, vector<16xf32>,
        %get3A_323 = arith.index_cast %add3A_305 : i32 to index
        %get3A_324 = arith.constant 16 : index
        %get3A_325 = tpu.vector_load %arg14[%get3A_323, %get3A_324] {strides = array<i32>} : memref<128x128xf32, #tpu.memory_space<vmem>>, vector<16xf32>,
        %get3A_326 = arith.index_cast %add3A_305 : i32 to index
        %get3A_327 = arith.constant 16 : index
        %get3A_328 = tpu.vector_load %arg15[%get3A_326, %get3A_327] {strides = array<i32>} : memref<128x64xf32, #tpu.memory_space<vmem>>, vector<16xf32>,
        %add3A_329 = arith.addf %get3A_325, %get3A_328 : vector<16xf32>
        %mul3A_330 = arith.mulf %get3A_322, %add3A_329 : vector<16xf32>
        %add3A_331 = arith.addf %add3A_319, %mul3A_330 : vector<16xf32>
        %get3A_332 = arith.index_cast %add3A_305 : i32 to index
        %get3A_333 = arith.constant 32 : index
        %get3A_334 = tpu.vector_load %arg13[%get3A_332, %get3A_333] {strides = array<i32>} : memref<128x64xf32, #tpu.memory_space<vmem>>, vector<16xf32>,
        %get3A_335 = arith.index_cast %add3A_305 : i32 to index
        %get3A_336 = arith.constant 32 : index
        %get3A_337 = tpu.vector_load %arg14[%get3A_335, %get3A_336] {strides = array<i32>} : memref<128x128xf32, #tpu.memory_space<vmem>>, vector<16xf32>,
        %get3A_338 = arith.index_cast %add3A_305 : i32 to index
        %get3A_339 = arith.constant 32 : index
        %get3A_340 = tpu.vector_load %arg15[%get3A_338, %get3A_339] {strides = array<i32>} : memref<128x64xf32, #tpu.memory_space<vmem>>, vector<16xf32>,
        %add3A_341 = arith.addf %get3A_337, %get3A_340 : vector<16xf32>
        %mul3A_342 = arith.mulf %get3A_334, %add3A_341 : vector<16xf32>
        %add3A_343 = arith.addf %add3A_331, %mul3A_342 : vector<16xf32>
        %get3A_344 = arith.index_cast %add3A_305 : i32 to index
        %get3A_345 = arith.constant 48 : index
        %get3A_346 = tpu.vector_load %arg13[%get3A_344, %get3A_345] {strides = array<i32>} : memref<128x64xf32, #tpu.memory_space<vmem>>, vector<16xf32>,
        %get3A_347 = arith.index_cast %add3A_305 : i32 to index
        %get3A_348 = arith.constant 48 : index
        %get3A_349 = tpu.vector_load %arg14[%get3A_347, %get3A_348] {strides = array<i32>} : memref<128x128xf32, #tpu.memory_space<vmem>>, vector<16xf32>,
        %get3A_350 = arith.index_cast %add3A_305 : i32 to index
        %get3A_351 = arith.constant 48 : index
        %get3A_352 = tpu.vector_load %arg15[%get3A_350, %get3A_351] {strides = array<i32>} : memref<128x64xf32, #tpu.memory_space<vmem>>, vector<16xf32>,
        %add3A_353 = arith.addf %get3A_349, %get3A_352 : vector<16xf32>
        %mul3A_354 = arith.mulf %get3A_346, %add3A_353 : vector<16xf32>
        %add3A_355 = arith.addf %add3A_343, %mul3A_354 : vector<16xf32>
        %mul3A_356 = arith.constant 1.250000e-01 : f32
        %mul3A_357 = vector.broadcast %mul3A_356 : f32 to vector<16xf32>
        %mul3A_358 = arith.mulf %add3A_355, %mul3A_357 : vector<16xf32>
        %reduce_sum3A_359 = arith.constant true
        %reduce_sum3A_360 = vector.broadcast %reduce_sum3A_359 : i1 to vector<16xi1>
        %reduce_sum3A_361 = tpu.scan <sum>, %mul3A_358 masked %reduce_sum3A_360 : vector<16xf32>, vector<16xi1> -> vector<16xf32>
        %reduce_sum3A_362 = vector.extract %reduce_sum3A_361[15] : f32 from vector<16xf32>
        %broadcast_in_dim3A_363 = vector.broadcast %reduce_sum3A_362 : f32 to vector<16xf32>
        %exp3A_364 = math.exp %broadcast_in_dim3A_363 : vector<16xf32>
        %get3A_365 = arith.index_cast %add3A_305 : i32 to index
        %get3A_366 = arith.constant 64 : index
        %get3A_367 = tpu.vector_load %arg14[%get3A_365, %get3A_366] {strides = array<i32>} : memref<128x128xf32, #tpu.memory_space<vmem>>, vector<16xf32>,
        %get3A_368 = arith.index_cast %add3A_305 : i32 to index
        %get3A_369 = arith.constant 0 : index
        %get3A_370 = tpu.vector_load %arg15[%get3A_368, %get3A_369] {strides = array<i32>} : memref<128x64xf32, #tpu.memory_space<vmem>>, vector<16xf32>,
        %add3A_371 = arith.addf %get3A_367, %get3A_370 : vector<16xf32>
        %mul3A_372 = arith.mulf %exp3A_364, %add3A_371 : vector<16xf32>
        %swap3A_373 = arith.index_cast %add3A_305 : i32 to index
        %swap3A_374 = arith.constant 0 : index
        %swap3A_375 = tpu.vector_load %arg16[%swap3A_373, %swap3A_374] {strides = array<i32>} : memref<128x64xf32, #tpu.memory_space<vmem>>, vector<16xf32>,
        tpu.vector_store %arg16[%swap3A_373, %swap3A_374], %mul3A_372 {strides = array<i32>} : memref<128x64xf32, #tpu.memory_space<vmem>>, vector<16xf32>,
        %get3A_376 = arith.index_cast %add3A_305 : i32 to index
        %get3A_377 = arith.constant 80 : index
        %get3A_378 = tpu.vector_load %arg14[%get3A_376, %get3A_377] {strides = array<i32>} : memref<128x128xf32, #tpu.memory_space<vmem>>, vector<16xf32>,
        %get3A_379 = arith.index_cast %add3A_305 : i32 to index
        %get3A_380 = arith.constant 16 : index
        %get3A_381 = tpu.vector_load %arg15[%get3A_379, %get3A_380] {strides = array<i32>} : memref<128x64xf32, #tpu.memory_space<vmem>>, vector<16xf32>,
        %add3A_382 = arith.addf %get3A_378, %get3A_381 : vector<16xf32>
        %mul3A_383 = arith.mulf %exp3A_364, %add3A_382 : vector<16xf32>
        %swap3A_384 = arith.index_cast %add3A_305 : i32 to index
        %swap3A_385 = arith.constant 16 : index
        %swap3A_386 = tpu.vector_load %arg16[%swap3A_384, %swap3A_385] {strides = array<i32>} : memref<128x64xf32, #tpu.memory_space<vmem>>, vector<16xf32>,
        tpu.vector_store %arg16[%swap3A_384, %swap3A_385], %mul3A_383 {strides = array<i32>} : memref<128x64xf32, #tpu.memory_space<vmem>>, vector<16xf32>,
        %get3A_387 = arith.index_cast %add3A_305 : i32 to index
        %get3A_388 = arith.constant 96 : index
        %get3A_389 = tpu.vector_load %arg14[%get3A_387, %get3A_388] {strides = array<i32>} : memref<128x128xf32, #tpu.memory_space<vmem>>, vector<16xf32>,
        %get3A_390 = arith.index_cast %add3A_305 : i32 to index
        %get3A_391 = arith.constant 32 : index
        %get3A_392 = tpu.vector_load %arg15[%get3A_390, %get3A_391] {strides = array<i32>} : memref<128x64xf32, #tpu.memory_space<vmem>>, vector<16xf32>,
        %add3A_393 = arith.addf %get3A_389, %get3A_392 : vector<16xf32>
        %mul3A_394 = arith.mulf %exp3A_364, %add3A_393 : vector<16xf32>
        %swap3A_395 = arith.index_cast %add3A_305 : i32 to index
        %swap3A_396 = arith.constant 32 : index
        %swap3A_397 = tpu.vector_load %arg16[%swap3A_395, %swap3A_396] {strides = array<i32>} : memref<128x64xf32, #tpu.memory_space<vmem>>, vector<16xf32>,
        tpu.vector_store %arg16[%swap3A_395, %swap3A_396], %mul3A_394 {strides = array<i32>} : memref<128x64xf32, #tpu.memory_space<vmem>>, vector<16xf32>,
        %get3A_398 = arith.index_cast %add3A_305 : i32 to index
        %get3A_399 = arith.constant 112 : index
        %get3A_400 = tpu.vector_load %arg14[%get3A_398, %get3A_399] {strides = array<i32>} : memref<128x128xf32, #tpu.memory_space<vmem>>, vector<16xf32>,
        %get3A_401 = arith.index_cast %add3A_305 : i32 to index
        %get3A_402 = arith.constant 48 : index
        %get3A_403 = tpu.vector_load %arg15[%get3A_401, %get3A_402] {strides = array<i32>} : memref<128x64xf32, #tpu.memory_space<vmem>>, vector<16xf32>,
        %add3A_404 = arith.addf %get3A_400, %get3A_403 : vector<16xf32>
        %mul3A_405 = arith.mulf %exp3A_364, %add3A_404 : vector<16xf32>
        %swap3A_406 = arith.index_cast %add3A_305 : i32 to index
        %swap3A_407 = arith.constant 48 : index
        %swap3A_408 = tpu.vector_load %arg16[%swap3A_406, %swap3A_407] {strides = array<i32>} : memref<128x64xf32, #tpu.memory_space<vmem>>, vector<16xf32>,
        tpu.vector_store %arg16[%swap3A_406, %swap3A_407], %mul3A_405 {strides = array<i32>} : memref<128x64xf32, #tpu.memory_space<vmem>>, vector<16xf32>,
        %mul3A_409 = arith.mulf %exp3A_364, %convert_element_type3A : vector<16xf32>
        %swap3A_410 = arith.index_cast %add3A_305 : i32 to index
        %swap3A_411 = arith.constant 0 : index
        %swap3A_412 = tpu.vector_load %arg17[%swap3A_410, %swap3A_411] {strides = array<i32>} : memref<128x16xf32, #tpu.memory_space<vmem>>, vector<16xf32>,
        tpu.vector_store %arg17[%swap3A_410, %swap3A_411], %mul3A_409 {strides = array<i32>} : memref<128x16xf32, #tpu.memory_space<vmem>>, vector<16xf32>,
        %mul3A_413 = arith.constant 4 : i32
        %mul3A_414 = arith.muli %scan3A_84, %mul3A_413 : i32
        %add3A_415 = arith.constant 3 : i32
        %add3A_416 = arith.addi %mul3A_414, %add3A_415 : i32
        %broadcast_in_dim3A_417 = arith.constant 0.000000e+00 : f32
        %broadcast_in_dim3A_418 = vector.broadcast %broadcast_in_dim3A_417 : f32 to vector<16xf32>
        %get3A_419 = arith.index_cast %add3A_416 : i32 to index
        %get3A_420 = arith.constant 0 : index
        %get3A_421 = tpu.vector_load %arg13[%get3A_419, %get3A_420] {strides = array<i32>} : memref<128x64xf32, #tpu.memory_space<vmem>>, vector<16xf32>,
        %get3A_422 = arith.index_cast %add3A_416 : i32 to index
        %get3A_423 = arith.constant 0 : index
        %get3A_424 = tpu.vector_load %arg14[%get3A_422, %get3A_423] {strides = array<i32>} : memref<128x128xf32, #tpu.memory_space<vmem>>, vector<16xf32>,
        %get3A_425 = arith.index_cast %add3A_416 : i32 to index
        %get3A_426 = arith.constant 0 : index
        %get3A_427 = tpu.vector_load %arg15[%get3A_425, %get3A_426] {strides = array<i32>} : memref<128x64xf32, #tpu.memory_space<vmem>>, vector<16xf32>,
        %add3A_428 = arith.addf %get3A_424, %get3A_427 : vector<16xf32>
        %mul3A_429 = arith.mulf %get3A_421, %add3A_428 : vector<16xf32>
        %add3A_430 = arith.addf %broadcast_in_dim3A_418, %mul3A_429 : vector<16xf32>
        %get3A_431 = arith.index_cast %add3A_416 : i32 to index
        %get3A_432 = arith.constant 16 : index
        %get3A_433 = tpu.vector_load %arg13[%get3A_431, %get3A_432] {strides = array<i32>} : memref<128x64xf32, #tpu.memory_space<vmem>>, vector<16xf32>,
        %get3A_434 = arith.index_cast %add3A_416 : i32 to index
        %get3A_435 = arith.constant 16 : index
        %get3A_436 = tpu.vector_load %arg14[%get3A_434, %get3A_435] {strides = array<i32>} : memref<128x128xf32, #tpu.memory_space<vmem>>, vector<16xf32>,
        %get3A_437 = arith.index_cast %add3A_416 : i32 to index
        %get3A_438 = arith.constant 16 : index
        %get3A_439 = tpu.vector_load %arg15[%get3A_437, %get3A_438] {strides = array<i32>} : memref<128x64xf32, #tpu.memory_space<vmem>>, vector<16xf32>,
        %add3A_440 = arith.addf %get3A_436, %get3A_439 : vector<16xf32>
        %mul3A_441 = arith.mulf %get3A_433, %add3A_440 : vector<16xf32>
        %add3A_442 = arith.addf %add3A_430, %mul3A_441 : vector<16xf32>
        %get3A_443 = arith.index_cast %add3A_416 : i32 to index
        %get3A_444 = arith.constant 32 : index
        %get3A_445 = tpu.vector_load %arg13[%get3A_443, %get3A_444] {strides = array<i32>} : memref<128x64xf32, #tpu.memory_space<vmem>>, vector<16xf32>,
        %get3A_446 = arith.index_cast %add3A_416 : i32 to index
        %get3A_447 = arith.constant 32 : index
        %get3A_448 = tpu.vector_load %arg14[%get3A_446, %get3A_447] {strides = array<i32>} : memref<128x128xf32, #tpu.memory_space<vmem>>, vector<16xf32>,
        %get3A_449 = arith.index_cast %add3A_416 : i32 to index
        %get3A_450 = arith.constant 32 : index
        %get3A_451 = tpu.vector_load %arg15[%get3A_449, %get3A_450] {strides = array<i32>} : memref<128x64xf32, #tpu.memory_space<vmem>>, vector<16xf32>,
        %add3A_452 = arith.addf %get3A_448, %get3A_451 : vector<16xf32>
        %mul3A_453 = arith.mulf %get3A_445, %add3A_452 : vector<16xf32>
        %add3A_454 = arith.addf %add3A_442, %mul3A_453 : vector<16xf32>
        %get3A_455 = arith.index_cast %add3A_416 : i32 to index
        %get3A_456 = arith.constant 48 : index
        %get3A_457 = tpu.vector_load %arg13[%get3A_455, %get3A_456] {strides = array<i32>} : memref<128x64xf32, #tpu.memory_space<vmem>>, vector<16xf32>,
        %get3A_458 = arith.index_cast %add3A_416 : i32 to index
        %get3A_459 = arith.constant 48 : index
        %get3A_460 = tpu.vector_load %arg14[%get3A_458, %get3A_459] {strides = array<i32>} : memref<128x128xf32, #tpu.memory_space<vmem>>, vector<16xf32>,
        %get3A_461 = arith.index_cast %add3A_416 : i32 to index
        %get3A_462 = arith.constant 48 : index
        %get3A_463 = tpu.vector_load %arg15[%get3A_461, %get3A_462] {strides = array<i32>} : memref<128x64xf32, #tpu.memory_space<vmem>>, vector<16xf32>,
        %add3A_464 = arith.addf %get3A_460, %get3A_463 : vector<16xf32>
        %mul3A_465 = arith.mulf %get3A_457, %add3A_464 : vector<16xf32>
        %add3A_466 = arith.addf %add3A_454, %mul3A_465 : vector<16xf32>
        %mul3A_467 = arith.constant 1.250000e-01 : f32
        %mul3A_468 = vector.broadcast %mul3A_467 : f32 to vector<16xf32>
        %mul3A_469 = arith.mulf %add3A_466, %mul3A_468 : vector<16xf32>
        %reduce_sum3A_470 = arith.constant true
        %reduce_sum3A_471 = vector.broadcast %reduce_sum3A_470 : i1 to vector<16xi1>
        %reduce_sum3A_472 = tpu.scan <sum>, %mul3A_469 masked %reduce_sum3A_471 : vector<16xf32>, vector<16xi1> -> vector<16xf32>
        %reduce_sum3A_473 = vector.extract %reduce_sum3A_472[15] : f32 from vector<16xf32>
        %broadcast_in_dim3A_474 = vector.broadcast %reduce_sum3A_473 : f32 to vector<16xf32>
        %exp3A_475 = math.exp %broadcast_in_dim3A_474 : vector<16xf32>
        %get3A_476 = arith.index_cast %add3A_416 : i32 to index
        %get3A_477 = arith.constant 64 : index
        %get3A_478 = tpu.vector_load %arg14[%get3A_476, %get3A_477] {strides = array<i32>} : memref<128x128xf32, #tpu.memory_space<vmem>>, vector<16xf32>,
        %get3A_479 = arith.index_cast %add3A_416 : i32 to index
        %get3A_480 = arith.constant 0 : index
        %get3A_481 = tpu.vector_load %arg15[%get3A_479, %get3A_480] {strides = array<i32>} : memref<128x64xf32, #tpu.memory_space<vmem>>, vector<16xf32>,
        %add3A_482 = arith.addf %get3A_478, %get3A_481 : vector<16xf32>
        %mul3A_483 = arith.mulf %exp3A_475, %add3A_482 : vector<16xf32>
        %swap3A_484 = arith.index_cast %add3A_416 : i32 to index
        %swap3A_485 = arith.constant 0 : index
        %swap3A_486 = tpu.vector_load %arg16[%swap3A_484, %swap3A_485] {strides = array<i32>} : memref<128x64xf32, #tpu.memory_space<vmem>>, vector<16xf32>,
        tpu.vector_store %arg16[%swap3A_484, %swap3A_485], %mul3A_483 {strides = array<i32>} : memref<128x64xf32, #tpu.memory_space<vmem>>, vector<16xf32>,
        %get3A_487 = arith.index_cast %add3A_416 : i32 to index
        %get3A_488 = arith.constant 80 : index
        %get3A_489 = tpu.vector_load %arg14[%get3A_487, %get3A_488] {strides = array<i32>} : memref<128x128xf32, #tpu.memory_space<vmem>>, vector<16xf32>,
        %get3A_490 = arith.index_cast %add3A_416 : i32 to index
        %get3A_491 = arith.constant 16 : index
        %get3A_492 = tpu.vector_load %arg15[%get3A_490, %get3A_491] {strides = array<i32>} : memref<128x64xf32, #tpu.memory_space<vmem>>, vector<16xf32>,
        %add3A_493 = arith.addf %get3A_489, %get3A_492 : vector<16xf32>
        %mul3A_494 = arith.mulf %exp3A_475, %add3A_493 : vector<16xf32>
        %swap3A_495 = arith.index_cast %add3A_416 : i32 to index
        %swap3A_496 = arith.constant 16 : index
        %swap3A_497 = tpu.vector_load %arg16[%swap3A_495, %swap3A_496] {strides = array<i32>} : memref<128x64xf32, #tpu.memory_space<vmem>>, vector<16xf32>,
        tpu.vector_store %arg16[%swap3A_495, %swap3A_496], %mul3A_494 {strides = array<i32>} : memref<128x64xf32, #tpu.memory_space<vmem>>, vector<16xf32>,
        %get3A_498 = arith.index_cast %add3A_416 : i32 to index
        %get3A_499 = arith.constant 96 : index
        %get3A_500 = tpu.vector_load %arg14[%get3A_498, %get3A_499] {strides = array<i32>} : memref<128x128xf32, #tpu.memory_space<vmem>>, vector<16xf32>,
        %get3A_501 = arith.index_cast %add3A_416 : i32 to index
        %get3A_502 = arith.constant 32 : index
        %get3A_503 = tpu.vector_load %arg15[%get3A_501, %get3A_502] {strides = array<i32>} : memref<128x64xf32, #tpu.memory_space<vmem>>, vector<16xf32>,
        %add3A_504 = arith.addf %get3A_500, %get3A_503 : vector<16xf32>
        %mul3A_505 = arith.mulf %exp3A_475, %add3A_504 : vector<16xf32>
        %swap3A_506 = arith.index_cast %add3A_416 : i32 to index
        %swap3A_507 = arith.constant 32 : index
        %swap3A_508 = tpu.vector_load %arg16[%swap3A_506, %swap3A_507] {strides = array<i32>} : memref<128x64xf32, #tpu.memory_space<vmem>>, vector<16xf32>,
        tpu.vector_store %arg16[%swap3A_506, %swap3A_507], %mul3A_505 {strides = array<i32>} : memref<128x64xf32, #tpu.memory_space<vmem>>, vector<16xf32>,
        %get3A_509 = arith.index_cast %add3A_416 : i32 to index
        %get3A_510 = arith.constant 112 : index
        %get3A_511 = tpu.vector_load %arg14[%get3A_509, %get3A_510] {strides = array<i32>} : memref<128x128xf32, #tpu.memory_space<vmem>>, vector<16xf32>,
        %get3A_512 = arith.index_cast %add3A_416 : i32 to index
        %get3A_513 = arith.constant 48 : index
        %get3A_514 = tpu.vector_load %arg15[%get3A_512, %get3A_513] {strides = array<i32>} : memref<128x64xf32, #tpu.memory_space<vmem>>, vector<16xf32>,
        %add3A_515 = arith.addf %get3A_511, %get3A_514 : vector<16xf32>
        %mul3A_516 = arith.mulf %exp3A_475, %add3A_515 : vector<16xf32>
        %swap3A_517 = arith.index_cast %add3A_416 : i32 to index
        %swap3A_518 = arith.constant 48 : index
        %swap3A_519 = tpu.vector_load %arg16[%swap3A_517, %swap3A_518] {strides = array<i32>} : memref<128x64xf32, #tpu.memory_space<vmem>>, vector<16xf32>,
        tpu.vector_store %arg16[%swap3A_517, %swap3A_518], %mul3A_516 {strides = array<i32>} : memref<128x64xf32, #tpu.memory_space<vmem>>, vector<16xf32>,
        %mul3A_520 = arith.mulf %exp3A_475, %convert_element_type3A : vector<16xf32>
        %swap3A_521 = arith.index_cast %add3A_416 : i32 to index
        %swap3A_522 = arith.constant 0 : index
        %swap3A_523 = tpu.vector_load %arg17[%swap3A_521, %swap3A_522] {strides = array<i32>} : memref<128x16xf32, #tpu.memory_space<vmem>>, vector<16xf32>,
        tpu.vector_store %arg17[%swap3A_521, %swap3A_522], %mul3A_520 {strides = array<i32>} : memref<128x16xf32, #tpu.memory_space<vmem>>, vector<16xf32>,
      }
      %scan3A_55 = arith.constant 32 : i32
      %mul3A_56 = arith.constant 128 : i32
      %mul3A_57 = arith.muli %mul3A_24, %mul3A_56 : i32
      %add3A_58 = arith.addi %mul3A_2, %mul3A_57 : i32
      %multiple_of3A_59 = tpu.assume_multiple %add3A_58, 8 : i32
      "tpu.region"() ({
        %run_scoped3A = tpu.sem_alloc : memref<!tpu.dma_semaphore, #tpu.memory_space<semaphore_mem>>
        %dma_start3A_84 = arith.constant 0 : i32
        %dma_start3A_85 = tpu.memref_slice %arg8[%multiple_of3A_59, %dma_start3A_84] : memref<802816x64xf32, #tpu.memory_space<hbm>> -> memref<128x64xf32, #tpu.memory_space<hbm>>
        %dma_start3A_86 = arith.constant 0 : i32
        %dma_start3A_87 = tpu.memref_slice %arg8[%multiple_of3A_59, %dma_start3A_86] : memref<802816x64xf32, #tpu.memory_space<hbm>> -> memref<128x64xf32, #tpu.memory_space<hbm>>
        tpu.enqueue_dma source(%arg16 : memref<128x64xf32, #tpu.memory_space<vmem>>) target(%dma_start3A_87 : memref<128x64xf32, #tpu.memory_space<hbm>>) target_semaphore(%run_scoped3A : memref<!tpu.dma_semaphore, #tpu.memory_space<semaphore_mem>>)
        %dma_wait3A_88 = arith.constant 0 : i32
        %dma_wait3A_89 = tpu.memref_slice %arg8[%multiple_of3A_59, %dma_wait3A_88] : memref<802816x64xf32, #tpu.memory_space<hbm>> -> memref<128x64xf32, #tpu.memory_space<hbm>>
        %dma_wait3A_90 = arith.constant 0 : i32
        %dma_wait3A_91 = tpu.memref_slice %arg8[%multiple_of3A_59, %dma_wait3A_90] : memref<802816x64xf32, #tpu.memory_space<hbm>> -> memref<128x64xf32, #tpu.memory_space<hbm>>
        tpu.wait_dma2 semaphore(%run_scoped3A : memref<!tpu.dma_semaphore, #tpu.memory_space<semaphore_mem>>) src(%arg16 : memref<128x64xf32, #tpu.memory_space<vmem>>) dst(%dma_wait3A_91 : memref<128x64xf32, #tpu.memory_space<hbm>>)
        tpu.yield
      }) : () -> ()
      "tpu.region"() ({
        %run_scoped3A = tpu.sem_alloc : memref<!tpu.dma_semaphore, #tpu.memory_space<semaphore_mem>>
        %dma_start3A_84 = arith.constant 0 : i32
        %dma_start3A_85 = tpu.memref_slice %arg9[%multiple_of3A_59, %dma_start3A_84] : memref<802816x16xf32, #tpu.memory_space<hbm>> -> memref<128x16xf32, #tpu.memory_space<hbm>>
        %dma_start3A_86 = arith.constant 0 : i32
        %dma_start3A_87 = tpu.memref_slice %arg9[%multiple_of3A_59, %dma_start3A_86] : memref<802816x16xf32, #tpu.memory_space<hbm>> -> memref<128x16xf32, #tpu.memory_space<hbm>>
        tpu.enqueue_dma source(%arg17 : memref<128x16xf32, #tpu.memory_space<vmem>>) target(%dma_start3A_87 : memref<128x16xf32, #tpu.memory_space<hbm>>) target_semaphore(%run_scoped3A : memref<!tpu.dma_semaphore, #tpu.memory_space<semaphore_mem>>)
        %dma_wait3A_88 = arith.constant 0 : i32
        %dma_wait3A_89 = tpu.memref_slice %arg9[%multiple_of3A_59, %dma_wait3A_88] : memref<802816x16xf32, #tpu.memory_space<hbm>> -> memref<128x16xf32, #tpu.memory_space<hbm>>
        %dma_wait3A_90 = arith.constant 0 : i32
        %dma_wait3A_91 = tpu.memref_slice %arg9[%multiple_of3A_59, %dma_wait3A_90] : memref<802816x16xf32, #tpu.memory_space<hbm>> -> memref<128x16xf32, #tpu.memory_space<hbm>>
        tpu.wait_dma2 semaphore(%run_scoped3A : memref<!tpu.dma_semaphore, #tpu.memory_space<semaphore_mem>>) src(%arg17 : memref<128x16xf32, #tpu.memory_space<vmem>>) dst(%dma_wait3A_91 : memref<128x16xf32, #tpu.memory_space<hbm>>)
        tpu.yield
      }) : () -> ()
      %add3A_60 = arith.constant 1 : i32
      %add3A_61 = arith.addi %add3A_28, %add3A_60 : i32
      %lt3A = arith.constant 196 : i32
      %lt3A_62 = arith.cmpi slt, %add3A_61, %lt3A : i32
      %convert_element_type3A_63 = arith.extui %lt3A_62 : i1 to i32
      %cond3A = arith.constant 0 : i32
      %cond3A_64 = arith.cmpi ne, %convert_element_type3A_63, %cond3A : i32
      scf.if %cond3A_64 {
        %add3A_84 = arith.constant 1 : i32
        %add3A_85 = arith.addi %add3A_28, %add3A_84 : i32
        %mul3A_86 = arith.constant 128 : i32
        %mul3A_87 = arith.muli %add3A_85, %mul3A_86 : i32
        %add3A_88 = arith.addi %mul3A_2, %mul3A_87 : i32
        %multiple_of3A_89 = tpu.assume_multiple %add3A_88, 8 : i32
        "tpu.region"() ({
          %run_scoped3A = tpu.sem_alloc : memref<!tpu.dma_semaphore, #tpu.memory_space<semaphore_mem>>
          %dma_start3A_99 = tpu.memref_slice %arg2[%multiple_of3A_89] : memref<802816xi32, #tpu.memory_space<hbm>> -> memref<128xi32, #tpu.memory_space<hbm>>
          %dma_start3A_100 = tpu.memref_slice %arg2[%multiple_of3A_89] : memref<802816xi32, #tpu.memory_space<hbm>> -> memref<128xi32, #tpu.memory_space<hbm>>
          tpu.enqueue_dma source(%dma_start3A_100 : memref<128xi32, #tpu.memory_space<hbm>>) target(%arg10 : memref<128xi32, #tpu.memory_space<vmem>>) target_semaphore(%run_scoped3A : memref<!tpu.dma_semaphore, #tpu.memory_space<semaphore_mem>>)
          %dma_wait3A_101 = tpu.memref_slice %arg2[%multiple_of3A_89] : memref<802816xi32, #tpu.memory_space<hbm>> -> memref<128xi32, #tpu.memory_space<hbm>>
          %dma_wait3A_102 = tpu.memref_slice %arg2[%multiple_of3A_89] : memref<802816xi32, #tpu.memory_space<hbm>> -> memref<128xi32, #tpu.memory_space<hbm>>
          tpu.wait_dma2 semaphore(%run_scoped3A : memref<!tpu.dma_semaphore, #tpu.memory_space<semaphore_mem>>) src(%dma_wait3A_102 : memref<128xi32, #tpu.memory_space<hbm>>) dst(%arg10 : memref<128xi32, #tpu.memory_space<vmem>>)
          tpu.yield
        }) : () -> ()
        "tpu.region"() ({
          %run_scoped3A = tpu.sem_alloc : memref<!tpu.dma_semaphore, #tpu.memory_space<semaphore_mem>>
          %dma_start3A_99 = tpu.memref_slice %arg3[%multiple_of3A_89] : memref<802816xi32, #tpu.memory_space<hbm>> -> memref<128xi32, #tpu.memory_space<hbm>>
          %dma_start3A_100 = tpu.memref_slice %arg3[%multiple_of3A_89] : memref<802816xi32, #tpu.memory_space<hbm>> -> memref<128xi32, #tpu.memory_space<hbm>>
          tpu.enqueue_dma source(%dma_start3A_100 : memref<128xi32, #tpu.memory_space<hbm>>) target(%arg11 : memref<128xi32, #tpu.memory_space<vmem>>) target_semaphore(%run_scoped3A : memref<!tpu.dma_semaphore, #tpu.memory_space<semaphore_mem>>)
          %dma_wait3A_101 = tpu.memref_slice %arg3[%multiple_of3A_89] : memref<802816xi32, #tpu.memory_space<hbm>> -> memref<128xi32, #tpu.memory_space<hbm>>
          %dma_wait3A_102 = tpu.memref_slice %arg3[%multiple_of3A_89] : memref<802816xi32, #tpu.memory_space<hbm>> -> memref<128xi32, #tpu.memory_space<hbm>>
          tpu.wait_dma2 semaphore(%run_scoped3A : memref<!tpu.dma_semaphore, #tpu.memory_space<semaphore_mem>>) src(%dma_wait3A_102 : memref<128xi32, #tpu.memory_space<hbm>>) dst(%arg11 : memref<128xi32, #tpu.memory_space<vmem>>)
          tpu.yield
        }) : () -> ()
        "tpu.region"() ({
          %run_scoped3A = tpu.sem_alloc : memref<!tpu.dma_semaphore, #tpu.memory_space<semaphore_mem>>
          %dma_start3A_99 = tpu.memref_slice %arg4[%multiple_of3A_89] : memref<802816xi32, #tpu.memory_space<hbm>> -> memref<128xi32, #tpu.memory_space<hbm>>
          %dma_start3A_100 = tpu.memref_slice %arg4[%multiple_of3A_89] : memref<802816xi32, #tpu.memory_space<hbm>> -> memref<128xi32, #tpu.memory_space<hbm>>
          tpu.enqueue_dma source(%dma_start3A_100 : memref<128xi32, #tpu.memory_space<hbm>>) target(%arg12 : memref<128xi32, #tpu.memory_space<vmem>>) target_semaphore(%run_scoped3A : memref<!tpu.dma_semaphore, #tpu.memory_space<semaphore_mem>>)
          %dma_wait3A_101 = tpu.memref_slice %arg4[%multiple_of3A_89] : memref<802816xi32, #tpu.memory_space<hbm>> -> memref<128xi32, #tpu.memory_space<hbm>>
          %dma_wait3A_102 = tpu.memref_slice %arg4[%multiple_of3A_89] : memref<802816xi32, #tpu.memory_space<hbm>> -> memref<128xi32, #tpu.memory_space<hbm>>
          tpu.wait_dma2 semaphore(%run_scoped3A : memref<!tpu.dma_semaphore, #tpu.memory_space<semaphore_mem>>) src(%dma_wait3A_102 : memref<128xi32, #tpu.memory_space<hbm>>) dst(%arg12 : memref<128xi32, #tpu.memory_space<vmem>>)
          tpu.yield
        }) : () -> ()
        %dma_start3A_90 = arith.constant 0 : i32
        %dma_start3A_91 = arith.constant 0 : i32
        %dma_start3A_92 = tpu.memref_slice %arg5[%dma_start3A_90, %dma_start3A_91] : memref<50000x64xf32, #tpu.memory_space<hbm>> -> memref<50000x64xf32, #tpu.memory_space<hbm>>
        tpu.enqueue_indirect_dma source(%dma_start3A_92 : memref<50000x64xf32, #tpu.memory_space<hbm>>) target(%arg13 : memref<128x64xf32, #tpu.memory_space<vmem>>) offsets(%arg10 : memref<128xi32, #tpu.memory_space<vmem>>) semaphore(%arg18 : memref<!tpu.dma_semaphore, #tpu.memory_space<semaphore_mem>>)
        %dma_start3A_93 = arith.constant 0 : i32
        %dma_start3A_94 = arith.constant 0 : i32
        %dma_start3A_95 = tpu.memref_slice %arg6[%dma_start3A_93, %dma_start3A_94] : memref<50000x128xf32, #tpu.memory_space<hbm>> -> memref<50000x128xf32, #tpu.memory_space<hbm>>
        tpu.enqueue_indirect_dma source(%dma_start3A_95 : memref<50000x128xf32, #tpu.memory_space<hbm>>) target(%arg14 : memref<128x128xf32, #tpu.memory_space<vmem>>) offsets(%arg11 : memref<128xi32, #tpu.memory_space<vmem>>) semaphore(%arg18 : memref<!tpu.dma_semaphore, #tpu.memory_space<semaphore_mem>>)
        %dma_start3A_96 = arith.constant 0 : i32
        %dma_start3A_97 = arith.constant 0 : i32
        %dma_start3A_98 = tpu.memref_slice %arg7[%dma_start3A_96, %dma_start3A_97] : memref<128x64xf32, #tpu.memory_space<hbm>> -> memref<128x64xf32, #tpu.memory_space<hbm>>
        tpu.enqueue_indirect_dma source(%dma_start3A_98 : memref<128x64xf32, #tpu.memory_space<hbm>>) target(%arg15 : memref<128x64xf32, #tpu.memory_space<vmem>>) offsets(%arg12 : memref<128xi32, #tpu.memory_space<vmem>>) semaphore(%arg18 : memref<!tpu.dma_semaphore, #tpu.memory_space<semaphore_mem>>)
      } else {
      }
      %dma_wait3A_65 = arith.constant 0 : i32
      %dma_wait3A_66 = arith.constant 0 : i32
      %dma_wait3A_67 = tpu.memref_slice %arg5[%dma_wait3A_65, %dma_wait3A_66] : memref<50000x64xf32, #tpu.memory_space<hbm>> -> memref<50000x64xf32, #tpu.memory_space<hbm>>
      tpu.wait_indirect_dma semaphore(%arg27 : memref<!tpu.dma_semaphore, #tpu.memory_space<semaphore_mem>>) src(%dma_wait3A_67 : memref<50000x64xf32, #tpu.memory_space<hbm>>) dst(%arg22 : memref<128x64xf32, #tpu.memory_space<vmem>>)
      %dma_wait3A_68 = arith.constant 0 : i32
      %dma_wait3A_69 = arith.constant 0 : i32
      %dma_wait3A_70 = tpu.memref_slice %arg6[%dma_wait3A_68, %dma_wait3A_69] : memref<50000x128xf32, #tpu.memory_space<hbm>> -> memref<50000x128xf32, #tpu.memory_space<hbm>>
      tpu.wait_indirect_dma semaphore(%arg27 : memref<!tpu.dma_semaphore, #tpu.memory_space<semaphore_mem>>) src(%dma_wait3A_70 : memref<50000x128xf32, #tpu.memory_space<hbm>>) dst(%arg23 : memref<128x128xf32, #tpu.memory_space<vmem>>)
      %dma_wait3A_71 = arith.constant 0 : i32
      %dma_wait3A_72 = arith.constant 0 : i32
      %dma_wait3A_73 = tpu.memref_slice %arg7[%dma_wait3A_71, %dma_wait3A_72] : memref<128x64xf32, #tpu.memory_space<hbm>> -> memref<128x64xf32, #tpu.memory_space<hbm>>
      tpu.wait_indirect_dma semaphore(%arg27 : memref<!tpu.dma_semaphore, #tpu.memory_space<semaphore_mem>>) src(%dma_wait3A_73 : memref<128x64xf32, #tpu.memory_space<hbm>>) dst(%arg24 : memref<128x64xf32, #tpu.memory_space<vmem>>)
      %scan3A_74 = arith.constant 0 : i32
      %scan3A_75 = arith.constant 0 : i32
      %scan3A_76 = arith.constant 32 : i32
      %scan3A_77 = arith.addi %scan3A_75, %scan3A_76 : i32
      %scan3A_78 = arith.constant 1 : i32
      scf.for %scan3A_84 = %scan3A_75 to %scan3A_77 step %scan3A_78  : i32 {
        %mul3A_85 = arith.constant 4 : i32
        %mul3A_86 = arith.muli %scan3A_84, %mul3A_85 : i32
        %add3A_87 = arith.constant 0 : i32
        %add3A_88 = arith.addi %mul3A_86, %add3A_87 : i32
        %broadcast_in_dim3A = arith.constant 0.000000e+00 : f32
        %broadcast_in_dim3A_89 = vector.broadcast %broadcast_in_dim3A : f32 to vector<16xf32>
        %get3A = arith.index_cast %add3A_88 : i32 to index
        %get3A_90 = arith.constant 0 : index
        %get3A_91 = tpu.vector_load %arg22[%get3A, %get3A_90] {strides = array<i32>} : memref<128x64xf32, #tpu.memory_space<vmem>>, vector<16xf32>,
        %get3A_92 = arith.index_cast %add3A_88 : i32 to index
        %get3A_93 = arith.constant 0 : index
        %get3A_94 = tpu.vector_load %arg23[%get3A_92, %get3A_93] {strides = array<i32>} : memref<128x128xf32, #tpu.memory_space<vmem>>, vector<16xf32>,
        %get3A_95 = arith.index_cast %add3A_88 : i32 to index
        %get3A_96 = arith.constant 0 : index
        %get3A_97 = tpu.vector_load %arg24[%get3A_95, %get3A_96] {strides = array<i32>} : memref<128x64xf32, #tpu.memory_space<vmem>>, vector<16xf32>,
        %add3A_98 = arith.addf %get3A_94, %get3A_97 : vector<16xf32>
        %mul3A_99 = arith.mulf %get3A_91, %add3A_98 : vector<16xf32>
        %add3A_100 = arith.addf %broadcast_in_dim3A_89, %mul3A_99 : vector<16xf32>
        %get3A_101 = arith.index_cast %add3A_88 : i32 to index
        %get3A_102 = arith.constant 16 : index
        %get3A_103 = tpu.vector_load %arg22[%get3A_101, %get3A_102] {strides = array<i32>} : memref<128x64xf32, #tpu.memory_space<vmem>>, vector<16xf32>,
        %get3A_104 = arith.index_cast %add3A_88 : i32 to index
        %get3A_105 = arith.constant 16 : index
        %get3A_106 = tpu.vector_load %arg23[%get3A_104, %get3A_105] {strides = array<i32>} : memref<128x128xf32, #tpu.memory_space<vmem>>, vector<16xf32>,
        %get3A_107 = arith.index_cast %add3A_88 : i32 to index
        %get3A_108 = arith.constant 16 : index
        %get3A_109 = tpu.vector_load %arg24[%get3A_107, %get3A_108] {strides = array<i32>} : memref<128x64xf32, #tpu.memory_space<vmem>>, vector<16xf32>,
        %add3A_110 = arith.addf %get3A_106, %get3A_109 : vector<16xf32>
        %mul3A_111 = arith.mulf %get3A_103, %add3A_110 : vector<16xf32>
        %add3A_112 = arith.addf %add3A_100, %mul3A_111 : vector<16xf32>
        %get3A_113 = arith.index_cast %add3A_88 : i32 to index
        %get3A_114 = arith.constant 32 : index
        %get3A_115 = tpu.vector_load %arg22[%get3A_113, %get3A_114] {strides = array<i32>} : memref<128x64xf32, #tpu.memory_space<vmem>>, vector<16xf32>,
        %get3A_116 = arith.index_cast %add3A_88 : i32 to index
        %get3A_117 = arith.constant 32 : index
        %get3A_118 = tpu.vector_load %arg23[%get3A_116, %get3A_117] {strides = array<i32>} : memref<128x128xf32, #tpu.memory_space<vmem>>, vector<16xf32>,
        %get3A_119 = arith.index_cast %add3A_88 : i32 to index
        %get3A_120 = arith.constant 32 : index
        %get3A_121 = tpu.vector_load %arg24[%get3A_119, %get3A_120] {strides = array<i32>} : memref<128x64xf32, #tpu.memory_space<vmem>>, vector<16xf32>,
        %add3A_122 = arith.addf %get3A_118, %get3A_121 : vector<16xf32>
        %mul3A_123 = arith.mulf %get3A_115, %add3A_122 : vector<16xf32>
        %add3A_124 = arith.addf %add3A_112, %mul3A_123 : vector<16xf32>
        %get3A_125 = arith.index_cast %add3A_88 : i32 to index
        %get3A_126 = arith.constant 48 : index
        %get3A_127 = tpu.vector_load %arg22[%get3A_125, %get3A_126] {strides = array<i32>} : memref<128x64xf32, #tpu.memory_space<vmem>>, vector<16xf32>,
        %get3A_128 = arith.index_cast %add3A_88 : i32 to index
        %get3A_129 = arith.constant 48 : index
        %get3A_130 = tpu.vector_load %arg23[%get3A_128, %get3A_129] {strides = array<i32>} : memref<128x128xf32, #tpu.memory_space<vmem>>, vector<16xf32>,
        %get3A_131 = arith.index_cast %add3A_88 : i32 to index
        %get3A_132 = arith.constant 48 : index
        %get3A_133 = tpu.vector_load %arg24[%get3A_131, %get3A_132] {strides = array<i32>} : memref<128x64xf32, #tpu.memory_space<vmem>>, vector<16xf32>,
        %add3A_134 = arith.addf %get3A_130, %get3A_133 : vector<16xf32>
        %mul3A_135 = arith.mulf %get3A_127, %add3A_134 : vector<16xf32>
        %add3A_136 = arith.addf %add3A_124, %mul3A_135 : vector<16xf32>
        %mul3A_137 = arith.constant 1.250000e-01 : f32
        %mul3A_138 = vector.broadcast %mul3A_137 : f32 to vector<16xf32>
        %mul3A_139 = arith.mulf %add3A_136, %mul3A_138 : vector<16xf32>
        %reduce_sum3A = arith.constant true
        %reduce_sum3A_140 = vector.broadcast %reduce_sum3A : i1 to vector<16xi1>
        %reduce_sum3A_141 = tpu.scan <sum>, %mul3A_139 masked %reduce_sum3A_140 : vector<16xf32>, vector<16xi1> -> vector<16xf32>
        %reduce_sum3A_142 = vector.extract %reduce_sum3A_141[15] : f32 from vector<16xf32>
        %broadcast_in_dim3A_143 = vector.broadcast %reduce_sum3A_142 : f32 to vector<16xf32>
        %exp3A = math.exp %broadcast_in_dim3A_143 : vector<16xf32>
        %get3A_144 = arith.index_cast %add3A_88 : i32 to index
        %get3A_145 = arith.constant 64 : index
        %get3A_146 = tpu.vector_load %arg23[%get3A_144, %get3A_145] {strides = array<i32>} : memref<128x128xf32, #tpu.memory_space<vmem>>, vector<16xf32>,
        %get3A_147 = arith.index_cast %add3A_88 : i32 to index
        %get3A_148 = arith.constant 0 : index
        %get3A_149 = tpu.vector_load %arg24[%get3A_147, %get3A_148] {strides = array<i32>} : memref<128x64xf32, #tpu.memory_space<vmem>>, vector<16xf32>,
        %add3A_150 = arith.addf %get3A_146, %get3A_149 : vector<16xf32>
        %mul3A_151 = arith.mulf %exp3A, %add3A_150 : vector<16xf32>
        %swap3A = arith.index_cast %add3A_88 : i32 to index
        %swap3A_152 = arith.constant 0 : index
        %swap3A_153 = tpu.vector_load %arg25[%swap3A, %swap3A_152] {strides = array<i32>} : memref<128x64xf32, #tpu.memory_space<vmem>>, vector<16xf32>,
        tpu.vector_store %arg25[%swap3A, %swap3A_152], %mul3A_151 {strides = array<i32>} : memref<128x64xf32, #tpu.memory_space<vmem>>, vector<16xf32>,
        %get3A_154 = arith.index_cast %add3A_88 : i32 to index
        %get3A_155 = arith.constant 80 : index
        %get3A_156 = tpu.vector_load %arg23[%get3A_154, %get3A_155] {strides = array<i32>} : memref<128x128xf32, #tpu.memory_space<vmem>>, vector<16xf32>,
        %get3A_157 = arith.index_cast %add3A_88 : i32 to index
        %get3A_158 = arith.constant 16 : index
        %get3A_159 = tpu.vector_load %arg24[%get3A_157, %get3A_158] {strides = array<i32>} : memref<128x64xf32, #tpu.memory_space<vmem>>, vector<16xf32>,
        %add3A_160 = arith.addf %get3A_156, %get3A_159 : vector<16xf32>
        %mul3A_161 = arith.mulf %exp3A, %add3A_160 : vector<16xf32>
        %swap3A_162 = arith.index_cast %add3A_88 : i32 to index
        %swap3A_163 = arith.constant 16 : index
        %swap3A_164 = tpu.vector_load %arg25[%swap3A_162, %swap3A_163] {strides = array<i32>} : memref<128x64xf32, #tpu.memory_space<vmem>>, vector<16xf32>,
        tpu.vector_store %arg25[%swap3A_162, %swap3A_163], %mul3A_161 {strides = array<i32>} : memref<128x64xf32, #tpu.memory_space<vmem>>, vector<16xf32>,
        %get3A_165 = arith.index_cast %add3A_88 : i32 to index
        %get3A_166 = arith.constant 96 : index
        %get3A_167 = tpu.vector_load %arg23[%get3A_165, %get3A_166] {strides = array<i32>} : memref<128x128xf32, #tpu.memory_space<vmem>>, vector<16xf32>,
        %get3A_168 = arith.index_cast %add3A_88 : i32 to index
        %get3A_169 = arith.constant 32 : index
        %get3A_170 = tpu.vector_load %arg24[%get3A_168, %get3A_169] {strides = array<i32>} : memref<128x64xf32, #tpu.memory_space<vmem>>, vector<16xf32>,
        %add3A_171 = arith.addf %get3A_167, %get3A_170 : vector<16xf32>
        %mul3A_172 = arith.mulf %exp3A, %add3A_171 : vector<16xf32>
        %swap3A_173 = arith.index_cast %add3A_88 : i32 to index
        %swap3A_174 = arith.constant 32 : index
        %swap3A_175 = tpu.vector_load %arg25[%swap3A_173, %swap3A_174] {strides = array<i32>} : memref<128x64xf32, #tpu.memory_space<vmem>>, vector<16xf32>,
        tpu.vector_store %arg25[%swap3A_173, %swap3A_174], %mul3A_172 {strides = array<i32>} : memref<128x64xf32, #tpu.memory_space<vmem>>, vector<16xf32>,
        %get3A_176 = arith.index_cast %add3A_88 : i32 to index
        %get3A_177 = arith.constant 112 : index
        %get3A_178 = tpu.vector_load %arg23[%get3A_176, %get3A_177] {strides = array<i32>} : memref<128x128xf32, #tpu.memory_space<vmem>>, vector<16xf32>,
        %get3A_179 = arith.index_cast %add3A_88 : i32 to index
        %get3A_180 = arith.constant 48 : index
        %get3A_181 = tpu.vector_load %arg24[%get3A_179, %get3A_180] {strides = array<i32>} : memref<128x64xf32, #tpu.memory_space<vmem>>, vector<16xf32>,
        %add3A_182 = arith.addf %get3A_178, %get3A_181 : vector<16xf32>
        %mul3A_183 = arith.mulf %exp3A, %add3A_182 : vector<16xf32>
        %swap3A_184 = arith.index_cast %add3A_88 : i32 to index
        %swap3A_185 = arith.constant 48 : index
        %swap3A_186 = tpu.vector_load %arg25[%swap3A_184, %swap3A_185] {strides = array<i32>} : memref<128x64xf32, #tpu.memory_space<vmem>>, vector<16xf32>,
        tpu.vector_store %arg25[%swap3A_184, %swap3A_185], %mul3A_183 {strides = array<i32>} : memref<128x64xf32, #tpu.memory_space<vmem>>, vector<16xf32>,
        %mul3A_187 = arith.mulf %exp3A, %convert_element_type3A : vector<16xf32>
        %swap3A_188 = arith.index_cast %add3A_88 : i32 to index
        %swap3A_189 = arith.constant 0 : index
        %swap3A_190 = tpu.vector_load %arg26[%swap3A_188, %swap3A_189] {strides = array<i32>} : memref<128x16xf32, #tpu.memory_space<vmem>>, vector<16xf32>,
        tpu.vector_store %arg26[%swap3A_188, %swap3A_189], %mul3A_187 {strides = array<i32>} : memref<128x16xf32, #tpu.memory_space<vmem>>, vector<16xf32>,
        %mul3A_191 = arith.constant 4 : i32
        %mul3A_192 = arith.muli %scan3A_84, %mul3A_191 : i32
        %add3A_193 = arith.constant 1 : i32
        %add3A_194 = arith.addi %mul3A_192, %add3A_193 : i32
        %broadcast_in_dim3A_195 = arith.constant 0.000000e+00 : f32
        %broadcast_in_dim3A_196 = vector.broadcast %broadcast_in_dim3A_195 : f32 to vector<16xf32>
        %get3A_197 = arith.index_cast %add3A_194 : i32 to index
        %get3A_198 = arith.constant 0 : index
        %get3A_199 = tpu.vector_load %arg22[%get3A_197, %get3A_198] {strides = array<i32>} : memref<128x64xf32, #tpu.memory_space<vmem>>, vector<16xf32>,
        %get3A_200 = arith.index_cast %add3A_194 : i32 to index
        %get3A_201 = arith.constant 0 : index
        %get3A_202 = tpu.vector_load %arg23[%get3A_200, %get3A_201] {strides = array<i32>} : memref<128x128xf32, #tpu.memory_space<vmem>>, vector<16xf32>,
        %get3A_203 = arith.index_cast %add3A_194 : i32 to index
        %get3A_204 = arith.constant 0 : index
        %get3A_205 = tpu.vector_load %arg24[%get3A_203, %get3A_204] {strides = array<i32>} : memref<128x64xf32, #tpu.memory_space<vmem>>, vector<16xf32>,
        %add3A_206 = arith.addf %get3A_202, %get3A_205 : vector<16xf32>
        %mul3A_207 = arith.mulf %get3A_199, %add3A_206 : vector<16xf32>
        %add3A_208 = arith.addf %broadcast_in_dim3A_196, %mul3A_207 : vector<16xf32>
        %get3A_209 = arith.index_cast %add3A_194 : i32 to index
        %get3A_210 = arith.constant 16 : index
        %get3A_211 = tpu.vector_load %arg22[%get3A_209, %get3A_210] {strides = array<i32>} : memref<128x64xf32, #tpu.memory_space<vmem>>, vector<16xf32>,
        %get3A_212 = arith.index_cast %add3A_194 : i32 to index
        %get3A_213 = arith.constant 16 : index
        %get3A_214 = tpu.vector_load %arg23[%get3A_212, %get3A_213] {strides = array<i32>} : memref<128x128xf32, #tpu.memory_space<vmem>>, vector<16xf32>,
        %get3A_215 = arith.index_cast %add3A_194 : i32 to index
        %get3A_216 = arith.constant 16 : index
        %get3A_217 = tpu.vector_load %arg24[%get3A_215, %get3A_216] {strides = array<i32>} : memref<128x64xf32, #tpu.memory_space<vmem>>, vector<16xf32>,
        %add3A_218 = arith.addf %get3A_214, %get3A_217 : vector<16xf32>
        %mul3A_219 = arith.mulf %get3A_211, %add3A_218 : vector<16xf32>
        %add3A_220 = arith.addf %add3A_208, %mul3A_219 : vector<16xf32>
        %get3A_221 = arith.index_cast %add3A_194 : i32 to index
        %get3A_222 = arith.constant 32 : index
        %get3A_223 = tpu.vector_load %arg22[%get3A_221, %get3A_222] {strides = array<i32>} : memref<128x64xf32, #tpu.memory_space<vmem>>, vector<16xf32>,
        %get3A_224 = arith.index_cast %add3A_194 : i32 to index
        %get3A_225 = arith.constant 32 : index
        %get3A_226 = tpu.vector_load %arg23[%get3A_224, %get3A_225] {strides = array<i32>} : memref<128x128xf32, #tpu.memory_space<vmem>>, vector<16xf32>,
        %get3A_227 = arith.index_cast %add3A_194 : i32 to index
        %get3A_228 = arith.constant 32 : index
        %get3A_229 = tpu.vector_load %arg24[%get3A_227, %get3A_228] {strides = array<i32>} : memref<128x64xf32, #tpu.memory_space<vmem>>, vector<16xf32>,
        %add3A_230 = arith.addf %get3A_226, %get3A_229 : vector<16xf32>
        %mul3A_231 = arith.mulf %get3A_223, %add3A_230 : vector<16xf32>
        %add3A_232 = arith.addf %add3A_220, %mul3A_231 : vector<16xf32>
        %get3A_233 = arith.index_cast %add3A_194 : i32 to index
        %get3A_234 = arith.constant 48 : index
        %get3A_235 = tpu.vector_load %arg22[%get3A_233, %get3A_234] {strides = array<i32>} : memref<128x64xf32, #tpu.memory_space<vmem>>, vector<16xf32>,
        %get3A_236 = arith.index_cast %add3A_194 : i32 to index
        %get3A_237 = arith.constant 48 : index
        %get3A_238 = tpu.vector_load %arg23[%get3A_236, %get3A_237] {strides = array<i32>} : memref<128x128xf32, #tpu.memory_space<vmem>>, vector<16xf32>,
        %get3A_239 = arith.index_cast %add3A_194 : i32 to index
        %get3A_240 = arith.constant 48 : index
        %get3A_241 = tpu.vector_load %arg24[%get3A_239, %get3A_240] {strides = array<i32>} : memref<128x64xf32, #tpu.memory_space<vmem>>, vector<16xf32>,
        %add3A_242 = arith.addf %get3A_238, %get3A_241 : vector<16xf32>
        %mul3A_243 = arith.mulf %get3A_235, %add3A_242 : vector<16xf32>
        %add3A_244 = arith.addf %add3A_232, %mul3A_243 : vector<16xf32>
        %mul3A_245 = arith.constant 1.250000e-01 : f32
        %mul3A_246 = vector.broadcast %mul3A_245 : f32 to vector<16xf32>
        %mul3A_247 = arith.mulf %add3A_244, %mul3A_246 : vector<16xf32>
        %reduce_sum3A_248 = arith.constant true
        %reduce_sum3A_249 = vector.broadcast %reduce_sum3A_248 : i1 to vector<16xi1>
        %reduce_sum3A_250 = tpu.scan <sum>, %mul3A_247 masked %reduce_sum3A_249 : vector<16xf32>, vector<16xi1> -> vector<16xf32>
        %reduce_sum3A_251 = vector.extract %reduce_sum3A_250[15] : f32 from vector<16xf32>
        %broadcast_in_dim3A_252 = vector.broadcast %reduce_sum3A_251 : f32 to vector<16xf32>
        %exp3A_253 = math.exp %broadcast_in_dim3A_252 : vector<16xf32>
        %get3A_254 = arith.index_cast %add3A_194 : i32 to index
        %get3A_255 = arith.constant 64 : index
        %get3A_256 = tpu.vector_load %arg23[%get3A_254, %get3A_255] {strides = array<i32>} : memref<128x128xf32, #tpu.memory_space<vmem>>, vector<16xf32>,
        %get3A_257 = arith.index_cast %add3A_194 : i32 to index
        %get3A_258 = arith.constant 0 : index
        %get3A_259 = tpu.vector_load %arg24[%get3A_257, %get3A_258] {strides = array<i32>} : memref<128x64xf32, #tpu.memory_space<vmem>>, vector<16xf32>,
        %add3A_260 = arith.addf %get3A_256, %get3A_259 : vector<16xf32>
        %mul3A_261 = arith.mulf %exp3A_253, %add3A_260 : vector<16xf32>
        %swap3A_262 = arith.index_cast %add3A_194 : i32 to index
        %swap3A_263 = arith.constant 0 : index
        %swap3A_264 = tpu.vector_load %arg25[%swap3A_262, %swap3A_263] {strides = array<i32>} : memref<128x64xf32, #tpu.memory_space<vmem>>, vector<16xf32>,
        tpu.vector_store %arg25[%swap3A_262, %swap3A_263], %mul3A_261 {strides = array<i32>} : memref<128x64xf32, #tpu.memory_space<vmem>>, vector<16xf32>,
        %get3A_265 = arith.index_cast %add3A_194 : i32 to index
        %get3A_266 = arith.constant 80 : index
        %get3A_267 = tpu.vector_load %arg23[%get3A_265, %get3A_266] {strides = array<i32>} : memref<128x128xf32, #tpu.memory_space<vmem>>, vector<16xf32>,
        %get3A_268 = arith.index_cast %add3A_194 : i32 to index
        %get3A_269 = arith.constant 16 : index
        %get3A_270 = tpu.vector_load %arg24[%get3A_268, %get3A_269] {strides = array<i32>} : memref<128x64xf32, #tpu.memory_space<vmem>>, vector<16xf32>,
        %add3A_271 = arith.addf %get3A_267, %get3A_270 : vector<16xf32>
        %mul3A_272 = arith.mulf %exp3A_253, %add3A_271 : vector<16xf32>
        %swap3A_273 = arith.index_cast %add3A_194 : i32 to index
        %swap3A_274 = arith.constant 16 : index
        %swap3A_275 = tpu.vector_load %arg25[%swap3A_273, %swap3A_274] {strides = array<i32>} : memref<128x64xf32, #tpu.memory_space<vmem>>, vector<16xf32>,
        tpu.vector_store %arg25[%swap3A_273, %swap3A_274], %mul3A_272 {strides = array<i32>} : memref<128x64xf32, #tpu.memory_space<vmem>>, vector<16xf32>,
        %get3A_276 = arith.index_cast %add3A_194 : i32 to index
        %get3A_277 = arith.constant 96 : index
        %get3A_278 = tpu.vector_load %arg23[%get3A_276, %get3A_277] {strides = array<i32>} : memref<128x128xf32, #tpu.memory_space<vmem>>, vector<16xf32>,
        %get3A_279 = arith.index_cast %add3A_194 : i32 to index
        %get3A_280 = arith.constant 32 : index
        %get3A_281 = tpu.vector_load %arg24[%get3A_279, %get3A_280] {strides = array<i32>} : memref<128x64xf32, #tpu.memory_space<vmem>>, vector<16xf32>,
        %add3A_282 = arith.addf %get3A_278, %get3A_281 : vector<16xf32>
        %mul3A_283 = arith.mulf %exp3A_253, %add3A_282 : vector<16xf32>
        %swap3A_284 = arith.index_cast %add3A_194 : i32 to index
        %swap3A_285 = arith.constant 32 : index
        %swap3A_286 = tpu.vector_load %arg25[%swap3A_284, %swap3A_285] {strides = array<i32>} : memref<128x64xf32, #tpu.memory_space<vmem>>, vector<16xf32>,
        tpu.vector_store %arg25[%swap3A_284, %swap3A_285], %mul3A_283 {strides = array<i32>} : memref<128x64xf32, #tpu.memory_space<vmem>>, vector<16xf32>,
        %get3A_287 = arith.index_cast %add3A_194 : i32 to index
        %get3A_288 = arith.constant 112 : index
        %get3A_289 = tpu.vector_load %arg23[%get3A_287, %get3A_288] {strides = array<i32>} : memref<128x128xf32, #tpu.memory_space<vmem>>, vector<16xf32>,
        %get3A_290 = arith.index_cast %add3A_194 : i32 to index
        %get3A_291 = arith.constant 48 : index
        %get3A_292 = tpu.vector_load %arg24[%get3A_290, %get3A_291] {strides = array<i32>} : memref<128x64xf32, #tpu.memory_space<vmem>>, vector<16xf32>,
        %add3A_293 = arith.addf %get3A_289, %get3A_292 : vector<16xf32>
        %mul3A_294 = arith.mulf %exp3A_253, %add3A_293 : vector<16xf32>
        %swap3A_295 = arith.index_cast %add3A_194 : i32 to index
        %swap3A_296 = arith.constant 48 : index
        %swap3A_297 = tpu.vector_load %arg25[%swap3A_295, %swap3A_296] {strides = array<i32>} : memref<128x64xf32, #tpu.memory_space<vmem>>, vector<16xf32>,
        tpu.vector_store %arg25[%swap3A_295, %swap3A_296], %mul3A_294 {strides = array<i32>} : memref<128x64xf32, #tpu.memory_space<vmem>>, vector<16xf32>,
        %mul3A_298 = arith.mulf %exp3A_253, %convert_element_type3A : vector<16xf32>
        %swap3A_299 = arith.index_cast %add3A_194 : i32 to index
        %swap3A_300 = arith.constant 0 : index
        %swap3A_301 = tpu.vector_load %arg26[%swap3A_299, %swap3A_300] {strides = array<i32>} : memref<128x16xf32, #tpu.memory_space<vmem>>, vector<16xf32>,
        tpu.vector_store %arg26[%swap3A_299, %swap3A_300], %mul3A_298 {strides = array<i32>} : memref<128x16xf32, #tpu.memory_space<vmem>>, vector<16xf32>,
        %mul3A_302 = arith.constant 4 : i32
        %mul3A_303 = arith.muli %scan3A_84, %mul3A_302 : i32
        %add3A_304 = arith.constant 2 : i32
        %add3A_305 = arith.addi %mul3A_303, %add3A_304 : i32
        %broadcast_in_dim3A_306 = arith.constant 0.000000e+00 : f32
        %broadcast_in_dim3A_307 = vector.broadcast %broadcast_in_dim3A_306 : f32 to vector<16xf32>
        %get3A_308 = arith.index_cast %add3A_305 : i32 to index
        %get3A_309 = arith.constant 0 : index
        %get3A_310 = tpu.vector_load %arg22[%get3A_308, %get3A_309] {strides = array<i32>} : memref<128x64xf32, #tpu.memory_space<vmem>>, vector<16xf32>,
        %get3A_311 = arith.index_cast %add3A_305 : i32 to index
        %get3A_312 = arith.constant 0 : index
        %get3A_313 = tpu.vector_load %arg23[%get3A_311, %get3A_312] {strides = array<i32>} : memref<128x128xf32, #tpu.memory_space<vmem>>, vector<16xf32>,
        %get3A_314 = arith.index_cast %add3A_305 : i32 to index
        %get3A_315 = arith.constant 0 : index
        %get3A_316 = tpu.vector_load %arg24[%get3A_314, %get3A_315] {strides = array<i32>} : memref<128x64xf32, #tpu.memory_space<vmem>>, vector<16xf32>,
        %add3A_317 = arith.addf %get3A_313, %get3A_316 : vector<16xf32>
        %mul3A_318 = arith.mulf %get3A_310, %add3A_317 : vector<16xf32>
        %add3A_319 = arith.addf %broadcast_in_dim3A_307, %mul3A_318 : vector<16xf32>
        %get3A_320 = arith.index_cast %add3A_305 : i32 to index
        %get3A_321 = arith.constant 16 : index
        %get3A_322 = tpu.vector_load %arg22[%get3A_320, %get3A_321] {strides = array<i32>} : memref<128x64xf32, #tpu.memory_space<vmem>>, vector<16xf32>,
        %get3A_323 = arith.index_cast %add3A_305 : i32 to index
        %get3A_324 = arith.constant 16 : index
        %get3A_325 = tpu.vector_load %arg23[%get3A_323, %get3A_324] {strides = array<i32>} : memref<128x128xf32, #tpu.memory_space<vmem>>, vector<16xf32>,
        %get3A_326 = arith.index_cast %add3A_305 : i32 to index
        %get3A_327 = arith.constant 16 : index
        %get3A_328 = tpu.vector_load %arg24[%get3A_326, %get3A_327] {strides = array<i32>} : memref<128x64xf32, #tpu.memory_space<vmem>>, vector<16xf32>,
        %add3A_329 = arith.addf %get3A_325, %get3A_328 : vector<16xf32>
        %mul3A_330 = arith.mulf %get3A_322, %add3A_329 : vector<16xf32>
        %add3A_331 = arith.addf %add3A_319, %mul3A_330 : vector<16xf32>
        %get3A_332 = arith.index_cast %add3A_305 : i32 to index
        %get3A_333 = arith.constant 32 : index
        %get3A_334 = tpu.vector_load %arg22[%get3A_332, %get3A_333] {strides = array<i32>} : memref<128x64xf32, #tpu.memory_space<vmem>>, vector<16xf32>,
        %get3A_335 = arith.index_cast %add3A_305 : i32 to index
        %get3A_336 = arith.constant 32 : index
        %get3A_337 = tpu.vector_load %arg23[%get3A_335, %get3A_336] {strides = array<i32>} : memref<128x128xf32, #tpu.memory_space<vmem>>, vector<16xf32>,
        %get3A_338 = arith.index_cast %add3A_305 : i32 to index
        %get3A_339 = arith.constant 32 : index
        %get3A_340 = tpu.vector_load %arg24[%get3A_338, %get3A_339] {strides = array<i32>} : memref<128x64xf32, #tpu.memory_space<vmem>>, vector<16xf32>,
        %add3A_341 = arith.addf %get3A_337, %get3A_340 : vector<16xf32>
        %mul3A_342 = arith.mulf %get3A_334, %add3A_341 : vector<16xf32>
        %add3A_343 = arith.addf %add3A_331, %mul3A_342 : vector<16xf32>
        %get3A_344 = arith.index_cast %add3A_305 : i32 to index
        %get3A_345 = arith.constant 48 : index
        %get3A_346 = tpu.vector_load %arg22[%get3A_344, %get3A_345] {strides = array<i32>} : memref<128x64xf32, #tpu.memory_space<vmem>>, vector<16xf32>,
        %get3A_347 = arith.index_cast %add3A_305 : i32 to index
        %get3A_348 = arith.constant 48 : index
        %get3A_349 = tpu.vector_load %arg23[%get3A_347, %get3A_348] {strides = array<i32>} : memref<128x128xf32, #tpu.memory_space<vmem>>, vector<16xf32>,
        %get3A_350 = arith.index_cast %add3A_305 : i32 to index
        %get3A_351 = arith.constant 48 : index
        %get3A_352 = tpu.vector_load %arg24[%get3A_350, %get3A_351] {strides = array<i32>} : memref<128x64xf32, #tpu.memory_space<vmem>>, vector<16xf32>,
        %add3A_353 = arith.addf %get3A_349, %get3A_352 : vector<16xf32>
        %mul3A_354 = arith.mulf %get3A_346, %add3A_353 : vector<16xf32>
        %add3A_355 = arith.addf %add3A_343, %mul3A_354 : vector<16xf32>
        %mul3A_356 = arith.constant 1.250000e-01 : f32
        %mul3A_357 = vector.broadcast %mul3A_356 : f32 to vector<16xf32>
        %mul3A_358 = arith.mulf %add3A_355, %mul3A_357 : vector<16xf32>
        %reduce_sum3A_359 = arith.constant true
        %reduce_sum3A_360 = vector.broadcast %reduce_sum3A_359 : i1 to vector<16xi1>
        %reduce_sum3A_361 = tpu.scan <sum>, %mul3A_358 masked %reduce_sum3A_360 : vector<16xf32>, vector<16xi1> -> vector<16xf32>
        %reduce_sum3A_362 = vector.extract %reduce_sum3A_361[15] : f32 from vector<16xf32>
        %broadcast_in_dim3A_363 = vector.broadcast %reduce_sum3A_362 : f32 to vector<16xf32>
        %exp3A_364 = math.exp %broadcast_in_dim3A_363 : vector<16xf32>
        %get3A_365 = arith.index_cast %add3A_305 : i32 to index
        %get3A_366 = arith.constant 64 : index
        %get3A_367 = tpu.vector_load %arg23[%get3A_365, %get3A_366] {strides = array<i32>} : memref<128x128xf32, #tpu.memory_space<vmem>>, vector<16xf32>,
        %get3A_368 = arith.index_cast %add3A_305 : i32 to index
        %get3A_369 = arith.constant 0 : index
        %get3A_370 = tpu.vector_load %arg24[%get3A_368, %get3A_369] {strides = array<i32>} : memref<128x64xf32, #tpu.memory_space<vmem>>, vector<16xf32>,
        %add3A_371 = arith.addf %get3A_367, %get3A_370 : vector<16xf32>
        %mul3A_372 = arith.mulf %exp3A_364, %add3A_371 : vector<16xf32>
        %swap3A_373 = arith.index_cast %add3A_305 : i32 to index
        %swap3A_374 = arith.constant 0 : index
        %swap3A_375 = tpu.vector_load %arg25[%swap3A_373, %swap3A_374] {strides = array<i32>} : memref<128x64xf32, #tpu.memory_space<vmem>>, vector<16xf32>,
        tpu.vector_store %arg25[%swap3A_373, %swap3A_374], %mul3A_372 {strides = array<i32>} : memref<128x64xf32, #tpu.memory_space<vmem>>, vector<16xf32>,
        %get3A_376 = arith.index_cast %add3A_305 : i32 to index
        %get3A_377 = arith.constant 80 : index
        %get3A_378 = tpu.vector_load %arg23[%get3A_376, %get3A_377] {strides = array<i32>} : memref<128x128xf32, #tpu.memory_space<vmem>>, vector<16xf32>,
        %get3A_379 = arith.index_cast %add3A_305 : i32 to index
        %get3A_380 = arith.constant 16 : index
        %get3A_381 = tpu.vector_load %arg24[%get3A_379, %get3A_380] {strides = array<i32>} : memref<128x64xf32, #tpu.memory_space<vmem>>, vector<16xf32>,
        %add3A_382 = arith.addf %get3A_378, %get3A_381 : vector<16xf32>
        %mul3A_383 = arith.mulf %exp3A_364, %add3A_382 : vector<16xf32>
        %swap3A_384 = arith.index_cast %add3A_305 : i32 to index
        %swap3A_385 = arith.constant 16 : index
        %swap3A_386 = tpu.vector_load %arg25[%swap3A_384, %swap3A_385] {strides = array<i32>} : memref<128x64xf32, #tpu.memory_space<vmem>>, vector<16xf32>,
        tpu.vector_store %arg25[%swap3A_384, %swap3A_385], %mul3A_383 {strides = array<i32>} : memref<128x64xf32, #tpu.memory_space<vmem>>, vector<16xf32>,
        %get3A_387 = arith.index_cast %add3A_305 : i32 to index
        %get3A_388 = arith.constant 96 : index
        %get3A_389 = tpu.vector_load %arg23[%get3A_387, %get3A_388] {strides = array<i32>} : memref<128x128xf32, #tpu.memory_space<vmem>>, vector<16xf32>,
        %get3A_390 = arith.index_cast %add3A_305 : i32 to index
        %get3A_391 = arith.constant 32 : index
        %get3A_392 = tpu.vector_load %arg24[%get3A_390, %get3A_391] {strides = array<i32>} : memref<128x64xf32, #tpu.memory_space<vmem>>, vector<16xf32>,
        %add3A_393 = arith.addf %get3A_389, %get3A_392 : vector<16xf32>
        %mul3A_394 = arith.mulf %exp3A_364, %add3A_393 : vector<16xf32>
        %swap3A_395 = arith.index_cast %add3A_305 : i32 to index
        %swap3A_396 = arith.constant 32 : index
        %swap3A_397 = tpu.vector_load %arg25[%swap3A_395, %swap3A_396] {strides = array<i32>} : memref<128x64xf32, #tpu.memory_space<vmem>>, vector<16xf32>,
        tpu.vector_store %arg25[%swap3A_395, %swap3A_396], %mul3A_394 {strides = array<i32>} : memref<128x64xf32, #tpu.memory_space<vmem>>, vector<16xf32>,
        %get3A_398 = arith.index_cast %add3A_305 : i32 to index
        %get3A_399 = arith.constant 112 : index
        %get3A_400 = tpu.vector_load %arg23[%get3A_398, %get3A_399] {strides = array<i32>} : memref<128x128xf32, #tpu.memory_space<vmem>>, vector<16xf32>,
        %get3A_401 = arith.index_cast %add3A_305 : i32 to index
        %get3A_402 = arith.constant 48 : index
        %get3A_403 = tpu.vector_load %arg24[%get3A_401, %get3A_402] {strides = array<i32>} : memref<128x64xf32, #tpu.memory_space<vmem>>, vector<16xf32>,
        %add3A_404 = arith.addf %get3A_400, %get3A_403 : vector<16xf32>
        %mul3A_405 = arith.mulf %exp3A_364, %add3A_404 : vector<16xf32>
        %swap3A_406 = arith.index_cast %add3A_305 : i32 to index
        %swap3A_407 = arith.constant 48 : index
        %swap3A_408 = tpu.vector_load %arg25[%swap3A_406, %swap3A_407] {strides = array<i32>} : memref<128x64xf32, #tpu.memory_space<vmem>>, vector<16xf32>,
        tpu.vector_store %arg25[%swap3A_406, %swap3A_407], %mul3A_405 {strides = array<i32>} : memref<128x64xf32, #tpu.memory_space<vmem>>, vector<16xf32>,
        %mul3A_409 = arith.mulf %exp3A_364, %convert_element_type3A : vector<16xf32>
        %swap3A_410 = arith.index_cast %add3A_305 : i32 to index
        %swap3A_411 = arith.constant 0 : index
        %swap3A_412 = tpu.vector_load %arg26[%swap3A_410, %swap3A_411] {strides = array<i32>} : memref<128x16xf32, #tpu.memory_space<vmem>>, vector<16xf32>,
        tpu.vector_store %arg26[%swap3A_410, %swap3A_411], %mul3A_409 {strides = array<i32>} : memref<128x16xf32, #tpu.memory_space<vmem>>, vector<16xf32>,
        %mul3A_413 = arith.constant 4 : i32
        %mul3A_414 = arith.muli %scan3A_84, %mul3A_413 : i32
        %add3A_415 = arith.constant 3 : i32
        %add3A_416 = arith.addi %mul3A_414, %add3A_415 : i32
        %broadcast_in_dim3A_417 = arith.constant 0.000000e+00 : f32
        %broadcast_in_dim3A_418 = vector.broadcast %broadcast_in_dim3A_417 : f32 to vector<16xf32>
        %get3A_419 = arith.index_cast %add3A_416 : i32 to index
        %get3A_420 = arith.constant 0 : index
        %get3A_421 = tpu.vector_load %arg22[%get3A_419, %get3A_420] {strides = array<i32>} : memref<128x64xf32, #tpu.memory_space<vmem>>, vector<16xf32>,
        %get3A_422 = arith.index_cast %add3A_416 : i32 to index
        %get3A_423 = arith.constant 0 : index
        %get3A_424 = tpu.vector_load %arg23[%get3A_422, %get3A_423] {strides = array<i32>} : memref<128x128xf32, #tpu.memory_space<vmem>>, vector<16xf32>,
        %get3A_425 = arith.index_cast %add3A_416 : i32 to index
        %get3A_426 = arith.constant 0 : index
        %get3A_427 = tpu.vector_load %arg24[%get3A_425, %get3A_426] {strides = array<i32>} : memref<128x64xf32, #tpu.memory_space<vmem>>, vector<16xf32>,
        %add3A_428 = arith.addf %get3A_424, %get3A_427 : vector<16xf32>
        %mul3A_429 = arith.mulf %get3A_421, %add3A_428 : vector<16xf32>
        %add3A_430 = arith.addf %broadcast_in_dim3A_418, %mul3A_429 : vector<16xf32>
        %get3A_431 = arith.index_cast %add3A_416 : i32 to index
        %get3A_432 = arith.constant 16 : index
        %get3A_433 = tpu.vector_load %arg22[%get3A_431, %get3A_432] {strides = array<i32>} : memref<128x64xf32, #tpu.memory_space<vmem>>, vector<16xf32>,
        %get3A_434 = arith.index_cast %add3A_416 : i32 to index
        %get3A_435 = arith.constant 16 : index
        %get3A_436 = tpu.vector_load %arg23[%get3A_434, %get3A_435] {strides = array<i32>} : memref<128x128xf32, #tpu.memory_space<vmem>>, vector<16xf32>,
        %get3A_437 = arith.index_cast %add3A_416 : i32 to index
        %get3A_438 = arith.constant 16 : index
        %get3A_439 = tpu.vector_load %arg24[%get3A_437, %get3A_438] {strides = array<i32>} : memref<128x64xf32, #tpu.memory_space<vmem>>, vector<16xf32>,
        %add3A_440 = arith.addf %get3A_436, %get3A_439 : vector<16xf32>
        %mul3A_441 = arith.mulf %get3A_433, %add3A_440 : vector<16xf32>
        %add3A_442 = arith.addf %add3A_430, %mul3A_441 : vector<16xf32>
        %get3A_443 = arith.index_cast %add3A_416 : i32 to index
        %get3A_444 = arith.constant 32 : index
        %get3A_445 = tpu.vector_load %arg22[%get3A_443, %get3A_444] {strides = array<i32>} : memref<128x64xf32, #tpu.memory_space<vmem>>, vector<16xf32>,
        %get3A_446 = arith.index_cast %add3A_416 : i32 to index
        %get3A_447 = arith.constant 32 : index
        %get3A_448 = tpu.vector_load %arg23[%get3A_446, %get3A_447] {strides = array<i32>} : memref<128x128xf32, #tpu.memory_space<vmem>>, vector<16xf32>,
        %get3A_449 = arith.index_cast %add3A_416 : i32 to index
        %get3A_450 = arith.constant 32 : index
        %get3A_451 = tpu.vector_load %arg24[%get3A_449, %get3A_450] {strides = array<i32>} : memref<128x64xf32, #tpu.memory_space<vmem>>, vector<16xf32>,
        %add3A_452 = arith.addf %get3A_448, %get3A_451 : vector<16xf32>
        %mul3A_453 = arith.mulf %get3A_445, %add3A_452 : vector<16xf32>
        %add3A_454 = arith.addf %add3A_442, %mul3A_453 : vector<16xf32>
        %get3A_455 = arith.index_cast %add3A_416 : i32 to index
        %get3A_456 = arith.constant 48 : index
        %get3A_457 = tpu.vector_load %arg22[%get3A_455, %get3A_456] {strides = array<i32>} : memref<128x64xf32, #tpu.memory_space<vmem>>, vector<16xf32>,
        %get3A_458 = arith.index_cast %add3A_416 : i32 to index
        %get3A_459 = arith.constant 48 : index
        %get3A_460 = tpu.vector_load %arg23[%get3A_458, %get3A_459] {strides = array<i32>} : memref<128x128xf32, #tpu.memory_space<vmem>>, vector<16xf32>,
        %get3A_461 = arith.index_cast %add3A_416 : i32 to index
        %get3A_462 = arith.constant 48 : index
        %get3A_463 = tpu.vector_load %arg24[%get3A_461, %get3A_462] {strides = array<i32>} : memref<128x64xf32, #tpu.memory_space<vmem>>, vector<16xf32>,
        %add3A_464 = arith.addf %get3A_460, %get3A_463 : vector<16xf32>
        %mul3A_465 = arith.mulf %get3A_457, %add3A_464 : vector<16xf32>
        %add3A_466 = arith.addf %add3A_454, %mul3A_465 : vector<16xf32>
        %mul3A_467 = arith.constant 1.250000e-01 : f32
        %mul3A_468 = vector.broadcast %mul3A_467 : f32 to vector<16xf32>
        %mul3A_469 = arith.mulf %add3A_466, %mul3A_468 : vector<16xf32>
        %reduce_sum3A_470 = arith.constant true
        %reduce_sum3A_471 = vector.broadcast %reduce_sum3A_470 : i1 to vector<16xi1>
        %reduce_sum3A_472 = tpu.scan <sum>, %mul3A_469 masked %reduce_sum3A_471 : vector<16xf32>, vector<16xi1> -> vector<16xf32>
        %reduce_sum3A_473 = vector.extract %reduce_sum3A_472[15] : f32 from vector<16xf32>
        %broadcast_in_dim3A_474 = vector.broadcast %reduce_sum3A_473 : f32 to vector<16xf32>
        %exp3A_475 = math.exp %broadcast_in_dim3A_474 : vector<16xf32>
        %get3A_476 = arith.index_cast %add3A_416 : i32 to index
        %get3A_477 = arith.constant 64 : index
        %get3A_478 = tpu.vector_load %arg23[%get3A_476, %get3A_477] {strides = array<i32>} : memref<128x128xf32, #tpu.memory_space<vmem>>, vector<16xf32>,
        %get3A_479 = arith.index_cast %add3A_416 : i32 to index
        %get3A_480 = arith.constant 0 : index
        %get3A_481 = tpu.vector_load %arg24[%get3A_479, %get3A_480] {strides = array<i32>} : memref<128x64xf32, #tpu.memory_space<vmem>>, vector<16xf32>,
        %add3A_482 = arith.addf %get3A_478, %get3A_481 : vector<16xf32>
        %mul3A_483 = arith.mulf %exp3A_475, %add3A_482 : vector<16xf32>
        %swap3A_484 = arith.index_cast %add3A_416 : i32 to index
        %swap3A_485 = arith.constant 0 : index
        %swap3A_486 = tpu.vector_load %arg25[%swap3A_484, %swap3A_485] {strides = array<i32>} : memref<128x64xf32, #tpu.memory_space<vmem>>, vector<16xf32>,
        tpu.vector_store %arg25[%swap3A_484, %swap3A_485], %mul3A_483 {strides = array<i32>} : memref<128x64xf32, #tpu.memory_space<vmem>>, vector<16xf32>,
        %get3A_487 = arith.index_cast %add3A_416 : i32 to index
        %get3A_488 = arith.constant 80 : index
        %get3A_489 = tpu.vector_load %arg23[%get3A_487, %get3A_488] {strides = array<i32>} : memref<128x128xf32, #tpu.memory_space<vmem>>, vector<16xf32>,
        %get3A_490 = arith.index_cast %add3A_416 : i32 to index
        %get3A_491 = arith.constant 16 : index
        %get3A_492 = tpu.vector_load %arg24[%get3A_490, %get3A_491] {strides = array<i32>} : memref<128x64xf32, #tpu.memory_space<vmem>>, vector<16xf32>,
        %add3A_493 = arith.addf %get3A_489, %get3A_492 : vector<16xf32>
        %mul3A_494 = arith.mulf %exp3A_475, %add3A_493 : vector<16xf32>
        %swap3A_495 = arith.index_cast %add3A_416 : i32 to index
        %swap3A_496 = arith.constant 16 : index
        %swap3A_497 = tpu.vector_load %arg25[%swap3A_495, %swap3A_496] {strides = array<i32>} : memref<128x64xf32, #tpu.memory_space<vmem>>, vector<16xf32>,
        tpu.vector_store %arg25[%swap3A_495, %swap3A_496], %mul3A_494 {strides = array<i32>} : memref<128x64xf32, #tpu.memory_space<vmem>>, vector<16xf32>,
        %get3A_498 = arith.index_cast %add3A_416 : i32 to index
        %get3A_499 = arith.constant 96 : index
        %get3A_500 = tpu.vector_load %arg23[%get3A_498, %get3A_499] {strides = array<i32>} : memref<128x128xf32, #tpu.memory_space<vmem>>, vector<16xf32>,
        %get3A_501 = arith.index_cast %add3A_416 : i32 to index
        %get3A_502 = arith.constant 32 : index
        %get3A_503 = tpu.vector_load %arg24[%get3A_501, %get3A_502] {strides = array<i32>} : memref<128x64xf32, #tpu.memory_space<vmem>>, vector<16xf32>,
        %add3A_504 = arith.addf %get3A_500, %get3A_503 : vector<16xf32>
        %mul3A_505 = arith.mulf %exp3A_475, %add3A_504 : vector<16xf32>
        %swap3A_506 = arith.index_cast %add3A_416 : i32 to index
        %swap3A_507 = arith.constant 32 : index
        %swap3A_508 = tpu.vector_load %arg25[%swap3A_506, %swap3A_507] {strides = array<i32>} : memref<128x64xf32, #tpu.memory_space<vmem>>, vector<16xf32>,
        tpu.vector_store %arg25[%swap3A_506, %swap3A_507], %mul3A_505 {strides = array<i32>} : memref<128x64xf32, #tpu.memory_space<vmem>>, vector<16xf32>,
        %get3A_509 = arith.index_cast %add3A_416 : i32 to index
        %get3A_510 = arith.constant 112 : index
        %get3A_511 = tpu.vector_load %arg23[%get3A_509, %get3A_510] {strides = array<i32>} : memref<128x128xf32, #tpu.memory_space<vmem>>, vector<16xf32>,
        %get3A_512 = arith.index_cast %add3A_416 : i32 to index
        %get3A_513 = arith.constant 48 : index
        %get3A_514 = tpu.vector_load %arg24[%get3A_512, %get3A_513] {strides = array<i32>} : memref<128x64xf32, #tpu.memory_space<vmem>>, vector<16xf32>,
        %add3A_515 = arith.addf %get3A_511, %get3A_514 : vector<16xf32>
        %mul3A_516 = arith.mulf %exp3A_475, %add3A_515 : vector<16xf32>
        %swap3A_517 = arith.index_cast %add3A_416 : i32 to index
        %swap3A_518 = arith.constant 48 : index
        %swap3A_519 = tpu.vector_load %arg25[%swap3A_517, %swap3A_518] {strides = array<i32>} : memref<128x64xf32, #tpu.memory_space<vmem>>, vector<16xf32>,
        tpu.vector_store %arg25[%swap3A_517, %swap3A_518], %mul3A_516 {strides = array<i32>} : memref<128x64xf32, #tpu.memory_space<vmem>>, vector<16xf32>,
        %mul3A_520 = arith.mulf %exp3A_475, %convert_element_type3A : vector<16xf32>
        %swap3A_521 = arith.index_cast %add3A_416 : i32 to index
        %swap3A_522 = arith.constant 0 : index
        %swap3A_523 = tpu.vector_load %arg26[%swap3A_521, %swap3A_522] {strides = array<i32>} : memref<128x16xf32, #tpu.memory_space<vmem>>, vector<16xf32>,
        tpu.vector_store %arg26[%swap3A_521, %swap3A_522], %mul3A_520 {strides = array<i32>} : memref<128x16xf32, #tpu.memory_space<vmem>>, vector<16xf32>,
      }
      %scan3A_79 = arith.constant 32 : i32
      %mul3A_80 = arith.constant 128 : i32
      %mul3A_81 = arith.muli %add3A_28, %mul3A_80 : i32
      %add3A_82 = arith.addi %mul3A_2, %mul3A_81 : i32
      %multiple_of3A_83 = tpu.assume_multiple %add3A_82, 8 : i32
      "tpu.region"() ({
        %run_scoped3A = tpu.sem_alloc : memref<!tpu.dma_semaphore, #tpu.memory_space<semaphore_mem>>
        %dma_start3A_84 = arith.constant 0 : i32
        %dma_start3A_85 = tpu.memref_slice %arg8[%multiple_of3A_83, %dma_start3A_84] : memref<802816x64xf32, #tpu.memory_space<hbm>> -> memref<128x64xf32, #tpu.memory_space<hbm>>
        %dma_start3A_86 = arith.constant 0 : i32
        %dma_start3A_87 = tpu.memref_slice %arg8[%multiple_of3A_83, %dma_start3A_86] : memref<802816x64xf32, #tpu.memory_space<hbm>> -> memref<128x64xf32, #tpu.memory_space<hbm>>
        tpu.enqueue_dma source(%arg25 : memref<128x64xf32, #tpu.memory_space<vmem>>) target(%dma_start3A_87 : memref<128x64xf32, #tpu.memory_space<hbm>>) target_semaphore(%run_scoped3A : memref<!tpu.dma_semaphore, #tpu.memory_space<semaphore_mem>>)
        %dma_wait3A_88 = arith.constant 0 : i32
        %dma_wait3A_89 = tpu.memref_slice %arg8[%multiple_of3A_83, %dma_wait3A_88] : memref<802816x64xf32, #tpu.memory_space<hbm>> -> memref<128x64xf32, #tpu.memory_space<hbm>>
        %dma_wait3A_90 = arith.constant 0 : i32
        %dma_wait3A_91 = tpu.memref_slice %arg8[%multiple_of3A_83, %dma_wait3A_90] : memref<802816x64xf32, #tpu.memory_space<hbm>> -> memref<128x64xf32, #tpu.memory_space<hbm>>
        tpu.wait_dma2 semaphore(%run_scoped3A : memref<!tpu.dma_semaphore, #tpu.memory_space<semaphore_mem>>) src(%arg25 : memref<128x64xf32, #tpu.memory_space<vmem>>) dst(%dma_wait3A_91 : memref<128x64xf32, #tpu.memory_space<hbm>>)
        tpu.yield
      }) : () -> ()
      "tpu.region"() ({
        %run_scoped3A = tpu.sem_alloc : memref<!tpu.dma_semaphore, #tpu.memory_space<semaphore_mem>>
        %dma_start3A_84 = arith.constant 0 : i32
        %dma_start3A_85 = tpu.memref_slice %arg9[%multiple_of3A_83, %dma_start3A_84] : memref<802816x16xf32, #tpu.memory_space<hbm>> -> memref<128x16xf32, #tpu.memory_space<hbm>>
        %dma_start3A_86 = arith.constant 0 : i32
        %dma_start3A_87 = tpu.memref_slice %arg9[%multiple_of3A_83, %dma_start3A_86] : memref<802816x16xf32, #tpu.memory_space<hbm>> -> memref<128x16xf32, #tpu.memory_space<hbm>>
        tpu.enqueue_dma source(%arg26 : memref<128x16xf32, #tpu.memory_space<vmem>>) target(%dma_start3A_87 : memref<128x16xf32, #tpu.memory_space<hbm>>) target_semaphore(%run_scoped3A : memref<!tpu.dma_semaphore, #tpu.memory_space<semaphore_mem>>)
        %dma_wait3A_88 = arith.constant 0 : i32
        %dma_wait3A_89 = tpu.memref_slice %arg9[%multiple_of3A_83, %dma_wait3A_88] : memref<802816x16xf32, #tpu.memory_space<hbm>> -> memref<128x16xf32, #tpu.memory_space<hbm>>
        %dma_wait3A_90 = arith.constant 0 : i32
        %dma_wait3A_91 = tpu.memref_slice %arg9[%multiple_of3A_83, %dma_wait3A_90] : memref<802816x16xf32, #tpu.memory_space<hbm>> -> memref<128x16xf32, #tpu.memory_space<hbm>>
        tpu.wait_dma2 semaphore(%run_scoped3A : memref<!tpu.dma_semaphore, #tpu.memory_space<semaphore_mem>>) src(%arg26 : memref<128x16xf32, #tpu.memory_space<vmem>>) dst(%dma_wait3A_91 : memref<128x16xf32, #tpu.memory_space<hbm>>)
        tpu.yield
      }) : () -> ()
    }
    %scan3A_21 = arith.constant 98 : i32
    return
  }
}

#map = affine_map<(d0, d1) -> (0)>
#map1 = affine_map<(d0, d1) -> (0, 0)>
module attributes {stable_mosaic.version = 14 : i64} {
  func.func @_embed_body(%arg0: i32, %arg1: i32, %arg2: memref<50176xi32, #tpu.memory_space<hbm>>, %arg3: memref<50176xi32, #tpu.memory_space<hbm>>, %arg4: memref<5000x32xf32, #tpu.memory_space<hbm>>, %arg5: memref<32x32xf32, #tpu.memory_space<hbm>>, %arg6: memref<50176x32xf32, #tpu.memory_space<hbm>>, %arg7: memref<50176x32xf32, #tpu.memory_space<hbm>>, %arg8: memref<112xi32, #tpu.memory_space<vmem>>, %arg9: memref<112xi32, #tpu.memory_space<vmem>>, %arg10: memref<112x32xf32, #tpu.memory_space<vmem>>, %arg11: memref<112x32xf32, #tpu.memory_space<vmem>>, %arg12: memref<!tpu.dma_semaphore, #tpu.memory_space<semaphore_mem>>) attributes {dimension_semantics = [#tpu.dimension_semantics<core_parallel>, #tpu.dimension_semantics<subcore_parallel>], iteration_bounds = array<i64: 2, 16>, scalar_prefetch = 0 : i64, scratch_operands = 5 : i64, tpu.core_type = #tpu.core_type<sc_vector_subcore>, window_params = [{transform_indices = #map}, {transform_indices = #map}, {transform_indices = #map1}, {transform_indices = #map1}, {transform_indices = #map1}, {transform_indices = #map1}]} {
    %mul3A = arith.constant 2 : i32
    %mul3A_0 = arith.muli %arg1, %mul3A : i32
    %add3A = arith.addi %mul3A_0, %arg0 : i32
    %mul3A_1 = arith.constant 1568 : i32
    %mul3A_2 = arith.muli %add3A, %mul3A_1 : i32
    %scan3A = arith.constant 0 : i32
    %scan3A_3 = arith.constant 0 : i32
    %scan3A_4 = arith.constant 14 : i32
    %scan3A_5 = arith.addi %scan3A_3, %scan3A_4 : i32
    %scan3A_6 = arith.constant 1 : i32
    scf.for %scan3A_8 = %scan3A_3 to %scan3A_5 step %scan3A_6  : i32 {
      %mul3A_9 = arith.constant 112 : i32
      %mul3A_10 = arith.muli %scan3A_8, %mul3A_9 : i32
      %add3A_11 = arith.addi %mul3A_2, %mul3A_10 : i32
      %multiple_of3A = tpu.assume_multiple %add3A_11, 8 : i32
      "tpu.region"() ({
        %run_scoped3A = tpu.sem_alloc : memref<!tpu.dma_semaphore, #tpu.memory_space<semaphore_mem>>
        %dma_start3A_22 = tpu.memref_slice %arg2[%multiple_of3A] : memref<50176xi32, #tpu.memory_space<hbm>> -> memref<112xi32, #tpu.memory_space<hbm>>
        %dma_start3A_23 = tpu.memref_slice %arg2[%multiple_of3A] : memref<50176xi32, #tpu.memory_space<hbm>> -> memref<112xi32, #tpu.memory_space<hbm>>
        tpu.enqueue_dma source(%dma_start3A_23 : memref<112xi32, #tpu.memory_space<hbm>>) target(%arg8 : memref<112xi32, #tpu.memory_space<vmem>>) target_semaphore(%run_scoped3A : memref<!tpu.dma_semaphore, #tpu.memory_space<semaphore_mem>>)
        %dma_wait3A_24 = tpu.memref_slice %arg2[%multiple_of3A] : memref<50176xi32, #tpu.memory_space<hbm>> -> memref<112xi32, #tpu.memory_space<hbm>>
        %dma_wait3A_25 = tpu.memref_slice %arg2[%multiple_of3A] : memref<50176xi32, #tpu.memory_space<hbm>> -> memref<112xi32, #tpu.memory_space<hbm>>
        tpu.wait_dma2 semaphore(%run_scoped3A : memref<!tpu.dma_semaphore, #tpu.memory_space<semaphore_mem>>) src(%dma_wait3A_25 : memref<112xi32, #tpu.memory_space<hbm>>) dst(%arg8 : memref<112xi32, #tpu.memory_space<vmem>>)
        tpu.yield
      }) : () -> ()
      "tpu.region"() ({
        %run_scoped3A = tpu.sem_alloc : memref<!tpu.dma_semaphore, #tpu.memory_space<semaphore_mem>>
        %dma_start3A_22 = tpu.memref_slice %arg3[%multiple_of3A] : memref<50176xi32, #tpu.memory_space<hbm>> -> memref<112xi32, #tpu.memory_space<hbm>>
        %dma_start3A_23 = tpu.memref_slice %arg3[%multiple_of3A] : memref<50176xi32, #tpu.memory_space<hbm>> -> memref<112xi32, #tpu.memory_space<hbm>>
        tpu.enqueue_dma source(%dma_start3A_23 : memref<112xi32, #tpu.memory_space<hbm>>) target(%arg9 : memref<112xi32, #tpu.memory_space<vmem>>) target_semaphore(%run_scoped3A : memref<!tpu.dma_semaphore, #tpu.memory_space<semaphore_mem>>)
        %dma_wait3A_24 = tpu.memref_slice %arg3[%multiple_of3A] : memref<50176xi32, #tpu.memory_space<hbm>> -> memref<112xi32, #tpu.memory_space<hbm>>
        %dma_wait3A_25 = tpu.memref_slice %arg3[%multiple_of3A] : memref<50176xi32, #tpu.memory_space<hbm>> -> memref<112xi32, #tpu.memory_space<hbm>>
        tpu.wait_dma2 semaphore(%run_scoped3A : memref<!tpu.dma_semaphore, #tpu.memory_space<semaphore_mem>>) src(%dma_wait3A_25 : memref<112xi32, #tpu.memory_space<hbm>>) dst(%arg9 : memref<112xi32, #tpu.memory_space<vmem>>)
        tpu.yield
      }) : () -> ()
      %dma_start3A = arith.constant 0 : i32
      %dma_start3A_12 = arith.constant 0 : i32
      %dma_start3A_13 = tpu.memref_slice %arg4[%dma_start3A, %dma_start3A_12] : memref<5000x32xf32, #tpu.memory_space<hbm>> -> memref<5000x32xf32, #tpu.memory_space<hbm>>
      tpu.enqueue_indirect_dma source(%dma_start3A_13 : memref<5000x32xf32, #tpu.memory_space<hbm>>) target(%arg10 : memref<112x32xf32, #tpu.memory_space<vmem>>) offsets(%arg8 : memref<112xi32, #tpu.memory_space<vmem>>) semaphore(%arg12 : memref<!tpu.dma_semaphore, #tpu.memory_space<semaphore_mem>>)
      %dma_wait3A = arith.constant 0 : i32
      %dma_wait3A_14 = arith.constant 0 : i32
      %dma_wait3A_15 = tpu.memref_slice %arg4[%dma_wait3A, %dma_wait3A_14] : memref<5000x32xf32, #tpu.memory_space<hbm>> -> memref<5000x32xf32, #tpu.memory_space<hbm>>
      tpu.wait_indirect_dma semaphore(%arg12 : memref<!tpu.dma_semaphore, #tpu.memory_space<semaphore_mem>>) src(%dma_wait3A_15 : memref<5000x32xf32, #tpu.memory_space<hbm>>) dst(%arg10 : memref<112x32xf32, #tpu.memory_space<vmem>>)
      %dma_start3A_16 = arith.constant 0 : i32
      %dma_start3A_17 = arith.constant 0 : i32
      %dma_start3A_18 = tpu.memref_slice %arg5[%dma_start3A_16, %dma_start3A_17] : memref<32x32xf32, #tpu.memory_space<hbm>> -> memref<32x32xf32, #tpu.memory_space<hbm>>
      tpu.enqueue_indirect_dma source(%dma_start3A_18 : memref<32x32xf32, #tpu.memory_space<hbm>>) target(%arg11 : memref<112x32xf32, #tpu.memory_space<vmem>>) offsets(%arg9 : memref<112xi32, #tpu.memory_space<vmem>>) semaphore(%arg12 : memref<!tpu.dma_semaphore, #tpu.memory_space<semaphore_mem>>)
      %dma_wait3A_19 = arith.constant 0 : i32
      %dma_wait3A_20 = arith.constant 0 : i32
      %dma_wait3A_21 = tpu.memref_slice %arg5[%dma_wait3A_19, %dma_wait3A_20] : memref<32x32xf32, #tpu.memory_space<hbm>> -> memref<32x32xf32, #tpu.memory_space<hbm>>
      tpu.wait_indirect_dma semaphore(%arg12 : memref<!tpu.dma_semaphore, #tpu.memory_space<semaphore_mem>>) src(%dma_wait3A_21 : memref<32x32xf32, #tpu.memory_space<hbm>>) dst(%arg11 : memref<112x32xf32, #tpu.memory_space<vmem>>)
      "tpu.region"() ({
        %run_scoped3A = tpu.sem_alloc : memref<!tpu.dma_semaphore, #tpu.memory_space<semaphore_mem>>
        %dma_start3A_22 = arith.constant 0 : i32
        %dma_start3A_23 = tpu.memref_slice %arg6[%multiple_of3A, %dma_start3A_22] : memref<50176x32xf32, #tpu.memory_space<hbm>> -> memref<112x32xf32, #tpu.memory_space<hbm>>
        %dma_start3A_24 = arith.constant 0 : i32
        %dma_start3A_25 = tpu.memref_slice %arg6[%multiple_of3A, %dma_start3A_24] : memref<50176x32xf32, #tpu.memory_space<hbm>> -> memref<112x32xf32, #tpu.memory_space<hbm>>
        tpu.enqueue_dma source(%arg10 : memref<112x32xf32, #tpu.memory_space<vmem>>) target(%dma_start3A_25 : memref<112x32xf32, #tpu.memory_space<hbm>>) target_semaphore(%run_scoped3A : memref<!tpu.dma_semaphore, #tpu.memory_space<semaphore_mem>>)
        %dma_wait3A_26 = arith.constant 0 : i32
        %dma_wait3A_27 = tpu.memref_slice %arg6[%multiple_of3A, %dma_wait3A_26] : memref<50176x32xf32, #tpu.memory_space<hbm>> -> memref<112x32xf32, #tpu.memory_space<hbm>>
        %dma_wait3A_28 = arith.constant 0 : i32
        %dma_wait3A_29 = tpu.memref_slice %arg6[%multiple_of3A, %dma_wait3A_28] : memref<50176x32xf32, #tpu.memory_space<hbm>> -> memref<112x32xf32, #tpu.memory_space<hbm>>
        tpu.wait_dma2 semaphore(%run_scoped3A : memref<!tpu.dma_semaphore, #tpu.memory_space<semaphore_mem>>) src(%arg10 : memref<112x32xf32, #tpu.memory_space<vmem>>) dst(%dma_wait3A_29 : memref<112x32xf32, #tpu.memory_space<hbm>>)
        tpu.yield
      }) : () -> ()
      "tpu.region"() ({
        %run_scoped3A = tpu.sem_alloc : memref<!tpu.dma_semaphore, #tpu.memory_space<semaphore_mem>>
        %dma_start3A_22 = arith.constant 0 : i32
        %dma_start3A_23 = tpu.memref_slice %arg7[%multiple_of3A, %dma_start3A_22] : memref<50176x32xf32, #tpu.memory_space<hbm>> -> memref<112x32xf32, #tpu.memory_space<hbm>>
        %dma_start3A_24 = arith.constant 0 : i32
        %dma_start3A_25 = tpu.memref_slice %arg7[%multiple_of3A, %dma_start3A_24] : memref<50176x32xf32, #tpu.memory_space<hbm>> -> memref<112x32xf32, #tpu.memory_space<hbm>>
        tpu.enqueue_dma source(%arg11 : memref<112x32xf32, #tpu.memory_space<vmem>>) target(%dma_start3A_25 : memref<112x32xf32, #tpu.memory_space<hbm>>) target_semaphore(%run_scoped3A : memref<!tpu.dma_semaphore, #tpu.memory_space<semaphore_mem>>)
        %dma_wait3A_26 = arith.constant 0 : i32
        %dma_wait3A_27 = tpu.memref_slice %arg7[%multiple_of3A, %dma_wait3A_26] : memref<50176x32xf32, #tpu.memory_space<hbm>> -> memref<112x32xf32, #tpu.memory_space<hbm>>
        %dma_wait3A_28 = arith.constant 0 : i32
        %dma_wait3A_29 = tpu.memref_slice %arg7[%multiple_of3A, %dma_wait3A_28] : memref<50176x32xf32, #tpu.memory_space<hbm>> -> memref<112x32xf32, #tpu.memory_space<hbm>>
        tpu.wait_dma2 semaphore(%run_scoped3A : memref<!tpu.dma_semaphore, #tpu.memory_space<semaphore_mem>>) src(%arg11 : memref<112x32xf32, #tpu.memory_space<vmem>>) dst(%dma_wait3A_29 : memref<112x32xf32, #tpu.memory_space<hbm>>)
        tpu.yield
      }) : () -> ()
    }
    %scan3A_7 = arith.constant 14 : i32
    return
  }
}

#map = affine_map<(d0, d1) -> (0)>
#map1 = affine_map<(d0, d1) -> (0, 0)>
module attributes {stable_mosaic.version = 14 : i64} {
  func.func @_phase1_body(%arg0: i32, %arg1: i32, %arg2: memref<802816xi32, #tpu.memory_space<hbm>>, %arg3: memref<802816xi32, #tpu.memory_space<hbm>>, %arg4: memref<802816xi32, #tpu.memory_space<hbm>>, %arg5: memref<50000x64xf32, #tpu.memory_space<hbm>>, %arg6: memref<50000x128xf32, #tpu.memory_space<hbm>>, %arg7: memref<128x64xf32, #tpu.memory_space<hbm>>, %arg8: memref<802816x64xf32, #tpu.memory_space<hbm>>, %arg9: memref<802816x16xf32, #tpu.memory_space<hbm>>, %arg10: memref<128xi32, #tpu.memory_space<vmem>>, %arg11: memref<128xi32, #tpu.memory_space<vmem>>, %arg12: memref<128xi32, #tpu.memory_space<vmem>>, %arg13: memref<128x64xf32, #tpu.memory_space<vmem>>, %arg14: memref<128x128xf32, #tpu.memory_space<vmem>>, %arg15: memref<128x64xf32, #tpu.memory_space<vmem>>, %arg16: memref<128x64xf32, #tpu.memory_space<vmem>>, %arg17: memref<128x16xf32, #tpu.memory_space<vmem>>, %arg18: memref<!tpu.dma_semaphore, #tpu.memory_space<semaphore_mem>>, %arg19: memref<128xi32, #tpu.memory_space<vmem>>, %arg20: memref<128xi32, #tpu.memory_space<vmem>>, %arg21: memref<128xi32, #tpu.memory_space<vmem>>, %arg22: memref<128x64xf32, #tpu.memory_space<vmem>>, %arg23: memref<128x128xf32, #tpu.memory_space<vmem>>, %arg24: memref<128x64xf32, #tpu.memory_space<vmem>>, %arg25: memref<128x64xf32, #tpu.memory_space<vmem>>, %arg26: memref<128x16xf32, #tpu.memory_space<vmem>>, %arg27: memref<!tpu.dma_semaphore, #tpu.memory_space<semaphore_mem>>) attributes {dimension_semantics = [#tpu.dimension_semantics<core_parallel>, #tpu.dimension_semantics<subcore_parallel>], iteration_bounds = array<i64: 2, 16>, scalar_prefetch = 0 : i64, scratch_operands = 18 : i64, tpu.core_type = #tpu.core_type<sc_vector_subcore>, window_params = [{transform_indices = #map}, {transform_indices = #map}, {transform_indices = #map}, {transform_indices = #map1}, {transform_indices = #map1}, {transform_indices = #map1}, {transform_indices = #map1}, {transform_indices = #map1}]} {
    %mul3A = arith.constant 2 : i32
    %mul3A_0 = arith.muli %arg1, %mul3A : i32
    %add3A = arith.addi %mul3A_0, %arg0 : i32
    %mul3A_1 = arith.constant 25088 : i32
    %mul3A_2 = arith.muli %add3A, %mul3A_1 : i32
    %iota3A = tpu.iota {dimensions = array<i32: 0>} : vector<16xi32>
    %min3A = arith.constant 1 : i32
    %min3A_3 = vector.broadcast %min3A : i32 to vector<16xi32>
    %min3A_4 = arith.minsi %iota3A, %min3A_3 : vector<16xi32>
    %sub3A = arith.constant 1 : i32
    %sub3A_5 = vector.broadcast %sub3A : i32 to vector<16xi32>
    %sub3A_6 = arith.subi %sub3A_5, %min3A_4 : vector<16xi32>
    %convert_element_type3A = arith.sitofp %sub3A_6 : vector<16xi32> to vector<16xf32>
    %add3A_7 = arith.constant 0 : i32
    %add3A_8 = arith.addi %mul3A_2, %add3A_7 : i32
    %multiple_of3A = tpu.assume_multiple %add3A_8, 8 : i32
    "tpu.region"() ({
      %run_scoped3A = tpu.sem_alloc : memref<!tpu.dma_semaphore, #tpu.memory_space<semaphore_mem>>
      %dma_start3A_22 = tpu.memref_slice %arg2[%multiple_of3A] : memref<802816xi32, #tpu.memory_space<hbm>> -> memref<128xi32, #tpu.memory_space<hbm>>
      %dma_start3A_23 = tpu.memref_slice %arg2[%multiple_of3A] : memref<802816xi32, #tpu.memory_space<hbm>> -> memref<128xi32, #tpu.memory_space<hbm>>
      tpu.enqueue_dma source(%dma_start3A_23 : memref<128xi32, #tpu.memory_space<hbm>>) target(%arg10 : memref<128xi32, #tpu.memory_space<vmem>>) target_semaphore(%run_scoped3A : memref<!tpu.dma_semaphore, #tpu.memory_space<semaphore_mem>>)
      %dma_wait3A = tpu.memref_slice %arg2[%multiple_of3A] : memref<802816xi32, #tpu.memory_space<hbm>> -> memref<128xi32, #tpu.memory_space<hbm>>
      %dma_wait3A_24 = tpu.memref_slice %arg2[%multiple_of3A] : memref<802816xi32, #tpu.memory_space<hbm>> -> memref<128xi32, #tpu.memory_space<hbm>>
      tpu.wait_dma2 semaphore(%run_scoped3A : memref<!tpu.dma_semaphore, #tpu.memory_space<semaphore_mem>>) src(%dma_wait3A_24 : memref<128xi32, #tpu.memory_space<hbm>>) dst(%arg10 : memref<128xi32, #tpu.memory_space<vmem>>)
      tpu.yield
    }) : () -> ()
    "tpu.region"() ({
      %run_scoped3A = tpu.sem_alloc : memref<!tpu.dma_semaphore, #tpu.memory_space<semaphore_mem>>
      %dma_start3A_22 = tpu.memref_slice %arg3[%multiple_of3A] : memref<802816xi32, #tpu.memory_space<hbm>> -> memref<128xi32, #tpu.memory_space<hbm>>
      %dma_start3A_23 = tpu.memref_slice %arg3[%multiple_of3A] : memref<802816xi32, #tpu.memory_space<hbm>> -> memref<128xi32, #tpu.memory_space<hbm>>
      tpu.enqueue_dma source(%dma_start3A_23 : memref<128xi32, #tpu.memory_space<hbm>>) target(%arg11 : memref<128xi32, #tpu.memory_space<vmem>>) target_semaphore(%run_scoped3A : memref<!tpu.dma_semaphore, #tpu.memory_space<semaphore_mem>>)
      %dma_wait3A = tpu.memref_slice %arg3[%multiple_of3A] : memref<802816xi32, #tpu.memory_space<hbm>> -> memref<128xi32, #tpu.memory_space<hbm>>
      %dma_wait3A_24 = tpu.memref_slice %arg3[%multiple_of3A] : memref<802816xi32, #tpu.memory_space<hbm>> -> memref<128xi32, #tpu.memory_space<hbm>>
      tpu.wait_dma2 semaphore(%run_scoped3A : memref<!tpu.dma_semaphore, #tpu.memory_space<semaphore_mem>>) src(%dma_wait3A_24 : memref<128xi32, #tpu.memory_space<hbm>>) dst(%arg11 : memref<128xi32, #tpu.memory_space<vmem>>)
      tpu.yield
    }) : () -> ()
    "tpu.region"() ({
      %run_scoped3A = tpu.sem_alloc : memref<!tpu.dma_semaphore, #tpu.memory_space<semaphore_mem>>
      %dma_start3A_22 = tpu.memref_slice %arg4[%multiple_of3A] : memref<802816xi32, #tpu.memory_space<hbm>> -> memref<128xi32, #tpu.memory_space<hbm>>
      %dma_start3A_23 = tpu.memref_slice %arg4[%multiple_of3A] : memref<802816xi32, #tpu.memory_space<hbm>> -> memref<128xi32, #tpu.memory_space<hbm>>
      tpu.enqueue_dma source(%dma_start3A_23 : memref<128xi32, #tpu.memory_space<hbm>>) target(%arg12 : memref<128xi32, #tpu.memory_space<vmem>>) target_semaphore(%run_scoped3A : memref<!tpu.dma_semaphore, #tpu.memory_space<semaphore_mem>>)
      %dma_wait3A = tpu.memref_slice %arg4[%multiple_of3A] : memref<802816xi32, #tpu.memory_space<hbm>> -> memref<128xi32, #tpu.memory_space<hbm>>
      %dma_wait3A_24 = tpu.memref_slice %arg4[%multiple_of3A] : memref<802816xi32, #tpu.memory_space<hbm>> -> memref<128xi32, #tpu.memory_space<hbm>>
      tpu.wait_dma2 semaphore(%run_scoped3A : memref<!tpu.dma_semaphore, #tpu.memory_space<semaphore_mem>>) src(%dma_wait3A_24 : memref<128xi32, #tpu.memory_space<hbm>>) dst(%arg12 : memref<128xi32, #tpu.memory_space<vmem>>)
      tpu.yield
    }) : () -> ()
    %dma_start3A = arith.constant 0 : i32
    %dma_start3A_9 = arith.constant 0 : i32
    %dma_start3A_10 = tpu.memref_slice %arg5[%dma_start3A, %dma_start3A_9] : memref<50000x64xf32, #tpu.memory_space<hbm>> -> memref<50000x64xf32, #tpu.memory_space<hbm>>
    tpu.enqueue_indirect_dma source(%dma_start3A_10 : memref<50000x64xf32, #tpu.memory_space<hbm>>) target(%arg13 : memref<128x64xf32, #tpu.memory_space<vmem>>) offsets(%arg10 : memref<128xi32, #tpu.memory_space<vmem>>) semaphore(%arg18 : memref<!tpu.dma_semaphore, #tpu.memory_space<semaphore_mem>>)
    %dma_start3A_11 = arith.constant 0 : i32
    %dma_start3A_12 = arith.constant 0 : i32
    %dma_start3A_13 = tpu.memref_slice %arg6[%dma_start3A_11, %dma_start3A_12] : memref<50000x128xf32, #tpu.memory_space<hbm>> -> memref<50000x128xf32, #tpu.memory_space<hbm>>
    tpu.enqueue_indirect_dma source(%dma_start3A_13 : memref<50000x128xf32, #tpu.memory_space<hbm>>) target(%arg14 : memref<128x128xf32, #tpu.memory_space<vmem>>) offsets(%arg11 : memref<128xi32, #tpu.memory_space<vmem>>) semaphore(%arg18 : memref<!tpu.dma_semaphore, #tpu.memory_space<semaphore_mem>>)
    %dma_start3A_14 = arith.constant 0 : i32
    %dma_start3A_15 = arith.constant 0 : i32
    %dma_start3A_16 = tpu.memref_slice %arg7[%dma_start3A_14, %dma_start3A_15] : memref<128x64xf32, #tpu.memory_space<hbm>> -> memref<128x64xf32, #tpu.memory_space<hbm>>
    tpu.enqueue_indirect_dma source(%dma_start3A_16 : memref<128x64xf32, #tpu.memory_space<hbm>>) target(%arg15 : memref<128x64xf32, #tpu.memory_space<vmem>>) offsets(%arg12 : memref<128xi32, #tpu.memory_space<vmem>>) semaphore(%arg18 : memref<!tpu.dma_semaphore, #tpu.memory_space<semaphore_mem>>)
    %scan3A = arith.constant 0 : i32
    %scan3A_17 = arith.constant 0 : i32
    %scan3A_18 = arith.constant 98 : i32
    %scan3A_19 = arith.addi %scan3A_17, %scan3A_18 : i32
    %scan3A_20 = arith.constant 1 : i32
    scf.for %scan3A_22 = %scan3A_17 to %scan3A_19 step %scan3A_20  : i32 {
      %mul3A_23 = arith.constant 2 : i32
      %mul3A_24 = arith.muli %mul3A_23, %scan3A_22 : i32
      %mul3A_25 = arith.constant 2 : i32
      %mul3A_26 = arith.muli %mul3A_25, %scan3A_22 : i32
      %add3A_27 = arith.constant 1 : i32
      %add3A_28 = arith.addi %mul3A_26, %add3A_27 : i32
      %mul3A_29 = arith.constant 128 : i32
      %mul3A_30 = arith.muli %add3A_28, %mul3A_29 : i32
      %add3A_31 = arith.addi %mul3A_2, %mul3A_30 : i32
      %multiple_of3A_32 = tpu.assume_multiple %add3A_31, 8 : i32
      "tpu.region"() ({
        %run_scoped3A = tpu.sem_alloc : memref<!tpu.dma_semaphore, #tpu.memory_space<semaphore_mem>>
        %dma_start3A_84 = tpu.memref_slice %arg2[%multiple_of3A_32] : memref<802816xi32, #tpu.memory_space<hbm>> -> memref<128xi32, #tpu.memory_space<hbm>>
        %dma_start3A_85 = tpu.memref_slice %arg2[%multiple_of3A_32] : memref<802816xi32, #tpu.memory_space<hbm>> -> memref<128xi32, #tpu.memory_space<hbm>>
        tpu.enqueue_dma source(%dma_start3A_85 : memref<128xi32, #tpu.memory_space<hbm>>) target(%arg19 : memref<128xi32, #tpu.memory_space<vmem>>) target_semaphore(%run_scoped3A : memref<!tpu.dma_semaphore, #tpu.memory_space<semaphore_mem>>)
        %dma_wait3A_86 = tpu.memref_slice %arg2[%multiple_of3A_32] : memref<802816xi32, #tpu.memory_space<hbm>> -> memref<128xi32, #tpu.memory_space<hbm>>
        %dma_wait3A_87 = tpu.memref_slice %arg2[%multiple_of3A_32] : memref<802816xi32, #tpu.memory_space<hbm>> -> memref<128xi32, #tpu.memory_space<hbm>>
        tpu.wait_dma2 semaphore(%run_scoped3A : memref<!tpu.dma_semaphore, #tpu.memory_space<semaphore_mem>>) src(%dma_wait3A_87 : memref<128xi32, #tpu.memory_space<hbm>>) dst(%arg19 : memref<128xi32, #tpu.memory_space<vmem>>)
        tpu.yield
      }) : () -> ()
      "tpu.region"() ({
        %run_scoped3A = tpu.sem_alloc : memref<!tpu.dma_semaphore, #tpu.memory_space<semaphore_mem>>
        %dma_start3A_84 = tpu.memref_slice %arg3[%multiple_of3A_32] : memref<802816xi32, #tpu.memory_space<hbm>> -> memref<128xi32, #tpu.memory_space<hbm>>
        %dma_start3A_85 = tpu.memref_slice %arg3[%multiple_of3A_32] : memref<802816xi32, #tpu.memory_space<hbm>> -> memref<128xi32, #tpu.memory_space<hbm>>
        tpu.enqueue_dma source(%dma_start3A_85 : memref<128xi32, #tpu.memory_space<hbm>>) target(%arg20 : memref<128xi32, #tpu.memory_space<vmem>>) target_semaphore(%run_scoped3A : memref<!tpu.dma_semaphore, #tpu.memory_space<semaphore_mem>>)
        %dma_wait3A_86 = tpu.memref_slice %arg3[%multiple_of3A_32] : memref<802816xi32, #tpu.memory_space<hbm>> -> memref<128xi32, #tpu.memory_space<hbm>>
        %dma_wait3A_87 = tpu.memref_slice %arg3[%multiple_of3A_32] : memref<802816xi32, #tpu.memory_space<hbm>> -> memref<128xi32, #tpu.memory_space<hbm>>
        tpu.wait_dma2 semaphore(%run_scoped3A : memref<!tpu.dma_semaphore, #tpu.memory_space<semaphore_mem>>) src(%dma_wait3A_87 : memref<128xi32, #tpu.memory_space<hbm>>) dst(%arg20 : memref<128xi32, #tpu.memory_space<vmem>>)
        tpu.yield
      }) : () -> ()
      "tpu.region"() ({
        %run_scoped3A = tpu.sem_alloc : memref<!tpu.dma_semaphore, #tpu.memory_space<semaphore_mem>>
        %dma_start3A_84 = tpu.memref_slice %arg4[%multiple_of3A_32] : memref<802816xi32, #tpu.memory_space<hbm>> -> memref<128xi32, #tpu.memory_space<hbm>>
        %dma_start3A_85 = tpu.memref_slice %arg4[%multiple_of3A_32] : memref<802816xi32, #tpu.memory_space<hbm>> -> memref<128xi32, #tpu.memory_space<hbm>>
        tpu.enqueue_dma source(%dma_start3A_85 : memref<128xi32, #tpu.memory_space<hbm>>) target(%arg21 : memref<128xi32, #tpu.memory_space<vmem>>) target_semaphore(%run_scoped3A : memref<!tpu.dma_semaphore, #tpu.memory_space<semaphore_mem>>)
        %dma_wait3A_86 = tpu.memref_slice %arg4[%multiple_of3A_32] : memref<802816xi32, #tpu.memory_space<hbm>> -> memref<128xi32, #tpu.memory_space<hbm>>
        %dma_wait3A_87 = tpu.memref_slice %arg4[%multiple_of3A_32] : memref<802816xi32, #tpu.memory_space<hbm>> -> memref<128xi32, #tpu.memory_space<hbm>>
        tpu.wait_dma2 semaphore(%run_scoped3A : memref<!tpu.dma_semaphore, #tpu.memory_space<semaphore_mem>>) src(%dma_wait3A_87 : memref<128xi32, #tpu.memory_space<hbm>>) dst(%arg21 : memref<128xi32, #tpu.memory_space<vmem>>)
        tpu.yield
      }) : () -> ()
      %dma_start3A_33 = arith.constant 0 : i32
      %dma_start3A_34 = arith.constant 0 : i32
      %dma_start3A_35 = tpu.memref_slice %arg5[%dma_start3A_33, %dma_start3A_34] : memref<50000x64xf32, #tpu.memory_space<hbm>> -> memref<50000x64xf32, #tpu.memory_space<hbm>>
      tpu.enqueue_indirect_dma source(%dma_start3A_35 : memref<50000x64xf32, #tpu.memory_space<hbm>>) target(%arg22 : memref<128x64xf32, #tpu.memory_space<vmem>>) offsets(%arg19 : memref<128xi32, #tpu.memory_space<vmem>>) semaphore(%arg27 : memref<!tpu.dma_semaphore, #tpu.memory_space<semaphore_mem>>)
      %dma_start3A_36 = arith.constant 0 : i32
      %dma_start3A_37 = arith.constant 0 : i32
      %dma_start3A_38 = tpu.memref_slice %arg6[%dma_start3A_36, %dma_start3A_37] : memref<50000x128xf32, #tpu.memory_space<hbm>> -> memref<50000x128xf32, #tpu.memory_space<hbm>>
      tpu.enqueue_indirect_dma source(%dma_start3A_38 : memref<50000x128xf32, #tpu.memory_space<hbm>>) target(%arg23 : memref<128x128xf32, #tpu.memory_space<vmem>>) offsets(%arg20 : memref<128xi32, #tpu.memory_space<vmem>>) semaphore(%arg27 : memref<!tpu.dma_semaphore, #tpu.memory_space<semaphore_mem>>)
      %dma_start3A_39 = arith.constant 0 : i32
      %dma_start3A_40 = arith.constant 0 : i32
      %dma_start3A_41 = tpu.memref_slice %arg7[%dma_start3A_39, %dma_start3A_40] : memref<128x64xf32, #tpu.memory_space<hbm>> -> memref<128x64xf32, #tpu.memory_space<hbm>>
      tpu.enqueue_indirect_dma source(%dma_start3A_41 : memref<128x64xf32, #tpu.memory_space<hbm>>) target(%arg24 : memref<128x64xf32, #tpu.memory_space<vmem>>) offsets(%arg21 : memref<128xi32, #tpu.memory_space<vmem>>) semaphore(%arg27 : memref<!tpu.dma_semaphore, #tpu.memory_space<semaphore_mem>>)
      %dma_wait3A = arith.constant 0 : i32
      %dma_wait3A_42 = arith.constant 0 : i32
      %dma_wait3A_43 = tpu.memref_slice %arg5[%dma_wait3A, %dma_wait3A_42] : memref<50000x64xf32, #tpu.memory_space<hbm>> -> memref<50000x64xf32, #tpu.memory_space<hbm>>
      tpu.wait_indirect_dma semaphore(%arg18 : memref<!tpu.dma_semaphore, #tpu.memory_space<semaphore_mem>>) src(%dma_wait3A_43 : memref<50000x64xf32, #tpu.memory_space<hbm>>) dst(%arg13 : memref<128x64xf32, #tpu.memory_space<vmem>>)
      %dma_wait3A_44 = arith.constant 0 : i32
      %dma_wait3A_45 = arith.constant 0 : i32
      %dma_wait3A_46 = tpu.memref_slice %arg6[%dma_wait3A_44, %dma_wait3A_45] : memref<50000x128xf32, #tpu.memory_space<hbm>> -> memref<50000x128xf32, #tpu.memory_space<hbm>>
      tpu.wait_indirect_dma semaphore(%arg18 : memref<!tpu.dma_semaphore, #tpu.memory_space<semaphore_mem>>) src(%dma_wait3A_46 : memref<50000x128xf32, #tpu.memory_space<hbm>>) dst(%arg14 : memref<128x128xf32, #tpu.memory_space<vmem>>)
      %dma_wait3A_47 = arith.constant 0 : i32
      %dma_wait3A_48 = arith.constant 0 : i32
      %dma_wait3A_49 = tpu.memref_slice %arg7[%dma_wait3A_47, %dma_wait3A_48] : memref<128x64xf32, #tpu.memory_space<hbm>> -> memref<128x64xf32, #tpu.memory_space<hbm>>
      tpu.wait_indirect_dma semaphore(%arg18 : memref<!tpu.dma_semaphore, #tpu.memory_space<semaphore_mem>>) src(%dma_wait3A_49 : memref<128x64xf32, #tpu.memory_space<hbm>>) dst(%arg15 : memref<128x64xf32, #tpu.memory_space<vmem>>)
      %scan3A_50 = arith.constant 0 : i32
      %scan3A_51 = arith.constant 0 : i32
      %scan3A_52 = arith.constant 32 : i32
      %scan3A_53 = arith.addi %scan3A_51, %scan3A_52 : i32
      %scan3A_54 = arith.constant 1 : i32
      scf.for %scan3A_84 = %scan3A_51 to %scan3A_53 step %scan3A_54  : i32 {
        %mul3A_85 = arith.constant 4 : i32
        %mul3A_86 = arith.muli %scan3A_84, %mul3A_85 : i32
        %add3A_87 = arith.constant 0 : i32
        %add3A_88 = arith.addi %mul3A_86, %add3A_87 : i32
        %broadcast_in_dim3A = arith.constant 0.000000e+00 : f32
        %broadcast_in_dim3A_89 = vector.broadcast %broadcast_in_dim3A : f32 to vector<16xf32>
        %get3A = arith.index_cast %add3A_88 : i32 to index
        %get3A_90 = arith.constant 0 : index
        %get3A_91 = tpu.vector_load %arg13[%get3A, %get3A_90] {strides = array<i32>} : memref<128x64xf32, #tpu.memory_space<vmem>>, vector<16xf32>,
        %get3A_92 = arith.index_cast %add3A_88 : i32 to index
        %get3A_93 = arith.constant 0 : index
        %get3A_94 = tpu.vector_load %arg14[%get3A_92, %get3A_93] {strides = array<i32>} : memref<128x128xf32, #tpu.memory_space<vmem>>, vector<16xf32>,
        %get3A_95 = arith.index_cast %add3A_88 : i32 to index
        %get3A_96 = arith.constant 0 : index
        %get3A_97 = tpu.vector_load %arg15[%get3A_95, %get3A_96] {strides = array<i32>} : memref<128x64xf32, #tpu.memory_space<vmem>>, vector<16xf32>,
        %add3A_98 = arith.addf %get3A_94, %get3A_97 : vector<16xf32>
        %mul3A_99 = arith.mulf %get3A_91, %add3A_98 : vector<16xf32>
        %add3A_100 = arith.addf %broadcast_in_dim3A_89, %mul3A_99 : vector<16xf32>
        %get3A_101 = arith.index_cast %add3A_88 : i32 to index
        %get3A_102 = arith.constant 16 : index
        %get3A_103 = tpu.vector_load %arg13[%get3A_101, %get3A_102] {strides = array<i32>} : memref<128x64xf32, #tpu.memory_space<vmem>>, vector<16xf32>,
        %get3A_104 = arith.index_cast %add3A_88 : i32 to index
        %get3A_105 = arith.constant 16 : index
        %get3A_106 = tpu.vector_load %arg14[%get3A_104, %get3A_105] {strides = array<i32>} : memref<128x128xf32, #tpu.memory_space<vmem>>, vector<16xf32>,
        %get3A_107 = arith.index_cast %add3A_88 : i32 to index
        %get3A_108 = arith.constant 16 : index
        %get3A_109 = tpu.vector_load %arg15[%get3A_107, %get3A_108] {strides = array<i32>} : memref<128x64xf32, #tpu.memory_space<vmem>>, vector<16xf32>,
        %add3A_110 = arith.addf %get3A_106, %get3A_109 : vector<16xf32>
        %mul3A_111 = arith.mulf %get3A_103, %add3A_110 : vector<16xf32>
        %add3A_112 = arith.addf %add3A_100, %mul3A_111 : vector<16xf32>
        %get3A_113 = arith.index_cast %add3A_88 : i32 to index
        %get3A_114 = arith.constant 32 : index
        %get3A_115 = tpu.vector_load %arg13[%get3A_113, %get3A_114] {strides = array<i32>} : memref<128x64xf32, #tpu.memory_space<vmem>>, vector<16xf32>,
        %get3A_116 = arith.index_cast %add3A_88 : i32 to index
        %get3A_117 = arith.constant 32 : index
        %get3A_118 = tpu.vector_load %arg14[%get3A_116, %get3A_117] {strides = array<i32>} : memref<128x128xf32, #tpu.memory_space<vmem>>, vector<16xf32>,
        %get3A_119 = arith.index_cast %add3A_88 : i32 to index
        %get3A_120 = arith.constant 32 : index
        %get3A_121 = tpu.vector_load %arg15[%get3A_119, %get3A_120] {strides = array<i32>} : memref<128x64xf32, #tpu.memory_space<vmem>>, vector<16xf32>,
        %add3A_122 = arith.addf %get3A_118, %get3A_121 : vector<16xf32>
        %mul3A_123 = arith.mulf %get3A_115, %add3A_122 : vector<16xf32>
        %add3A_124 = arith.addf %add3A_112, %mul3A_123 : vector<16xf32>
        %get3A_125 = arith.index_cast %add3A_88 : i32 to index
        %get3A_126 = arith.constant 48 : index
        %get3A_127 = tpu.vector_load %arg13[%get3A_125, %get3A_126] {strides = array<i32>} : memref<128x64xf32, #tpu.memory_space<vmem>>, vector<16xf32>,
        %get3A_128 = arith.index_cast %add3A_88 : i32 to index
        %get3A_129 = arith.constant 48 : index
        %get3A_130 = tpu.vector_load %arg14[%get3A_128, %get3A_129] {strides = array<i32>} : memref<128x128xf32, #tpu.memory_space<vmem>>, vector<16xf32>,
        %get3A_131 = arith.index_cast %add3A_88 : i32 to index
        %get3A_132 = arith.constant 48 : index
        %get3A_133 = tpu.vector_load %arg15[%get3A_131, %get3A_132] {strides = array<i32>} : memref<128x64xf32, #tpu.memory_space<vmem>>, vector<16xf32>,
        %add3A_134 = arith.addf %get3A_130, %get3A_133 : vector<16xf32>
        %mul3A_135 = arith.mulf %get3A_127, %add3A_134 : vector<16xf32>
        %add3A_136 = arith.addf %add3A_124, %mul3A_135 : vector<16xf32>
        %mul3A_137 = arith.constant 1.250000e-01 : f32
        %mul3A_138 = vector.broadcast %mul3A_137 : f32 to vector<16xf32>
        %mul3A_139 = arith.mulf %add3A_136, %mul3A_138 : vector<16xf32>
        %reduce_sum3A = arith.constant true
        %reduce_sum3A_140 = vector.broadcast %reduce_sum3A : i1 to vector<16xi1>
        %reduce_sum3A_141 = tpu.scan <sum>, %mul3A_139 masked %reduce_sum3A_140 : vector<16xf32>, vector<16xi1> -> vector<16xf32>
        %reduce_sum3A_142 = vector.extract %reduce_sum3A_141[15] : f32 from vector<16xf32>
        %broadcast_in_dim3A_143 = vector.broadcast %reduce_sum3A_142 : f32 to vector<16xf32>
        %exp3A = math.exp %broadcast_in_dim3A_143 : vector<16xf32>
        %get3A_144 = arith.index_cast %add3A_88 : i32 to index
        %get3A_145 = arith.constant 64 : index
        %get3A_146 = tpu.vector_load %arg14[%get3A_144, %get3A_145] {strides = array<i32>} : memref<128x128xf32, #tpu.memory_space<vmem>>, vector<16xf32>,
        %get3A_147 = arith.index_cast %add3A_88 : i32 to index
        %get3A_148 = arith.constant 0 : index
        %get3A_149 = tpu.vector_load %arg15[%get3A_147, %get3A_148] {strides = array<i32>} : memref<128x64xf32, #tpu.memory_space<vmem>>, vector<16xf32>,
        %add3A_150 = arith.addf %get3A_146, %get3A_149 : vector<16xf32>
        %mul3A_151 = arith.mulf %exp3A, %add3A_150 : vector<16xf32>
        %swap3A = arith.index_cast %add3A_88 : i32 to index
        %swap3A_152 = arith.constant 0 : index
        %swap3A_153 = tpu.vector_load %arg16[%swap3A, %swap3A_152] {strides = array<i32>} : memref<128x64xf32, #tpu.memory_space<vmem>>, vector<16xf32>,
        tpu.vector_store %arg16[%swap3A, %swap3A_152], %mul3A_151 {strides = array<i32>} : memref<128x64xf32, #tpu.memory_space<vmem>>, vector<16xf32>,
        %get3A_154 = arith.index_cast %add3A_88 : i32 to index
        %get3A_155 = arith.constant 80 : index
        %get3A_156 = tpu.vector_load %arg14[%get3A_154, %get3A_155] {strides = array<i32>} : memref<128x128xf32, #tpu.memory_space<vmem>>, vector<16xf32>,
        %get3A_157 = arith.index_cast %add3A_88 : i32 to index
        %get3A_158 = arith.constant 16 : index
        %get3A_159 = tpu.vector_load %arg15[%get3A_157, %get3A_158] {strides = array<i32>} : memref<128x64xf32, #tpu.memory_space<vmem>>, vector<16xf32>,
        %add3A_160 = arith.addf %get3A_156, %get3A_159 : vector<16xf32>
        %mul3A_161 = arith.mulf %exp3A, %add3A_160 : vector<16xf32>
        %swap3A_162 = arith.index_cast %add3A_88 : i32 to index
        %swap3A_163 = arith.constant 16 : index
        %swap3A_164 = tpu.vector_load %arg16[%swap3A_162, %swap3A_163] {strides = array<i32>} : memref<128x64xf32, #tpu.memory_space<vmem>>, vector<16xf32>,
        tpu.vector_store %arg16[%swap3A_162, %swap3A_163], %mul3A_161 {strides = array<i32>} : memref<128x64xf32, #tpu.memory_space<vmem>>, vector<16xf32>,
        %get3A_165 = arith.index_cast %add3A_88 : i32 to index
        %get3A_166 = arith.constant 96 : index
        %get3A_167 = tpu.vector_load %arg14[%get3A_165, %get3A_166] {strides = array<i32>} : memref<128x128xf32, #tpu.memory_space<vmem>>, vector<16xf32>,
        %get3A_168 = arith.index_cast %add3A_88 : i32 to index
        %get3A_169 = arith.constant 32 : index
        %get3A_170 = tpu.vector_load %arg15[%get3A_168, %get3A_169] {strides = array<i32>} : memref<128x64xf32, #tpu.memory_space<vmem>>, vector<16xf32>,
        %add3A_171 = arith.addf %get3A_167, %get3A_170 : vector<16xf32>
        %mul3A_172 = arith.mulf %exp3A, %add3A_171 : vector<16xf32>
        %swap3A_173 = arith.index_cast %add3A_88 : i32 to index
        %swap3A_174 = arith.constant 32 : index
        %swap3A_175 = tpu.vector_load %arg16[%swap3A_173, %swap3A_174] {strides = array<i32>} : memref<128x64xf32, #tpu.memory_space<vmem>>, vector<16xf32>,
        tpu.vector_store %arg16[%swap3A_173, %swap3A_174], %mul3A_172 {strides = array<i32>} : memref<128x64xf32, #tpu.memory_space<vmem>>, vector<16xf32>,
        %get3A_176 = arith.index_cast %add3A_88 : i32 to index
        %get3A_177 = arith.constant 112 : index
        %get3A_178 = tpu.vector_load %arg14[%get3A_176, %get3A_177] {strides = array<i32>} : memref<128x128xf32, #tpu.memory_space<vmem>>, vector<16xf32>,
        %get3A_179 = arith.index_cast %add3A_88 : i32 to index
        %get3A_180 = arith.constant 48 : index
        %get3A_181 = tpu.vector_load %arg15[%get3A_179, %get3A_180] {strides = array<i32>} : memref<128x64xf32, #tpu.memory_space<vmem>>, vector<16xf32>,
        %add3A_182 = arith.addf %get3A_178, %get3A_181 : vector<16xf32>
        %mul3A_183 = arith.mulf %exp3A, %add3A_182 : vector<16xf32>
        %swap3A_184 = arith.index_cast %add3A_88 : i32 to index
        %swap3A_185 = arith.constant 48 : index
        %swap3A_186 = tpu.vector_load %arg16[%swap3A_184, %swap3A_185] {strides = array<i32>} : memref<128x64xf32, #tpu.memory_space<vmem>>, vector<16xf32>,
        tpu.vector_store %arg16[%swap3A_184, %swap3A_185], %mul3A_183 {strides = array<i32>} : memref<128x64xf32, #tpu.memory_space<vmem>>, vector<16xf32>,
        %mul3A_187 = arith.mulf %exp3A, %convert_element_type3A : vector<16xf32>
        %swap3A_188 = arith.index_cast %add3A_88 : i32 to index
        %swap3A_189 = arith.constant 0 : index
        %swap3A_190 = tpu.vector_load %arg17[%swap3A_188, %swap3A_189] {strides = array<i32>} : memref<128x16xf32, #tpu.memory_space<vmem>>, vector<16xf32>,
        tpu.vector_store %arg17[%swap3A_188, %swap3A_189], %mul3A_187 {strides = array<i32>} : memref<128x16xf32, #tpu.memory_space<vmem>>, vector<16xf32>,
        %mul3A_191 = arith.constant 4 : i32
        %mul3A_192 = arith.muli %scan3A_84, %mul3A_191 : i32
        %add3A_193 = arith.constant 1 : i32
        %add3A_194 = arith.addi %mul3A_192, %add3A_193 : i32
        %broadcast_in_dim3A_195 = arith.constant 0.000000e+00 : f32
        %broadcast_in_dim3A_196 = vector.broadcast %broadcast_in_dim3A_195 : f32 to vector<16xf32>
        %get3A_197 = arith.index_cast %add3A_194 : i32 to index
        %get3A_198 = arith.constant 0 : index
        %get3A_199 = tpu.vector_load %arg13[%get3A_197, %get3A_198] {strides = array<i32>} : memref<128x64xf32, #tpu.memory_space<vmem>>, vector<16xf32>,
        %get3A_200 = arith.index_cast %add3A_194 : i32 to index
        %get3A_201 = arith.constant 0 : index
        %get3A_202 = tpu.vector_load %arg14[%get3A_200, %get3A_201] {strides = array<i32>} : memref<128x128xf32, #tpu.memory_space<vmem>>, vector<16xf32>,
        %get3A_203 = arith.index_cast %add3A_194 : i32 to index
        %get3A_204 = arith.constant 0 : index
        %get3A_205 = tpu.vector_load %arg15[%get3A_203, %get3A_204] {strides = array<i32>} : memref<128x64xf32, #tpu.memory_space<vmem>>, vector<16xf32>,
        %add3A_206 = arith.addf %get3A_202, %get3A_205 : vector<16xf32>
        %mul3A_207 = arith.mulf %get3A_199, %add3A_206 : vector<16xf32>
        %add3A_208 = arith.addf %broadcast_in_dim3A_196, %mul3A_207 : vector<16xf32>
        %get3A_209 = arith.index_cast %add3A_194 : i32 to index
        %get3A_210 = arith.constant 16 : index
        %get3A_211 = tpu.vector_load %arg13[%get3A_209, %get3A_210] {strides = array<i32>} : memref<128x64xf32, #tpu.memory_space<vmem>>, vector<16xf32>,
        %get3A_212 = arith.index_cast %add3A_194 : i32 to index
        %get3A_213 = arith.constant 16 : index
        %get3A_214 = tpu.vector_load %arg14[%get3A_212, %get3A_213] {strides = array<i32>} : memref<128x128xf32, #tpu.memory_space<vmem>>, vector<16xf32>,
        %get3A_215 = arith.index_cast %add3A_194 : i32 to index
        %get3A_216 = arith.constant 16 : index
        %get3A_217 = tpu.vector_load %arg15[%get3A_215, %get3A_216] {strides = array<i32>} : memref<128x64xf32, #tpu.memory_space<vmem>>, vector<16xf32>,
        %add3A_218 = arith.addf %get3A_214, %get3A_217 : vector<16xf32>
        %mul3A_219 = arith.mulf %get3A_211, %add3A_218 : vector<16xf32>
        %add3A_220 = arith.addf %add3A_208, %mul3A_219 : vector<16xf32>
        %get3A_221 = arith.index_cast %add3A_194 : i32 to index
        %get3A_222 = arith.constant 32 : index
        %get3A_223 = tpu.vector_load %arg13[%get3A_221, %get3A_222] {strides = array<i32>} : memref<128x64xf32, #tpu.memory_space<vmem>>, vector<16xf32>,
        %get3A_224 = arith.index_cast %add3A_194 : i32 to index
        %get3A_225 = arith.constant 32 : index
        %get3A_226 = tpu.vector_load %arg14[%get3A_224, %get3A_225] {strides = array<i32>} : memref<128x128xf32, #tpu.memory_space<vmem>>, vector<16xf32>,
        %get3A_227 = arith.index_cast %add3A_194 : i32 to index
        %get3A_228 = arith.constant 32 : index
        %get3A_229 = tpu.vector_load %arg15[%get3A_227, %get3A_228] {strides = array<i32>} : memref<128x64xf32, #tpu.memory_space<vmem>>, vector<16xf32>,
        %add3A_230 = arith.addf %get3A_226, %get3A_229 : vector<16xf32>
        %mul3A_231 = arith.mulf %get3A_223, %add3A_230 : vector<16xf32>
        %add3A_232 = arith.addf %add3A_220, %mul3A_231 : vector<16xf32>
        %get3A_233 = arith.index_cast %add3A_194 : i32 to index
        %get3A_234 = arith.constant 48 : index
        %get3A_235 = tpu.vector_load %arg13[%get3A_233, %get3A_234] {strides = array<i32>} : memref<128x64xf32, #tpu.memory_space<vmem>>, vector<16xf32>,
        %get3A_236 = arith.index_cast %add3A_194 : i32 to index
        %get3A_237 = arith.constant 48 : index
        %get3A_238 = tpu.vector_load %arg14[%get3A_236, %get3A_237] {strides = array<i32>} : memref<128x128xf32, #tpu.memory_space<vmem>>, vector<16xf32>,
        %get3A_239 = arith.index_cast %add3A_194 : i32 to index
        %get3A_240 = arith.constant 48 : index
        %get3A_241 = tpu.vector_load %arg15[%get3A_239, %get3A_240] {strides = array<i32>} : memref<128x64xf32, #tpu.memory_space<vmem>>, vector<16xf32>,
        %add3A_242 = arith.addf %get3A_238, %get3A_241 : vector<16xf32>
        %mul3A_243 = arith.mulf %get3A_235, %add3A_242 : vector<16xf32>
        %add3A_244 = arith.addf %add3A_232, %mul3A_243 : vector<16xf32>
        %mul3A_245 = arith.constant 1.250000e-01 : f32
        %mul3A_246 = vector.broadcast %mul3A_245 : f32 to vector<16xf32>
        %mul3A_247 = arith.mulf %add3A_244, %mul3A_246 : vector<16xf32>
        %reduce_sum3A_248 = arith.constant true
        %reduce_sum3A_249 = vector.broadcast %reduce_sum3A_248 : i1 to vector<16xi1>
        %reduce_sum3A_250 = tpu.scan <sum>, %mul3A_247 masked %reduce_sum3A_249 : vector<16xf32>, vector<16xi1> -> vector<16xf32>
        %reduce_sum3A_251 = vector.extract %reduce_sum3A_250[15] : f32 from vector<16xf32>
        %broadcast_in_dim3A_252 = vector.broadcast %reduce_sum3A_251 : f32 to vector<16xf32>
        %exp3A_253 = math.exp %broadcast_in_dim3A_252 : vector<16xf32>
        %get3A_254 = arith.index_cast %add3A_194 : i32 to index
        %get3A_255 = arith.constant 64 : index
        %get3A_256 = tpu.vector_load %arg14[%get3A_254, %get3A_255] {strides = array<i32>} : memref<128x128xf32, #tpu.memory_space<vmem>>, vector<16xf32>,
        %get3A_257 = arith.index_cast %add3A_194 : i32 to index
        %get3A_258 = arith.constant 0 : index
        %get3A_259 = tpu.vector_load %arg15[%get3A_257, %get3A_258] {strides = array<i32>} : memref<128x64xf32, #tpu.memory_space<vmem>>, vector<16xf32>,
        %add3A_260 = arith.addf %get3A_256, %get3A_259 : vector<16xf32>
        %mul3A_261 = arith.mulf %exp3A_253, %add3A_260 : vector<16xf32>
        %swap3A_262 = arith.index_cast %add3A_194 : i32 to index
        %swap3A_263 = arith.constant 0 : index
        %swap3A_264 = tpu.vector_load %arg16[%swap3A_262, %swap3A_263] {strides = array<i32>} : memref<128x64xf32, #tpu.memory_space<vmem>>, vector<16xf32>,
        tpu.vector_store %arg16[%swap3A_262, %swap3A_263], %mul3A_261 {strides = array<i32>} : memref<128x64xf32, #tpu.memory_space<vmem>>, vector<16xf32>,
        %get3A_265 = arith.index_cast %add3A_194 : i32 to index
        %get3A_266 = arith.constant 80 : index
        %get3A_267 = tpu.vector_load %arg14[%get3A_265, %get3A_266] {strides = array<i32>} : memref<128x128xf32, #tpu.memory_space<vmem>>, vector<16xf32>,
        %get3A_268 = arith.index_cast %add3A_194 : i32 to index
        %get3A_269 = arith.constant 16 : index
        %get3A_270 = tpu.vector_load %arg15[%get3A_268, %get3A_269] {strides = array<i32>} : memref<128x64xf32, #tpu.memory_space<vmem>>, vector<16xf32>,
        %add3A_271 = arith.addf %get3A_267, %get3A_270 : vector<16xf32>
        %mul3A_272 = arith.mulf %exp3A_253, %add3A_271 : vector<16xf32>
        %swap3A_273 = arith.index_cast %add3A_194 : i32 to index
        %swap3A_274 = arith.constant 16 : index
        %swap3A_275 = tpu.vector_load %arg16[%swap3A_273, %swap3A_274] {strides = array<i32>} : memref<128x64xf32, #tpu.memory_space<vmem>>, vector<16xf32>,
        tpu.vector_store %arg16[%swap3A_273, %swap3A_274], %mul3A_272 {strides = array<i32>} : memref<128x64xf32, #tpu.memory_space<vmem>>, vector<16xf32>,
        %get3A_276 = arith.index_cast %add3A_194 : i32 to index
        %get3A_277 = arith.constant 96 : index
        %get3A_278 = tpu.vector_load %arg14[%get3A_276, %get3A_277] {strides = array<i32>} : memref<128x128xf32, #tpu.memory_space<vmem>>, vector<16xf32>,
        %get3A_279 = arith.index_cast %add3A_194 : i32 to index
        %get3A_280 = arith.constant 32 : index
        %get3A_281 = tpu.vector_load %arg15[%get3A_279, %get3A_280] {strides = array<i32>} : memref<128x64xf32, #tpu.memory_space<vmem>>, vector<16xf32>,
        %add3A_282 = arith.addf %get3A_278, %get3A_281 : vector<16xf32>
        %mul3A_283 = arith.mulf %exp3A_253, %add3A_282 : vector<16xf32>
        %swap3A_284 = arith.index_cast %add3A_194 : i32 to index
        %swap3A_285 = arith.constant 32 : index
        %swap3A_286 = tpu.vector_load %arg16[%swap3A_284, %swap3A_285] {strides = array<i32>} : memref<128x64xf32, #tpu.memory_space<vmem>>, vector<16xf32>,
        tpu.vector_store %arg16[%swap3A_284, %swap3A_285], %mul3A_283 {strides = array<i32>} : memref<128x64xf32, #tpu.memory_space<vmem>>, vector<16xf32>,
        %get3A_287 = arith.index_cast %add3A_194 : i32 to index
        %get3A_288 = arith.constant 112 : index
        %get3A_289 = tpu.vector_load %arg14[%get3A_287, %get3A_288] {strides = array<i32>} : memref<128x128xf32, #tpu.memory_space<vmem>>, vector<16xf32>,
        %get3A_290 = arith.index_cast %add3A_194 : i32 to index
        %get3A_291 = arith.constant 48 : index
        %get3A_292 = tpu.vector_load %arg15[%get3A_290, %get3A_291] {strides = array<i32>} : memref<128x64xf32, #tpu.memory_space<vmem>>, vector<16xf32>,
        %add3A_293 = arith.addf %get3A_289, %get3A_292 : vector<16xf32>
        %mul3A_294 = arith.mulf %exp3A_253, %add3A_293 : vector<16xf32>
        %swap3A_295 = arith.index_cast %add3A_194 : i32 to index
        %swap3A_296 = arith.constant 48 : index
        %swap3A_297 = tpu.vector_load %arg16[%swap3A_295, %swap3A_296] {strides = array<i32>} : memref<128x64xf32, #tpu.memory_space<vmem>>, vector<16xf32>,
        tpu.vector_store %arg16[%swap3A_295, %swap3A_296], %mul3A_294 {strides = array<i32>} : memref<128x64xf32, #tpu.memory_space<vmem>>, vector<16xf32>,
        %mul3A_298 = arith.mulf %exp3A_253, %convert_element_type3A : vector<16xf32>
        %swap3A_299 = arith.index_cast %add3A_194 : i32 to index
        %swap3A_300 = arith.constant 0 : index
        %swap3A_301 = tpu.vector_load %arg17[%swap3A_299, %swap3A_300] {strides = array<i32>} : memref<128x16xf32, #tpu.memory_space<vmem>>, vector<16xf32>,
        tpu.vector_store %arg17[%swap3A_299, %swap3A_300], %mul3A_298 {strides = array<i32>} : memref<128x16xf32, #tpu.memory_space<vmem>>, vector<16xf32>,
        %mul3A_302 = arith.constant 4 : i32
        %mul3A_303 = arith.muli %scan3A_84, %mul3A_302 : i32
        %add3A_304 = arith.constant 2 : i32
        %add3A_305 = arith.addi %mul3A_303, %add3A_304 : i32
        %broadcast_in_dim3A_306 = arith.constant 0.000000e+00 : f32
        %broadcast_in_dim3A_307 = vector.broadcast %broadcast_in_dim3A_306 : f32 to vector<16xf32>
        %get3A_308 = arith.index_cast %add3A_305 : i32 to index
        %get3A_309 = arith.constant 0 : index
        %get3A_310 = tpu.vector_load %arg13[%get3A_308, %get3A_309] {strides = array<i32>} : memref<128x64xf32, #tpu.memory_space<vmem>>, vector<16xf32>,
        %get3A_311 = arith.index_cast %add3A_305 : i32 to index
        %get3A_312 = arith.constant 0 : index
        %get3A_313 = tpu.vector_load %arg14[%get3A_311, %get3A_312] {strides = array<i32>} : memref<128x128xf32, #tpu.memory_space<vmem>>, vector<16xf32>,
        %get3A_314 = arith.index_cast %add3A_305 : i32 to index
        %get3A_315 = arith.constant 0 : index
        %get3A_316 = tpu.vector_load %arg15[%get3A_314, %get3A_315] {strides = array<i32>} : memref<128x64xf32, #tpu.memory_space<vmem>>, vector<16xf32>,
        %add3A_317 = arith.addf %get3A_313, %get3A_316 : vector<16xf32>
        %mul3A_318 = arith.mulf %get3A_310, %add3A_317 : vector<16xf32>
        %add3A_319 = arith.addf %broadcast_in_dim3A_307, %mul3A_318 : vector<16xf32>
        %get3A_320 = arith.index_cast %add3A_305 : i32 to index
        %get3A_321 = arith.constant 16 : index
        %get3A_322 = tpu.vector_load %arg13[%get3A_320, %get3A_321] {strides = array<i32>} : memref<128x64xf32, #tpu.memory_space<vmem>>, vector<16xf32>,
        %get3A_323 = arith.index_cast %add3A_305 : i32 to index
        %get3A_324 = arith.constant 16 : index
        %get3A_325 = tpu.vector_load %arg14[%get3A_323, %get3A_324] {strides = array<i32>} : memref<128x128xf32, #tpu.memory_space<vmem>>, vector<16xf32>,
        %get3A_326 = arith.index_cast %add3A_305 : i32 to index
        %get3A_327 = arith.constant 16 : index
        %get3A_328 = tpu.vector_load %arg15[%get3A_326, %get3A_327] {strides = array<i32>} : memref<128x64xf32, #tpu.memory_space<vmem>>, vector<16xf32>,
        %add3A_329 = arith.addf %get3A_325, %get3A_328 : vector<16xf32>
        %mul3A_330 = arith.mulf %get3A_322, %add3A_329 : vector<16xf32>
        %add3A_331 = arith.addf %add3A_319, %mul3A_330 : vector<16xf32>
        %get3A_332 = arith.index_cast %add3A_305 : i32 to index
        %get3A_333 = arith.constant 32 : index
        %get3A_334 = tpu.vector_load %arg13[%get3A_332, %get3A_333] {strides = array<i32>} : memref<128x64xf32, #tpu.memory_space<vmem>>, vector<16xf32>,
        %get3A_335 = arith.index_cast %add3A_305 : i32 to index
        %get3A_336 = arith.constant 32 : index
        %get3A_337 = tpu.vector_load %arg14[%get3A_335, %get3A_336] {strides = array<i32>} : memref<128x128xf32, #tpu.memory_space<vmem>>, vector<16xf32>,
        %get3A_338 = arith.index_cast %add3A_305 : i32 to index
        %get3A_339 = arith.constant 32 : index
        %get3A_340 = tpu.vector_load %arg15[%get3A_338, %get3A_339] {strides = array<i32>} : memref<128x64xf32, #tpu.memory_space<vmem>>, vector<16xf32>,
        %add3A_341 = arith.addf %get3A_337, %get3A_340 : vector<16xf32>
        %mul3A_342 = arith.mulf %get3A_334, %add3A_341 : vector<16xf32>
        %add3A_343 = arith.addf %add3A_331, %mul3A_342 : vector<16xf32>
        %get3A_344 = arith.index_cast %add3A_305 : i32 to index
        %get3A_345 = arith.constant 48 : index
        %get3A_346 = tpu.vector_load %arg13[%get3A_344, %get3A_345] {strides = array<i32>} : memref<128x64xf32, #tpu.memory_space<vmem>>, vector<16xf32>,
        %get3A_347 = arith.index_cast %add3A_305 : i32 to index
        %get3A_348 = arith.constant 48 : index
        %get3A_349 = tpu.vector_load %arg14[%get3A_347, %get3A_348] {strides = array<i32>} : memref<128x128xf32, #tpu.memory_space<vmem>>, vector<16xf32>,
        %get3A_350 = arith.index_cast %add3A_305 : i32 to index
        %get3A_351 = arith.constant 48 : index
        %get3A_352 = tpu.vector_load %arg15[%get3A_350, %get3A_351] {strides = array<i32>} : memref<128x64xf32, #tpu.memory_space<vmem>>, vector<16xf32>,
        %add3A_353 = arith.addf %get3A_349, %get3A_352 : vector<16xf32>
        %mul3A_354 = arith.mulf %get3A_346, %add3A_353 : vector<16xf32>
        %add3A_355 = arith.addf %add3A_343, %mul3A_354 : vector<16xf32>
        %mul3A_356 = arith.constant 1.250000e-01 : f32
        %mul3A_357 = vector.broadcast %mul3A_356 : f32 to vector<16xf32>
        %mul3A_358 = arith.mulf %add3A_355, %mul3A_357 : vector<16xf32>
        %reduce_sum3A_359 = arith.constant true
        %reduce_sum3A_360 = vector.broadcast %reduce_sum3A_359 : i1 to vector<16xi1>
        %reduce_sum3A_361 = tpu.scan <sum>, %mul3A_358 masked %reduce_sum3A_360 : vector<16xf32>, vector<16xi1> -> vector<16xf32>
        %reduce_sum3A_362 = vector.extract %reduce_sum3A_361[15] : f32 from vector<16xf32>
        %broadcast_in_dim3A_363 = vector.broadcast %reduce_sum3A_362 : f32 to vector<16xf32>
        %exp3A_364 = math.exp %broadcast_in_dim3A_363 : vector<16xf32>
        %get3A_365 = arith.index_cast %add3A_305 : i32 to index
        %get3A_366 = arith.constant 64 : index
        %get3A_367 = tpu.vector_load %arg14[%get3A_365, %get3A_366] {strides = array<i32>} : memref<128x128xf32, #tpu.memory_space<vmem>>, vector<16xf32>,
        %get3A_368 = arith.index_cast %add3A_305 : i32 to index
        %get3A_369 = arith.constant 0 : index
        %get3A_370 = tpu.vector_load %arg15[%get3A_368, %get3A_369] {strides = array<i32>} : memref<128x64xf32, #tpu.memory_space<vmem>>, vector<16xf32>,
        %add3A_371 = arith.addf %get3A_367, %get3A_370 : vector<16xf32>
        %mul3A_372 = arith.mulf %exp3A_364, %add3A_371 : vector<16xf32>
        %swap3A_373 = arith.index_cast %add3A_305 : i32 to index
        %swap3A_374 = arith.constant 0 : index
        %swap3A_375 = tpu.vector_load %arg16[%swap3A_373, %swap3A_374] {strides = array<i32>} : memref<128x64xf32, #tpu.memory_space<vmem>>, vector<16xf32>,
        tpu.vector_store %arg16[%swap3A_373, %swap3A_374], %mul3A_372 {strides = array<i32>} : memref<128x64xf32, #tpu.memory_space<vmem>>, vector<16xf32>,
        %get3A_376 = arith.index_cast %add3A_305 : i32 to index
        %get3A_377 = arith.constant 80 : index
        %get3A_378 = tpu.vector_load %arg14[%get3A_376, %get3A_377] {strides = array<i32>} : memref<128x128xf32, #tpu.memory_space<vmem>>, vector<16xf32>,
        %get3A_379 = arith.index_cast %add3A_305 : i32 to index
        %get3A_380 = arith.constant 16 : index
        %get3A_381 = tpu.vector_load %arg15[%get3A_379, %get3A_380] {strides = array<i32>} : memref<128x64xf32, #tpu.memory_space<vmem>>, vector<16xf32>,
        %add3A_382 = arith.addf %get3A_378, %get3A_381 : vector<16xf32>
        %mul3A_383 = arith.mulf %exp3A_364, %add3A_382 : vector<16xf32>
        %swap3A_384 = arith.index_cast %add3A_305 : i32 to index
        %swap3A_385 = arith.constant 16 : index
        %swap3A_386 = tpu.vector_load %arg16[%swap3A_384, %swap3A_385] {strides = array<i32>} : memref<128x64xf32, #tpu.memory_space<vmem>>, vector<16xf32>,
        tpu.vector_store %arg16[%swap3A_384, %swap3A_385], %mul3A_383 {strides = array<i32>} : memref<128x64xf32, #tpu.memory_space<vmem>>, vector<16xf32>,
        %get3A_387 = arith.index_cast %add3A_305 : i32 to index
        %get3A_388 = arith.constant 96 : index
        %get3A_389 = tpu.vector_load %arg14[%get3A_387, %get3A_388] {strides = array<i32>} : memref<128x128xf32, #tpu.memory_space<vmem>>, vector<16xf32>,
        %get3A_390 = arith.index_cast %add3A_305 : i32 to index
        %get3A_391 = arith.constant 32 : index
        %get3A_392 = tpu.vector_load %arg15[%get3A_390, %get3A_391] {strides = array<i32>} : memref<128x64xf32, #tpu.memory_space<vmem>>, vector<16xf32>,
        %add3A_393 = arith.addf %get3A_389, %get3A_392 : vector<16xf32>
        %mul3A_394 = arith.mulf %exp3A_364, %add3A_393 : vector<16xf32>
        %swap3A_395 = arith.index_cast %add3A_305 : i32 to index
        %swap3A_396 = arith.constant 32 : index
        %swap3A_397 = tpu.vector_load %arg16[%swap3A_395, %swap3A_396] {strides = array<i32>} : memref<128x64xf32, #tpu.memory_space<vmem>>, vector<16xf32>,
        tpu.vector_store %arg16[%swap3A_395, %swap3A_396], %mul3A_394 {strides = array<i32>} : memref<128x64xf32, #tpu.memory_space<vmem>>, vector<16xf32>,
        %get3A_398 = arith.index_cast %add3A_305 : i32 to index
        %get3A_399 = arith.constant 112 : index
        %get3A_400 = tpu.vector_load %arg14[%get3A_398, %get3A_399] {strides = array<i32>} : memref<128x128xf32, #tpu.memory_space<vmem>>, vector<16xf32>,
        %get3A_401 = arith.index_cast %add3A_305 : i32 to index
        %get3A_402 = arith.constant 48 : index
        %get3A_403 = tpu.vector_load %arg15[%get3A_401, %get3A_402] {strides = array<i32>} : memref<128x64xf32, #tpu.memory_space<vmem>>, vector<16xf32>,
        %add3A_404 = arith.addf %get3A_400, %get3A_403 : vector<16xf32>
        %mul3A_405 = arith.mulf %exp3A_364, %add3A_404 : vector<16xf32>
        %swap3A_406 = arith.index_cast %add3A_305 : i32 to index
        %swap3A_407 = arith.constant 48 : index
        %swap3A_408 = tpu.vector_load %arg16[%swap3A_406, %swap3A_407] {strides = array<i32>} : memref<128x64xf32, #tpu.memory_space<vmem>>, vector<16xf32>,
        tpu.vector_store %arg16[%swap3A_406, %swap3A_407], %mul3A_405 {strides = array<i32>} : memref<128x64xf32, #tpu.memory_space<vmem>>, vector<16xf32>,
        %mul3A_409 = arith.mulf %exp3A_364, %convert_element_type3A : vector<16xf32>
        %swap3A_410 = arith.index_cast %add3A_305 : i32 to index
        %swap3A_411 = arith.constant 0 : index
        %swap3A_412 = tpu.vector_load %arg17[%swap3A_410, %swap3A_411] {strides = array<i32>} : memref<128x16xf32, #tpu.memory_space<vmem>>, vector<16xf32>,
        tpu.vector_store %arg17[%swap3A_410, %swap3A_411], %mul3A_409 {strides = array<i32>} : memref<128x16xf32, #tpu.memory_space<vmem>>, vector<16xf32>,
        %mul3A_413 = arith.constant 4 : i32
        %mul3A_414 = arith.muli %scan3A_84, %mul3A_413 : i32
        %add3A_415 = arith.constant 3 : i32
        %add3A_416 = arith.addi %mul3A_414, %add3A_415 : i32
        %broadcast_in_dim3A_417 = arith.constant 0.000000e+00 : f32
        %broadcast_in_dim3A_418 = vector.broadcast %broadcast_in_dim3A_417 : f32 to vector<16xf32>
        %get3A_419 = arith.index_cast %add3A_416 : i32 to index
        %get3A_420 = arith.constant 0 : index
        %get3A_421 = tpu.vector_load %arg13[%get3A_419, %get3A_420] {strides = array<i32>} : memref<128x64xf32, #tpu.memory_space<vmem>>, vector<16xf32>,
        %get3A_422 = arith.index_cast %add3A_416 : i32 to index
        %get3A_423 = arith.constant 0 : index
        %get3A_424 = tpu.vector_load %arg14[%get3A_422, %get3A_423] {strides = array<i32>} : memref<128x128xf32, #tpu.memory_space<vmem>>, vector<16xf32>,
        %get3A_425 = arith.index_cast %add3A_416 : i32 to index
        %get3A_426 = arith.constant 0 : index
        %get3A_427 = tpu.vector_load %arg15[%get3A_425, %get3A_426] {strides = array<i32>} : memref<128x64xf32, #tpu.memory_space<vmem>>, vector<16xf32>,
        %add3A_428 = arith.addf %get3A_424, %get3A_427 : vector<16xf32>
        %mul3A_429 = arith.mulf %get3A_421, %add3A_428 : vector<16xf32>
        %add3A_430 = arith.addf %broadcast_in_dim3A_418, %mul3A_429 : vector<16xf32>
        %get3A_431 = arith.index_cast %add3A_416 : i32 to index
        %get3A_432 = arith.constant 16 : index
        %get3A_433 = tpu.vector_load %arg13[%get3A_431, %get3A_432] {strides = array<i32>} : memref<128x64xf32, #tpu.memory_space<vmem>>, vector<16xf32>,
        %get3A_434 = arith.index_cast %add3A_416 : i32 to index
        %get3A_435 = arith.constant 16 : index
        %get3A_436 = tpu.vector_load %arg14[%get3A_434, %get3A_435] {strides = array<i32>} : memref<128x128xf32, #tpu.memory_space<vmem>>, vector<16xf32>,
        %get3A_437 = arith.index_cast %add3A_416 : i32 to index
        %get3A_438 = arith.constant 16 : index
        %get3A_439 = tpu.vector_load %arg15[%get3A_437, %get3A_438] {strides = array<i32>} : memref<128x64xf32, #tpu.memory_space<vmem>>, vector<16xf32>,
        %add3A_440 = arith.addf %get3A_436, %get3A_439 : vector<16xf32>
        %mul3A_441 = arith.mulf %get3A_433, %add3A_440 : vector<16xf32>
        %add3A_442 = arith.addf %add3A_430, %mul3A_441 : vector<16xf32>
        %get3A_443 = arith.index_cast %add3A_416 : i32 to index
        %get3A_444 = arith.constant 32 : index
        %get3A_445 = tpu.vector_load %arg13[%get3A_443, %get3A_444] {strides = array<i32>} : memref<128x64xf32, #tpu.memory_space<vmem>>, vector<16xf32>,
        %get3A_446 = arith.index_cast %add3A_416 : i32 to index
        %get3A_447 = arith.constant 32 : index
        %get3A_448 = tpu.vector_load %arg14[%get3A_446, %get3A_447] {strides = array<i32>} : memref<128x128xf32, #tpu.memory_space<vmem>>, vector<16xf32>,
        %get3A_449 = arith.index_cast %add3A_416 : i32 to index
        %get3A_450 = arith.constant 32 : index
        %get3A_451 = tpu.vector_load %arg15[%get3A_449, %get3A_450] {strides = array<i32>} : memref<128x64xf32, #tpu.memory_space<vmem>>, vector<16xf32>,
        %add3A_452 = arith.addf %get3A_448, %get3A_451 : vector<16xf32>
        %mul3A_453 = arith.mulf %get3A_445, %add3A_452 : vector<16xf32>
        %add3A_454 = arith.addf %add3A_442, %mul3A_453 : vector<16xf32>
        %get3A_455 = arith.index_cast %add3A_416 : i32 to index
        %get3A_456 = arith.constant 48 : index
        %get3A_457 = tpu.vector_load %arg13[%get3A_455, %get3A_456] {strides = array<i32>} : memref<128x64xf32, #tpu.memory_space<vmem>>, vector<16xf32>,
        %get3A_458 = arith.index_cast %add3A_416 : i32 to index
        %get3A_459 = arith.constant 48 : index
        %get3A_460 = tpu.vector_load %arg14[%get3A_458, %get3A_459] {strides = array<i32>} : memref<128x128xf32, #tpu.memory_space<vmem>>, vector<16xf32>,
        %get3A_461 = arith.index_cast %add3A_416 : i32 to index
        %get3A_462 = arith.constant 48 : index
        %get3A_463 = tpu.vector_load %arg15[%get3A_461, %get3A_462] {strides = array<i32>} : memref<128x64xf32, #tpu.memory_space<vmem>>, vector<16xf32>,
        %add3A_464 = arith.addf %get3A_460, %get3A_463 : vector<16xf32>
        %mul3A_465 = arith.mulf %get3A_457, %add3A_464 : vector<16xf32>
        %add3A_466 = arith.addf %add3A_454, %mul3A_465 : vector<16xf32>
        %mul3A_467 = arith.constant 1.250000e-01 : f32
        %mul3A_468 = vector.broadcast %mul3A_467 : f32 to vector<16xf32>
        %mul3A_469 = arith.mulf %add3A_466, %mul3A_468 : vector<16xf32>
        %reduce_sum3A_470 = arith.constant true
        %reduce_sum3A_471 = vector.broadcast %reduce_sum3A_470 : i1 to vector<16xi1>
        %reduce_sum3A_472 = tpu.scan <sum>, %mul3A_469 masked %reduce_sum3A_471 : vector<16xf32>, vector<16xi1> -> vector<16xf32>
        %reduce_sum3A_473 = vector.extract %reduce_sum3A_472[15] : f32 from vector<16xf32>
        %broadcast_in_dim3A_474 = vector.broadcast %reduce_sum3A_473 : f32 to vector<16xf32>
        %exp3A_475 = math.exp %broadcast_in_dim3A_474 : vector<16xf32>
        %get3A_476 = arith.index_cast %add3A_416 : i32 to index
        %get3A_477 = arith.constant 64 : index
        %get3A_478 = tpu.vector_load %arg14[%get3A_476, %get3A_477] {strides = array<i32>} : memref<128x128xf32, #tpu.memory_space<vmem>>, vector<16xf32>,
        %get3A_479 = arith.index_cast %add3A_416 : i32 to index
        %get3A_480 = arith.constant 0 : index
        %get3A_481 = tpu.vector_load %arg15[%get3A_479, %get3A_480] {strides = array<i32>} : memref<128x64xf32, #tpu.memory_space<vmem>>, vector<16xf32>,
        %add3A_482 = arith.addf %get3A_478, %get3A_481 : vector<16xf32>
        %mul3A_483 = arith.mulf %exp3A_475, %add3A_482 : vector<16xf32>
        %swap3A_484 = arith.index_cast %add3A_416 : i32 to index
        %swap3A_485 = arith.constant 0 : index
        %swap3A_486 = tpu.vector_load %arg16[%swap3A_484, %swap3A_485] {strides = array<i32>} : memref<128x64xf32, #tpu.memory_space<vmem>>, vector<16xf32>,
        tpu.vector_store %arg16[%swap3A_484, %swap3A_485], %mul3A_483 {strides = array<i32>} : memref<128x64xf32, #tpu.memory_space<vmem>>, vector<16xf32>,
        %get3A_487 = arith.index_cast %add3A_416 : i32 to index
        %get3A_488 = arith.constant 80 : index
        %get3A_489 = tpu.vector_load %arg14[%get3A_487, %get3A_488] {strides = array<i32>} : memref<128x128xf32, #tpu.memory_space<vmem>>, vector<16xf32>,
        %get3A_490 = arith.index_cast %add3A_416 : i32 to index
        %get3A_491 = arith.constant 16 : index
        %get3A_492 = tpu.vector_load %arg15[%get3A_490, %get3A_491] {strides = array<i32>} : memref<128x64xf32, #tpu.memory_space<vmem>>, vector<16xf32>,
        %add3A_493 = arith.addf %get3A_489, %get3A_492 : vector<16xf32>
        %mul3A_494 = arith.mulf %exp3A_475, %add3A_493 : vector<16xf32>
        %swap3A_495 = arith.index_cast %add3A_416 : i32 to index
        %swap3A_496 = arith.constant 16 : index
        %swap3A_497 = tpu.vector_load %arg16[%swap3A_495, %swap3A_496] {strides = array<i32>} : memref<128x64xf32, #tpu.memory_space<vmem>>, vector<16xf32>,
        tpu.vector_store %arg16[%swap3A_495, %swap3A_496], %mul3A_494 {strides = array<i32>} : memref<128x64xf32, #tpu.memory_space<vmem>>, vector<16xf32>,
        %get3A_498 = arith.index_cast %add3A_416 : i32 to index
        %get3A_499 = arith.constant 96 : index
        %get3A_500 = tpu.vector_load %arg14[%get3A_498, %get3A_499] {strides = array<i32>} : memref<128x128xf32, #tpu.memory_space<vmem>>, vector<16xf32>,
        %get3A_501 = arith.index_cast %add3A_416 : i32 to index
        %get3A_502 = arith.constant 32 : index
        %get3A_503 = tpu.vector_load %arg15[%get3A_501, %get3A_502] {strides = array<i32>} : memref<128x64xf32, #tpu.memory_space<vmem>>, vector<16xf32>,
        %add3A_504 = arith.addf %get3A_500, %get3A_503 : vector<16xf32>
        %mul3A_505 = arith.mulf %exp3A_475, %add3A_504 : vector<16xf32>
        %swap3A_506 = arith.index_cast %add3A_416 : i32 to index
        %swap3A_507 = arith.constant 32 : index
        %swap3A_508 = tpu.vector_load %arg16[%swap3A_506, %swap3A_507] {strides = array<i32>} : memref<128x64xf32, #tpu.memory_space<vmem>>, vector<16xf32>,
        tpu.vector_store %arg16[%swap3A_506, %swap3A_507], %mul3A_505 {strides = array<i32>} : memref<128x64xf32, #tpu.memory_space<vmem>>, vector<16xf32>,
        %get3A_509 = arith.index_cast %add3A_416 : i32 to index
        %get3A_510 = arith.constant 112 : index
        %get3A_511 = tpu.vector_load %arg14[%get3A_509, %get3A_510] {strides = array<i32>} : memref<128x128xf32, #tpu.memory_space<vmem>>, vector<16xf32>,
        %get3A_512 = arith.index_cast %add3A_416 : i32 to index
        %get3A_513 = arith.constant 48 : index
        %get3A_514 = tpu.vector_load %arg15[%get3A_512, %get3A_513] {strides = array<i32>} : memref<128x64xf32, #tpu.memory_space<vmem>>, vector<16xf32>,
        %add3A_515 = arith.addf %get3A_511, %get3A_514 : vector<16xf32>
        %mul3A_516 = arith.mulf %exp3A_475, %add3A_515 : vector<16xf32>
        %swap3A_517 = arith.index_cast %add3A_416 : i32 to index
        %swap3A_518 = arith.constant 48 : index
        %swap3A_519 = tpu.vector_load %arg16[%swap3A_517, %swap3A_518] {strides = array<i32>} : memref<128x64xf32, #tpu.memory_space<vmem>>, vector<16xf32>,
        tpu.vector_store %arg16[%swap3A_517, %swap3A_518], %mul3A_516 {strides = array<i32>} : memref<128x64xf32, #tpu.memory_space<vmem>>, vector<16xf32>,
        %mul3A_520 = arith.mulf %exp3A_475, %convert_element_type3A : vector<16xf32>
        %swap3A_521 = arith.index_cast %add3A_416 : i32 to index
        %swap3A_522 = arith.constant 0 : index
        %swap3A_523 = tpu.vector_load %arg17[%swap3A_521, %swap3A_522] {strides = array<i32>} : memref<128x16xf32, #tpu.memory_space<vmem>>, vector<16xf32>,
        tpu.vector_store %arg17[%swap3A_521, %swap3A_522], %mul3A_520 {strides = array<i32>} : memref<128x16xf32, #tpu.memory_space<vmem>>, vector<16xf32>,
      }
      %scan3A_55 = arith.constant 32 : i32
      %mul3A_56 = arith.constant 128 : i32
      %mul3A_57 = arith.muli %mul3A_24, %mul3A_56 : i32
      %add3A_58 = arith.addi %mul3A_2, %mul3A_57 : i32
      %multiple_of3A_59 = tpu.assume_multiple %add3A_58, 8 : i32
      "tpu.region"() ({
        %run_scoped3A = tpu.sem_alloc : memref<!tpu.dma_semaphore, #tpu.memory_space<semaphore_mem>>
        %dma_start3A_84 = arith.constant 0 : i32
        %dma_start3A_85 = tpu.memref_slice %arg8[%multiple_of3A_59, %dma_start3A_84] : memref<802816x64xf32, #tpu.memory_space<hbm>> -> memref<128x64xf32, #tpu.memory_space<hbm>>
        %dma_start3A_86 = arith.constant 0 : i32
        %dma_start3A_87 = tpu.memref_slice %arg8[%multiple_of3A_59, %dma_start3A_86] : memref<802816x64xf32, #tpu.memory_space<hbm>> -> memref<128x64xf32, #tpu.memory_space<hbm>>
        tpu.enqueue_dma source(%arg16 : memref<128x64xf32, #tpu.memory_space<vmem>>) target(%dma_start3A_87 : memref<128x64xf32, #tpu.memory_space<hbm>>) target_semaphore(%run_scoped3A : memref<!tpu.dma_semaphore, #tpu.memory_space<semaphore_mem>>)
        %dma_wait3A_88 = arith.constant 0 : i32
        %dma_wait3A_89 = tpu.memref_slice %arg8[%multiple_of3A_59, %dma_wait3A_88] : memref<802816x64xf32, #tpu.memory_space<hbm>> -> memref<128x64xf32, #tpu.memory_space<hbm>>
        %dma_wait3A_90 = arith.constant 0 : i32
        %dma_wait3A_91 = tpu.memref_slice %arg8[%multiple_of3A_59, %dma_wait3A_90] : memref<802816x64xf32, #tpu.memory_space<hbm>> -> memref<128x64xf32, #tpu.memory_space<hbm>>
        tpu.wait_dma2 semaphore(%run_scoped3A : memref<!tpu.dma_semaphore, #tpu.memory_space<semaphore_mem>>) src(%arg16 : memref<128x64xf32, #tpu.memory_space<vmem>>) dst(%dma_wait3A_91 : memref<128x64xf32, #tpu.memory_space<hbm>>)
        tpu.yield
      }) : () -> ()
      "tpu.region"() ({
        %run_scoped3A = tpu.sem_alloc : memref<!tpu.dma_semaphore, #tpu.memory_space<semaphore_mem>>
        %dma_start3A_84 = arith.constant 0 : i32
        %dma_start3A_85 = tpu.memref_slice %arg9[%multiple_of3A_59, %dma_start3A_84] : memref<802816x16xf32, #tpu.memory_space<hbm>> -> memref<128x16xf32, #tpu.memory_space<hbm>>
        %dma_start3A_86 = arith.constant 0 : i32
        %dma_start3A_87 = tpu.memref_slice %arg9[%multiple_of3A_59, %dma_start3A_86] : memref<802816x16xf32, #tpu.memory_space<hbm>> -> memref<128x16xf32, #tpu.memory_space<hbm>>
        tpu.enqueue_dma source(%arg17 : memref<128x16xf32, #tpu.memory_space<vmem>>) target(%dma_start3A_87 : memref<128x16xf32, #tpu.memory_space<hbm>>) target_semaphore(%run_scoped3A : memref<!tpu.dma_semaphore, #tpu.memory_space<semaphore_mem>>)
        %dma_wait3A_88 = arith.constant 0 : i32
        %dma_wait3A_89 = tpu.memref_slice %arg9[%multiple_of3A_59, %dma_wait3A_88] : memref<802816x16xf32, #tpu.memory_space<hbm>> -> memref<128x16xf32, #tpu.memory_space<hbm>>
        %dma_wait3A_90 = arith.constant 0 : i32
        %dma_wait3A_91 = tpu.memref_slice %arg9[%multiple_of3A_59, %dma_wait3A_90] : memref<802816x16xf32, #tpu.memory_space<hbm>> -> memref<128x16xf32, #tpu.memory_space<hbm>>
        tpu.wait_dma2 semaphore(%run_scoped3A : memref<!tpu.dma_semaphore, #tpu.memory_space<semaphore_mem>>) src(%arg17 : memref<128x16xf32, #tpu.memory_space<vmem>>) dst(%dma_wait3A_91 : memref<128x16xf32, #tpu.memory_space<hbm>>)
        tpu.yield
      }) : () -> ()
      %add3A_60 = arith.constant 1 : i32
      %add3A_61 = arith.addi %add3A_28, %add3A_60 : i32
      %lt3A = arith.constant 196 : i32
      %lt3A_62 = arith.cmpi slt, %add3A_61, %lt3A : i32
      %convert_element_type3A_63 = arith.extui %lt3A_62 : i1 to i32
      %cond3A = arith.constant 0 : i32
      %cond3A_64 = arith.cmpi ne, %convert_element_type3A_63, %cond3A : i32
      scf.if %cond3A_64 {
        %add3A_84 = arith.constant 1 : i32
        %add3A_85 = arith.addi %add3A_28, %add3A_84 : i32
        %mul3A_86 = arith.constant 128 : i32
        %mul3A_87 = arith.muli %add3A_85, %mul3A_86 : i32
        %add3A_88 = arith.addi %mul3A_2, %mul3A_87 : i32
        %multiple_of3A_89 = tpu.assume_multiple %add3A_88, 8 : i32
        "tpu.region"() ({
          %run_scoped3A = tpu.sem_alloc : memref<!tpu.dma_semaphore, #tpu.memory_space<semaphore_mem>>
          %dma_start3A_99 = tpu.memref_slice %arg2[%multiple_of3A_89] : memref<802816xi32, #tpu.memory_space<hbm>> -> memref<128xi32, #tpu.memory_space<hbm>>
          %dma_start3A_100 = tpu.memref_slice %arg2[%multiple_of3A_89] : memref<802816xi32, #tpu.memory_space<hbm>> -> memref<128xi32, #tpu.memory_space<hbm>>
          tpu.enqueue_dma source(%dma_start3A_100 : memref<128xi32, #tpu.memory_space<hbm>>) target(%arg10 : memref<128xi32, #tpu.memory_space<vmem>>) target_semaphore(%run_scoped3A : memref<!tpu.dma_semaphore, #tpu.memory_space<semaphore_mem>>)
          %dma_wait3A_101 = tpu.memref_slice %arg2[%multiple_of3A_89] : memref<802816xi32, #tpu.memory_space<hbm>> -> memref<128xi32, #tpu.memory_space<hbm>>
          %dma_wait3A_102 = tpu.memref_slice %arg2[%multiple_of3A_89] : memref<802816xi32, #tpu.memory_space<hbm>> -> memref<128xi32, #tpu.memory_space<hbm>>
          tpu.wait_dma2 semaphore(%run_scoped3A : memref<!tpu.dma_semaphore, #tpu.memory_space<semaphore_mem>>) src(%dma_wait3A_102 : memref<128xi32, #tpu.memory_space<hbm>>) dst(%arg10 : memref<128xi32, #tpu.memory_space<vmem>>)
          tpu.yield
        }) : () -> ()
        "tpu.region"() ({
          %run_scoped3A = tpu.sem_alloc : memref<!tpu.dma_semaphore, #tpu.memory_space<semaphore_mem>>
          %dma_start3A_99 = tpu.memref_slice %arg3[%multiple_of3A_89] : memref<802816xi32, #tpu.memory_space<hbm>> -> memref<128xi32, #tpu.memory_space<hbm>>
          %dma_start3A_100 = tpu.memref_slice %arg3[%multiple_of3A_89] : memref<802816xi32, #tpu.memory_space<hbm>> -> memref<128xi32, #tpu.memory_space<hbm>>
          tpu.enqueue_dma source(%dma_start3A_100 : memref<128xi32, #tpu.memory_space<hbm>>) target(%arg11 : memref<128xi32, #tpu.memory_space<vmem>>) target_semaphore(%run_scoped3A : memref<!tpu.dma_semaphore, #tpu.memory_space<semaphore_mem>>)
          %dma_wait3A_101 = tpu.memref_slice %arg3[%multiple_of3A_89] : memref<802816xi32, #tpu.memory_space<hbm>> -> memref<128xi32, #tpu.memory_space<hbm>>
          %dma_wait3A_102 = tpu.memref_slice %arg3[%multiple_of3A_89] : memref<802816xi32, #tpu.memory_space<hbm>> -> memref<128xi32, #tpu.memory_space<hbm>>
          tpu.wait_dma2 semaphore(%run_scoped3A : memref<!tpu.dma_semaphore, #tpu.memory_space<semaphore_mem>>) src(%dma_wait3A_102 : memref<128xi32, #tpu.memory_space<hbm>>) dst(%arg11 : memref<128xi32, #tpu.memory_space<vmem>>)
          tpu.yield
        }) : () -> ()
        "tpu.region"() ({
          %run_scoped3A = tpu.sem_alloc : memref<!tpu.dma_semaphore, #tpu.memory_space<semaphore_mem>>
          %dma_start3A_99 = tpu.memref_slice %arg4[%multiple_of3A_89] : memref<802816xi32, #tpu.memory_space<hbm>> -> memref<128xi32, #tpu.memory_space<hbm>>
          %dma_start3A_100 = tpu.memref_slice %arg4[%multiple_of3A_89] : memref<802816xi32, #tpu.memory_space<hbm>> -> memref<128xi32, #tpu.memory_space<hbm>>
          tpu.enqueue_dma source(%dma_start3A_100 : memref<128xi32, #tpu.memory_space<hbm>>) target(%arg12 : memref<128xi32, #tpu.memory_space<vmem>>) target_semaphore(%run_scoped3A : memref<!tpu.dma_semaphore, #tpu.memory_space<semaphore_mem>>)
          %dma_wait3A_101 = tpu.memref_slice %arg4[%multiple_of3A_89] : memref<802816xi32, #tpu.memory_space<hbm>> -> memref<128xi32, #tpu.memory_space<hbm>>
          %dma_wait3A_102 = tpu.memref_slice %arg4[%multiple_of3A_89] : memref<802816xi32, #tpu.memory_space<hbm>> -> memref<128xi32, #tpu.memory_space<hbm>>
          tpu.wait_dma2 semaphore(%run_scoped3A : memref<!tpu.dma_semaphore, #tpu.memory_space<semaphore_mem>>) src(%dma_wait3A_102 : memref<128xi32, #tpu.memory_space<hbm>>) dst(%arg12 : memref<128xi32, #tpu.memory_space<vmem>>)
          tpu.yield
        }) : () -> ()
        %dma_start3A_90 = arith.constant 0 : i32
        %dma_start3A_91 = arith.constant 0 : i32
        %dma_start3A_92 = tpu.memref_slice %arg5[%dma_start3A_90, %dma_start3A_91] : memref<50000x64xf32, #tpu.memory_space<hbm>> -> memref<50000x64xf32, #tpu.memory_space<hbm>>
        tpu.enqueue_indirect_dma source(%dma_start3A_92 : memref<50000x64xf32, #tpu.memory_space<hbm>>) target(%arg13 : memref<128x64xf32, #tpu.memory_space<vmem>>) offsets(%arg10 : memref<128xi32, #tpu.memory_space<vmem>>) semaphore(%arg18 : memref<!tpu.dma_semaphore, #tpu.memory_space<semaphore_mem>>)
        %dma_start3A_93 = arith.constant 0 : i32
        %dma_start3A_94 = arith.constant 0 : i32
        %dma_start3A_95 = tpu.memref_slice %arg6[%dma_start3A_93, %dma_start3A_94] : memref<50000x128xf32, #tpu.memory_space<hbm>> -> memref<50000x128xf32, #tpu.memory_space<hbm>>
        tpu.enqueue_indirect_dma source(%dma_start3A_95 : memref<50000x128xf32, #tpu.memory_space<hbm>>) target(%arg14 : memref<128x128xf32, #tpu.memory_space<vmem>>) offsets(%arg11 : memref<128xi32, #tpu.memory_space<vmem>>) semaphore(%arg18 : memref<!tpu.dma_semaphore, #tpu.memory_space<semaphore_mem>>)
        %dma_start3A_96 = arith.constant 0 : i32
        %dma_start3A_97 = arith.constant 0 : i32
        %dma_start3A_98 = tpu.memref_slice %arg7[%dma_start3A_96, %dma_start3A_97] : memref<128x64xf32, #tpu.memory_space<hbm>> -> memref<128x64xf32, #tpu.memory_space<hbm>>
        tpu.enqueue_indirect_dma source(%dma_start3A_98 : memref<128x64xf32, #tpu.memory_space<hbm>>) target(%arg15 : memref<128x64xf32, #tpu.memory_space<vmem>>) offsets(%arg12 : memref<128xi32, #tpu.memory_space<vmem>>) semaphore(%arg18 : memref<!tpu.dma_semaphore, #tpu.memory_space<semaphore_mem>>)
      } else {
      }
      %dma_wait3A_65 = arith.constant 0 : i32
      %dma_wait3A_66 = arith.constant 0 : i32
      %dma_wait3A_67 = tpu.memref_slice %arg5[%dma_wait3A_65, %dma_wait3A_66] : memref<50000x64xf32, #tpu.memory_space<hbm>> -> memref<50000x64xf32, #tpu.memory_space<hbm>>
      tpu.wait_indirect_dma semaphore(%arg27 : memref<!tpu.dma_semaphore, #tpu.memory_space<semaphore_mem>>) src(%dma_wait3A_67 : memref<50000x64xf32, #tpu.memory_space<hbm>>) dst(%arg22 : memref<128x64xf32, #tpu.memory_space<vmem>>)
      %dma_wait3A_68 = arith.constant 0 : i32
      %dma_wait3A_69 = arith.constant 0 : i32
      %dma_wait3A_70 = tpu.memref_slice %arg6[%dma_wait3A_68, %dma_wait3A_69] : memref<50000x128xf32, #tpu.memory_space<hbm>> -> memref<50000x128xf32, #tpu.memory_space<hbm>>
      tpu.wait_indirect_dma semaphore(%arg27 : memref<!tpu.dma_semaphore, #tpu.memory_space<semaphore_mem>>) src(%dma_wait3A_70 : memref<50000x128xf32, #tpu.memory_space<hbm>>) dst(%arg23 : memref<128x128xf32, #tpu.memory_space<vmem>>)
      %dma_wait3A_71 = arith.constant 0 : i32
      %dma_wait3A_72 = arith.constant 0 : i32
      %dma_wait3A_73 = tpu.memref_slice %arg7[%dma_wait3A_71, %dma_wait3A_72] : memref<128x64xf32, #tpu.memory_space<hbm>> -> memref<128x64xf32, #tpu.memory_space<hbm>>
      tpu.wait_indirect_dma semaphore(%arg27 : memref<!tpu.dma_semaphore, #tpu.memory_space<semaphore_mem>>) src(%dma_wait3A_73 : memref<128x64xf32, #tpu.memory_space<hbm>>) dst(%arg24 : memref<128x64xf32, #tpu.memory_space<vmem>>)
      %scan3A_74 = arith.constant 0 : i32
      %scan3A_75 = arith.constant 0 : i32
      %scan3A_76 = arith.constant 32 : i32
      %scan3A_77 = arith.addi %scan3A_75, %scan3A_76 : i32
      %scan3A_78 = arith.constant 1 : i32
      scf.for %scan3A_84 = %scan3A_75 to %scan3A_77 step %scan3A_78  : i32 {
        %mul3A_85 = arith.constant 4 : i32
        %mul3A_86 = arith.muli %scan3A_84, %mul3A_85 : i32
        %add3A_87 = arith.constant 0 : i32
        %add3A_88 = arith.addi %mul3A_86, %add3A_87 : i32
        %broadcast_in_dim3A = arith.constant 0.000000e+00 : f32
        %broadcast_in_dim3A_89 = vector.broadcast %broadcast_in_dim3A : f32 to vector<16xf32>
        %get3A = arith.index_cast %add3A_88 : i32 to index
        %get3A_90 = arith.constant 0 : index
        %get3A_91 = tpu.vector_load %arg22[%get3A, %get3A_90] {strides = array<i32>} : memref<128x64xf32, #tpu.memory_space<vmem>>, vector<16xf32>,
        %get3A_92 = arith.index_cast %add3A_88 : i32 to index
        %get3A_93 = arith.constant 0 : index
        %get3A_94 = tpu.vector_load %arg23[%get3A_92, %get3A_93] {strides = array<i32>} : memref<128x128xf32, #tpu.memory_space<vmem>>, vector<16xf32>,
        %get3A_95 = arith.index_cast %add3A_88 : i32 to index
        %get3A_96 = arith.constant 0 : index
        %get3A_97 = tpu.vector_load %arg24[%get3A_95, %get3A_96] {strides = array<i32>} : memref<128x64xf32, #tpu.memory_space<vmem>>, vector<16xf32>,
        %add3A_98 = arith.addf %get3A_94, %get3A_97 : vector<16xf32>
        %mul3A_99 = arith.mulf %get3A_91, %add3A_98 : vector<16xf32>
        %add3A_100 = arith.addf %broadcast_in_dim3A_89, %mul3A_99 : vector<16xf32>
        %get3A_101 = arith.index_cast %add3A_88 : i32 to index
        %get3A_102 = arith.constant 16 : index
        %get3A_103 = tpu.vector_load %arg22[%get3A_101, %get3A_102] {strides = array<i32>} : memref<128x64xf32, #tpu.memory_space<vmem>>, vector<16xf32>,
        %get3A_104 = arith.index_cast %add3A_88 : i32 to index
        %get3A_105 = arith.constant 16 : index
        %get3A_106 = tpu.vector_load %arg23[%get3A_104, %get3A_105] {strides = array<i32>} : memref<128x128xf32, #tpu.memory_space<vmem>>, vector<16xf32>,
        %get3A_107 = arith.index_cast %add3A_88 : i32 to index
        %get3A_108 = arith.constant 16 : index
        %get3A_109 = tpu.vector_load %arg24[%get3A_107, %get3A_108] {strides = array<i32>} : memref<128x64xf32, #tpu.memory_space<vmem>>, vector<16xf32>,
        %add3A_110 = arith.addf %get3A_106, %get3A_109 : vector<16xf32>
        %mul3A_111 = arith.mulf %get3A_103, %add3A_110 : vector<16xf32>
        %add3A_112 = arith.addf %add3A_100, %mul3A_111 : vector<16xf32>
        %get3A_113 = arith.index_cast %add3A_88 : i32 to index
        %get3A_114 = arith.constant 32 : index
        %get3A_115 = tpu.vector_load %arg22[%get3A_113, %get3A_114] {strides = array<i32>} : memref<128x64xf32, #tpu.memory_space<vmem>>, vector<16xf32>,
        %get3A_116 = arith.index_cast %add3A_88 : i32 to index
        %get3A_117 = arith.constant 32 : index
        %get3A_118 = tpu.vector_load %arg23[%get3A_116, %get3A_117] {strides = array<i32>} : memref<128x128xf32, #tpu.memory_space<vmem>>, vector<16xf32>,
        %get3A_119 = arith.index_cast %add3A_88 : i32 to index
        %get3A_120 = arith.constant 32 : index
        %get3A_121 = tpu.vector_load %arg24[%get3A_119, %get3A_120] {strides = array<i32>} : memref<128x64xf32, #tpu.memory_space<vmem>>, vector<16xf32>,
        %add3A_122 = arith.addf %get3A_118, %get3A_121 : vector<16xf32>
        %mul3A_123 = arith.mulf %get3A_115, %add3A_122 : vector<16xf32>
        %add3A_124 = arith.addf %add3A_112, %mul3A_123 : vector<16xf32>
        %get3A_125 = arith.index_cast %add3A_88 : i32 to index
        %get3A_126 = arith.constant 48 : index
        %get3A_127 = tpu.vector_load %arg22[%get3A_125, %get3A_126] {strides = array<i32>} : memref<128x64xf32, #tpu.memory_space<vmem>>, vector<16xf32>,
        %get3A_128 = arith.index_cast %add3A_88 : i32 to index
        %get3A_129 = arith.constant 48 : index
        %get3A_130 = tpu.vector_load %arg23[%get3A_128, %get3A_129] {strides = array<i32>} : memref<128x128xf32, #tpu.memory_space<vmem>>, vector<16xf32>,
        %get3A_131 = arith.index_cast %add3A_88 : i32 to index
        %get3A_132 = arith.constant 48 : index
        %get3A_133 = tpu.vector_load %arg24[%get3A_131, %get3A_132] {strides = array<i32>} : memref<128x64xf32, #tpu.memory_space<vmem>>, vector<16xf32>,
        %add3A_134 = arith.addf %get3A_130, %get3A_133 : vector<16xf32>
        %mul3A_135 = arith.mulf %get3A_127, %add3A_134 : vector<16xf32>
        %add3A_136 = arith.addf %add3A_124, %mul3A_135 : vector<16xf32>
        %mul3A_137 = arith.constant 1.250000e-01 : f32
        %mul3A_138 = vector.broadcast %mul3A_137 : f32 to vector<16xf32>
        %mul3A_139 = arith.mulf %add3A_136, %mul3A_138 : vector<16xf32>
        %reduce_sum3A = arith.constant true
        %reduce_sum3A_140 = vector.broadcast %reduce_sum3A : i1 to vector<16xi1>
        %reduce_sum3A_141 = tpu.scan <sum>, %mul3A_139 masked %reduce_sum3A_140 : vector<16xf32>, vector<16xi1> -> vector<16xf32>
        %reduce_sum3A_142 = vector.extract %reduce_sum3A_141[15] : f32 from vector<16xf32>
        %broadcast_in_dim3A_143 = vector.broadcast %reduce_sum3A_142 : f32 to vector<16xf32>
        %exp3A = math.exp %broadcast_in_dim3A_143 : vector<16xf32>
        %get3A_144 = arith.index_cast %add3A_88 : i32 to index
        %get3A_145 = arith.constant 64 : index
        %get3A_146 = tpu.vector_load %arg23[%get3A_144, %get3A_145] {strides = array<i32>} : memref<128x128xf32, #tpu.memory_space<vmem>>, vector<16xf32>,
        %get3A_147 = arith.index_cast %add3A_88 : i32 to index
        %get3A_148 = arith.constant 0 : index
        %get3A_149 = tpu.vector_load %arg24[%get3A_147, %get3A_148] {strides = array<i32>} : memref<128x64xf32, #tpu.memory_space<vmem>>, vector<16xf32>,
        %add3A_150 = arith.addf %get3A_146, %get3A_149 : vector<16xf32>
        %mul3A_151 = arith.mulf %exp3A, %add3A_150 : vector<16xf32>
        %swap3A = arith.index_cast %add3A_88 : i32 to index
        %swap3A_152 = arith.constant 0 : index
        %swap3A_153 = tpu.vector_load %arg25[%swap3A, %swap3A_152] {strides = array<i32>} : memref<128x64xf32, #tpu.memory_space<vmem>>, vector<16xf32>,
        tpu.vector_store %arg25[%swap3A, %swap3A_152], %mul3A_151 {strides = array<i32>} : memref<128x64xf32, #tpu.memory_space<vmem>>, vector<16xf32>,
        %get3A_154 = arith.index_cast %add3A_88 : i32 to index
        %get3A_155 = arith.constant 80 : index
        %get3A_156 = tpu.vector_load %arg23[%get3A_154, %get3A_155] {strides = array<i32>} : memref<128x128xf32, #tpu.memory_space<vmem>>, vector<16xf32>,
        %get3A_157 = arith.index_cast %add3A_88 : i32 to index
        %get3A_158 = arith.constant 16 : index
        %get3A_159 = tpu.vector_load %arg24[%get3A_157, %get3A_158] {strides = array<i32>} : memref<128x64xf32, #tpu.memory_space<vmem>>, vector<16xf32>,
        %add3A_160 = arith.addf %get3A_156, %get3A_159 : vector<16xf32>
        %mul3A_161 = arith.mulf %exp3A, %add3A_160 : vector<16xf32>
        %swap3A_162 = arith.index_cast %add3A_88 : i32 to index
        %swap3A_163 = arith.constant 16 : index
        %swap3A_164 = tpu.vector_load %arg25[%swap3A_162, %swap3A_163] {strides = array<i32>} : memref<128x64xf32, #tpu.memory_space<vmem>>, vector<16xf32>,
        tpu.vector_store %arg25[%swap3A_162, %swap3A_163], %mul3A_161 {strides = array<i32>} : memref<128x64xf32, #tpu.memory_space<vmem>>, vector<16xf32>,
        %get3A_165 = arith.index_cast %add3A_88 : i32 to index
        %get3A_166 = arith.constant 96 : index
        %get3A_167 = tpu.vector_load %arg23[%get3A_165, %get3A_166] {strides = array<i32>} : memref<128x128xf32, #tpu.memory_space<vmem>>, vector<16xf32>,
        %get3A_168 = arith.index_cast %add3A_88 : i32 to index
        %get3A_169 = arith.constant 32 : index
        %get3A_170 = tpu.vector_load %arg24[%get3A_168, %get3A_169] {strides = array<i32>} : memref<128x64xf32, #tpu.memory_space<vmem>>, vector<16xf32>,
        %add3A_171 = arith.addf %get3A_167, %get3A_170 : vector<16xf32>
        %mul3A_172 = arith.mulf %exp3A, %add3A_171 : vector<16xf32>
        %swap3A_173 = arith.index_cast %add3A_88 : i32 to index
        %swap3A_174 = arith.constant 32 : index
        %swap3A_175 = tpu.vector_load %arg25[%swap3A_173, %swap3A_174] {strides = array<i32>} : memref<128x64xf32, #tpu.memory_space<vmem>>, vector<16xf32>,
        tpu.vector_store %arg25[%swap3A_173, %swap3A_174], %mul3A_172 {strides = array<i32>} : memref<128x64xf32, #tpu.memory_space<vmem>>, vector<16xf32>,
        %get3A_176 = arith.index_cast %add3A_88 : i32 to index
        %get3A_177 = arith.constant 112 : index
        %get3A_178 = tpu.vector_load %arg23[%get3A_176, %get3A_177] {strides = array<i32>} : memref<128x128xf32, #tpu.memory_space<vmem>>, vector<16xf32>,
        %get3A_179 = arith.index_cast %add3A_88 : i32 to index
        %get3A_180 = arith.constant 48 : index
        %get3A_181 = tpu.vector_load %arg24[%get3A_179, %get3A_180] {strides = array<i32>} : memref<128x64xf32, #tpu.memory_space<vmem>>, vector<16xf32>,
        %add3A_182 = arith.addf %get3A_178, %get3A_181 : vector<16xf32>
        %mul3A_183 = arith.mulf %exp3A, %add3A_182 : vector<16xf32>
        %swap3A_184 = arith.index_cast %add3A_88 : i32 to index
        %swap3A_185 = arith.constant 48 : index
        %swap3A_186 = tpu.vector_load %arg25[%swap3A_184, %swap3A_185] {strides = array<i32>} : memref<128x64xf32, #tpu.memory_space<vmem>>, vector<16xf32>,
        tpu.vector_store %arg25[%swap3A_184, %swap3A_185], %mul3A_183 {strides = array<i32>} : memref<128x64xf32, #tpu.memory_space<vmem>>, vector<16xf32>,
        %mul3A_187 = arith.mulf %exp3A, %convert_element_type3A : vector<16xf32>
        %swap3A_188 = arith.index_cast %add3A_88 : i32 to index
        %swap3A_189 = arith.constant 0 : index
        %swap3A_190 = tpu.vector_load %arg26[%swap3A_188, %swap3A_189] {strides = array<i32>} : memref<128x16xf32, #tpu.memory_space<vmem>>, vector<16xf32>,
        tpu.vector_store %arg26[%swap3A_188, %swap3A_189], %mul3A_187 {strides = array<i32>} : memref<128x16xf32, #tpu.memory_space<vmem>>, vector<16xf32>,
        %mul3A_191 = arith.constant 4 : i32
        %mul3A_192 = arith.muli %scan3A_84, %mul3A_191 : i32
        %add3A_193 = arith.constant 1 : i32
        %add3A_194 = arith.addi %mul3A_192, %add3A_193 : i32
        %broadcast_in_dim3A_195 = arith.constant 0.000000e+00 : f32
        %broadcast_in_dim3A_196 = vector.broadcast %broadcast_in_dim3A_195 : f32 to vector<16xf32>
        %get3A_197 = arith.index_cast %add3A_194 : i32 to index
        %get3A_198 = arith.constant 0 : index
        %get3A_199 = tpu.vector_load %arg22[%get3A_197, %get3A_198] {strides = array<i32>} : memref<128x64xf32, #tpu.memory_space<vmem>>, vector<16xf32>,
        %get3A_200 = arith.index_cast %add3A_194 : i32 to index
        %get3A_201 = arith.constant 0 : index
        %get3A_202 = tpu.vector_load %arg23[%get3A_200, %get3A_201] {strides = array<i32>} : memref<128x128xf32, #tpu.memory_space<vmem>>, vector<16xf32>,
        %get3A_203 = arith.index_cast %add3A_194 : i32 to index
        %get3A_204 = arith.constant 0 : index
        %get3A_205 = tpu.vector_load %arg24[%get3A_203, %get3A_204] {strides = array<i32>} : memref<128x64xf32, #tpu.memory_space<vmem>>, vector<16xf32>,
        %add3A_206 = arith.addf %get3A_202, %get3A_205 : vector<16xf32>
        %mul3A_207 = arith.mulf %get3A_199, %add3A_206 : vector<16xf32>
        %add3A_208 = arith.addf %broadcast_in_dim3A_196, %mul3A_207 : vector<16xf32>
        %get3A_209 = arith.index_cast %add3A_194 : i32 to index
        %get3A_210 = arith.constant 16 : index
        %get3A_211 = tpu.vector_load %arg22[%get3A_209, %get3A_210] {strides = array<i32>} : memref<128x64xf32, #tpu.memory_space<vmem>>, vector<16xf32>,
        %get3A_212 = arith.index_cast %add3A_194 : i32 to index
        %get3A_213 = arith.constant 16 : index
        %get3A_214 = tpu.vector_load %arg23[%get3A_212, %get3A_213] {strides = array<i32>} : memref<128x128xf32, #tpu.memory_space<vmem>>, vector<16xf32>,
        %get3A_215 = arith.index_cast %add3A_194 : i32 to index
        %get3A_216 = arith.constant 16 : index
        %get3A_217 = tpu.vector_load %arg24[%get3A_215, %get3A_216] {strides = array<i32>} : memref<128x64xf32, #tpu.memory_space<vmem>>, vector<16xf32>,
        %add3A_218 = arith.addf %get3A_214, %get3A_217 : vector<16xf32>
        %mul3A_219 = arith.mulf %get3A_211, %add3A_218 : vector<16xf32>
        %add3A_220 = arith.addf %add3A_208, %mul3A_219 : vector<16xf32>
        %get3A_221 = arith.index_cast %add3A_194 : i32 to index
        %get3A_222 = arith.constant 32 : index
        %get3A_223 = tpu.vector_load %arg22[%get3A_221, %get3A_222] {strides = array<i32>} : memref<128x64xf32, #tpu.memory_space<vmem>>, vector<16xf32>,
        %get3A_224 = arith.index_cast %add3A_194 : i32 to index
        %get3A_225 = arith.constant 32 : index
        %get3A_226 = tpu.vector_load %arg23[%get3A_224, %get3A_225] {strides = array<i32>} : memref<128x128xf32, #tpu.memory_space<vmem>>, vector<16xf32>,
        %get3A_227 = arith.index_cast %add3A_194 : i32 to index
        %get3A_228 = arith.constant 32 : index
        %get3A_229 = tpu.vector_load %arg24[%get3A_227, %get3A_228] {strides = array<i32>} : memref<128x64xf32, #tpu.memory_space<vmem>>, vector<16xf32>,
        %add3A_230 = arith.addf %get3A_226, %get3A_229 : vector<16xf32>
        %mul3A_231 = arith.mulf %get3A_223, %add3A_230 : vector<16xf32>
        %add3A_232 = arith.addf %add3A_220, %mul3A_231 : vector<16xf32>
        %get3A_233 = arith.index_cast %add3A_194 : i32 to index
        %get3A_234 = arith.constant 48 : index
        %get3A_235 = tpu.vector_load %arg22[%get3A_233, %get3A_234] {strides = array<i32>} : memref<128x64xf32, #tpu.memory_space<vmem>>, vector<16xf32>,
        %get3A_236 = arith.index_cast %add3A_194 : i32 to index
        %get3A_237 = arith.constant 48 : index
        %get3A_238 = tpu.vector_load %arg23[%get3A_236, %get3A_237] {strides = array<i32>} : memref<128x128xf32, #tpu.memory_space<vmem>>, vector<16xf32>,
        %get3A_239 = arith.index_cast %add3A_194 : i32 to index
        %get3A_240 = arith.constant 48 : index
        %get3A_241 = tpu.vector_load %arg24[%get3A_239, %get3A_240] {strides = array<i32>} : memref<128x64xf32, #tpu.memory_space<vmem>>, vector<16xf32>,
        %add3A_242 = arith.addf %get3A_238, %get3A_241 : vector<16xf32>
        %mul3A_243 = arith.mulf %get3A_235, %add3A_242 : vector<16xf32>
        %add3A_244 = arith.addf %add3A_232, %mul3A_243 : vector<16xf32>
        %mul3A_245 = arith.constant 1.250000e-01 : f32
        %mul3A_246 = vector.broadcast %mul3A_245 : f32 to vector<16xf32>
        %mul3A_247 = arith.mulf %add3A_244, %mul3A_246 : vector<16xf32>
        %reduce_sum3A_248 = arith.constant true
        %reduce_sum3A_249 = vector.broadcast %reduce_sum3A_248 : i1 to vector<16xi1>
        %reduce_sum3A_250 = tpu.scan <sum>, %mul3A_247 masked %reduce_sum3A_249 : vector<16xf32>, vector<16xi1> -> vector<16xf32>
        %reduce_sum3A_251 = vector.extract %reduce_sum3A_250[15] : f32 from vector<16xf32>
        %broadcast_in_dim3A_252 = vector.broadcast %reduce_sum3A_251 : f32 to vector<16xf32>
        %exp3A_253 = math.exp %broadcast_in_dim3A_252 : vector<16xf32>
        %get3A_254 = arith.index_cast %add3A_194 : i32 to index
        %get3A_255 = arith.constant 64 : index
        %get3A_256 = tpu.vector_load %arg23[%get3A_254, %get3A_255] {strides = array<i32>} : memref<128x128xf32, #tpu.memory_space<vmem>>, vector<16xf32>,
        %get3A_257 = arith.index_cast %add3A_194 : i32 to index
        %get3A_258 = arith.constant 0 : index
        %get3A_259 = tpu.vector_load %arg24[%get3A_257, %get3A_258] {strides = array<i32>} : memref<128x64xf32, #tpu.memory_space<vmem>>, vector<16xf32>,
        %add3A_260 = arith.addf %get3A_256, %get3A_259 : vector<16xf32>
        %mul3A_261 = arith.mulf %exp3A_253, %add3A_260 : vector<16xf32>
        %swap3A_262 = arith.index_cast %add3A_194 : i32 to index
        %swap3A_263 = arith.constant 0 : index
        %swap3A_264 = tpu.vector_load %arg25[%swap3A_262, %swap3A_263] {strides = array<i32>} : memref<128x64xf32, #tpu.memory_space<vmem>>, vector<16xf32>,
        tpu.vector_store %arg25[%swap3A_262, %swap3A_263], %mul3A_261 {strides = array<i32>} : memref<128x64xf32, #tpu.memory_space<vmem>>, vector<16xf32>,
        %get3A_265 = arith.index_cast %add3A_194 : i32 to index
        %get3A_266 = arith.constant 80 : index
        %get3A_267 = tpu.vector_load %arg23[%get3A_265, %get3A_266] {strides = array<i32>} : memref<128x128xf32, #tpu.memory_space<vmem>>, vector<16xf32>,
        %get3A_268 = arith.index_cast %add3A_194 : i32 to index
        %get3A_269 = arith.constant 16 : index
        %get3A_270 = tpu.vector_load %arg24[%get3A_268, %get3A_269] {strides = array<i32>} : memref<128x64xf32, #tpu.memory_space<vmem>>, vector<16xf32>,
        %add3A_271 = arith.addf %get3A_267, %get3A_270 : vector<16xf32>
        %mul3A_272 = arith.mulf %exp3A_253, %add3A_271 : vector<16xf32>
        %swap3A_273 = arith.index_cast %add3A_194 : i32 to index
        %swap3A_274 = arith.constant 16 : index
        %swap3A_275 = tpu.vector_load %arg25[%swap3A_273, %swap3A_274] {strides = array<i32>} : memref<128x64xf32, #tpu.memory_space<vmem>>, vector<16xf32>,
        tpu.vector_store %arg25[%swap3A_273, %swap3A_274], %mul3A_272 {strides = array<i32>} : memref<128x64xf32, #tpu.memory_space<vmem>>, vector<16xf32>,
        %get3A_276 = arith.index_cast %add3A_194 : i32 to index
        %get3A_277 = arith.constant 96 : index
        %get3A_278 = tpu.vector_load %arg23[%get3A_276, %get3A_277] {strides = array<i32>} : memref<128x128xf32, #tpu.memory_space<vmem>>, vector<16xf32>,
        %get3A_279 = arith.index_cast %add3A_194 : i32 to index
        %get3A_280 = arith.constant 32 : index
        %get3A_281 = tpu.vector_load %arg24[%get3A_279, %get3A_280] {strides = array<i32>} : memref<128x64xf32, #tpu.memory_space<vmem>>, vector<16xf32>,
        %add3A_282 = arith.addf %get3A_278, %get3A_281 : vector<16xf32>
        %mul3A_283 = arith.mulf %exp3A_253, %add3A_282 : vector<16xf32>
        %swap3A_284 = arith.index_cast %add3A_194 : i32 to index
        %swap3A_285 = arith.constant 32 : index
        %swap3A_286 = tpu.vector_load %arg25[%swap3A_284, %swap3A_285] {strides = array<i32>} : memref<128x64xf32, #tpu.memory_space<vmem>>, vector<16xf32>,
        tpu.vector_store %arg25[%swap3A_284, %swap3A_285], %mul3A_283 {strides = array<i32>} : memref<128x64xf32, #tpu.memory_space<vmem>>, vector<16xf32>,
        %get3A_287 = arith.index_cast %add3A_194 : i32 to index
        %get3A_288 = arith.constant 112 : index
        %get3A_289 = tpu.vector_load %arg23[%get3A_287, %get3A_288] {strides = array<i32>} : memref<128x128xf32, #tpu.memory_space<vmem>>, vector<16xf32>,
        %get3A_290 = arith.index_cast %add3A_194 : i32 to index
        %get3A_291 = arith.constant 48 : index
        %get3A_292 = tpu.vector_load %arg24[%get3A_290, %get3A_291] {strides = array<i32>} : memref<128x64xf32, #tpu.memory_space<vmem>>, vector<16xf32>,
        %add3A_293 = arith.addf %get3A_289, %get3A_292 : vector<16xf32>
        %mul3A_294 = arith.mulf %exp3A_253, %add3A_293 : vector<16xf32>
        %swap3A_295 = arith.index_cast %add3A_194 : i32 to index
        %swap3A_296 = arith.constant 48 : index
        %swap3A_297 = tpu.vector_load %arg25[%swap3A_295, %swap3A_296] {strides = array<i32>} : memref<128x64xf32, #tpu.memory_space<vmem>>, vector<16xf32>,
        tpu.vector_store %arg25[%swap3A_295, %swap3A_296], %mul3A_294 {strides = array<i32>} : memref<128x64xf32, #tpu.memory_space<vmem>>, vector<16xf32>,
        %mul3A_298 = arith.mulf %exp3A_253, %convert_element_type3A : vector<16xf32>
        %swap3A_299 = arith.index_cast %add3A_194 : i32 to index
        %swap3A_300 = arith.constant 0 : index
        %swap3A_301 = tpu.vector_load %arg26[%swap3A_299, %swap3A_300] {strides = array<i32>} : memref<128x16xf32, #tpu.memory_space<vmem>>, vector<16xf32>,
        tpu.vector_store %arg26[%swap3A_299, %swap3A_300], %mul3A_298 {strides = array<i32>} : memref<128x16xf32, #tpu.memory_space<vmem>>, vector<16xf32>,
        %mul3A_302 = arith.constant 4 : i32
        %mul3A_303 = arith.muli %scan3A_84, %mul3A_302 : i32
        %add3A_304 = arith.constant 2 : i32
        %add3A_305 = arith.addi %mul3A_303, %add3A_304 : i32
        %broadcast_in_dim3A_306 = arith.constant 0.000000e+00 : f32
        %broadcast_in_dim3A_307 = vector.broadcast %broadcast_in_dim3A_306 : f32 to vector<16xf32>
        %get3A_308 = arith.index_cast %add3A_305 : i32 to index
        %get3A_309 = arith.constant 0 : index
        %get3A_310 = tpu.vector_load %arg22[%get3A_308, %get3A_309] {strides = array<i32>} : memref<128x64xf32, #tpu.memory_space<vmem>>, vector<16xf32>,
        %get3A_311 = arith.index_cast %add3A_305 : i32 to index
        %get3A_312 = arith.constant 0 : index
        %get3A_313 = tpu.vector_load %arg23[%get3A_311, %get3A_312] {strides = array<i32>} : memref<128x128xf32, #tpu.memory_space<vmem>>, vector<16xf32>,
        %get3A_314 = arith.index_cast %add3A_305 : i32 to index
        %get3A_315 = arith.constant 0 : index
        %get3A_316 = tpu.vector_load %arg24[%get3A_314, %get3A_315] {strides = array<i32>} : memref<128x64xf32, #tpu.memory_space<vmem>>, vector<16xf32>,
        %add3A_317 = arith.addf %get3A_313, %get3A_316 : vector<16xf32>
        %mul3A_318 = arith.mulf %get3A_310, %add3A_317 : vector<16xf32>
        %add3A_319 = arith.addf %broadcast_in_dim3A_307, %mul3A_318 : vector<16xf32>
        %get3A_320 = arith.index_cast %add3A_305 : i32 to index
        %get3A_321 = arith.constant 16 : index
        %get3A_322 = tpu.vector_load %arg22[%get3A_320, %get3A_321] {strides = array<i32>} : memref<128x64xf32, #tpu.memory_space<vmem>>, vector<16xf32>,
        %get3A_323 = arith.index_cast %add3A_305 : i32 to index
        %get3A_324 = arith.constant 16 : index
        %get3A_325 = tpu.vector_load %arg23[%get3A_323, %get3A_324] {strides = array<i32>} : memref<128x128xf32, #tpu.memory_space<vmem>>, vector<16xf32>,
        %get3A_326 = arith.index_cast %add3A_305 : i32 to index
        %get3A_327 = arith.constant 16 : index
        %get3A_328 = tpu.vector_load %arg24[%get3A_326, %get3A_327] {strides = array<i32>} : memref<128x64xf32, #tpu.memory_space<vmem>>, vector<16xf32>,
        %add3A_329 = arith.addf %get3A_325, %get3A_328 : vector<16xf32>
        %mul3A_330 = arith.mulf %get3A_322, %add3A_329 : vector<16xf32>
        %add3A_331 = arith.addf %add3A_319, %mul3A_330 : vector<16xf32>
        %get3A_332 = arith.index_cast %add3A_305 : i32 to index
        %get3A_333 = arith.constant 32 : index
        %get3A_334 = tpu.vector_load %arg22[%get3A_332, %get3A_333] {strides = array<i32>} : memref<128x64xf32, #tpu.memory_space<vmem>>, vector<16xf32>,
        %get3A_335 = arith.index_cast %add3A_305 : i32 to index
        %get3A_336 = arith.constant 32 : index
        %get3A_337 = tpu.vector_load %arg23[%get3A_335, %get3A_336] {strides = array<i32>} : memref<128x128xf32, #tpu.memory_space<vmem>>, vector<16xf32>,
        %get3A_338 = arith.index_cast %add3A_305 : i32 to index
        %get3A_339 = arith.constant 32 : index
        %get3A_340 = tpu.vector_load %arg24[%get3A_338, %get3A_339] {strides = array<i32>} : memref<128x64xf32, #tpu.memory_space<vmem>>, vector<16xf32>,
        %add3A_341 = arith.addf %get3A_337, %get3A_340 : vector<16xf32>
        %mul3A_342 = arith.mulf %get3A_334, %add3A_341 : vector<16xf32>
        %add3A_343 = arith.addf %add3A_331, %mul3A_342 : vector<16xf32>
        %get3A_344 = arith.index_cast %add3A_305 : i32 to index
        %get3A_345 = arith.constant 48 : index
        %get3A_346 = tpu.vector_load %arg22[%get3A_344, %get3A_345] {strides = array<i32>} : memref<128x64xf32, #tpu.memory_space<vmem>>, vector<16xf32>,
        %get3A_347 = arith.index_cast %add3A_305 : i32 to index
        %get3A_348 = arith.constant 48 : index
        %get3A_349 = tpu.vector_load %arg23[%get3A_347, %get3A_348] {strides = array<i32>} : memref<128x128xf32, #tpu.memory_space<vmem>>, vector<16xf32>,
        %get3A_350 = arith.index_cast %add3A_305 : i32 to index
        %get3A_351 = arith.constant 48 : index
        %get3A_352 = tpu.vector_load %arg24[%get3A_350, %get3A_351] {strides = array<i32>} : memref<128x64xf32, #tpu.memory_space<vmem>>, vector<16xf32>,
        %add3A_353 = arith.addf %get3A_349, %get3A_352 : vector<16xf32>
        %mul3A_354 = arith.mulf %get3A_346, %add3A_353 : vector<16xf32>
        %add3A_355 = arith.addf %add3A_343, %mul3A_354 : vector<16xf32>
        %mul3A_356 = arith.constant 1.250000e-01 : f32
        %mul3A_357 = vector.broadcast %mul3A_356 : f32 to vector<16xf32>
        %mul3A_358 = arith.mulf %add3A_355, %mul3A_357 : vector<16xf32>
        %reduce_sum3A_359 = arith.constant true
        %reduce_sum3A_360 = vector.broadcast %reduce_sum3A_359 : i1 to vector<16xi1>
        %reduce_sum3A_361 = tpu.scan <sum>, %mul3A_358 masked %reduce_sum3A_360 : vector<16xf32>, vector<16xi1> -> vector<16xf32>
        %reduce_sum3A_362 = vector.extract %reduce_sum3A_361[15] : f32 from vector<16xf32>
        %broadcast_in_dim3A_363 = vector.broadcast %reduce_sum3A_362 : f32 to vector<16xf32>
        %exp3A_364 = math.exp %broadcast_in_dim3A_363 : vector<16xf32>
        %get3A_365 = arith.index_cast %add3A_305 : i32 to index
        %get3A_366 = arith.constant 64 : index
        %get3A_367 = tpu.vector_load %arg23[%get3A_365, %get3A_366] {strides = array<i32>} : memref<128x128xf32, #tpu.memory_space<vmem>>, vector<16xf32>,
        %get3A_368 = arith.index_cast %add3A_305 : i32 to index
        %get3A_369 = arith.constant 0 : index
        %get3A_370 = tpu.vector_load %arg24[%get3A_368, %get3A_369] {strides = array<i32>} : memref<128x64xf32, #tpu.memory_space<vmem>>, vector<16xf32>,
        %add3A_371 = arith.addf %get3A_367, %get3A_370 : vector<16xf32>
        %mul3A_372 = arith.mulf %exp3A_364, %add3A_371 : vector<16xf32>
        %swap3A_373 = arith.index_cast %add3A_305 : i32 to index
        %swap3A_374 = arith.constant 0 : index
        %swap3A_375 = tpu.vector_load %arg25[%swap3A_373, %swap3A_374] {strides = array<i32>} : memref<128x64xf32, #tpu.memory_space<vmem>>, vector<16xf32>,
        tpu.vector_store %arg25[%swap3A_373, %swap3A_374], %mul3A_372 {strides = array<i32>} : memref<128x64xf32, #tpu.memory_space<vmem>>, vector<16xf32>,
        %get3A_376 = arith.index_cast %add3A_305 : i32 to index
        %get3A_377 = arith.constant 80 : index
        %get3A_378 = tpu.vector_load %arg23[%get3A_376, %get3A_377] {strides = array<i32>} : memref<128x128xf32, #tpu.memory_space<vmem>>, vector<16xf32>,
        %get3A_379 = arith.index_cast %add3A_305 : i32 to index
        %get3A_380 = arith.constant 16 : index
        %get3A_381 = tpu.vector_load %arg24[%get3A_379, %get3A_380] {strides = array<i32>} : memref<128x64xf32, #tpu.memory_space<vmem>>, vector<16xf32>,
        %add3A_382 = arith.addf %get3A_378, %get3A_381 : vector<16xf32>
        %mul3A_383 = arith.mulf %exp3A_364, %add3A_382 : vector<16xf32>
        %swap3A_384 = arith.index_cast %add3A_305 : i32 to index
        %swap3A_385 = arith.constant 16 : index
        %swap3A_386 = tpu.vector_load %arg25[%swap3A_384, %swap3A_385] {strides = array<i32>} : memref<128x64xf32, #tpu.memory_space<vmem>>, vector<16xf32>,
        tpu.vector_store %arg25[%swap3A_384, %swap3A_385], %mul3A_383 {strides = array<i32>} : memref<128x64xf32, #tpu.memory_space<vmem>>, vector<16xf32>,
        %get3A_387 = arith.index_cast %add3A_305 : i32 to index
        %get3A_388 = arith.constant 96 : index
        %get3A_389 = tpu.vector_load %arg23[%get3A_387, %get3A_388] {strides = array<i32>} : memref<128x128xf32, #tpu.memory_space<vmem>>, vector<16xf32>,
        %get3A_390 = arith.index_cast %add3A_305 : i32 to index
        %get3A_391 = arith.constant 32 : index
        %get3A_392 = tpu.vector_load %arg24[%get3A_390, %get3A_391] {strides = array<i32>} : memref<128x64xf32, #tpu.memory_space<vmem>>, vector<16xf32>,
        %add3A_393 = arith.addf %get3A_389, %get3A_392 : vector<16xf32>
        %mul3A_394 = arith.mulf %exp3A_364, %add3A_393 : vector<16xf32>
        %swap3A_395 = arith.index_cast %add3A_305 : i32 to index
        %swap3A_396 = arith.constant 32 : index
        %swap3A_397 = tpu.vector_load %arg25[%swap3A_395, %swap3A_396] {strides = array<i32>} : memref<128x64xf32, #tpu.memory_space<vmem>>, vector<16xf32>,
        tpu.vector_store %arg25[%swap3A_395, %swap3A_396], %mul3A_394 {strides = array<i32>} : memref<128x64xf32, #tpu.memory_space<vmem>>, vector<16xf32>,
        %get3A_398 = arith.index_cast %add3A_305 : i32 to index
        %get3A_399 = arith.constant 112 : index
        %get3A_400 = tpu.vector_load %arg23[%get3A_398, %get3A_399] {strides = array<i32>} : memref<128x128xf32, #tpu.memory_space<vmem>>, vector<16xf32>,
        %get3A_401 = arith.index_cast %add3A_305 : i32 to index
        %get3A_402 = arith.constant 48 : index
        %get3A_403 = tpu.vector_load %arg24[%get3A_401, %get3A_402] {strides = array<i32>} : memref<128x64xf32, #tpu.memory_space<vmem>>, vector<16xf32>,
        %add3A_404 = arith.addf %get3A_400, %get3A_403 : vector<16xf32>
        %mul3A_405 = arith.mulf %exp3A_364, %add3A_404 : vector<16xf32>
        %swap3A_406 = arith.index_cast %add3A_305 : i32 to index
        %swap3A_407 = arith.constant 48 : index
        %swap3A_408 = tpu.vector_load %arg25[%swap3A_406, %swap3A_407] {strides = array<i32>} : memref<128x64xf32, #tpu.memory_space<vmem>>, vector<16xf32>,
        tpu.vector_store %arg25[%swap3A_406, %swap3A_407], %mul3A_405 {strides = array<i32>} : memref<128x64xf32, #tpu.memory_space<vmem>>, vector<16xf32>,
        %mul3A_409 = arith.mulf %exp3A_364, %convert_element_type3A : vector<16xf32>
        %swap3A_410 = arith.index_cast %add3A_305 : i32 to index
        %swap3A_411 = arith.constant 0 : index
        %swap3A_412 = tpu.vector_load %arg26[%swap3A_410, %swap3A_411] {strides = array<i32>} : memref<128x16xf32, #tpu.memory_space<vmem>>, vector<16xf32>,
        tpu.vector_store %arg26[%swap3A_410, %swap3A_411], %mul3A_409 {strides = array<i32>} : memref<128x16xf32, #tpu.memory_space<vmem>>, vector<16xf32>,
        %mul3A_413 = arith.constant 4 : i32
        %mul3A_414 = arith.muli %scan3A_84, %mul3A_413 : i32
        %add3A_415 = arith.constant 3 : i32
        %add3A_416 = arith.addi %mul3A_414, %add3A_415 : i32
        %broadcast_in_dim3A_417 = arith.constant 0.000000e+00 : f32
        %broadcast_in_dim3A_418 = vector.broadcast %broadcast_in_dim3A_417 : f32 to vector<16xf32>
        %get3A_419 = arith.index_cast %add3A_416 : i32 to index
        %get3A_420 = arith.constant 0 : index
        %get3A_421 = tpu.vector_load %arg22[%get3A_419, %get3A_420] {strides = array<i32>} : memref<128x64xf32, #tpu.memory_space<vmem>>, vector<16xf32>,
        %get3A_422 = arith.index_cast %add3A_416 : i32 to index
        %get3A_423 = arith.constant 0 : index
        %get3A_424 = tpu.vector_load %arg23[%get3A_422, %get3A_423] {strides = array<i32>} : memref<128x128xf32, #tpu.memory_space<vmem>>, vector<16xf32>,
        %get3A_425 = arith.index_cast %add3A_416 : i32 to index
        %get3A_426 = arith.constant 0 : index
        %get3A_427 = tpu.vector_load %arg24[%get3A_425, %get3A_426] {strides = array<i32>} : memref<128x64xf32, #tpu.memory_space<vmem>>, vector<16xf32>,
        %add3A_428 = arith.addf %get3A_424, %get3A_427 : vector<16xf32>
        %mul3A_429 = arith.mulf %get3A_421, %add3A_428 : vector<16xf32>
        %add3A_430 = arith.addf %broadcast_in_dim3A_418, %mul3A_429 : vector<16xf32>
        %get3A_431 = arith.index_cast %add3A_416 : i32 to index
        %get3A_432 = arith.constant 16 : index
        %get3A_433 = tpu.vector_load %arg22[%get3A_431, %get3A_432] {strides = array<i32>} : memref<128x64xf32, #tpu.memory_space<vmem>>, vector<16xf32>,
        %get3A_434 = arith.index_cast %add3A_416 : i32 to index
        %get3A_435 = arith.constant 16 : index
        %get3A_436 = tpu.vector_load %arg23[%get3A_434, %get3A_435] {strides = array<i32>} : memref<128x128xf32, #tpu.memory_space<vmem>>, vector<16xf32>,
        %get3A_437 = arith.index_cast %add3A_416 : i32 to index
        %get3A_438 = arith.constant 16 : index
        %get3A_439 = tpu.vector_load %arg24[%get3A_437, %get3A_438] {strides = array<i32>} : memref<128x64xf32, #tpu.memory_space<vmem>>, vector<16xf32>,
        %add3A_440 = arith.addf %get3A_436, %get3A_439 : vector<16xf32>
        %mul3A_441 = arith.mulf %get3A_433, %add3A_440 : vector<16xf32>
        %add3A_442 = arith.addf %add3A_430, %mul3A_441 : vector<16xf32>
        %get3A_443 = arith.index_cast %add3A_416 : i32 to index
        %get3A_444 = arith.constant 32 : index
        %get3A_445 = tpu.vector_load %arg22[%get3A_443, %get3A_444] {strides = array<i32>} : memref<128x64xf32, #tpu.memory_space<vmem>>, vector<16xf32>,
        %get3A_446 = arith.index_cast %add3A_416 : i32 to index
        %get3A_447 = arith.constant 32 : index
        %get3A_448 = tpu.vector_load %arg23[%get3A_446, %get3A_447] {strides = array<i32>} : memref<128x128xf32, #tpu.memory_space<vmem>>, vector<16xf32>,
        %get3A_449 = arith.index_cast %add3A_416 : i32 to index
        %get3A_450 = arith.constant 32 : index
        %get3A_451 = tpu.vector_load %arg24[%get3A_449, %get3A_450] {strides = array<i32>} : memref<128x64xf32, #tpu.memory_space<vmem>>, vector<16xf32>,
        %add3A_452 = arith.addf %get3A_448, %get3A_451 : vector<16xf32>
        %mul3A_453 = arith.mulf %get3A_445, %add3A_452 : vector<16xf32>
        %add3A_454 = arith.addf %add3A_442, %mul3A_453 : vector<16xf32>
        %get3A_455 = arith.index_cast %add3A_416 : i32 to index
        %get3A_456 = arith.constant 48 : index
        %get3A_457 = tpu.vector_load %arg22[%get3A_455, %get3A_456] {strides = array<i32>} : memref<128x64xf32, #tpu.memory_space<vmem>>, vector<16xf32>,
        %get3A_458 = arith.index_cast %add3A_416 : i32 to index
        %get3A_459 = arith.constant 48 : index
        %get3A_460 = tpu.vector_load %arg23[%get3A_458, %get3A_459] {strides = array<i32>} : memref<128x128xf32, #tpu.memory_space<vmem>>, vector<16xf32>,
        %get3A_461 = arith.index_cast %add3A_416 : i32 to index
        %get3A_462 = arith.constant 48 : index
        %get3A_463 = tpu.vector_load %arg24[%get3A_461, %get3A_462] {strides = array<i32>} : memref<128x64xf32, #tpu.memory_space<vmem>>, vector<16xf32>,
        %add3A_464 = arith.addf %get3A_460, %get3A_463 : vector<16xf32>
        %mul3A_465 = arith.mulf %get3A_457, %add3A_464 : vector<16xf32>
        %add3A_466 = arith.addf %add3A_454, %mul3A_465 : vector<16xf32>
        %mul3A_467 = arith.constant 1.250000e-01 : f32
        %mul3A_468 = vector.broadcast %mul3A_467 : f32 to vector<16xf32>
        %mul3A_469 = arith.mulf %add3A_466, %mul3A_468 : vector<16xf32>
        %reduce_sum3A_470 = arith.constant true
        %reduce_sum3A_471 = vector.broadcast %reduce_sum3A_470 : i1 to vector<16xi1>
        %reduce_sum3A_472 = tpu.scan <sum>, %mul3A_469 masked %reduce_sum3A_471 : vector<16xf32>, vector<16xi1> -> vector<16xf32>
        %reduce_sum3A_473 = vector.extract %reduce_sum3A_472[15] : f32 from vector<16xf32>
        %broadcast_in_dim3A_474 = vector.broadcast %reduce_sum3A_473 : f32 to vector<16xf32>
        %exp3A_475 = math.exp %broadcast_in_dim3A_474 : vector<16xf32>
        %get3A_476 = arith.index_cast %add3A_416 : i32 to index
        %get3A_477 = arith.constant 64 : index
        %get3A_478 = tpu.vector_load %arg23[%get3A_476, %get3A_477] {strides = array<i32>} : memref<128x128xf32, #tpu.memory_space<vmem>>, vector<16xf32>,
        %get3A_479 = arith.index_cast %add3A_416 : i32 to index
        %get3A_480 = arith.constant 0 : index
        %get3A_481 = tpu.vector_load %arg24[%get3A_479, %get3A_480] {strides = array<i32>} : memref<128x64xf32, #tpu.memory_space<vmem>>, vector<16xf32>,
        %add3A_482 = arith.addf %get3A_478, %get3A_481 : vector<16xf32>
        %mul3A_483 = arith.mulf %exp3A_475, %add3A_482 : vector<16xf32>
        %swap3A_484 = arith.index_cast %add3A_416 : i32 to index
        %swap3A_485 = arith.constant 0 : index
        %swap3A_486 = tpu.vector_load %arg25[%swap3A_484, %swap3A_485] {strides = array<i32>} : memref<128x64xf32, #tpu.memory_space<vmem>>, vector<16xf32>,
        tpu.vector_store %arg25[%swap3A_484, %swap3A_485], %mul3A_483 {strides = array<i32>} : memref<128x64xf32, #tpu.memory_space<vmem>>, vector<16xf32>,
        %get3A_487 = arith.index_cast %add3A_416 : i32 to index
        %get3A_488 = arith.constant 80 : index
        %get3A_489 = tpu.vector_load %arg23[%get3A_487, %get3A_488] {strides = array<i32>} : memref<128x128xf32, #tpu.memory_space<vmem>>, vector<16xf32>,
        %get3A_490 = arith.index_cast %add3A_416 : i32 to index
        %get3A_491 = arith.constant 16 : index
        %get3A_492 = tpu.vector_load %arg24[%get3A_490, %get3A_491] {strides = array<i32>} : memref<128x64xf32, #tpu.memory_space<vmem>>, vector<16xf32>,
        %add3A_493 = arith.addf %get3A_489, %get3A_492 : vector<16xf32>
        %mul3A_494 = arith.mulf %exp3A_475, %add3A_493 : vector<16xf32>
        %swap3A_495 = arith.index_cast %add3A_416 : i32 to index
        %swap3A_496 = arith.constant 16 : index
        %swap3A_497 = tpu.vector_load %arg25[%swap3A_495, %swap3A_496] {strides = array<i32>} : memref<128x64xf32, #tpu.memory_space<vmem>>, vector<16xf32>,
        tpu.vector_store %arg25[%swap3A_495, %swap3A_496], %mul3A_494 {strides = array<i32>} : memref<128x64xf32, #tpu.memory_space<vmem>>, vector<16xf32>,
        %get3A_498 = arith.index_cast %add3A_416 : i32 to index
        %get3A_499 = arith.constant 96 : index
        %get3A_500 = tpu.vector_load %arg23[%get3A_498, %get3A_499] {strides = array<i32>} : memref<128x128xf32, #tpu.memory_space<vmem>>, vector<16xf32>,
        %get3A_501 = arith.index_cast %add3A_416 : i32 to index
        %get3A_502 = arith.constant 32 : index
        %get3A_503 = tpu.vector_load %arg24[%get3A_501, %get3A_502] {strides = array<i32>} : memref<128x64xf32, #tpu.memory_space<vmem>>, vector<16xf32>,
        %add3A_504 = arith.addf %get3A_500, %get3A_503 : vector<16xf32>
        %mul3A_505 = arith.mulf %exp3A_475, %add3A_504 : vector<16xf32>
        %swap3A_506 = arith.index_cast %add3A_416 : i32 to index
        %swap3A_507 = arith.constant 32 : index
        %swap3A_508 = tpu.vector_load %arg25[%swap3A_506, %swap3A_507] {strides = array<i32>} : memref<128x64xf32, #tpu.memory_space<vmem>>, vector<16xf32>,
        tpu.vector_store %arg25[%swap3A_506, %swap3A_507], %mul3A_505 {strides = array<i32>} : memref<128x64xf32, #tpu.memory_space<vmem>>, vector<16xf32>,
        %get3A_509 = arith.index_cast %add3A_416 : i32 to index
        %get3A_510 = arith.constant 112 : index
        %get3A_511 = tpu.vector_load %arg23[%get3A_509, %get3A_510] {strides = array<i32>} : memref<128x128xf32, #tpu.memory_space<vmem>>, vector<16xf32>,
        %get3A_512 = arith.index_cast %add3A_416 : i32 to index
        %get3A_513 = arith.constant 48 : index
        %get3A_514 = tpu.vector_load %arg24[%get3A_512, %get3A_513] {strides = array<i32>} : memref<128x64xf32, #tpu.memory_space<vmem>>, vector<16xf32>,
        %add3A_515 = arith.addf %get3A_511, %get3A_514 : vector<16xf32>
        %mul3A_516 = arith.mulf %exp3A_475, %add3A_515 : vector<16xf32>
        %swap3A_517 = arith.index_cast %add3A_416 : i32 to index
        %swap3A_518 = arith.constant 48 : index
        %swap3A_519 = tpu.vector_load %arg25[%swap3A_517, %swap3A_518] {strides = array<i32>} : memref<128x64xf32, #tpu.memory_space<vmem>>, vector<16xf32>,
        tpu.vector_store %arg25[%swap3A_517, %swap3A_518], %mul3A_516 {strides = array<i32>} : memref<128x64xf32, #tpu.memory_space<vmem>>, vector<16xf32>,
        %mul3A_520 = arith.mulf %exp3A_475, %convert_element_type3A : vector<16xf32>
        %swap3A_521 = arith.index_cast %add3A_416 : i32 to index
        %swap3A_522 = arith.constant 0 : index
        %swap3A_523 = tpu.vector_load %arg26[%swap3A_521, %swap3A_522] {strides = array<i32>} : memref<128x16xf32, #tpu.memory_space<vmem>>, vector<16xf32>,
        tpu.vector_store %arg26[%swap3A_521, %swap3A_522], %mul3A_520 {strides = array<i32>} : memref<128x16xf32, #tpu.memory_space<vmem>>, vector<16xf32>,
      }
      %scan3A_79 = arith.constant 32 : i32
      %mul3A_80 = arith.constant 128 : i32
      %mul3A_81 = arith.muli %add3A_28, %mul3A_80 : i32
      %add3A_82 = arith.addi %mul3A_2, %mul3A_81 : i32
      %multiple_of3A_83 = tpu.assume_multiple %add3A_82, 8 : i32
      "tpu.region"() ({
        %run_scoped3A = tpu.sem_alloc : memref<!tpu.dma_semaphore, #tpu.memory_space<semaphore_mem>>
        %dma_start3A_84 = arith.constant 0 : i32
        %dma_start3A_85 = tpu.memref_slice %arg8[%multiple_of3A_83, %dma_start3A_84] : memref<802816x64xf32, #tpu.memory_space<hbm>> -> memref<128x64xf32, #tpu.memory_space<hbm>>
        %dma_start3A_86 = arith.constant 0 : i32
        %dma_start3A_87 = tpu.memref_slice %arg8[%multiple_of3A_83, %dma_start3A_86] : memref<802816x64xf32, #tpu.memory_space<hbm>> -> memref<128x64xf32, #tpu.memory_space<hbm>>
        tpu.enqueue_dma source(%arg25 : memref<128x64xf32, #tpu.memory_space<vmem>>) target(%dma_start3A_87 : memref<128x64xf32, #tpu.memory_space<hbm>>) target_semaphore(%run_scoped3A : memref<!tpu.dma_semaphore, #tpu.memory_space<semaphore_mem>>)
        %dma_wait3A_88 = arith.constant 0 : i32
        %dma_wait3A_89 = tpu.memref_slice %arg8[%multiple_of3A_83, %dma_wait3A_88] : memref<802816x64xf32, #tpu.memory_space<hbm>> -> memref<128x64xf32, #tpu.memory_space<hbm>>
        %dma_wait3A_90 = arith.constant 0 : i32
        %dma_wait3A_91 = tpu.memref_slice %arg8[%multiple_of3A_83, %dma_wait3A_90] : memref<802816x64xf32, #tpu.memory_space<hbm>> -> memref<128x64xf32, #tpu.memory_space<hbm>>
        tpu.wait_dma2 semaphore(%run_scoped3A : memref<!tpu.dma_semaphore, #tpu.memory_space<semaphore_mem>>) src(%arg25 : memref<128x64xf32, #tpu.memory_space<vmem>>) dst(%dma_wait3A_91 : memref<128x64xf32, #tpu.memory_space<hbm>>)
        tpu.yield
      }) : () -> ()
      "tpu.region"() ({
        %run_scoped3A = tpu.sem_alloc : memref<!tpu.dma_semaphore, #tpu.memory_space<semaphore_mem>>
        %dma_start3A_84 = arith.constant 0 : i32
        %dma_start3A_85 = tpu.memref_slice %arg9[%multiple_of3A_83, %dma_start3A_84] : memref<802816x16xf32, #tpu.memory_space<hbm>> -> memref<128x16xf32, #tpu.memory_space<hbm>>
        %dma_start3A_86 = arith.constant 0 : i32
        %dma_start3A_87 = tpu.memref_slice %arg9[%multiple_of3A_83, %dma_start3A_86] : memref<802816x16xf32, #tpu.memory_space<hbm>> -> memref<128x16xf32, #tpu.memory_space<hbm>>
        tpu.enqueue_dma source(%arg26 : memref<128x16xf32, #tpu.memory_space<vmem>>) target(%dma_start3A_87 : memref<128x16xf32, #tpu.memory_space<hbm>>) target_semaphore(%run_scoped3A : memref<!tpu.dma_semaphore, #tpu.memory_space<semaphore_mem>>)
        %dma_wait3A_88 = arith.constant 0 : i32
        %dma_wait3A_89 = tpu.memref_slice %arg9[%multiple_of3A_83, %dma_wait3A_88] : memref<802816x16xf32, #tpu.memory_space<hbm>> -> memref<128x16xf32, #tpu.memory_space<hbm>>
        %dma_wait3A_90 = arith.constant 0 : i32
        %dma_wait3A_91 = tpu.memref_slice %arg9[%multiple_of3A_83, %dma_wait3A_90] : memref<802816x16xf32, #tpu.memory_space<hbm>> -> memref<128x16xf32, #tpu.memory_space<hbm>>
        tpu.wait_dma2 semaphore(%run_scoped3A : memref<!tpu.dma_semaphore, #tpu.memory_space<semaphore_mem>>) src(%arg26 : memref<128x16xf32, #tpu.memory_space<vmem>>) dst(%dma_wait3A_91 : memref<128x16xf32, #tpu.memory_space<hbm>>)
        tpu.yield
      }) : () -> ()
    }
    %scan3A_21 = arith.constant 98 : i32
    return
  }
}

#map = affine_map<(d0, d1) -> (0)>
#map1 = affine_map<(d0, d1) -> (0, 0)>
module attributes {stable_mosaic.version = 14 : i64} {
  func.func @_phase2_body(%arg0: i32, %arg1: i32, %arg2: memref<802816xi32, #tpu.memory_space<hbm>>, %arg3: memref<802816x64xf32, #tpu.memory_space<hbm>>, %arg4: memref<802816x16xf32, #tpu.memory_space<hbm>>, %arg5: memref<50000x64xf32, #tpu.memory_space<hbm>>, %arg6: memref<50000x16xf32, #tpu.memory_space<hbm>>, %arg7: memref<64xi32, #tpu.memory_space<vmem>>, %arg8: memref<64xi32, #tpu.memory_space<vmem>>, %arg9: memref<64x64xf32, #tpu.memory_space<vmem>>, %arg10: memref<64x16xf32, #tpu.memory_space<vmem>>, %arg11: memref<25088x64xf32, #tpu.memory_space<vmem_shared>>, %arg12: memref<25088x16xf32, #tpu.memory_space<vmem_shared>>, %arg13: memref<!tpu.dma_semaphore, #tpu.memory_space<semaphore_mem>>) attributes {dimension_semantics = [#tpu.dimension_semantics<core_parallel>, #tpu.dimension_semantics<subcore_parallel>], iteration_bounds = array<i64: 2, 16>, scalar_prefetch = 0 : i64, scratch_operands = 7 : i64, tpu.core_type = #tpu.core_type<sc_vector_subcore>, window_params = [{transform_indices = #map}, {transform_indices = #map1}, {transform_indices = #map1}, {transform_indices = #map1}, {transform_indices = #map1}]} {
    %mul3A = arith.constant 25000 : i32
    %mul3A_0 = arith.muli %arg0, %mul3A : i32
    %scan3A = arith.constant 0 : i32
    %scan3A_1 = arith.constant 0 : i32
    %scan3A_2 = arith.constant 64 : i32
    %scan3A_3 = arith.addi %scan3A_1, %scan3A_2 : i32
    %scan3A_4 = arith.constant 1 : i32
    scf.for %scan3A_27 = %scan3A_1 to %scan3A_3 step %scan3A_4  : i32 {
      %broadcast_in_dim3A = arith.constant 0.000000e+00 : f32
      %broadcast_in_dim3A_28 = vector.broadcast %broadcast_in_dim3A : f32 to vector<16xf32>
      %swap3A = arith.index_cast %scan3A_27 : i32 to index
      %swap3A_29 = arith.constant 0 : index
      %swap3A_30 = tpu.vector_load %arg9[%swap3A, %swap3A_29] {strides = array<i32>} : memref<64x64xf32, #tpu.memory_space<vmem>>, vector<16xf32>,
      tpu.vector_store %arg9[%swap3A, %swap3A_29], %broadcast_in_dim3A_28 {strides = array<i32>} : memref<64x64xf32, #tpu.memory_space<vmem>>, vector<16xf32>,
      %broadcast_in_dim3A_31 = arith.constant 0.000000e+00 : f32
      %broadcast_in_dim3A_32 = vector.broadcast %broadcast_in_dim3A_31 : f32 to vector<16xf32>
      %swap3A_33 = arith.index_cast %scan3A_27 : i32 to index
      %swap3A_34 = arith.constant 16 : index
      %swap3A_35 = tpu.vector_load %arg9[%swap3A_33, %swap3A_34] {strides = array<i32>} : memref<64x64xf32, #tpu.memory_space<vmem>>, vector<16xf32>,
      tpu.vector_store %arg9[%swap3A_33, %swap3A_34], %broadcast_in_dim3A_32 {strides = array<i32>} : memref<64x64xf32, #tpu.memory_space<vmem>>, vector<16xf32>,
      %broadcast_in_dim3A_36 = arith.constant 0.000000e+00 : f32
      %broadcast_in_dim3A_37 = vector.broadcast %broadcast_in_dim3A_36 : f32 to vector<16xf32>
      %swap3A_38 = arith.index_cast %scan3A_27 : i32 to index
      %swap3A_39 = arith.constant 32 : index
      %swap3A_40 = tpu.vector_load %arg9[%swap3A_38, %swap3A_39] {strides = array<i32>} : memref<64x64xf32, #tpu.memory_space<vmem>>, vector<16xf32>,
      tpu.vector_store %arg9[%swap3A_38, %swap3A_39], %broadcast_in_dim3A_37 {strides = array<i32>} : memref<64x64xf32, #tpu.memory_space<vmem>>, vector<16xf32>,
      %broadcast_in_dim3A_41 = arith.constant 0.000000e+00 : f32
      %broadcast_in_dim3A_42 = vector.broadcast %broadcast_in_dim3A_41 : f32 to vector<16xf32>
      %swap3A_43 = arith.index_cast %scan3A_27 : i32 to index
      %swap3A_44 = arith.constant 48 : index
      %swap3A_45 = tpu.vector_load %arg9[%swap3A_43, %swap3A_44] {strides = array<i32>} : memref<64x64xf32, #tpu.memory_space<vmem>>, vector<16xf32>,
      tpu.vector_store %arg9[%swap3A_43, %swap3A_44], %broadcast_in_dim3A_42 {strides = array<i32>} : memref<64x64xf32, #tpu.memory_space<vmem>>, vector<16xf32>,
      %broadcast_in_dim3A_46 = arith.constant 0.000000e+00 : f32
      %broadcast_in_dim3A_47 = vector.broadcast %broadcast_in_dim3A_46 : f32 to vector<16xf32>
      %swap3A_48 = arith.index_cast %scan3A_27 : i32 to index
      %swap3A_49 = arith.constant 0 : index
      %swap3A_50 = tpu.vector_load %arg10[%swap3A_48, %swap3A_49] {strides = array<i32>} : memref<64x16xf32, #tpu.memory_space<vmem>>, vector<16xf32>,
      tpu.vector_store %arg10[%swap3A_48, %swap3A_49], %broadcast_in_dim3A_47 {strides = array<i32>} : memref<64x16xf32, #tpu.memory_space<vmem>>, vector<16xf32>,
    }
    %scan3A_5 = arith.constant 64 : i32
    %scan3A_6 = arith.constant 0 : i32
    %scan3A_7 = arith.constant 0 : i32
    %scan3A_8 = arith.constant 28 : i32
    %scan3A_9 = arith.addi %scan3A_7, %scan3A_8 : i32
    %scan3A_10 = arith.constant 1 : i32
    scf.for %scan3A_27 = %scan3A_7 to %scan3A_9 step %scan3A_10  : i32 {
      %mul3A_28 = arith.constant 1568 : i32
      %mul3A_29 = arith.muli %arg1, %mul3A_28 : i32
      %mul3A_30 = arith.constant 56 : i32
      %mul3A_31 = arith.muli %scan3A_27, %mul3A_30 : i32
      %add3A = arith.addi %mul3A_29, %mul3A_31 : i32
      %multiple_of3A = tpu.assume_multiple %add3A, 8 : i32
      "tpu.region"() ({
        %run_scoped3A = tpu.sem_alloc : memref<!tpu.dma_semaphore, #tpu.memory_space<semaphore_mem>>
        %dma_start3A = arith.constant 0 : i32
        %dma_start3A_32 = arith.constant 0 : i32
        %dma_start3A_33 = tpu.memref_slice %arg9[%dma_start3A, %dma_start3A_32] : memref<64x64xf32, #tpu.memory_space<vmem>> -> memref<56x64xf32, #tpu.memory_space<vmem>>
        %dma_start3A_34 = arith.constant 0 : i32
        %dma_start3A_35 = tpu.memref_slice %arg11[%multiple_of3A, %dma_start3A_34] : memref<25088x64xf32, #tpu.memory_space<vmem_shared>> -> memref<56x64xf32, #tpu.memory_space<vmem_shared>>
        %dma_start3A_36 = arith.constant 0 : i32
        %dma_start3A_37 = tpu.memref_slice %arg11[%multiple_of3A, %dma_start3A_36] : memref<25088x64xf32, #tpu.memory_space<vmem_shared>> -> memref<56x64xf32, #tpu.memory_space<vmem_shared>>
        %dma_start3A_38 = arith.constant 0 : i32
        %dma_start3A_39 = arith.constant 0 : i32
        %dma_start3A_40 = tpu.memref_slice %arg9[%dma_start3A_38, %dma_start3A_39] : memref<64x64xf32, #tpu.memory_space<vmem>> -> memref<56x64xf32, #tpu.memory_space<vmem>>
        tpu.enqueue_dma source(%dma_start3A_40 : memref<56x64xf32, #tpu.memory_space<vmem>>) target(%dma_start3A_37 : memref<56x64xf32, #tpu.memory_space<vmem_shared>>) target_semaphore(%run_scoped3A : memref<!tpu.dma_semaphore, #tpu.memory_space<semaphore_mem>>)
        %dma_wait3A = arith.constant 0 : i32
        %dma_wait3A_41 = arith.constant 0 : i32
        %dma_wait3A_42 = tpu.memref_slice %arg9[%dma_wait3A, %dma_wait3A_41] : memref<64x64xf32, #tpu.memory_space<vmem>> -> memref<56x64xf32, #tpu.memory_space<vmem>>
        %dma_wait3A_43 = arith.constant 0 : i32
        %dma_wait3A_44 = tpu.memref_slice %arg11[%multiple_of3A, %dma_wait3A_43] : memref<25088x64xf32, #tpu.memory_space<vmem_shared>> -> memref<56x64xf32, #tpu.memory_space<vmem_shared>>
        %dma_wait3A_45 = arith.constant 0 : i32
        %dma_wait3A_46 = tpu.memref_slice %arg11[%multiple_of3A, %dma_wait3A_45] : memref<25088x64xf32, #tpu.memory_space<vmem_shared>> -> memref<56x64xf32, #tpu.memory_space<vmem_shared>>
        %dma_wait3A_47 = arith.constant 0 : i32
        %dma_wait3A_48 = arith.constant 0 : i32
        %dma_wait3A_49 = tpu.memref_slice %arg9[%dma_wait3A_47, %dma_wait3A_48] : memref<64x64xf32, #tpu.memory_space<vmem>> -> memref<56x64xf32, #tpu.memory_space<vmem>>
        tpu.wait_dma2 semaphore(%run_scoped3A : memref<!tpu.dma_semaphore, #tpu.memory_space<semaphore_mem>>) src(%dma_wait3A_49 : memref<56x64xf32, #tpu.memory_space<vmem>>) dst(%dma_wait3A_46 : memref<56x64xf32, #tpu.memory_space<vmem_shared>>)
        tpu.yield
      }) : () -> ()
      "tpu.region"() ({
        %run_scoped3A = tpu.sem_alloc : memref<!tpu.dma_semaphore, #tpu.memory_space<semaphore_mem>>
        %dma_start3A = arith.constant 0 : i32
        %dma_start3A_32 = arith.constant 0 : i32
        %dma_start3A_33 = tpu.memref_slice %arg10[%dma_start3A, %dma_start3A_32] : memref<64x16xf32, #tpu.memory_space<vmem>> -> memref<56x16xf32, #tpu.memory_space<vmem>>
        %dma_start3A_34 = arith.constant 0 : i32
        %dma_start3A_35 = tpu.memref_slice %arg12[%multiple_of3A, %dma_start3A_34] : memref<25088x16xf32, #tpu.memory_space<vmem_shared>> -> memref<56x16xf32, #tpu.memory_space<vmem_shared>>
        %dma_start3A_36 = arith.constant 0 : i32
        %dma_start3A_37 = tpu.memref_slice %arg12[%multiple_of3A, %dma_start3A_36] : memref<25088x16xf32, #tpu.memory_space<vmem_shared>> -> memref<56x16xf32, #tpu.memory_space<vmem_shared>>
        %dma_start3A_38 = arith.constant 0 : i32
        %dma_start3A_39 = arith.constant 0 : i32
        %dma_start3A_40 = tpu.memref_slice %arg10[%dma_start3A_38, %dma_start3A_39] : memref<64x16xf32, #tpu.memory_space<vmem>> -> memref<56x16xf32, #tpu.memory_space<vmem>>
        tpu.enqueue_dma source(%dma_start3A_40 : memref<56x16xf32, #tpu.memory_space<vmem>>) target(%dma_start3A_37 : memref<56x16xf32, #tpu.memory_space<vmem_shared>>) target_semaphore(%run_scoped3A : memref<!tpu.dma_semaphore, #tpu.memory_space<semaphore_mem>>)
        %dma_wait3A = arith.constant 0 : i32
        %dma_wait3A_41 = arith.constant 0 : i32
        %dma_wait3A_42 = tpu.memref_slice %arg10[%dma_wait3A, %dma_wait3A_41] : memref<64x16xf32, #tpu.memory_space<vmem>> -> memref<56x16xf32, #tpu.memory_space<vmem>>
        %dma_wait3A_43 = arith.constant 0 : i32
        %dma_wait3A_44 = tpu.memref_slice %arg12[%multiple_of3A, %dma_wait3A_43] : memref<25088x16xf32, #tpu.memory_space<vmem_shared>> -> memref<56x16xf32, #tpu.memory_space<vmem_shared>>
        %dma_wait3A_45 = arith.constant 0 : i32
        %dma_wait3A_46 = tpu.memref_slice %arg12[%multiple_of3A, %dma_wait3A_45] : memref<25088x16xf32, #tpu.memory_space<vmem_shared>> -> memref<56x16xf32, #tpu.memory_space<vmem_shared>>
        %dma_wait3A_47 = arith.constant 0 : i32
        %dma_wait3A_48 = arith.constant 0 : i32
        %dma_wait3A_49 = tpu.memref_slice %arg10[%dma_wait3A_47, %dma_wait3A_48] : memref<64x16xf32, #tpu.memory_space<vmem>> -> memref<56x16xf32, #tpu.memory_space<vmem>>
        tpu.wait_dma2 semaphore(%run_scoped3A : memref<!tpu.dma_semaphore, #tpu.memory_space<semaphore_mem>>) src(%dma_wait3A_49 : memref<56x16xf32, #tpu.memory_space<vmem>>) dst(%dma_wait3A_46 : memref<56x16xf32, #tpu.memory_space<vmem_shared>>)
        tpu.yield
      }) : () -> ()
    }
    %scan3A_11 = arith.constant 28 : i32
    %barrier3A = arith.constant 0 : index
    tpu.barrier barrier_id(%barrier3A)
    %mul3A_12 = arith.constant 50176 : i32
    %mul3A_13 = arith.muli %arg1, %mul3A_12 : i32
    %scan3A_14 = arith.constant 0 : i32
    %scan3A_15 = arith.constant 0 : i32
    %scan3A_16 = arith.constant 784 : i32
    %scan3A_17 = arith.addi %scan3A_15, %scan3A_16 : i32
    %scan3A_18 = arith.constant 1 : i32
    scf.for %scan3A_27 = %scan3A_15 to %scan3A_17 step %scan3A_18  : i32 {
      %mul3A_28 = arith.constant 64 : i32
      %mul3A_29 = arith.muli %scan3A_27, %mul3A_28 : i32
      %add3A = arith.addi %mul3A_13, %mul3A_29 : i32
      %multiple_of3A = tpu.assume_multiple %add3A, 8 : i32
      "tpu.region"() ({
        %run_scoped3A = tpu.sem_alloc : memref<!tpu.dma_semaphore, #tpu.memory_space<semaphore_mem>>
        %dma_start3A = tpu.memref_slice %arg2[%multiple_of3A] : memref<802816xi32, #tpu.memory_space<hbm>> -> memref<64xi32, #tpu.memory_space<hbm>>
        %dma_start3A_85 = tpu.memref_slice %arg2[%multiple_of3A] : memref<802816xi32, #tpu.memory_space<hbm>> -> memref<64xi32, #tpu.memory_space<hbm>>
        tpu.enqueue_dma source(%dma_start3A_85 : memref<64xi32, #tpu.memory_space<hbm>>) target(%arg7 : memref<64xi32, #tpu.memory_space<vmem>>) target_semaphore(%run_scoped3A : memref<!tpu.dma_semaphore, #tpu.memory_space<semaphore_mem>>)
        %dma_wait3A = tpu.memref_slice %arg2[%multiple_of3A] : memref<802816xi32, #tpu.memory_space<hbm>> -> memref<64xi32, #tpu.memory_space<hbm>>
        %dma_wait3A_86 = tpu.memref_slice %arg2[%multiple_of3A] : memref<802816xi32, #tpu.memory_space<hbm>> -> memref<64xi32, #tpu.memory_space<hbm>>
        tpu.wait_dma2 semaphore(%run_scoped3A : memref<!tpu.dma_semaphore, #tpu.memory_space<semaphore_mem>>) src(%dma_wait3A_86 : memref<64xi32, #tpu.memory_space<hbm>>) dst(%arg7 : memref<64xi32, #tpu.memory_space<vmem>>)
        tpu.yield
      }) : () -> ()
      "tpu.region"() ({
        %run_scoped3A = tpu.sem_alloc : memref<!tpu.dma_semaphore, #tpu.memory_space<semaphore_mem>>
        %dma_start3A = arith.constant 0 : i32
        %dma_start3A_85 = tpu.memref_slice %arg3[%multiple_of3A, %dma_start3A] : memref<802816x64xf32, #tpu.memory_space<hbm>> -> memref<64x64xf32, #tpu.memory_space<hbm>>
        %dma_start3A_86 = arith.constant 0 : i32
        %dma_start3A_87 = tpu.memref_slice %arg3[%multiple_of3A, %dma_start3A_86] : memref<802816x64xf32, #tpu.memory_space<hbm>> -> memref<64x64xf32, #tpu.memory_space<hbm>>
        tpu.enqueue_dma source(%dma_start3A_87 : memref<64x64xf32, #tpu.memory_space<hbm>>) target(%arg9 : memref<64x64xf32, #tpu.memory_space<vmem>>) target_semaphore(%run_scoped3A : memref<!tpu.dma_semaphore, #tpu.memory_space<semaphore_mem>>)
        %dma_wait3A = arith.constant 0 : i32
        %dma_wait3A_88 = tpu.memref_slice %arg3[%multiple_of3A, %dma_wait3A] : memref<802816x64xf32, #tpu.memory_space<hbm>> -> memref<64x64xf32, #tpu.memory_space<hbm>>
        %dma_wait3A_89 = arith.constant 0 : i32
        %dma_wait3A_90 = tpu.memref_slice %arg3[%multiple_of3A, %dma_wait3A_89] : memref<802816x64xf32, #tpu.memory_space<hbm>> -> memref<64x64xf32, #tpu.memory_space<hbm>>
        tpu.wait_dma2 semaphore(%run_scoped3A : memref<!tpu.dma_semaphore, #tpu.memory_space<semaphore_mem>>) src(%dma_wait3A_90 : memref<64x64xf32, #tpu.memory_space<hbm>>) dst(%arg9 : memref<64x64xf32, #tpu.memory_space<vmem>>)
        tpu.yield
      }) : () -> ()
      "tpu.region"() ({
        %run_scoped3A = tpu.sem_alloc : memref<!tpu.dma_semaphore, #tpu.memory_space<semaphore_mem>>
        %dma_start3A = arith.constant 0 : i32
        %dma_start3A_85 = tpu.memref_slice %arg4[%multiple_of3A, %dma_start3A] : memref<802816x16xf32, #tpu.memory_space<hbm>> -> memref<64x16xf32, #tpu.memory_space<hbm>>
        %dma_start3A_86 = arith.constant 0 : i32
        %dma_start3A_87 = tpu.memref_slice %arg4[%multiple_of3A, %dma_start3A_86] : memref<802816x16xf32, #tpu.memory_space<hbm>> -> memref<64x16xf32, #tpu.memory_space<hbm>>
        tpu.enqueue_dma source(%dma_start3A_87 : memref<64x16xf32, #tpu.memory_space<hbm>>) target(%arg10 : memref<64x16xf32, #tpu.memory_space<vmem>>) target_semaphore(%run_scoped3A : memref<!tpu.dma_semaphore, #tpu.memory_space<semaphore_mem>>)
        %dma_wait3A = arith.constant 0 : i32
        %dma_wait3A_88 = tpu.memref_slice %arg4[%multiple_of3A, %dma_wait3A] : memref<802816x16xf32, #tpu.memory_space<hbm>> -> memref<64x16xf32, #tpu.memory_space<hbm>>
        %dma_wait3A_89 = arith.constant 0 : i32
        %dma_wait3A_90 = tpu.memref_slice %arg4[%multiple_of3A, %dma_wait3A_89] : memref<802816x16xf32, #tpu.memory_space<hbm>> -> memref<64x16xf32, #tpu.memory_space<hbm>>
        tpu.wait_dma2 semaphore(%run_scoped3A : memref<!tpu.dma_semaphore, #tpu.memory_space<semaphore_mem>>) src(%dma_wait3A_90 : memref<64x16xf32, #tpu.memory_space<hbm>>) dst(%arg10 : memref<64x16xf32, #tpu.memory_space<vmem>>)
        tpu.yield
      }) : () -> ()
      %get3A = arith.constant 0 : index
      %get3A_30 = tpu.vector_load %arg7[%get3A] {strides = array<i32>} : memref<64xi32, #tpu.memory_space<vmem>>, vector<16xi32>,
      %sub3A = vector.broadcast %mul3A_0 : i32 to vector<16xi32>
      %sub3A_31 = arith.subi %get3A_30, %sub3A : vector<16xi32>
      %ge3A = arith.constant 0 : i32
      %ge3A_32 = vector.broadcast %ge3A : i32 to vector<16xi32>
      %ge3A_33 = arith.cmpi sge, %sub3A_31, %ge3A_32 : vector<16xi32>
      %lt3A = arith.constant 25000 : i32
      %lt3A_34 = vector.broadcast %lt3A : i32 to vector<16xi32>
      %lt3A_35 = arith.cmpi slt, %sub3A_31, %lt3A_34 : vector<16xi32>
      %and3A = arith.andi %ge3A_33, %lt3A_35 : vector<16xi1>
      %jit3A = arith.constant 25080 : i32
      %broadcast_in_dim3A = vector.broadcast %jit3A : i32 to vector<16xi32>
      %select_n3A = arith.select %and3A, %sub3A_31, %broadcast_in_dim3A : vector<16xi1>, vector<16xi32>
      %swap3A = arith.constant 0 : index
      %swap3A_36 = tpu.vector_load %arg8[%swap3A] {strides = array<i32>} : memref<64xi32, #tpu.memory_space<vmem>>, vector<16xi32>,
      tpu.vector_store %arg8[%swap3A], %select_n3A {strides = array<i32>} : memref<64xi32, #tpu.memory_space<vmem>>, vector<16xi32>,
      %get3A_37 = arith.constant 16 : index
      %get3A_38 = tpu.vector_load %arg7[%get3A_37] {strides = array<i32>} : memref<64xi32, #tpu.memory_space<vmem>>, vector<16xi32>,
      %sub3A_39 = vector.broadcast %mul3A_0 : i32 to vector<16xi32>
      %sub3A_40 = arith.subi %get3A_38, %sub3A_39 : vector<16xi32>
      %ge3A_41 = arith.constant 0 : i32
      %ge3A_42 = vector.broadcast %ge3A_41 : i32 to vector<16xi32>
      %ge3A_43 = arith.cmpi sge, %sub3A_40, %ge3A_42 : vector<16xi32>
      %lt3A_44 = arith.constant 25000 : i32
      %lt3A_45 = vector.broadcast %lt3A_44 : i32 to vector<16xi32>
      %lt3A_46 = arith.cmpi slt, %sub3A_40, %lt3A_45 : vector<16xi32>
      %and3A_47 = arith.andi %ge3A_43, %lt3A_46 : vector<16xi1>
      %jit3A_48 = arith.constant 25080 : i32
      %broadcast_in_dim3A_49 = vector.broadcast %jit3A_48 : i32 to vector<16xi32>
      %select_n3A_50 = arith.select %and3A_47, %sub3A_40, %broadcast_in_dim3A_49 : vector<16xi1>, vector<16xi32>
      %swap3A_51 = arith.constant 16 : index
      %swap3A_52 = tpu.vector_load %arg8[%swap3A_51] {strides = array<i32>} : memref<64xi32, #tpu.memory_space<vmem>>, vector<16xi32>,
      tpu.vector_store %arg8[%swap3A_51], %select_n3A_50 {strides = array<i32>} : memref<64xi32, #tpu.memory_space<vmem>>, vector<16xi32>,
      %get3A_53 = arith.constant 32 : index
      %get3A_54 = tpu.vector_load %arg7[%get3A_53] {strides = array<i32>} : memref<64xi32, #tpu.memory_space<vmem>>, vector<16xi32>,
      %sub3A_55 = vector.broadcast %mul3A_0 : i32 to vector<16xi32>
      %sub3A_56 = arith.subi %get3A_54, %sub3A_55 : vector<16xi32>
      %ge3A_57 = arith.constant 0 : i32
      %ge3A_58 = vector.broadcast %ge3A_57 : i32 to vector<16xi32>
      %ge3A_59 = arith.cmpi sge, %sub3A_56, %ge3A_58 : vector<16xi32>
      %lt3A_60 = arith.constant 25000 : i32
      %lt3A_61 = vector.broadcast %lt3A_60 : i32 to vector<16xi32>
      %lt3A_62 = arith.cmpi slt, %sub3A_56, %lt3A_61 : vector<16xi32>
      %and3A_63 = arith.andi %ge3A_59, %lt3A_62 : vector<16xi1>
      %jit3A_64 = arith.constant 25080 : i32
      %broadcast_in_dim3A_65 = vector.broadcast %jit3A_64 : i32 to vector<16xi32>
      %select_n3A_66 = arith.select %and3A_63, %sub3A_56, %broadcast_in_dim3A_65 : vector<16xi1>, vector<16xi32>
      %swap3A_67 = arith.constant 32 : index
      %swap3A_68 = tpu.vector_load %arg8[%swap3A_67] {strides = array<i32>} : memref<64xi32, #tpu.memory_space<vmem>>, vector<16xi32>,
      tpu.vector_store %arg8[%swap3A_67], %select_n3A_66 {strides = array<i32>} : memref<64xi32, #tpu.memory_space<vmem>>, vector<16xi32>,
      %get3A_69 = arith.constant 48 : index
      %get3A_70 = tpu.vector_load %arg7[%get3A_69] {strides = array<i32>} : memref<64xi32, #tpu.memory_space<vmem>>, vector<16xi32>,
      %sub3A_71 = vector.broadcast %mul3A_0 : i32 to vector<16xi32>
      %sub3A_72 = arith.subi %get3A_70, %sub3A_71 : vector<16xi32>
      %ge3A_73 = arith.constant 0 : i32
      %ge3A_74 = vector.broadcast %ge3A_73 : i32 to vector<16xi32>
      %ge3A_75 = arith.cmpi sge, %sub3A_72, %ge3A_74 : vector<16xi32>
      %lt3A_76 = arith.constant 25000 : i32
      %lt3A_77 = vector.broadcast %lt3A_76 : i32 to vector<16xi32>
      %lt3A_78 = arith.cmpi slt, %sub3A_72, %lt3A_77 : vector<16xi32>
      %and3A_79 = arith.andi %ge3A_75, %lt3A_78 : vector<16xi1>
      %jit3A_80 = arith.constant 25080 : i32
      %broadcast_in_dim3A_81 = vector.broadcast %jit3A_80 : i32 to vector<16xi32>
      %select_n3A_82 = arith.select %and3A_79, %sub3A_72, %broadcast_in_dim3A_81 : vector<16xi1>, vector<16xi32>
      %swap3A_83 = arith.constant 48 : index
      %swap3A_84 = tpu.vector_load %arg8[%swap3A_83] {strides = array<i32>} : memref<64xi32, #tpu.memory_space<vmem>>, vector<16xi32>,
      tpu.vector_store %arg8[%swap3A_83], %select_n3A_82 {strides = array<i32>} : memref<64xi32, #tpu.memory_space<vmem>>, vector<16xi32>,
      "tpu.region"() ({
        %run_scoped3A = tpu.sem_alloc : memref<!tpu.dma_semaphore, #tpu.memory_space<semaphore_mem>>
        %dma_start3A = arith.constant 0 : i32
        %dma_start3A_85 = arith.constant 0 : i32
        %dma_start3A_86 = tpu.memref_slice %arg11[%dma_start3A, %dma_start3A_85] : memref<25088x64xf32, #tpu.memory_space<vmem_shared>> -> memref<25088x64xf32, #tpu.memory_space<vmem_shared>>
        tpu.enqueue_indirect_dma source(%arg9 : memref<64x64xf32, #tpu.memory_space<vmem>>) target(%dma_start3A_86 : memref<25088x64xf32, #tpu.memory_space<vmem_shared>>) offsets(%arg8 : memref<64xi32, #tpu.memory_space<vmem>>) semaphore(%run_scoped3A : memref<!tpu.dma_semaphore, #tpu.memory_space<semaphore_mem>>) {add = true}
        %dma_wait3A = arith.constant 0 : i32
        %dma_wait3A_87 = arith.constant 0 : i32
        %dma_wait3A_88 = tpu.memref_slice %arg11[%dma_wait3A, %dma_wait3A_87] : memref<25088x64xf32, #tpu.memory_space<vmem_shared>> -> memref<25088x64xf32, #tpu.memory_space<vmem_shared>>
        tpu.wait_indirect_dma semaphore(%run_scoped3A : memref<!tpu.dma_semaphore, #tpu.memory_space<semaphore_mem>>) src(%arg9 : memref<64x64xf32, #tpu.memory_space<vmem>>) dst(%dma_wait3A_88 : memref<25088x64xf32, #tpu.memory_space<vmem_shared>>)
        tpu.yield
      }) : () -> ()
      "tpu.region"() ({
        %run_scoped3A = tpu.sem_alloc : memref<!tpu.dma_semaphore, #tpu.memory_space<semaphore_mem>>
        %dma_start3A = arith.constant 0 : i32
        %dma_start3A_85 = arith.constant 0 : i32
        %dma_start3A_86 = tpu.memref_slice %arg12[%dma_start3A, %dma_start3A_85] : memref<25088x16xf32, #tpu.memory_space<vmem_shared>> -> memref<25088x16xf32, #tpu.memory_space<vmem_shared>>
        tpu.enqueue_indirect_dma source(%arg10 : memref<64x16xf32, #tpu.memory_space<vmem>>) target(%dma_start3A_86 : memref<25088x16xf32, #tpu.memory_space<vmem_shared>>) offsets(%arg8 : memref<64xi32, #tpu.memory_space<vmem>>) semaphore(%run_scoped3A : memref<!tpu.dma_semaphore, #tpu.memory_space<semaphore_mem>>) {add = true}
        %dma_wait3A = arith.constant 0 : i32
        %dma_wait3A_87 = arith.constant 0 : i32
        %dma_wait3A_88 = tpu.memref_slice %arg12[%dma_wait3A, %dma_wait3A_87] : memref<25088x16xf32, #tpu.memory_space<vmem_shared>> -> memref<25088x16xf32, #tpu.memory_space<vmem_shared>>
        tpu.wait_indirect_dma semaphore(%run_scoped3A : memref<!tpu.dma_semaphore, #tpu.memory_space<semaphore_mem>>) src(%arg10 : memref<64x16xf32, #tpu.memory_space<vmem>>) dst(%dma_wait3A_88 : memref<25088x16xf32, #tpu.memory_space<vmem_shared>>)
        tpu.yield
      }) : () -> ()
    }
    %scan3A_19 = arith.constant 784 : i32
    %barrier3A_20 = arith.constant 0 : index
    tpu.barrier barrier_id(%barrier3A_20)
    %scan3A_21 = arith.constant 0 : i32
    %scan3A_22 = arith.constant 0 : i32
    %scan3A_23 = arith.constant 13 : i32
    %scan3A_24 = arith.addi %scan3A_22, %scan3A_23 : i32
    %scan3A_25 = arith.constant 1 : i32
    scf.for %scan3A_27 = %scan3A_22 to %scan3A_24 step %scan3A_25  : i32 {
      %mul3A_28 = arith.constant 16 : i32
      %mul3A_29 = arith.muli %mul3A_28, %scan3A_27 : i32
      %add3A = arith.addi %arg1, %mul3A_29 : i32
      %lt3A = arith.constant 200 : i32
      %lt3A_30 = arith.cmpi slt, %add3A, %lt3A : i32
      %convert_element_type3A = arith.extui %lt3A_30 : i1 to i32
      %cond3A = arith.constant 0 : i32
      %cond3A_31 = arith.cmpi ne, %convert_element_type3A, %cond3A : i32
      scf.if %cond3A_31 {
        %mul3A_32 = arith.constant 125 : i32
        %mul3A_33 = arith.muli %add3A, %mul3A_32 : i32
        %mul3A_34 = arith.constant 125 : i32
        %mul3A_35 = arith.muli %add3A, %mul3A_34 : i32
        %add3A_36 = arith.addi %mul3A_0, %mul3A_35 : i32
        "tpu.region"() ({
          %run_scoped3A = tpu.sem_alloc : memref<!tpu.dma_semaphore, #tpu.memory_space<semaphore_mem>>
          %dma_start3A = arith.constant 0 : i32
          %dma_start3A_42 = tpu.memref_slice %arg5[%add3A_36, %dma_start3A] : memref<50000x64xf32, #tpu.memory_space<hbm>> -> memref<125x64xf32, #tpu.memory_space<hbm>>
          %dma_start3A_43 = arith.constant 0 : i32
          %dma_start3A_44 = tpu.memref_slice %arg11[%mul3A_33, %dma_start3A_43] : memref<25088x64xf32, #tpu.memory_space<vmem_shared>> -> memref<125x64xf32, #tpu.memory_space<vmem_shared>>
          tpu.enqueue_dma source(%dma_start3A_44 : memref<125x64xf32, #tpu.memory_space<vmem_shared>>) target(%dma_start3A_42 : memref<125x64xf32, #tpu.memory_space<hbm>>) target_semaphore(%run_scoped3A : memref<!tpu.dma_semaphore, #tpu.memory_space<semaphore_mem>>)
          %dma_wait3A = arith.constant 0 : i32
          %dma_wait3A_45 = tpu.memref_slice %arg5[%add3A_36, %dma_wait3A] : memref<50000x64xf32, #tpu.memory_space<hbm>> -> memref<125x64xf32, #tpu.memory_space<hbm>>
          %dma_wait3A_46 = arith.constant 0 : i32
          %dma_wait3A_47 = tpu.memref_slice %arg11[%mul3A_33, %dma_wait3A_46] : memref<25088x64xf32, #tpu.memory_space<vmem_shared>> -> memref<125x64xf32, #tpu.memory_space<vmem_shared>>
          tpu.wait_dma2 semaphore(%run_scoped3A : memref<!tpu.dma_semaphore, #tpu.memory_space<semaphore_mem>>) src(%dma_wait3A_47 : memref<125x64xf32, #tpu.memory_space<vmem_shared>>) dst(%dma_wait3A_45 : memref<125x64xf32, #tpu.memory_space<hbm>>)
          tpu.yield
        }) : () -> ()
        %mul3A_37 = arith.constant 125 : i32
        %mul3A_38 = arith.muli %add3A, %mul3A_37 : i32
        %mul3A_39 = arith.constant 125 : i32
        %mul3A_40 = arith.muli %add3A, %mul3A_39 : i32
        %add3A_41 = arith.addi %mul3A_0, %mul3A_40 : i32
        "tpu.region"() ({
          %run_scoped3A = tpu.sem_alloc : memref<!tpu.dma_semaphore, #tpu.memory_space<semaphore_mem>>
          %dma_start3A = arith.constant 0 : i32
          %dma_start3A_42 = tpu.memref_slice %arg6[%add3A_41, %dma_start3A] : memref<50000x16xf32, #tpu.memory_space<hbm>> -> memref<125x16xf32, #tpu.memory_space<hbm>>
          %dma_start3A_43 = arith.constant 0 : i32
          %dma_start3A_44 = tpu.memref_slice %arg12[%mul3A_38, %dma_start3A_43] : memref<25088x16xf32, #tpu.memory_space<vmem_shared>> -> memref<125x16xf32, #tpu.memory_space<vmem_shared>>
          tpu.enqueue_dma source(%dma_start3A_44 : memref<125x16xf32, #tpu.memory_space<vmem_shared>>) target(%dma_start3A_42 : memref<125x16xf32, #tpu.memory_space<hbm>>) target_semaphore(%run_scoped3A : memref<!tpu.dma_semaphore, #tpu.memory_space<semaphore_mem>>)
          %dma_wait3A = arith.constant 0 : i32
          %dma_wait3A_45 = tpu.memref_slice %arg6[%add3A_41, %dma_wait3A] : memref<50000x16xf32, #tpu.memory_space<hbm>> -> memref<125x16xf32, #tpu.memory_space<hbm>>
          %dma_wait3A_46 = arith.constant 0 : i32
          %dma_wait3A_47 = tpu.memref_slice %arg12[%mul3A_38, %dma_wait3A_46] : memref<25088x16xf32, #tpu.memory_space<vmem_shared>> -> memref<125x16xf32, #tpu.memory_space<vmem_shared>>
          tpu.wait_dma2 semaphore(%run_scoped3A : memref<!tpu.dma_semaphore, #tpu.memory_space<semaphore_mem>>) src(%dma_wait3A_47 : memref<125x16xf32, #tpu.memory_space<vmem_shared>>) dst(%dma_wait3A_45 : memref<125x16xf32, #tpu.memory_space<hbm>>)
          tpu.yield
        }) : () -> ()
      } else {
      }
    }
    %scan3A_26 = arith.constant 13 : i32
    return
  }
}

module attributes {stable_mosaic.version = 14 : i64} {
  func.func @_etab_kernel(%arg0: memref<128x16xf32, #tpu.memory_space<vmem>>, %arg1: memref<16x64xf32, #tpu.memory_space<vmem>>, %arg2: memref<128x64xf32, #tpu.memory_space<vmem>>) attributes {dimension_semantics = [], scalar_prefetch = 0 : i64, scratch_operands = 0 : i64, tpu.core_type = #tpu.core_type<tc>} {
    %get3A = arith.constant 0 : index
    %get3A_0 = arith.constant 0 : index
    %get3A_1 = vector.load %arg0[%get3A, %get3A_0] : memref<128x16xf32, #tpu.memory_space<vmem>>, vector<128x16xf32>
    %get3A_2 = arith.constant 0 : index
    %get3A_3 = arith.constant 0 : index
    %get3A_4 = vector.load %arg1[%get3A_2, %get3A_3] : memref<16x64xf32, #tpu.memory_space<vmem>>, vector<16x64xf32>
    %dot_general3A = arith.constant dense<0.000000e+00> : vector<128x64xf32>
    %dot_general3A_5 = tpu.matmul %get3A_1, %get3A_4, %dot_general3A {dimension_numbers = #tpu.dot_dimension_numbers<[1], [0], [0], [1], [0, 0, 1, 1], [], []>, transpose_lhs_hint = false} : vector<128x16xf32>, vector<16x64xf32>, vector<128x64xf32> -> vector<128x64xf32>
    %swap3A = arith.constant 0 : index
    %swap3A_6 = arith.constant 0 : index
    %swap3A_7 = vector.load %arg2[%swap3A, %swap3A_6] : memref<128x64xf32, #tpu.memory_space<vmem>>, vector<128x64xf32>
    tpu.vector_store %arg2[%swap3A, %swap3A_6], %dot_general3A_5 {strides = array<i32>} : memref<128x64xf32, #tpu.memory_space<vmem>>, vector<128x64xf32>,
    return
  }
}

module attributes {stable_mosaic.version = 14 : i64} {
  func.func @_proj_kernel(%arg0: i32, %arg1: memref<400x64xf32, #tpu.memory_space<vmem>>, %arg2: memref<64x64xf32, #tpu.memory_space<vmem>>, %arg3: memref<64x128xf32, #tpu.memory_space<vmem>>, %arg4: memref<64x64xf32, #tpu.memory_space<vmem>>, %arg5: memref<8x64xf32, #tpu.memory_space<vmem>>, %arg6: memref<8x128xf32, #tpu.memory_space<vmem>>, %arg7: memref<8x64xf32, #tpu.memory_space<vmem>>, %arg8: memref<400x64xf32, #tpu.memory_space<vmem>>, %arg9: memref<400x128xf32, #tpu.memory_space<vmem>>, %arg10: memref<400x64xf32, #tpu.memory_space<vmem>>) attributes {dimension_semantics = [#tpu.dimension_semantics<arbitrary>], iteration_bounds = array<i64: 125>, scalar_prefetch = 0 : i64, scratch_operands = 0 : i64, tpu.core_type = #tpu.core_type<tc>, window_params = [{transform_indices = @transform_0, window_bounds = array<i64: 400, 64>}, {pipeline_mode = #tpu.pipeline_mode<synchronous>, transform_indices = @transform_1, window_bounds = array<i64: 64, 64>}, {pipeline_mode = #tpu.pipeline_mode<synchronous>, transform_indices = @transform_2, window_bounds = array<i64: 64, 128>}, {pipeline_mode = #tpu.pipeline_mode<synchronous>, transform_indices = @transform_3, window_bounds = array<i64: 64, 64>}, {pipeline_mode = #tpu.pipeline_mode<synchronous>, transform_indices = @transform_4, window_bounds = array<i64: 8, 64>}, {pipeline_mode = #tpu.pipeline_mode<synchronous>, transform_indices = @transform_5, window_bounds = array<i64: 8, 128>}, {pipeline_mode = #tpu.pipeline_mode<synchronous>, transform_indices = @transform_6, window_bounds = array<i64: 8, 64>}, {transform_indices = @transform_7, window_bounds = array<i64: 400, 64>}, {transform_indices = @transform_8, window_bounds = array<i64: 400, 128>}, {transform_indices = @transform_9, window_bounds = array<i64: 400, 64>}]} {
    %get3A = arith.constant 0 : index
    %get3A_0 = arith.constant 0 : index
    %get3A_1 = vector.load %arg1[%get3A, %get3A_0] : memref<400x64xf32, #tpu.memory_space<vmem>>, vector<400x64xf32>
    %get3A_2 = arith.constant 0 : index
    %get3A_3 = arith.constant 0 : index
    %get3A_4 = vector.load %arg2[%get3A_2, %get3A_3] : memref<64x64xf32, #tpu.memory_space<vmem>>, vector<64x64xf32>
    %dot_general3A = arith.constant dense<0.000000e+00> : vector<400x64xf32>
    %dot_general3A_5 = tpu.matmul %get3A_1, %get3A_4, %dot_general3A {dimension_numbers = #tpu.dot_dimension_numbers<[1], [0], [0], [1], [0, 0, 1, 1], [], []>, transpose_lhs_hint = false} : vector<400x64xf32>, vector<64x64xf32>, vector<400x64xf32> -> vector<400x64xf32>
    %get3A_6 = arith.constant 0 : index
    %get3A_7 = arith.constant 0 : index
    %get3A_8 = vector.load %arg5[%get3A_6, %get3A_7] : memref<8x64xf32, #tpu.memory_space<vmem>>, vector<1x64xf32>
    %add3A = vector.broadcast %get3A_8 : vector<1x64xf32> to vector<400x64xf32>
    %add3A_9 = arith.addf %dot_general3A_5, %add3A : vector<400x64xf32>
    %swap3A = arith.constant 0 : index
    %swap3A_10 = arith.constant 0 : index
    %swap3A_11 = vector.load %arg8[%swap3A, %swap3A_10] : memref<400x64xf32, #tpu.memory_space<vmem>>, vector<400x64xf32>
    tpu.vector_store %arg8[%swap3A, %swap3A_10], %add3A_9 {strides = array<i32>} : memref<400x64xf32, #tpu.memory_space<vmem>>, vector<400x64xf32>,
    %get3A_12 = arith.constant 0 : index
    %get3A_13 = arith.constant 0 : index
    %get3A_14 = vector.load %arg3[%get3A_12, %get3A_13] : memref<64x128xf32, #tpu.memory_space<vmem>>, vector<64x128xf32>
    %dot_general3A_15 = arith.constant dense<0.000000e+00> : vector<400x128xf32>
    %dot_general3A_16 = tpu.matmul %get3A_1, %get3A_14, %dot_general3A_15 {dimension_numbers = #tpu.dot_dimension_numbers<[1], [0], [0], [1], [0, 0, 1, 1], [], []>, transpose_lhs_hint = false} : vector<400x64xf32>, vector<64x128xf32>, vector<400x128xf32> -> vector<400x128xf32>
    %get3A_17 = arith.constant 0 : index
    %get3A_18 = arith.constant 0 : index
    %get3A_19 = vector.load %arg6[%get3A_17, %get3A_18] : memref<8x128xf32, #tpu.memory_space<vmem>>, vector<1x128xf32>
    %add3A_20 = vector.broadcast %get3A_19 : vector<1x128xf32> to vector<400x128xf32>
    %add3A_21 = arith.addf %dot_general3A_16, %add3A_20 : vector<400x128xf32>
    %swap3A_22 = arith.constant 0 : index
    %swap3A_23 = arith.constant 0 : index
    %swap3A_24 = vector.load %arg9[%swap3A_22, %swap3A_23] : memref<400x128xf32, #tpu.memory_space<vmem>>, vector<400x128xf32>
    tpu.vector_store %arg9[%swap3A_22, %swap3A_23], %add3A_21 {strides = array<i32>} : memref<400x128xf32, #tpu.memory_space<vmem>>, vector<400x128xf32>,
    %get3A_25 = arith.constant 0 : index
    %get3A_26 = arith.constant 0 : index
    %get3A_27 = vector.load %arg4[%get3A_25, %get3A_26] : memref<64x64xf32, #tpu.memory_space<vmem>>, vector<64x64xf32>
    %dot_general3A_28 = arith.constant dense<0.000000e+00> : vector<400x64xf32>
    %dot_general3A_29 = tpu.matmul %get3A_1, %get3A_27, %dot_general3A_28 {dimension_numbers = #tpu.dot_dimension_numbers<[1], [0], [0], [1], [0, 0, 1, 1], [], []>, transpose_lhs_hint = false} : vector<400x64xf32>, vector<64x64xf32>, vector<400x64xf32> -> vector<400x64xf32>
    %get3A_30 = arith.constant 0 : index
    %get3A_31 = arith.constant 0 : index
    %get3A_32 = vector.load %arg7[%get3A_30, %get3A_31] : memref<8x64xf32, #tpu.memory_space<vmem>>, vector<1x64xf32>
    %add3A_33 = vector.broadcast %get3A_32 : vector<1x64xf32> to vector<400x64xf32>
    %add3A_34 = arith.addf %dot_general3A_29, %add3A_33 : vector<400x64xf32>
    %swap3A_35 = arith.constant 0 : index
    %swap3A_36 = arith.constant 0 : index
    %swap3A_37 = vector.load %arg10[%swap3A_35, %swap3A_36] : memref<400x64xf32, #tpu.memory_space<vmem>>, vector<400x64xf32>
    tpu.vector_store %arg10[%swap3A_35, %swap3A_36], %add3A_34 {strides = array<i32>} : memref<400x64xf32, #tpu.memory_space<vmem>>, vector<400x64xf32>,
    return
  }
  func.func @transform_0(%arg0: i32) -> (i32, i32) {
    %c0_i32 = arith.constant 0 : i32
    %c0_i32_0 = arith.constant 0 : i32
    return %arg0, %c0_i32 : i32, i32
  }
  func.func @transform_1(%arg0: i32) -> (i32, i32) {
    %c0_i32 = arith.constant 0 : i32
    %c0_i32_0 = arith.constant 0 : i32
    %c0_i32_1 = arith.constant 0 : i32
    return %c0_i32, %c0_i32_0 : i32, i32
  }
  func.func @transform_2(%arg0: i32) -> (i32, i32) {
    %c0_i32 = arith.constant 0 : i32
    %c0_i32_0 = arith.constant 0 : i32
    %c0_i32_1 = arith.constant 0 : i32
    return %c0_i32, %c0_i32_0 : i32, i32
  }
  func.func @transform_3(%arg0: i32) -> (i32, i32) {
    %c0_i32 = arith.constant 0 : i32
    %c0_i32_0 = arith.constant 0 : i32
    %c0_i32_1 = arith.constant 0 : i32
    return %c0_i32, %c0_i32_0 : i32, i32
  }
  func.func @transform_4(%arg0: i32) -> (i32, i32) {
    %c0_i32 = arith.constant 0 : i32
    %c0_i32_0 = arith.constant 0 : i32
    %c0_i32_1 = arith.constant 0 : i32
    return %c0_i32, %c0_i32_0 : i32, i32
  }
  func.func @transform_5(%arg0: i32) -> (i32, i32) {
    %c0_i32 = arith.constant 0 : i32
    %c0_i32_0 = arith.constant 0 : i32
    %c0_i32_1 = arith.constant 0 : i32
    return %c0_i32, %c0_i32_0 : i32, i32
  }
  func.func @transform_6(%arg0: i32) -> (i32, i32) {
    %c0_i32 = arith.constant 0 : i32
    %c0_i32_0 = arith.constant 0 : i32
    %c0_i32_1 = arith.constant 0 : i32
    return %c0_i32, %c0_i32_0 : i32, i32
  }
  func.func @transform_7(%arg0: i32) -> (i32, i32) {
    %c0_i32 = arith.constant 0 : i32
    %c0_i32_0 = arith.constant 0 : i32
    return %arg0, %c0_i32 : i32, i32
  }
  func.func @transform_8(%arg0: i32) -> (i32, i32) {
    %c0_i32 = arith.constant 0 : i32
    %c0_i32_0 = arith.constant 0 : i32
    return %arg0, %c0_i32 : i32, i32
  }
  func.func @transform_9(%arg0: i32) -> (i32, i32) {
    %c0_i32 = arith.constant 0 : i32
    %c0_i32_0 = arith.constant 0 : i32
    return %arg0, %c0_i32 : i32, i32
  }
}

module attributes {stable_mosaic.version = 14 : i64} {
  func.func @_epi_kernel(%arg0: i32, %arg1: memref<400x64xf32, #tpu.memory_space<vmem>>, %arg2: memref<400x16xf32, #tpu.memory_space<vmem>>, %arg3: memref<400x64xf32, #tpu.memory_space<vmem>>, %arg4: memref<400x64xf32, #tpu.memory_space<vmem>>) attributes {dimension_semantics = [#tpu.dimension_semantics<arbitrary>], iteration_bounds = array<i64: 125>, scalar_prefetch = 0 : i64, scratch_operands = 0 : i64, tpu.core_type = #tpu.core_type<tc>, window_params = [{transform_indices = @transform_0, window_bounds = array<i64: 400, 64>}, {transform_indices = @transform_1, window_bounds = array<i64: 400, 16>}, {transform_indices = @transform_2, window_bounds = array<i64: 400, 64>}, {transform_indices = @transform_3, window_bounds = array<i64: 400, 64>}]} {
    %get3A = arith.constant 0 : index
    %get3A_0 = arith.constant 0 : index
    %get3A_1 = vector.load %arg2[%get3A, %get3A_0] : memref<400x16xf32, #tpu.memory_space<vmem>>, vector<400x1xf32>
    %get3A_2 = arith.constant 0 : index
    %get3A_3 = arith.constant 0 : index
    %get3A_4 = vector.load %arg1[%get3A_2, %get3A_3] : memref<400x64xf32, #tpu.memory_space<vmem>>, vector<400x64xf32>
    %add3A = arith.constant 1.000000e-16 : f32
    %add3A_5 = vector.broadcast %add3A : f32 to vector<400x1xf32>
    %add3A_6 = arith.addf %get3A_1, %add3A_5 : vector<400x1xf32>
    %div3A = vector.broadcast %add3A_6 : vector<400x1xf32> to vector<400x64xf32>
    %div3A_7 = arith.divf %get3A_4, %div3A : vector<400x64xf32>
    %get3A_8 = arith.constant 0 : index
    %get3A_9 = arith.constant 0 : index
    %get3A_10 = vector.load %arg3[%get3A_8, %get3A_9] : memref<400x64xf32, #tpu.memory_space<vmem>>, vector<400x64xf32>
    %add3A_11 = arith.addf %div3A_7, %get3A_10 : vector<400x64xf32>
    %max3A = arith.constant 0.000000e+00 : f32
    %max3A_12 = vector.broadcast %max3A : f32 to vector<400x64xf32>
    %max3A_13 = arith.maximumf %add3A_11, %max3A_12 : vector<400x64xf32>
    %swap3A = arith.constant 0 : index
    %swap3A_14 = arith.constant 0 : index
    %swap3A_15 = vector.load %arg4[%swap3A, %swap3A_14] : memref<400x64xf32, #tpu.memory_space<vmem>>, vector<400x64xf32>
    tpu.vector_store %arg4[%swap3A, %swap3A_14], %max3A_13 {strides = array<i32>} : memref<400x64xf32, #tpu.memory_space<vmem>>, vector<400x64xf32>,
    return
  }
  func.func @transform_0(%arg0: i32) -> (i32, i32) {
    %c0_i32 = arith.constant 0 : i32
    %c0_i32_0 = arith.constant 0 : i32
    return %arg0, %c0_i32 : i32, i32
  }
  func.func @transform_1(%arg0: i32) -> (i32, i32) {
    %c0_i32 = arith.constant 0 : i32
    %c0_i32_0 = arith.constant 0 : i32
    return %arg0, %c0_i32 : i32, i32
  }
  func.func @transform_2(%arg0: i32) -> (i32, i32) {
    %c0_i32 = arith.constant 0 : i32
    %c0_i32_0 = arith.constant 0 : i32
    return %arg0, %c0_i32 : i32, i32
  }
  func.func @transform_3(%arg0: i32) -> (i32, i32) {
    %c0_i32 = arith.constant 0 : i32
    %c0_i32_0 = arith.constant 0 : i32
    return %arg0, %c0_i32 : i32, i32
  }
}

</mosaic_0001>

<sc_bundles>
// kernel: kernel.13.cloned.1.call-start
scs
__scs_entry_jumppad:
0x0: {  	(pc) =	sbr.rel $0x88, $3  }
0x1: {  	(tag) =	ssettag $0x0;
	lr =	simm.s32 $0x1  }
0x2: {  	[smem:$0x3F86] =	sst lr;
	_ =	strace $0xD0000000  }
0x3: {  	_ = 	snop  }
0x4: {  	_ = 	snop  }
0x5: {  	_ = 	snop  }
0x6: {  	_ = 	snop  }
0x7: {  	_ = 	snop  }
__scs_overlays_trampoline_lowered:
0x8: {  	[smem:$0x3F95] =	sst s0  }
0x9: {  	[smem:$0x3F96] =	sst s1  }
0xa: {  	[smem:$0x3F97] =	sst s2  }
0xb: {  	[smem:$0x3F98] =	sst s3  }
0xc: {  	[smem:$0x3F99] =	sst s4  }
0xd: {  	[smem:$0x3F9A] =	sst s5  }
0xe: {  	[smem:$0x3F9B] =	sst s6  }
0xf: {  	[smem:$0x3F9C] =	sst s7  }
0x10: {  	[smem:$0x3F9D] =	sst s8  }
0x11: {  	[smem:$0x3F9E] =	sst s9;
	s0 =	simm.s32 @!p0 $0x0  }
0x12: {  	s1 =	sld [smem:$0x3F84];
	s0 =	simm.s32 @p0 $0x1  }
0x13: {  	[smem:$0x3F9F] =	sst s0;
	s0 =	simm.s32 @!p1 $0x0  }
0x14: {  	s2 =	sld [smem:$0x3F83];
	s0 =	simm.s32 @p1 $0x1  }
0x15: {  	[smem:$0x3FA0] =	sst s0;
	s0 =	simm.s32 @!p2 $0x0  }
0x16: {  	s3 =	sld [smem:$0x3FDB];
	s0 =	simm.s32 @p2 $0x1  }
0x17: {  	s4 =	simm.s32 $0x1BF5;
	[smem:$0x3FA2] =	sst s0  }
0x18: {  	s0 =	sld [smem:$0x3F85];
	_ =	swait.ge [sflag:s4], $0x0  }
0x19: {  	s7 =	sld [smem:$0x3F86]  }
0x1a: {  	s8 =	sadd.s32 $0xFFFFE003, lr  }
0x1b: {  	s9 =	sadd.s32 $0xFFFFFEF7, lr;
	s5 =	simm.s32 $0xFFFFFFFF;
	p2 =	slt.u32 s8, $0xFFFFF086  }
0x1c: {  	p1 =	slt.u32 s9, $0xF7A;
	s5 =	simm.s32 @!p2 $0x0  }
0x1d: {  	s5 =	simm.s32 @p1 $0x1;
	p0 =	seq.s32 s7, s2  }
0x1e: {  	s7 =	smul.u32 @!p0 $0xF7A, s2;
	p2 =	seq.s32 @!p0 s5, $0x0  }
0x1f: {  	s9 =	smul.u32 $0xF7A, s1;
	s8 =	simm.s32 @!p0 $0x1BF5;
	p2 =	por !p2, p0  }
0x20: {  	[sflag:s8] =	ssyncset.s32 @!p0 $0xFFFFF086;
	s6 =	sadd.s32 @!p0 s3, s7;
	s7 =	simm.s32 @!p0 $0x108  }
0x21: {  	s3 =	sadd.s32 s3, s9;
	s6 =	sadd.s32 @!p0 $0x88, s6;
	s7 =	simm.s32 @p2 $0x1082  }
0x22: {  	[simem:s7], [sflag:s8] =	dma.local @!p0 [hbm:s6], $0xF7A  }
0x23: {  	s9 =	sor.u32 $0xD0000000, s2;
	s6 =	simm.s32 $0x108;
	_ =	swait.ge @!p0 [sflag:s8], $0x0  }
0x24: {  	s3 =	sadd.s32 $0x88, s3;
	s6 =	simm.s32 @!p1 $0x1082;
	[sflag:s4] =	ssyncset.s32 $0xFFFFF086  }
0x25: {  	[simem:s6], [sflag:s4] =	dma.local [hbm:s3], $0xF7A  }
0x26: {  	[smem:$0x3F86] =	sst s1;
	(tag) =	ssettag s2;
	_ =	strace s9  }
0x27: {  	s1 =	sld [smem:$0x3F96]  }
0x28: {  	s2 =	sld [smem:$0x3F97]  }
0x29: {  	s4 =	sld [smem:$0x3F99]  }
0x2a: {  	p0 =	seq.s32 s5, $0x0;
	s5 =	sld [smem:$0x3F9A]  }
0x2b: {  	s6 =	sld [smem:$0x3F9B]  }
0x2c: {  	s7 =	sld [smem:$0x3F9C]  }
0x2d: {  	s3 =	simm.s32 $0x108;
	s8 =	sld [smem:$0x3F9D]  }
0x2e: {  	s3 =	simm.s32 @!p0 $0x1082;
	s9 =	sld [smem:$0x3F9E]  }
0x2f: {  	lr =	sadd.s32 s0, s3;
	s0 =	sld [smem:$0x3F95]  }
0x30: {  	s3 =	sld [smem:$0x3F98]  }
0x31: {  	[smem:$0x3FA1] =	sst s10  }
0x32: {  	s10 =	sld [smem:$0x3F9F];
	_ =	sdelay $0x3  }
0x33: {  	p0 =	seq.s32 s10, $0x1;
	s10 =	sld [smem:$0x3FA1];
	_ =	sdelay $0x3  }
0x34: {  	[smem:$0x3FA1] =	sst s10  }
0x35: {  	s10 =	sld [smem:$0x3FA0];
	_ =	sdelay $0x3  }
0x36: {  	p1 =	seq.s32 s10, $0x1;
	s10 =	sld [smem:$0x3FA1];
	_ =	sdelay $0x3  }
0x37: {  	[smem:$0x3FA1] =	sst s10  }
0x38: {  	s10 =	sld [smem:$0x3FA2]  }
0x39: {  	_ = 	snop;
	(pc) =	sbr.ind lr, $3  }
0x3a: {  	_ = 	snop  }
0x3b: {  	_ = 	snop  }
0x3c: {  	p2 =	seq.s32 s10, $0x1;
	s10 =	sld [smem:$0x3FA1]  }
0x3d: {  	_ =	shalt  }
0x3e: {  	_ =	shalt  }
0x3f: {  	_ =	shalt  }
0x40: {  	_ =	shalt  }
0x41: {  	_ =	shalt  }
0x42: {  	_ =	shalt  }
0x43: {  	_ =	shalt  }
0x44: {  	_ =	shalt  }
0x45: {  	_ =	shalt  }
0x46: {  	_ =	shalt  }
0x47: {  	_ =	shalt  }
0x48: {  	_ =	shalt  }
0x49: {  	_ =	shalt  }
0x4a: {  	_ =	shalt  }
0x4b: {  	_ =	shalt  }
0x4c: {  	_ =	shalt  }
0x4d: {  	_ =	shalt  }
0x4e: {  	_ =	shalt  }
0x4f: {  	_ =	shalt  }
0x50: {  	_ =	shalt  }
0x51: {  	_ =	shalt  }
0x52: {  	_ =	shalt  }
0x53: {  	_ =	shalt  }
0x54: {  	_ =	shalt  }
0x55: {  	_ =	shalt  }
0x56: {  	_ =	shalt  }
0x57: {  	_ =	shalt  }
0x58: {  	_ =	shalt  }
0x59: {  	_ =	shalt  }
0x5a: {  	_ =	shalt  }
0x5b: {  	_ =	shalt  }
0x5c: {  	_ =	shalt  }
0x5d: {  	_ =	shalt  }
0x5e: {  	_ =	shalt  }
0x5f: {  	_ =	shalt  }
0x60: {  	_ =	shalt  }
0x61: {  	_ =	shalt  }
0x62: {  	_ =	shalt  }
0x63: {  	_ =	shalt  }
0x64: {  	_ =	shalt  }
0x65: {  	_ =	shalt  }
0x66: {  	_ =	shalt  }
0x67: {  	_ =	shalt  }
0x68: {  	_ =	shalt  }
0x69: {  	_ =	shalt  }
0x6a: {  	_ =	shalt  }
0x6b: {  	_ =	shalt  }
0x6c: {  	_ =	shalt  }
0x6d: {  	_ =	shalt  }
0x6e: {  	_ =	shalt  }
0x6f: {  	_ =	shalt  }
0x70: {  	_ =	shalt  }
0x71: {  	_ =	shalt  }
0x72: {  	_ =	shalt  }
0x73: {  	_ =	shalt  }
0x74: {  	_ =	shalt  }
0x75: {  	_ =	shalt  }
0x76: {  	_ =	shalt  }
0x77: {  	_ =	shalt  }
0x78: {  	_ =	shalt  }
0x79: {  	_ =	shalt  }
0x7a: {  	_ =	shalt  }
0x7b: {  	_ =	shalt  }
0x7c: {  	_ =	shalt  }
0x7d: {  	_ =	shalt  }
0x7e: {  	_ =	shalt  }
0x7f: {  	_ =	shalt  }
0x80: {  	_ =	shalt  }
0x81: {  	_ =	shalt  }
0x82: {  	_ =	shalt  }
0x83: {  	_ =	shalt  }
0x84: {  	_ =	shalt  }
0x85: {  	_ =	shalt  }
0x86: {  	_ =	shalt  }
0x87: {  	_ =	shalt  }
.Lfunc_end0:
.L_simem_size_0:
called_computation.1_lowered:
.L_overlay_start_0:
0x88: {  	s2 =	sld [smem:$0x3FD9]  }
0x89: {  	s3 =	sld [smem:$0x3FFE];
	_ =	sdelay $0x1  }
0x8a: {  	s1 =	srdreg.scid  }
0x8b: {  	s0 =	sand.u32 $0x1, s1  }
0x8c: {  	s17 =	sshll.u32 s0, $0xA;
	s2 =	sadd.s32 s3, s2  }
0x8d: {  	s2 =	sadd.s32 s2, s17  }
0x8e: {  	[smem:$0x3FAD] =	sst s2  }
0x8f: {  	_ = 	snop  }
0x90: {  	s2 =	sld [smem:$0x3FD0];
	(tm) =	ssettm $0x1  }
0x91: {  	s18 =	sld [smem:$0x3FFB];
	_ =	sdelay $0x3  }
0x92: {  	_ =	strace s18  }
0x93: {  	s3 =	sld [smem:$0x3FFC];
	_ =	sdelay $0x3  }
0x94: {  	_ =	strace s3  }
0x95: {  	s3 =	sld [smem:$0x3FFD];
	_ =	sdelay $0x3  }
0x96: {  	_ =	strace s3  }
0x97: {  	_ =	strace $0x8FFFFFFF  }
0x98: {  	s19 =	sld [smem:$0x3FDB];
	_ =	sdelay $0x1  }
0x99: {  	s4 =	simm.s32 $_scs_section_size  }
0x9a: {  	s5 =	simm.s32 $_size__tile_overlayer_lowered;
	s6 =	simm.s32 $_tile_overlayer_lowered  }
0x9b: {  	s22 =	simm.s32 $0x1BFF;
	s21 =	sshll.u32 s6, $0x1;
	s3 =	sadd.s32 s4, s19  }
0x9c: {  	s7 =	simm.s32 $0x0;
	s20 =	sshll.u32 s5, $0x1;
	s5 =	sadd.s32 s21, s3  }
0x9d: {  	[timem:s7], [sflag:s22] =	dma.local [hbm:s5], s20  }
0x9e: {  	_ =	swait.ge [sflag:s22], s20  }
0x9f: {  	s4 =	ssub.s32 $0x0, s20;
	[sflag:s22] =	ssyncset.done $0x0  }
0xa0: {  	[sflag:s22] =	ssyncadd.s32 s4;
	_ =	sdelay $0x1  }
0xa1: {  	s23 =	simm.s32 $0x1B8B  }
0xa2: {  	_ =	swait.ge [sflag:s23], $0x1  }
0xa3: {  	[sflag:s23] =	ssyncset.done $0x0  }
0xa4: {  	s25 =	simm.s32 $0x1B8E;
	s24 =	sld [smem:$0x3FFE];
	[sflag:s23] =	ssyncadd.s32 $0xFFFFFFFF  }
0xa5: {  	s26 =	simm.s32 $execute0_lowered;
	[smem:$0x3FD2] =	sst s25  }
0xa6: {  	s5 =	sshll.u32 s26, $0x1;
	_ =	strace $0x80000046;
	[dreg:$0x1] =	wrdreg $0xFFFFFFFF  }
0xa7: {  	s28 =	simm.s32 $_size_execute0_lowered;
	s3 =	sadd.s32 s3, s5;
	[dreg:$0x0] =	wrdreg $0x0  }
0xa8: {  	s5 =	sshll.u32 s28, $0x1;
	[dreg:$0x2] =	wrdreg s3  }
0xa9: {  	[dreg:$0x3] =	wrdreg s5  }
0xaa: {  	[dreg:$0x4] =	wrdreg $0xC0  }
0xab: {  	_ =	task [dreg:s7], $0x5FFFF  }
0xac: {  	[dreg:$0x1] =	wrdreg $0xFFFFFFFF  }
0xad: {  	[dreg:$0x0] =	wrdreg $0x60  }
0xae: {  	[dreg:$0x2] =	wrdreg s24  }
0xaf: {  	[dreg:$0x3] =	wrdreg s2  }
0xb0: {  	[dreg:$0x4] =	wrdreg $0x9  }
0xb1: {  	_ =	task.clear_ibuf [dreg:s7], $0x5FFFF;
	_ =	strace $0x90000046  }
0xb2: {  	s29 =	simm.s32 $0x9;
	_ =	strace $0x80000048  }
0xb3: {  	_ =	swait.ge [sflag:s29], $0x1  }
0xb4: {  	[sflag:s29] =	ssyncadd.s32 $0xFFFFFFFF  }
0xb5: {  	_ =	strace $0x90000048  }
0xb6: {  	_ =	sfence  }
0xb7: {  	s30 =	sld [smem:$0x0];
	_ =	sdelay $0x2  }
0xb8: {  	s31 =	sshll.u32 s1, $0xD;
	s1 =	sshrl.u32 s1, $0x2  }
0xb9: {  	s3 =	sand.u32 $0x4000, s31;
	s1 =	sadd.s32 s1, s30  }
0xba: {  	s0 =	sor.u32 s3, s0;
	s1 =	sshll.u32 s1, $0x11  }
0xbb: {  	s0 =	sor.u32 s1, s0  }
0xbc: {  	s0 =	sadd.s32 $0x8F2B, s0  }
0xbd: {  	[sflag:s0] =	ssyncadd.remote.s32 $0x1  }
0xbe: {  	_ =	sfence.sel $0xFFFF  }
0xbf: {  	[dreg:$0x0] =	wrdreg $0xFFFFFFFF;
	(pc) =	sbr.abs _section_cstart, $3  }
0xc0: {  	[dreg:$0x1] =	wrdreg $0xFFFFFFFF  }
0xc1: {  	_ =	task.clear_ibuf [dreg:s7], $0x2FFFF;
	_ =	strace $0x9FFFFFFF  }
0xc2: {  	(tm) =	ssettm $0x7FFFFFFF  }
0xc3: {  	_ =	shalt  }
tec
execute0_lowered:
.L_overlay_start_1:
0x0: {  	(tag) =	ssettag $0x1  }
0x1: {  	s4 =	rddreg [dreg:$0x0]  }
0x2: {  	s2 =	rddreg [dreg:$0x1]  }
0x3: {  	s0 =	rddreg [dreg:$0x2]  }
0x4: {  	s5 =	srdreg.scid;
	s1 =	stileid.u32;
	s3 =	simm.s32 $0x0  }
0x5: {  	s11 =	simm.s32 $0x70;
	s12 =	simm.s32 $0xE0;
	s6 =	smul.u32 $0xC40, s1  }
0x6: {  	s13 =	simm.s32 $0x1;
	s5 =	sand.u32 $0x1, s5;
	s8 =	smul.u32 $0x3100, s1  }
0x7: {  	s14 =	simm.s32 $0xEE0;
	s15 =	simm.s32 $0x0;
	s7 =	smul.u32 $0x620, s5  }
0x8: {  	[smem:$0x7FF] =	sst s3;
	s29 =	ssub.s32 $0x2, s5;
	s5 =	smul.u32 $0x1880, s5  }
0x9: {  	_ =	strace $0x80000047;
	s8 =	sadd.s32 s8, s4;
	s9 =	sshrl.u32 s29, $0x1  }
0xa: {  	s6 =	sadd.s32 s7, s6;
	s30 =	ssub.s32 s29, s9;
	s31 =	sadd.s32 s5, s8  }
0xb: {  	s6 =	sshrl.u32 s6, $0x3;
	s5 =	smax.u32 s30, $0x1;
	s7 =	sadd.s32 $0x8200, s31  }
0xc: {  	s10 =	sadd.s32 s6, s4;
	s4 =	sadd.s32 $0x8000, s4;
	s6 =	sadd.s32 $0x39200, s31  }
0xd: {  	s8 =	sadd.s32 $0x4C00, s10;
	s9 =	sadd.s32 $0x6600, s10;
	s10 =	simm.s32 $0x2  }
.LBB2_1:
0xe: {  	s16 =	sadd.s32 $0x0, s9  }
0xf: {  	[tilespmem:s3], [sflag:$0x2] =	stream.linear.gather [hbm4b:s16+s3], $0x70, $0x38;
	[tilespmem:$0x1CE0] =	vst v63  }
0x10: {  	_ =	swait.ge [sflag:s10], $0x70  }
0x11: {  	[sflag:s10] =	ssyncset.done $0x0  }
0x12: {  	s31 =	sadd.s32 $0x0, s8;
	[sflag:s10] =	ssyncadd.s32 $0xFFFFFF90  }
0x13: {  	[tilespmem:s11], [sflag:$0x2] =	stream.linear.gather [hbm4b:s31+s3], $0x70, $0x38;
	[tilespmem:$0x1CE0] =	vst v63  }
0x14: {  	_ =	swait.ge [sflag:s10], $0x70  }
0x15: {  	[sflag:s10] =	ssyncset.done $0x0  }
0x16: {  	[sflag:s10] =	ssyncadd.s32 $0xFFFFFF90  }
0x17: {  	[tilespmem:s12], [sflag:$0x1] =	stream.indirect.gather [hbm4b:s2+s11], $0x20, s3, s11, $0xb8;
	[tilespmem:$0x1CE0] =	vst v63  }
0x18: {  	_ =	swait.ge [sflag:s13], $0xE00  }
0x19: {  	[sflag:s13] =	ssyncset.done $0x0  }
0x1a: {  	[sflag:s13] =	ssyncadd.s32 $0xFFFFF200  }
0x1b: {  	[tilespmem:s14], [sflag:$0x1] =	stream.indirect.gather [hbm4b:s4+s11], $0x20, s11, s11, $0xb8;
	[tilespmem:$0x1CE0] =	vst v63  }
0x1c: {  	_ =	swait.ge [sflag:s13], $0xE00  }
0x1d: {  	[sflag:s13] =	ssyncset.done $0x0  }
0x1e: {  	[sflag:s13] =	ssyncadd.s32 $0xFFFFF200  }
0x1f: {  	[hbm4b:s7+s3] =	stream.linear.scatter [tilespmem:s12], [sflag:$0x2], $0xE00, $0x38;
	[tilespmem:$0x1CE0] =	vst v63  }
0x20: {  	_ =	swait.ge [sflag:s10], $0xE00  }
0x21: {  	[sflag:s10] =	ssyncset.done $0x0  }
0x22: {  	[sflag:s10] =	ssyncadd.s32 $0xFFFFF200  }
0x23: {  	[hbm4b:s6+s3] =	stream.linear.scatter [tilespmem:s14], [sflag:$0x2], $0xE00, $0x38;
	[tilespmem:$0x1CE0] =	vst v63  }
0x24: {  	s18 =	simm.s32 $0xE;
	s19 =	simm.s32 $0x1C;
	_ =	swait.ge [sflag:s10], $0xE00  }
0x25: {  	s17 =	sadd.s32 $0x1C0, s7;
	s16 =	sadd.s32 $0x1C0, s6;
	[sflag:s10] =	ssyncset.done $0x0  }
.LBB2_2:
0x26: {  	s20 =	sadd.s32 s18, s9  }
0x27: {  	[sflag:s10] =	ssyncadd.s32 $0xFFFFF200;
	s21 =	smov.u32 s19;
	s22 =	sadd.s32 $0xE, s19  }
0x28: {  	[tilespmem:s3], [sflag:$0x2] =	stream.linear.gather [hbm4b:s20+s3], $0x70, $0x38;
	[tilespmem:$0x1CE0] =	vst v63  }
0x29: {  	p0 =	sne.s32 s19, $0xB6;
	_ =	swait.ge [sflag:s10], $0x70  }
0x2a: {  	[sflag:s10] =	ssyncset.done $0x0  }
0x2b: {  	s19 =	sadd.s32 s18, s8;
	s18 =	smov.u32 s21;
	[sflag:s10] =	ssyncadd.s32 $0xFFFFFF90  }
0x2c: {  	[tilespmem:s11], [sflag:$0x2] =	stream.linear.gather [hbm4b:s19+s3], $0x70, $0x38;
	[tilespmem:$0x1CE0] =	vst v63  }
0x2d: {  	_ =	swait.ge [sflag:s10], $0x70  }
0x2e: {  	[sflag:s10] =	ssyncset.done $0x0  }
0x2f: {  	[sflag:s10] =	ssyncadd.s32 $0xFFFFFF90  }
0x30: {  	[tilespmem:s12], [sflag:$0x1] =	stream.indirect.gather [hbm4b:s2+s11], $0x20, s3, s11, $0xb8;
	[tilespmem:$0x1CE0] =	vst v63  }
0x31: {  	_ =	swait.ge [sflag:s13], $0xE00  }
0x32: {  	[sflag:s13] =	ssyncset.done $0x0  }
0x33: {  	[sflag:s13] =	ssyncadd.s32 $0xFFFFF200  }
0x34: {  	[tilespmem:s14], [sflag:$0x1] =	stream.indirect.gather [hbm4b:s4+s11], $0x20, s11, s11, $0xb8;
	[tilespmem:$0x1CE0] =	vst v63  }
0x35: {  	_ =	swait.ge [sflag:s13], $0xE00  }
0x36: {  	[sflag:s13] =	ssyncset.done $0x0  }
0x37: {  	[sflag:s13] =	ssyncadd.s32 $0xFFFFF200  }
0x38: {  	[hbm4b:s17+s3] =	stream.linear.scatter [tilespmem:s12], [sflag:$0x2], $0xE00, $0x38;
	[tilespmem:$0x1CE0] =	vst v63  }
0x39: {  	_ =	swait.ge [sflag:s10], $0xE00  }
.Ltmp0:
0x3a: {  	[sflag:s10] =	ssyncset.done $0x0;
	(pc) =	sbr.rel @p0 .LBB2_2-.Ltmp0, $4  }
0x3b: {  	[sflag:s10] =	ssyncadd.s32 $0xFFFFF200  }
0x3c: {  	[hbm4b:s16+s3] =	stream.linear.scatter [tilespmem:s14], [sflag:$0x2], $0xE00, $0x38;
	[tilespmem:$0x1CE0] =	vst v63  }
0x3d: {  	s19 =	smov.u32 s22;
	_ =	swait.ge [sflag:s10], $0xE00  }
0x3e: {  	s17 =	sadd.s32 $0x1C0, s17;
	s16 =	sadd.s32 $0x1C0, s16;
	[sflag:s10] =	ssyncset.done $0x0  }
0x3f: {  	s19 =	sadd.s32 s18, s9;
	[sflag:s10] =	ssyncadd.s32 $0xFFFFF200  }
0x40: {  	[tilespmem:s3], [sflag:$0x2] =	stream.linear.gather [hbm4b:s19+s3], $0x70, $0x38;
	[tilespmem:$0x1CE0] =	vst v63  }
0x41: {  	_ =	swait.ge [sflag:s10], $0x70  }
0x42: {  	[sflag:s10] =	ssyncset.done $0x0  }
0x43: {  	s31 =	sadd.s32 s18, s8;
	[sflag:s10] =	ssyncadd.s32 $0xFFFFFF90  }
0x44: {  	[tilespmem:s11], [sflag:$0x2] =	stream.linear.gather [hbm4b:s31+s3], $0x70, $0x38;
	[tilespmem:$0x1CE0] =	vst v63  }
0x45: {  	_ =	swait.ge [sflag:s10], $0x70  }
0x46: {  	[sflag:s10] =	ssyncset.done $0x0  }
0x47: {  	[sflag:s10] =	ssyncadd.s32 $0xFFFFFF90  }
0x48: {  	[tilespmem:s12], [sflag:$0x1] =	stream.indirect.gather [hbm4b:s2+s11], $0x20, s3, s11, $0xb8;
	[tilespmem:$0x1CE0] =	vst v63  }
0x49: {  	_ =	swait.ge [sflag:s13], $0xE00  }
0x4a: {  	[sflag:s13] =	ssyncset.done $0x0  }
0x4b: {  	[sflag:s13] =	ssyncadd.s32 $0xFFFFF200  }
0x4c: {  	[tilespmem:s14], [sflag:$0x1] =	stream.indirect.gather [hbm4b:s4+s11], $0x20, s11, s11, $0xb8;
	[tilespmem:$0x1CE0] =	vst v63  }
0x4d: {  	_ =	swait.ge [sflag:s13], $0xE00  }
0x4e: {  	[sflag:s13] =	ssyncset.done $0x0  }
0x4f: {  	[sflag:s13] =	ssyncadd.s32 $0xFFFFF200  }
0x50: {  	[hbm4b:s17+s3] =	stream.linear.scatter [tilespmem:s12], [sflag:$0x2], $0xE00, $0x38;
	[tilespmem:$0x1CE0] =	vst v63  }
0x51: {  	s15 =	sadd.s32 $0x1, s15;
	_ =	swait.ge [sflag:s10], $0xE00  }
0x52: {  	p0 =	sne.s32 s15, s5;
	[sflag:s10] =	ssyncset.done $0x0  }
.Ltmp1:
0x53: {  	[sflag:s10] =	ssyncadd.s32 $0xFFFFF200;
	(pc) =	sbr.rel @p0 .LBB2_1-.Ltmp1, $4  }
0x54: {  	[hbm4b:s16+s3] =	stream.linear.scatter [tilespmem:s14], [sflag:$0x2], $0xE00, $0x38;
	[tilespmem:$0x1CE0] =	vst v63  }
0x55: {  	_ =	swait.ge [sflag:s10], $0xE00  }
0x56: {  	[sflag:s10] =	ssyncset.done $0x0  }
0x57: {  	[sflag:s10] =	ssyncadd.s32 $0xFFFFF200  }
0x58: {  	_ =	sfence.sel $0x180000  }
0x59: {  	[bflag:$0x0] =	sbarrier.arrive $0xFFFF  }
0x5a: {  	p0 =	sne.s32 s1, $0x0;
	_ =	strace $0x90000047  }
0x5b: {  	s0 =	sadd.s32 @!p0 $0x100000, s0;
	[bflag:$0x2] =	sbarrier.arrive $0xFFFF  }
0x5c: {  	[sflag:s0] =	ssyncadd.tile.s32 @!p0 $0x1;
	_ =	shalt  }
.Lfunc_end2:
_tile_overlayer_lowered:
.L_overlay_start_2:
0x5d: {  	(tag) =	ssettag $0x2  }
0x5e: {  	s0 =	rddreg [dreg:$0x0];
	s2 =	stileid.u32  }
0x5f: {  	s1 =	rddreg [dreg:$0x1];
	p0 =	sne.s32 s2, $0x0  }
0x60: {  	s3 =	rddreg [dreg:$0x2];
	[bflag:$0x3] =	sbarrier.arrive $0xFFFF;
	s2 =	simm.s32 @!p0 $0x1C02  }
0x61: {  	[timem:s3], [sflag:s2] =	dma.local @!p0 [hbm:s0], s1  }
0x62: {  	s0 =	simm.s32 @!p0 $0x2  }
0x63: {  	_ =	swait.ge @!p0 [sflag:s0], s1  }
0x64: {  	s1 =	ssub.s32 @!p0 $0x0, s1;
	[sflag:s0] =	ssyncset.done @!p0 $0x0  }
0x65: {  	[sflag:s0] =	ssyncadd.s32 @!p0 s1  }
0x66: {  	[bflag:$0x3] =	sbarrier.arrive $0xFFFF  }
0x67: {  	_ =	shalt  }

// kernel: kernel.16.cloned.1.call-start
scs
__scs_entry_jumppad:
0x0: {  	(pc) =	sbr.rel $0x88, $3  }
0x1: {  	(tag) =	ssettag $0x0;
	lr =	simm.s32 $0x1  }
0x2: {  	[smem:$0x3F86] =	sst lr;
	_ =	strace $0xD0000000  }
0x3: {  	_ = 	snop  }
0x4: {  	_ = 	snop  }
0x5: {  	_ = 	snop  }
0x6: {  	_ = 	snop  }
0x7: {  	_ = 	snop  }
__scs_overlays_trampoline_lowered:
0x8: {  	[smem:$0x3F95] =	sst s0  }
0x9: {  	[smem:$0x3F96] =	sst s1  }
0xa: {  	[smem:$0x3F97] =	sst s2  }
0xb: {  	[smem:$0x3F98] =	sst s3  }
0xc: {  	[smem:$0x3F99] =	sst s4  }
0xd: {  	[smem:$0x3F9A] =	sst s5  }
0xe: {  	[smem:$0x3F9B] =	sst s6  }
0xf: {  	[smem:$0x3F9C] =	sst s7  }
0x10: {  	[smem:$0x3F9D] =	sst s8  }
0x11: {  	[smem:$0x3F9E] =	sst s9;
	s0 =	simm.s32 @!p0 $0x0  }
0x12: {  	s1 =	sld [smem:$0x3F84];
	s0 =	simm.s32 @p0 $0x1  }
0x13: {  	[smem:$0x3F9F] =	sst s0;
	s0 =	simm.s32 @!p1 $0x0  }
0x14: {  	s2 =	sld [smem:$0x3F83];
	s0 =	simm.s32 @p1 $0x1  }
0x15: {  	[smem:$0x3FA0] =	sst s0;
	s0 =	simm.s32 @!p2 $0x0  }
0x16: {  	s3 =	sld [smem:$0x3FDB];
	s0 =	simm.s32 @p2 $0x1  }
0x17: {  	s4 =	simm.s32 $0x1BF5;
	[smem:$0x3FA2] =	sst s0  }
0x18: {  	s0 =	sld [smem:$0x3F85];
	_ =	swait.ge [sflag:s4], $0x0  }
0x19: {  	s7 =	sld [smem:$0x3F86]  }
0x1a: {  	s8 =	sadd.s32 $0xFFFFE003, lr  }
0x1b: {  	s9 =	sadd.s32 $0xFFFFFEF7, lr;
	s5 =	simm.s32 $0xFFFFFFFF;
	p2 =	slt.u32 s8, $0xFFFFF086  }
0x1c: {  	p1 =	slt.u32 s9, $0xF7A;
	s5 =	simm.s32 @!p2 $0x0  }
0x1d: {  	s5 =	simm.s32 @p1 $0x1;
	p0 =	seq.s32 s7, s2  }
0x1e: {  	s7 =	smul.u32 @!p0 $0xF7A, s2;
	p2 =	seq.s32 @!p0 s5, $0x0  }
0x1f: {  	s9 =	smul.u32 $0xF7A, s1;
	s8 =	simm.s32 @!p0 $0x1BF5;
	p2 =	por !p2, p0  }
0x20: {  	[sflag:s8] =	ssyncset.s32 @!p0 $0xFFFFF086;
	s6 =	sadd.s32 @!p0 s3, s7;
	s7 =	simm.s32 @!p0 $0x108  }
0x21: {  	s3 =	sadd.s32 s3, s9;
	s6 =	sadd.s32 @!p0 $0x88, s6;
	s7 =	simm.s32 @p2 $0x1082  }
0x22: {  	[simem:s7], [sflag:s8] =	dma.local @!p0 [hbm:s6], $0xF7A  }
0x23: {  	s9 =	sor.u32 $0xD0000000, s2;
	s6 =	simm.s32 $0x108;
	_ =	swait.ge @!p0 [sflag:s8], $0x0  }
0x24: {  	s3 =	sadd.s32 $0x88, s3;
	s6 =	simm.s32 @!p1 $0x1082;
	[sflag:s4] =	ssyncset.s32 $0xFFFFF086  }
0x25: {  	[simem:s6], [sflag:s4] =	dma.local [hbm:s3], $0xF7A  }
0x26: {  	[smem:$0x3F86] =	sst s1;
	(tag) =	ssettag s2;
	_ =	strace s9  }
0x27: {  	s1 =	sld [smem:$0x3F96]  }
0x28: {  	s2 =	sld [smem:$0x3F97]  }
0x29: {  	s4 =	sld [smem:$0x3F99]  }
0x2a: {  	p0 =	seq.s32 s5, $0x0;
	s5 =	sld [smem:$0x3F9A]  }
0x2b: {  	s6 =	sld [smem:$0x3F9B]  }
0x2c: {  	s7 =	sld [smem:$0x3F9C]  }
0x2d: {  	s3 =	simm.s32 $0x108;
	s8 =	sld [smem:$0x3F9D]  }
0x2e: {  	s3 =	simm.s32 @!p0 $0x1082;
	s9 =	sld [smem:$0x3F9E]  }
0x2f: {  	lr =	sadd.s32 s0, s3;
	s0 =	sld [smem:$0x3F95]  }
0x30: {  	s3 =	sld [smem:$0x3F98]  }
0x31: {  	[smem:$0x3FA1] =	sst s10  }
0x32: {  	s10 =	sld [smem:$0x3F9F];
	_ =	sdelay $0x3  }
0x33: {  	p0 =	seq.s32 s10, $0x1;
	s10 =	sld [smem:$0x3FA1];
	_ =	sdelay $0x3  }
0x34: {  	[smem:$0x3FA1] =	sst s10  }
0x35: {  	s10 =	sld [smem:$0x3FA0];
	_ =	sdelay $0x3  }
0x36: {  	p1 =	seq.s32 s10, $0x1;
	s10 =	sld [smem:$0x3FA1];
	_ =	sdelay $0x3  }
0x37: {  	[smem:$0x3FA1] =	sst s10  }
0x38: {  	s10 =	sld [smem:$0x3FA2]  }
0x39: {  	_ = 	snop;
	(pc) =	sbr.ind lr, $3  }
0x3a: {  	_ = 	snop  }
0x3b: {  	_ = 	snop  }
0x3c: {  	p2 =	seq.s32 s10, $0x1;
	s10 =	sld [smem:$0x3FA1]  }
0x3d: {  	_ =	shalt  }
0x3e: {  	_ =	shalt  }
0x3f: {  	_ =	shalt  }
0x40: {  	_ =	shalt  }
0x41: {  	_ =	shalt  }
0x42: {  	_ =	shalt  }
0x43: {  	_ =	shalt  }
0x44: {  	_ =	shalt  }
0x45: {  	_ =	shalt  }
0x46: {  	_ =	shalt  }
0x47: {  	_ =	shalt  }
0x48: {  	_ =	shalt  }
0x49: {  	_ =	shalt  }
0x4a: {  	_ =	shalt  }
0x4b: {  	_ =	shalt  }
0x4c: {  	_ =	shalt  }
0x4d: {  	_ =	shalt  }
0x4e: {  	_ =	shalt  }
0x4f: {  	_ =	shalt  }
0x50: {  	_ =	shalt  }
0x51: {  	_ =	shalt  }
0x52: {  	_ =	shalt  }
0x53: {  	_ =	shalt  }
0x54: {  	_ =	shalt  }
0x55: {  	_ =	shalt  }
0x56: {  	_ =	shalt  }
0x57: {  	_ =	shalt  }
0x58: {  	_ =	shalt  }
0x59: {  	_ =	shalt  }
0x5a: {  	_ =	shalt  }
0x5b: {  	_ =	shalt  }
0x5c: {  	_ =	shalt  }
0x5d: {  	_ =	shalt  }
0x5e: {  	_ =	shalt  }
0x5f: {  	_ =	shalt  }
0x60: {  	_ =	shalt  }
0x61: {  	_ =	shalt  }
0x62: {  	_ =	shalt  }
0x63: {  	_ =	shalt  }
0x64: {  	_ =	shalt  }
0x65: {  	_ =	shalt  }
0x66: {  	_ =	shalt  }
0x67: {  	_ =	shalt  }
0x68: {  	_ =	shalt  }
0x69: {  	_ =	shalt  }
0x6a: {  	_ =	shalt  }
0x6b: {  	_ =	shalt  }
0x6c: {  	_ =	shalt  }
0x6d: {  	_ =	shalt  }
0x6e: {  	_ =	shalt  }
0x6f: {  	_ =	shalt  }
0x70: {  	_ =	shalt  }
0x71: {  	_ =	shalt  }
0x72: {  	_ =	shalt  }
0x73: {  	_ =	shalt  }
0x74: {  	_ =	shalt  }
0x75: {  	_ =	shalt  }
0x76: {  	_ =	shalt  }
0x77: {  	_ =	shalt  }
0x78: {  	_ =	shalt  }
0x79: {  	_ =	shalt  }
0x7a: {  	_ =	shalt  }
0x7b: {  	_ =	shalt  }
0x7c: {  	_ =	shalt  }
0x7d: {  	_ =	shalt  }
0x7e: {  	_ =	shalt  }
0x7f: {  	_ =	shalt  }
0x80: {  	_ =	shalt  }
0x81: {  	_ =	shalt  }
0x82: {  	_ =	shalt  }
0x83: {  	_ =	shalt  }
0x84: {  	_ =	shalt  }
0x85: {  	_ =	shalt  }
0x86: {  	_ =	shalt  }
0x87: {  	_ =	shalt  }
.Lfunc_end0:
.L_simem_size_0:
called_computation.2_lowered:
.L_overlay_start_0:
0x88: {  	s2 =	sld [smem:$0x3FD9]  }
0x89: {  	s3 =	sld [smem:$0x3FFE];
	_ =	sdelay $0x1  }
0x8a: {  	s1 =	srdreg.scid  }
0x8b: {  	s0 =	sand.u32 $0x1, s1  }
0x8c: {  	s17 =	sshll.u32 s0, $0xA;
	s2 =	sadd.s32 s3, s2  }
0x8d: {  	s2 =	sadd.s32 s2, s17  }
0x8e: {  	[smem:$0x3FAD] =	sst s2  }
0x8f: {  	_ = 	snop  }
0x90: {  	s2 =	sld [smem:$0x3FD0];
	(tm) =	ssettm $0x1  }
0x91: {  	s18 =	sld [smem:$0x3FFB];
	_ =	sdelay $0x3  }
0x92: {  	_ =	strace s18  }
0x93: {  	s3 =	sld [smem:$0x3FFC];
	_ =	sdelay $0x3  }
0x94: {  	_ =	strace s3  }
0x95: {  	s3 =	sld [smem:$0x3FFD];
	_ =	sdelay $0x3  }
0x96: {  	_ =	strace s3  }
0x97: {  	_ =	strace $0x8FFFFFFF  }
0x98: {  	s19 =	sld [smem:$0x3FDB];
	_ =	sdelay $0x1  }
0x99: {  	s4 =	simm.s32 $_scs_section_size  }
0x9a: {  	s5 =	simm.s32 $_size__tile_overlayer_lowered;
	s6 =	simm.s32 $_tile_overlayer_lowered  }
0x9b: {  	s22 =	simm.s32 $0x1BFF;
	s21 =	sshll.u32 s6, $0x1;
	s3 =	sadd.s32 s4, s19  }
0x9c: {  	s7 =	simm.s32 $0x0;
	s20 =	sshll.u32 s5, $0x1;
	s5 =	sadd.s32 s21, s3  }
0x9d: {  	[timem:s7], [sflag:s22] =	dma.local [hbm:s5], s20  }
0x9e: {  	_ =	swait.ge [sflag:s22], s20  }
0x9f: {  	s4 =	ssub.s32 $0x0, s20;
	[sflag:s22] =	ssyncset.done $0x0  }
0xa0: {  	[sflag:s22] =	ssyncadd.s32 s4;
	_ =	sdelay $0x1  }
0xa1: {  	s23 =	simm.s32 $0x1B8B  }
0xa2: {  	_ =	swait.ge [sflag:s23], $0x1  }
0xa3: {  	[sflag:s23] =	ssyncset.done $0x0  }
0xa4: {  	s25 =	simm.s32 $0x1B8E;
	s24 =	sld [smem:$0x3FFE];
	[sflag:s23] =	ssyncadd.s32 $0xFFFFFFFF  }
0xa5: {  	s26 =	simm.s32 $execute0_lowered;
	[smem:$0x3FD2] =	sst s25  }
0xa6: {  	s5 =	sshll.u32 s26, $0x1;
	_ =	strace $0x80000049;
	[dreg:$0x1] =	wrdreg $0xFFFFFFFF  }
0xa7: {  	s28 =	simm.s32 $_size_execute0_lowered;
	s3 =	sadd.s32 s3, s5;
	[dreg:$0x0] =	wrdreg $0x0  }
0xa8: {  	s5 =	sshll.u32 s28, $0x1;
	[dreg:$0x2] =	wrdreg s3  }
0xa9: {  	[dreg:$0x3] =	wrdreg s5  }
0xaa: {  	[dreg:$0x4] =	wrdreg $0xC0  }
0xab: {  	_ =	task [dreg:s7], $0x5FFFF  }
0xac: {  	[dreg:$0x1] =	wrdreg $0xFFFFFFFF  }
0xad: {  	[dreg:$0x0] =	wrdreg $0x60  }
0xae: {  	[dreg:$0x2] =	wrdreg s24  }
0xaf: {  	[dreg:$0x3] =	wrdreg s2  }
0xb0: {  	[dreg:$0x4] =	wrdreg $0x9  }
0xb1: {  	_ =	task.clear_ibuf [dreg:s7], $0x5FFFF;
	_ =	strace $0x90000049  }
0xb2: {  	s29 =	simm.s32 $0x9;
	_ =	strace $0x8000004B  }
0xb3: {  	_ =	swait.ge [sflag:s29], $0x1  }
0xb4: {  	[sflag:s29] =	ssyncadd.s32 $0xFFFFFFFF  }
0xb5: {  	_ =	strace $0x9000004B  }
0xb6: {  	_ =	sfence  }
0xb7: {  	s30 =	sld [smem:$0x0];
	_ =	sdelay $0x2  }
0xb8: {  	s31 =	sshll.u32 s1, $0xD;
	s1 =	sshrl.u32 s1, $0x2  }
0xb9: {  	s3 =	sand.u32 $0x4000, s31;
	s1 =	sadd.s32 s1, s30  }
0xba: {  	s0 =	sor.u32 s3, s0;
	s1 =	sshll.u32 s1, $0x11  }
0xbb: {  	s0 =	sor.u32 s1, s0  }
0xbc: {  	s0 =	sadd.s32 $0x8F2B, s0  }
0xbd: {  	[sflag:s0] =	ssyncadd.remote.s32 $0x1  }
0xbe: {  	_ =	sfence.sel $0xFFFF  }
0xbf: {  	[dreg:$0x0] =	wrdreg $0xFFFFFFFF;
	(pc) =	sbr.abs _section_cstart, $3  }
0xc0: {  	[dreg:$0x1] =	wrdreg $0xFFFFFFFF  }
0xc1: {  	_ =	task.clear_ibuf [dreg:s7], $0x2FFFF;
	_ =	strace $0x9FFFFFFF  }
0xc2: {  	(tm) =	ssettm $0x7FFFFFFF  }
0xc3: {  	_ =	shalt  }
tec
execute0_lowered:
.L_overlay_start_1:
0x0: {  	(tag) =	ssettag $0x1  }
0x1: {  	s0 =	rddreg [dreg:$0x0]  }
0x2: {  	s1 =	rddreg [dreg:$0x1];
	s3 =	simm.s32 $0x0  }
0x3: {  	s2 =	srdreg.scid;
	s5 =	stileid.u32;
	s17 =	simm.s32 $0x3  }
0x4: {  	s18 =	simm.s32 $0x80;
	s28 =	simm.s32 $0xCB00;
	s29 =	simm.s32 $0x10B00  }
0x5: {  	s30 =	simm.s32 $0x1;
	s31 =	simm.s32 $0x8180;
	s20 =	simm.s32 $0x12B00  }
0x6: {  	s21 =	simm.s32 $0x14B00;
	s13 =	simm.s32 $0x0;
	[smem:$0x7FF] =	sst s3  }
0x7: {  	s4 =	sadd.s32 $0x9BE00, s0;
	s2 =	sand.u32 $0x1, s2;
	s7 =	sshll.u32 s5, $0x1  }
0x8: {  	s5 =	sadd.s32 $0x6A200, s0;
	s6 =	sadd.s32 $0x82A00, s0;
	s9 =	sadd.s32 $0x9BA00, s0  }
0x9: {  	s10 =	sadd.s32 $0x49DC00, s0;
	s8 =	sor.u32 s2, s7;
	s2 =	ssub.s32 $0x2, s2  }
0xa: {  	s11 =	sadd.s32 $0xABDC00, s0;
	s8 =	smul.u32 $0x6200, s8;
	s12 =	sshrl.u32 s2, $0x1  }
0xb: {  	_ =	strace $0x8000004A;
	s7 =	sadd.s32 $0x317000, s0;
	s23 =	ssub.s32 s2, s12  }
0xc: {  	s24 =	sshrl.u32 s8, $0x3;
	s15 =	sor.u32 $0x100, s8;
	s0 =	smax.u32 s23, $0x1  }
0xd: {  	s23 =	simm.s32 $0xA980;
	s25 =	sadd.s32 s4, s24;
	[dreg:$0x6] =	wrdreg s0  }
0xe: {  	s26 =	sadd.s32 s5, s24;
	s2 =	sadd.s32 s6, s24;
	[dreg:$0x3] =	wrdreg s25  }
0xf: {  	v0 =	vimm.f32 $0.0e+00;
	vm0 =	vcmask $0x300;
	s24 =	simm.s32 $0xAA00;
	s0 =	simm.s32 $0xA180;
	[dreg:$0x4] =	wrdreg s26  }
0x10: {  	v0 =	vsel vm0, $0x3F800000, v0;
	[dreg:$0x5] =	wrdreg s2;
	s25 =	simm.s32 $0xAA80;
	s2 =	simm.s32 $0x2  }
.LBB2_1:
0x11: {  	[dreg:$0x7] =	wrdreg s13  }
0x12: {  	s12 =	rddreg [dreg:$0x3]  }
0x13: {  	[tilespmem:s3], [sflag:$0x3] =	stream.linear.gather [hbm4b:s12+s3], $0x80, $0x38;
	[tilespmem:$0x15300] =	vst v63  }
0x14: {  	_ =	swait.ge [sflag:s17], $0x80  }
0x15: {  	[sflag:s17] =	ssyncset.done $0x0  }
0x16: {  	s13 =	rddreg [dreg:$0x4];
	[sflag:s17] =	ssyncadd.s32 $0xFFFFFF80  }
0x17: {  	[tilespmem:s18], [sflag:$0x3] =	stream.linear.gather [hbm4b:s13+s3], $0x80, $0x38;
	[tilespmem:$0x15300] =	vst v63  }
0x18: {  	_ =	swait.ge [sflag:s17], $0x80  }
0x19: {  	[sflag:s17] =	ssyncset.done $0x0  }
0x1a: {  	s16 =	simm.s32 $0x100;
	s14 =	rddreg [dreg:$0x5];
	[sflag:s17] =	ssyncadd.s32 $0xFFFFFF80  }
0x1b: {  	[tilespmem:s16], [sflag:$0x3] =	stream.linear.gather [hbm4b:s14+s3], $0x80, $0x38;
	[tilespmem:$0x15300] =	vst v63  }
0x1c: {  	_ =	swait.ge [sflag:s17], $0x80  }
0x1d: {  	[sflag:s17] =	ssyncset.done $0x0  }
0x1e: {  	s19 =	simm.s32 $0x180;
	[sflag:s17] =	ssyncadd.s32 $0xFFFFFF80  }
0x1f: {  	[tilespmem:s19], [sflag:$0x1] =	stream.indirect.gather [hbm4b:s1+s18], $0x40, s3, s18, $0xb8;
	[tilespmem:$0x15300] =	vst v63  }
0x20: {  	s22 =	simm.s32 $0x2180  }
0x21: {  	[tilespmem:s22], [sflag:$0x1] =	stream.indirect.gather [hbm4b:s7+s18], $0x80, s18, s18, $0xb8;
	[tilespmem:$0x15300] =	vst v63  }
0x22: {  	s26 =	simm.s32 $0x6180;
	s19 =	simm.s32 $0x0  }
0x23: {  	[tilespmem:s26], [sflag:$0x1] =	stream.indirect.gather [hbm4b:s9+s18], $0x40, s16, s18, $0xb8;
	[tilespmem:$0x15300] =	vst v63  }
.LBB2_2:
0x24: {  	s13 =	sshll.u32 s19, $0x8  }
0x25: {  	s12 =	sadd.s32 s13, s8  }
0x26: {  	s12 =	sadd.s32 $0x80, s12  }
0x27: {  	s16 =	sshrl.u32 s12, $0x3  }
0x28: {  	s14 =	simm.s32 $0x0;
	s22 =	sadd.s32 s4, s16  }
0x29: {  	[tilespmem:s23], [sflag:$0x3] =	stream.linear.gather [hbm4b:s22+s14], $0x80, $0x38;
	[tilespmem:$0x15300] =	vst v63  }
0x2a: {  	_ =	swait.ge [sflag:s17], $0x80  }
0x2b: {  	[sflag:s17] =	ssyncset.done $0x0  }
0x2c: {  	s26 =	sadd.s32 s5, s16;
	[sflag:s17] =	ssyncadd.s32 $0xFFFFFF80  }
0x2d: {  	[tilespmem:s24], [sflag:$0x3] =	stream.linear.gather [hbm4b:s26+s14], $0x80, $0x38;
	[tilespmem:$0x15300] =	vst v63  }
0x2e: {  	_ =	swait.ge [sflag:s17], $0x80  }
0x2f: {  	[sflag:s17] =	ssyncset.done $0x0  }
0x30: {  	s16 =	sadd.s32 s6, s16;
	[sflag:s17] =	ssyncadd.s32 $0xFFFFFF80  }
0x31: {  	[tilespmem:s25], [sflag:$0x3] =	stream.linear.gather [hbm4b:s16+s14], $0x80, $0x38;
	[tilespmem:$0x15300] =	vst v63  }
0x32: {  	_ =	swait.ge [sflag:s17], $0x80  }
0x33: {  	[sflag:s17] =	ssyncset.done $0x0  }
0x34: {  	s26 =	simm.s32 $0xAB00;
	[sflag:s17] =	ssyncadd.s32 $0xFFFFFF80  }
0x35: {  	[tilespmem:s26], [sflag:$0x2] =	stream.indirect.gather [hbm4b:s1+s18], $0x40, s23, s18, $0xb8;
	[tilespmem:$0x15300] =	vst v63  }
0x36: {  	_ = 	snop  }
0x37: {  	[tilespmem:s28], [sflag:$0x2] =	stream.indirect.gather [hbm4b:s7+s18], $0x80, s24, s18, $0xb8;
	[tilespmem:$0x15300] =	vst v63  }
0x38: {  	_ = 	snop  }
0x39: {  	[tilespmem:s29], [sflag:$0x2] =	stream.indirect.gather [hbm4b:s9+s18], $0x40, s25, s18, $0xb8;
	[tilespmem:$0x15300] =	vst v63  }
0x3a: {  	_ =	swait.ge [sflag:s30], $0x2000  }
0x3b: {  	[sflag:s30] =	ssyncset.done $0x0  }
0x3c: {  	[sflag:s30] =	ssyncadd.s32 $0xFFFFE000  }
0x3d: {  	_ =	swait.ge [sflag:s30], $0x4000  }
0x3e: {  	[sflag:s30] =	ssyncset.done $0x0  }
0x3f: {  	[sflag:s30] =	ssyncadd.s32 $0xFFFFC000  }
0x40: {  	_ =	swait.ge [sflag:s30], $0x2000  }
0x41: {  	[sflag:s30] =	ssyncset.done $0x0  }
0x42: {  	s22 =	simm.s32 $0x2280;
	s16 =	simm.s32 $0xA1A0;
	[sflag:s30] =	ssyncadd.s32 $0xFFFFE000  }
.LBB2_3:
0x43: {  	v2 =	vld [tilespmem:s22+$0xFFFFFF00]  }
0x44: {  	v5 =	vld [tilespmem:s22+$0xFFFFFF10]  }
0x45: {  	v8 =	vld [tilespmem:s22+$0xFFFFFF20]  }
0x46: {  	s26 =	sshra.s32 s14, $0x2;
	v10 =	vld [tilespmem:s22+$0xFFFFFF30]  }
0x47: {  	v3 =	vld [tilespmem:s26+$0x6180]  }
0x48: {  	v1 =	vld [tilespmem:s26+$0x180]  }
0x49: {  	v6 =	vld [tilespmem:s26+$0x6190]  }
0x4a: {  	v4 =	vld [tilespmem:s26+$0x190]  }
0x4b: {  	v9 =	vld [tilespmem:s26+$0x61A0]  }
0x4c: {  	v7 =	vld [tilespmem:s26+$0x1A0];
	v2 =	vadd.f32 v3, v2  }
0x4d: {  	v11 =	vld [tilespmem:s26+$0x61B0]  }
0x4e: {  	v1 =	vmul.f32 v2, v1;
	v2 =	vadd.f32 v6, v5  }
0x4f: {  	v28 =	vld [tilespmem:s26+$0x1B0]  }
0x50: {  	v29 =	vadd.f32 v9, v8;
	v1 =	vadd.f32 $0.0e+00, v1;
	v2 =	vmul.f32 v2, v4;
	_ =	sdelay $0x1  }
0x51: {  	v30 =	vadd.f32 v11, v10;
	v1 =	vadd.f32 v2, v1;
	v2 =	vmul.f32 v29, v7;
	_ =	sdelay $0x1  }
0x52: {  	v1 =	vadd.f32 v2, v1;
	v2 =	vmul.f32 v30, v28;
	_ =	sdelay $0x1  }
0x53: {  	v1 =	vadd.f32 v2, v1;
	_ =	sdelay $0x1  }
0x54: {  	v1 =	vmul.f32 $1.250000000e-01, v1;
	_ =	sdelay $0x1  }
0x55: {  	(xrf2) =	vadd.scan.msk.f32 $0xffff, v1;
	_ =	sdelay $0x9  }
0x56: {  	v1, _, _ =	vpop (xrf2)  }
0x57: {  	v1 =	vmul.f32 $1.442695020e+00, v1;
	_ =	sdelay $0x1  }
0x58: {  	v1 =	vbroadcast v1, $0xF;
	_ =	sdelay $0x1  }
0x59: {  	(erf) = vpow2.f32 v1;
	_ =	sdelay $0x2  }
0x5a: {  	v1 =	vld [tilespmem:s22+$0xFFFFFF40];
	_ =	sdelay $0x4  }
0x5b: {  	v1 =	vadd.f32 v1, v3  }
0x5c: {  	v2 =	vpop (erf)  }
0x5d: {  	v1 =	vmul.f32 v2, v1;
	_ =	sdelay $0x1  }
0x5e: {  	[tilespmem:s26+$0x8180] =	vst v1  }
0x5f: {  	v1 =	vld [tilespmem:s22+$0xFFFFFF50];
	_ =	sdelay $0x4  }
0x60: {  	v1 =	vadd.f32 v6, v1;
	_ =	sdelay $0x1  }
0x61: {  	v1 =	vmul.f32 v2, v1;
	_ =	sdelay $0x1  }
0x62: {  	[tilespmem:s26+$0x8190] =	vst v1  }
0x63: {  	v1 =	vld [tilespmem:s22+$0xFFFFFF60];
	_ =	sdelay $0x4  }
0x64: {  	v1 =	vadd.f32 v9, v1;
	_ =	sdelay $0x1  }
0x65: {  	v1 =	vmul.f32 v2, v1;
	_ =	sdelay $0x1  }
0x66: {  	[tilespmem:s26+$0x81A0] =	vst v1  }
0x67: {  	v1 =	vld [tilespmem:s22+$0xFFFFFF70];
	_ =	sdelay $0x4  }
0x68: {  	v1 =	vadd.f32 v11, v1;
	_ =	sdelay $0x1  }
0x69: {  	v1 =	vmul.f32 v1, v2  }
0x6a: {  	v2 =	vmul.f32 v0, v2  }
0x6b: {  	[tilespmem:s26+$0x81B0] =	vst v1  }
0x6c: {  	[tilespmem:s16+$0xFFFFFFE0] =	vst v2  }
0x6d: {  	v1 =	vld [tilespmem:s26+$0x1C0]  }
0x6e: {  	v2 =	vld [tilespmem:s22+$0xFFFFFF80]  }
0x6f: {  	v3 =	vld [tilespmem:s26+$0x61C0]  }
0x70: {  	v31 =	vld [tilespmem:s26+$0x1D0]  }
0x71: {  	v32 =	vld [tilespmem:s22+$0xFFFFFF90]  }
0x72: {  	v33 =	vld [tilespmem:s26+$0x61D0]  }
0x73: {  	v34 =	vld [tilespmem:s26+$0x1E0]  }
0x74: {  	v35 =	vld [tilespmem:s22+$0xFFFFFFA0]  }
0x75: {  	v36 =	vld [tilespmem:s26+$0x61E0]  }
0x76: {  	v37 =	vld [tilespmem:s22+$0xFFFFFFB0];
	v2 =	vadd.f32 v3, v2  }
0x77: {  	v38 =	vld [tilespmem:s26+$0x61F0]  }
0x78: {  	v1 =	vmul.f32 v2, v1;
	v2 =	vadd.f32 v33, v32  }
0x79: {  	v39 =	vld [tilespmem:s26+$0x1F0]  }
0x7a: {  	v40 =	vadd.f32 v36, v35;
	v1 =	vadd.f32 $0.0e+00, v1;
	v2 =	vmul.f32 v2, v31;
	_ =	sdelay $0x1  }
0x7b: {  	v41 =	vadd.f32 v38, v37;
	v1 =	vadd.f32 v2, v1;
	v2 =	vmul.f32 v40, v34;
	_ =	sdelay $0x1  }
0x7c: {  	v1 =	vadd.f32 v2, v1;
	v2 =	vmul.f32 v41, v39;
	_ =	sdelay $0x1  }
0x7d: {  	v1 =	vadd.f32 v2, v1;
	_ =	sdelay $0x1  }
0x7e: {  	v1 =	vmul.f32 $1.250000000e-01, v1;
	_ =	sdelay $0x1  }
0x7f: {  	(xrf2) =	vadd.scan.msk.f32 $0xffff, v1;
	_ =	sdelay $0x9  }
0x80: {  	v1, _, _ =	vpop (xrf2)  }
0x81: {  	v1 =	vmul.f32 $1.442695020e+00, v1;
	_ =	sdelay $0x1  }
0x82: {  	v1 =	vbroadcast v1, $0xF;
	_ =	sdelay $0x1  }
0x83: {  	(erf) = vpow2.f32 v1;
	_ =	sdelay $0x2  }
0x84: {  	v1 =	vld [tilespmem:s22+$0xFFFFFFC0];
	_ =	sdelay $0x4  }
0x85: {  	v1 =	vadd.f32 v1, v3  }
0x86: {  	v2 =	vpop (erf)  }
0x87: {  	v1 =	vmul.f32 v2, v1;
	_ =	sdelay $0x1  }
0x88: {  	[tilespmem:s26+$0x81C0] =	vst v1  }
0x89: {  	v1 =	vld [tilespmem:s22+$0xFFFFFFD0];
	_ =	sdelay $0x4  }
0x8a: {  	v1 =	vadd.f32 v33, v1;
	_ =	sdelay $0x1  }
0x8b: {  	v1 =	vmul.f32 v2, v1;
	_ =	sdelay $0x1  }
0x8c: {  	[tilespmem:s26+$0x81D0] =	vst v1  }
0x8d: {  	v1 =	vld [tilespmem:s22+$0xFFFFFFE0];
	_ =	sdelay $0x4  }
0x8e: {  	v1 =	vadd.f32 v36, v1;
	_ =	sdelay $0x1  }
0x8f: {  	v1 =	vmul.f32 v2, v1;
	_ =	sdelay $0x1  }
0x90: {  	[tilespmem:s26+$0x81E0] =	vst v1  }
0x91: {  	v1 =	vld [tilespmem:s22+$0xFFFFFFF0];
	_ =	sdelay $0x4  }
0x92: {  	v1 =	vadd.f32 v38, v1;
	_ =	sdelay $0x1  }
0x93: {  	v1 =	vmul.f32 v1, v2  }
0x94: {  	v2 =	vmul.f32 v0, v2  }
0x95: {  	[tilespmem:s26+$0x81F0] =	vst v1  }
0x96: {  	[tilespmem:s16+$0xFFFFFFF0] =	vst v2  }
0x97: {  	v1 =	vld [tilespmem:s26+$0x200]  }
0x98: {  	v2 =	vld [tilespmem:s22+$0x0]  }
0x99: {  	v3 =	vld [tilespmem:s26+$0x6200]  }
0x9a: {  	v42 =	vld [tilespmem:s26+$0x210]  }
0x9b: {  	v43 =	vld [tilespmem:s22+$0x10]  }
0x9c: {  	v44 =	vld [tilespmem:s26+$0x6210]  }
0x9d: {  	v45 =	vld [tilespmem:s26+$0x220]  }
0x9e: {  	v46 =	vld [tilespmem:s22+$0x20]  }
0x9f: {  	v47 =	vld [tilespmem:s26+$0x6220]  }
0xa0: {  	v48 =	vld [tilespmem:s22+$0x30];
	v2 =	vadd.f32 v3, v2  }
0xa1: {  	v49 =	vld [tilespmem:s26+$0x6230]  }
0xa2: {  	v1 =	vmul.f32 v2, v1;
	v2 =	vadd.f32 v44, v43  }
0xa3: {  	v50 =	vld [tilespmem:s26+$0x230]  }
0xa4: {  	v51 =	vadd.f32 v47, v46;
	v1 =	vadd.f32 $0.0e+00, v1;
	v2 =	vmul.f32 v2, v42;
	_ =	sdelay $0x1  }
0xa5: {  	v52 =	vadd.f32 v49, v48;
	v1 =	vadd.f32 v2, v1;
	v2 =	vmul.f32 v51, v45;
	_ =	sdelay $0x1  }
0xa6: {  	v1 =	vadd.f32 v2, v1;
	v2 =	vmul.f32 v52, v50;
	_ =	sdelay $0x1  }
0xa7: {  	v1 =	vadd.f32 v2, v1;
	_ =	sdelay $0x1  }
0xa8: {  	v1 =	vmul.f32 $1.250000000e-01, v1;
	_ =	sdelay $0x1  }
0xa9: {  	(xrf2) =	vadd.scan.msk.f32 $0xffff, v1;
	_ =	sdelay $0x9  }
0xaa: {  	v1, _, _ =	vpop (xrf2)  }
0xab: {  	v1 =	vmul.f32 $1.442695020e+00, v1;
	_ =	sdelay $0x1  }
0xac: {  	v1 =	vbroadcast v1, $0xF;
	_ =	sdelay $0x1  }
0xad: {  	(erf) = vpow2.f32 v1;
	_ =	sdelay $0x2  }
0xae: {  	v1 =	vld [tilespmem:s22+$0x40];
	_ =	sdelay $0x4  }
0xaf: {  	v1 =	vadd.f32 v1, v3  }
0xb0: {  	v2 =	vpop (erf)  }
0xb1: {  	v1 =	vmul.f32 v2, v1;
	_ =	sdelay $0x1  }
0xb2: {  	[tilespmem:s26+$0x8200] =	vst v1  }
0xb3: {  	v1 =	vld [tilespmem:s22+$0x50];
	_ =	sdelay $0x4  }
0xb4: {  	v1 =	vadd.f32 v44, v1;
	_ =	sdelay $0x1  }
0xb5: {  	v1 =	vmul.f32 v2, v1;
	_ =	sdelay $0x1  }
0xb6: {  	[tilespmem:s26+$0x8210] =	vst v1  }
0xb7: {  	v1 =	vld [tilespmem:s22+$0x60];
	_ =	sdelay $0x4  }
0xb8: {  	v1 =	vadd.f32 v47, v1;
	_ =	sdelay $0x1  }
0xb9: {  	v1 =	vmul.f32 v2, v1;
	_ =	sdelay $0x1  }
0xba: {  	[tilespmem:s26+$0x8220] =	vst v1  }
0xbb: {  	v1 =	vld [tilespmem:s22+$0x70];
	_ =	sdelay $0x4  }
0xbc: {  	v1 =	vadd.f32 v49, v1;
	_ =	sdelay $0x1  }
0xbd: {  	v1 =	vmul.f32 v1, v2  }
0xbe: {  	v2 =	vmul.f32 v0, v2  }
0xbf: {  	[tilespmem:s26+$0x8230] =	vst v1  }
0xc0: {  	[tilespmem:s16+$0x0] =	vst v2  }
0xc1: {  	v1 =	vld [tilespmem:s26+$0x240]  }
0xc2: {  	v2 =	vld [tilespmem:s22+$0x80]  }
0xc3: {  	v3 =	vld [tilespmem:s26+$0x6240]  }
0xc4: {  	v53 =	vld [tilespmem:s26+$0x250]  }
0xc5: {  	v54 =	vld [tilespmem:s22+$0x90]  }
0xc6: {  	v55 =	vld [tilespmem:s26+$0x6250]  }
0xc7: {  	v56 =	vld [tilespmem:s26+$0x260]  }
0xc8: {  	v57 =	vld [tilespmem:s22+$0xA0]  }
0xc9: {  	v58 =	vld [tilespmem:s26+$0x6260]  }
0xca: {  	v59 =	vld [tilespmem:s22+$0xB0];
	v2 =	vadd.f32 v3, v2  }
0xcb: {  	v60 =	vld [tilespmem:s26+$0x6270]  }
0xcc: {  	v1 =	vmul.f32 v2, v1;
	v2 =	vadd.f32 v55, v54  }
0xcd: {  	v61 =	vld [tilespmem:s26+$0x270]  }
0xce: {  	v62 =	vadd.f32 v58, v57;
	v2 =	vmul.f32 v2, v53;
	v1 =	vadd.f32 $0.0e+00, v1;
	_ =	sdelay $0x1  }
0xcf: {  	v63 =	vadd.f32 v60, v59;
	v1 =	vadd.f32 v2, v1;
	v2 =	vmul.f32 v62, v56;
	_ =	sdelay $0x1  }
0xd0: {  	v1 =	vadd.f32 v2, v1;
	v2 =	vmul.f32 v63, v61;
	_ =	sdelay $0x1  }
0xd1: {  	v1 =	vadd.f32 v2, v1;
	_ =	sdelay $0x1  }
0xd2: {  	v1 =	vmul.f32 $1.250000000e-01, v1;
	_ =	sdelay $0x1  }
0xd3: {  	(xrf2) =	vadd.scan.msk.f32 $0xffff, v1;
	_ =	sdelay $0x9  }
0xd4: {  	v1, _, _ =	vpop (xrf2)  }
0xd5: {  	v1 =	vmul.f32 $1.442695020e+00, v1;
	_ =	sdelay $0x1  }
0xd6: {  	v1 =	vbroadcast v1, $0xF;
	_ =	sdelay $0x1  }
0xd7: {  	(erf) = vpow2.f32 v1;
	_ =	sdelay $0x2  }
0xd8: {  	v1 =	vld [tilespmem:s22+$0xC0];
	_ =	sdelay $0x4  }
0xd9: {  	v1 =	vadd.f32 v1, v3  }
0xda: {  	v2 =	vpop (erf)  }
0xdb: {  	v1 =	vmul.f32 v2, v1;
	_ =	sdelay $0x1  }
0xdc: {  	[tilespmem:s26+$0x8240] =	vst v1  }
0xdd: {  	v1 =	vld [tilespmem:s22+$0xD0];
	_ =	sdelay $0x4  }
0xde: {  	v1 =	vadd.f32 v55, v1;
	_ =	sdelay $0x1  }
0xdf: {  	v1 =	vmul.f32 v2, v1;
	_ =	sdelay $0x1  }
0xe0: {  	[tilespmem:s26+$0x8250] =	vst v1  }
0xe1: {  	v1 =	vld [tilespmem:s22+$0xE0];
	_ =	sdelay $0x4  }
0xe2: {  	v1 =	vadd.f32 v58, v1;
	_ =	sdelay $0x1  }
0xe3: {  	v1 =	vmul.f32 v2, v1;
	_ =	sdelay $0x1  }
0xe4: {  	[tilespmem:s26+$0x8260] =	vst v1  }
0xe5: {  	v1 =	vld [tilespmem:s22+$0xF0];
	_ =	sdelay $0x4  }
0xe6: {  	p0 =	sne.s32 s14, $0x7C00;
	v1 =	vadd.f32 v60, v1  }
.Ltmp0:
0xe7: {  	_ = 	snop;
	(pc) =	sbr.rel @p0 .LBB2_3-.Ltmp0, $4  }
0xe8: {  	v1 =	vmul.f32 v1, v2  }
0xe9: {  	v2 =	vmul.f32 v0, v2  }
0xea: {  	[tilespmem:s26+$0x8270] =	vst v1  }
0xeb: {  	s14 =	sadd.s32 $0x400, s14;
	s22 =	sadd.s32 $0x200, s22;
	[tilespmem:s16+$0x10] =	vst v2;
	s16 =	sadd.s32 $0x40, s16  }
0xec: {  	s14 =	sadd.s32 s8, s13  }
0xed: {  	s16 =	sshll.u32 s14, $0x3  }
0xee: {  	s16 =	sadd.s32 s10, s16  }
0xef: {  	[hbm4b:s16+s3] =	stream.linear.scatter [tilespmem:s31], [sflag:$0x3], $0x2000, $0x38;
	[tilespmem:$0x15300] =	vst v63  }
0xf0: {  	_ =	swait.ge [sflag:s17], $0x2000  }
0xf1: {  	s14 =	sshll.u32 s14, $0x1;
	[sflag:s17] =	ssyncset.done $0x0  }
0xf2: {  	p0 =	seq.s32 s19, $0x61;
	s14 =	sadd.s32 s11, s14;
	[sflag:s17] =	ssyncadd.s32 $0xFFFFE000  }
0xf3: {  	[hbm4b:s14+s3] =	stream.linear.scatter [tilespmem:s0], [sflag:$0x3], $0x800, $0x38;
	[tilespmem:$0x15300] =	vst v63  }
0xf4: {  	s13 =	sadd.s32 @!p0 s13, s15;
	_ =	swait.ge [sflag:s17], $0x800  }
0xf5: {  	s13 =	sshrl.u32 @!p0 s13, $0x3;
	[sflag:s17] =	ssyncset.done $0x0  }
0xf6: {  	s16 =	simm.s32 @!p0 $0x0;
	s14 =	sadd.s32 @!p0 s4, s13;
	[sflag:s17] =	ssyncadd.s32 $0xFFFFF800  }
0xf7: {  	[tilespmem:s16], [sflag:$0x3] =	stream.linear.gather @!p0 [hbm4b:s14+s16], $0x80, $0x38;
	[tilespmem:$0x15300] =	vst v63  }
0xf8: {  	s14 =	simm.s32 @!p0 $0x3  }
0xf9: {  	_ =	swait.ge @!p0 [sflag:s14], $0x80  }
0xfa: {  	[sflag:s14] =	ssyncset.done @!p0 $0x0  }
0xfb: {  	s26 =	simm.s32 @!p0 $0x80;
	s22 =	sadd.s32 @!p0 s5, s13;
	[sflag:s14] =	ssyncadd.s32 @!p0 $0xFFFFFF80  }
0xfc: {  	[tilespmem:s26], [sflag:$0x3] =	stream.linear.gather @!p0 [hbm4b:s22+s16], $0x80, $0x38;
	[tilespmem:$0x15300] =	vst v63  }
0xfd: {  	_ =	swait.ge @!p0 [sflag:s14], $0x80  }
0xfe: {  	[sflag:s14] =	ssyncset.done @!p0 $0x0  }
0xff: {  	s13 =	sadd.s32 @!p0 s6, s13;
	s22 =	simm.s32 @!p0 $0x100;
	[sflag:s14] =	ssyncadd.s32 @!p0 $0xFFFFFF80  }
0x100: {  	[tilespmem:s22], [sflag:$0x3] =	stream.linear.gather @!p0 [hbm4b:s13+s16], $0x80, $0x38;
	[tilespmem:$0x15300] =	vst v63  }
0x101: {  	_ =	swait.ge @!p0 [sflag:s14], $0x80  }
0x102: {  	[sflag:s14] =	ssyncset.done @!p0 $0x0  }
0x103: {  	s13 =	simm.s32 @!p0 $0x180;
	[sflag:s14] =	ssyncadd.s32 @!p0 $0xFFFFFF80  }
0x104: {  	[tilespmem:s13], [sflag:$0x1] =	stream.indirect.gather @!p0 [hbm4b:s1+s26], $0x40, s16, s26, $0xb8;
	[tilespmem:$0x15300] =	vst v63  }
0x105: {  	s13 =	simm.s32 @!p0 $0x2180  }
0x106: {  	[tilespmem:s13], [sflag:$0x1] =	stream.indirect.gather @!p0 [hbm4b:s7+s26], $0x80, s26, s26, $0xb8;
	[tilespmem:$0x15300] =	vst v63  }
0x107: {  	s13 =	simm.s32 @!p0 $0x6180  }
0x108: {  	[tilespmem:s13], [sflag:$0x1] =	stream.indirect.gather @!p0 [hbm4b:s9+s26], $0x40, s22, s26, $0xb8;
	[tilespmem:$0x15300] =	vst v63  }
0x109: {  	_ =	swait.ge [sflag:s2], $0x2000  }
0x10a: {  	[sflag:s2] =	ssyncset.done $0x0  }
0x10b: {  	[sflag:s2] =	ssyncadd.s32 $0xFFFFE000  }
0x10c: {  	_ =	swait.ge [sflag:s2], $0x4000  }
0x10d: {  	[sflag:s2] =	ssyncset.done $0x0  }
0x10e: {  	[sflag:s2] =	ssyncadd.s32 $0xFFFFC000  }
0x10f: {  	_ =	swait.ge [sflag:s2], $0x2000  }
0x110: {  	s14 =	simm.s32 $0x14B20;
	[sflag:s2] =	ssyncset.done $0x0  }
0x111: {  	s16 =	simm.s32 $0xCC00;
	s13 =	simm.s32 $0x0;
	[sflag:s2] =	ssyncadd.s32 $0xFFFFE000  }
.LBB2_5:
0x112: {  	v2 =	vld [tilespmem:s16+$0xFFFFFF00]  }
0x113: {  	v5 =	vld [tilespmem:s16+$0xFFFFFF10]  }
0x114: {  	v8 =	vld [tilespmem:s16+$0xFFFFFF20]  }
0x115: {  	s22 =	sshra.s32 s13, $0x2;
	v10 =	vld [tilespmem:s16+$0xFFFFFF30]  }
0x116: {  	v3 =	vld [tilespmem:s22+$0x10B00]  }
0x117: {  	v1 =	vld [tilespmem:s22+$0xAB00]  }
0x118: {  	v6 =	vld [tilespmem:s22+$0x10B10]  }
0x119: {  	v4 =	vld [tilespmem:s22+$0xAB10]  }
0x11a: {  	v9 =	vld [tilespmem:s22+$0x10B20]  }
0x11b: {  	v7 =	vld [tilespmem:s22+$0xAB20];
	v2 =	vadd.f32 v3, v2  }
0x11c: {  	v11 =	vld [tilespmem:s22+$0x10B30]  }
0x11d: {  	v1 =	vmul.f32 v2, v1;
	v2 =	vadd.f32 v6, v5  }
0x11e: {  	v28 =	vld [tilespmem:s22+$0xAB30]  }
0x11f: {  	v29 =	vadd.f32 v9, v8;
	v1 =	vadd.f32 $0.0e+00, v1;
	v2 =	vmul.f32 v2, v4;
	_ =	sdelay $0x1  }
0x120: {  	v30 =	vadd.f32 v11, v10;
	v1 =	vadd.f32 v2, v1;
	v2 =	vmul.f32 v29, v7;
	_ =	sdelay $0x1  }
0x121: {  	v1 =	vadd.f32 v2, v1;
	v2 =	vmul.f32 v30, v28;
	_ =	sdelay $0x1  }
0x122: {  	v1 =	vadd.f32 v2, v1;
	_ =	sdelay $0x1  }
0x123: {  	v1 =	vmul.f32 $1.250000000e-01, v1;
	_ =	sdelay $0x1  }
0x124: {  	(xrf2) =	vadd.scan.msk.f32 $0xffff, v1;
	_ =	sdelay $0x9  }
0x125: {  	v1, _, _ =	vpop (xrf2)  }
0x126: {  	v1 =	vmul.f32 $1.442695020e+00, v1;
	_ =	sdelay $0x1  }
0x127: {  	v1 =	vbroadcast v1, $0xF;
	_ =	sdelay $0x1  }
0x128: {  	(erf) = vpow2.f32 v1;
	_ =	sdelay $0x2  }
0x129: {  	v1 =	vld [tilespmem:s16+$0xFFFFFF40];
	_ =	sdelay $0x4  }
0x12a: {  	v1 =	vadd.f32 v1, v3  }
0x12b: {  	v2 =	vpop (erf)  }
0x12c: {  	v1 =	vmul.f32 v2, v1;
	_ =	sdelay $0x1  }
0x12d: {  	[tilespmem:s22+$0x12B00] =	vst v1  }
0x12e: {  	v1 =	vld [tilespmem:s16+$0xFFFFFF50];
	_ =	sdelay $0x4  }
0x12f: {  	v1 =	vadd.f32 v6, v1;
	_ =	sdelay $0x1  }
0x130: {  	v1 =	vmul.f32 v2, v1;
	_ =	sdelay $0x1  }
0x131: {  	[tilespmem:s22+$0x12B10] =	vst v1  }
0x132: {  	v1 =	vld [tilespmem:s16+$0xFFFFFF60];
	_ =	sdelay $0x4  }
0x133: {  	v1 =	vadd.f32 v9, v1;
	_ =	sdelay $0x1  }
0x134: {  	v1 =	vmul.f32 v2, v1;
	_ =	sdelay $0x1  }
0x135: {  	[tilespmem:s22+$0x12B20] =	vst v1  }
0x136: {  	v1 =	vld [tilespmem:s16+$0xFFFFFF70];
	_ =	sdelay $0x4  }
0x137: {  	v1 =	vadd.f32 v11, v1;
	_ =	sdelay $0x1  }
0x138: {  	v1 =	vmul.f32 v1, v2  }
0x139: {  	v2 =	vmul.f32 v0, v2  }
0x13a: {  	[tilespmem:s22+$0x12B30] =	vst v1  }
0x13b: {  	[tilespmem:s14+$0xFFFFFFE0] =	vst v2  }
0x13c: {  	v1 =	vld [tilespmem:s22+$0xAB40]  }
0x13d: {  	v2 =	vld [tilespmem:s16+$0xFFFFFF80]  }
0x13e: {  	v3 =	vld [tilespmem:s22+$0x10B40]  }
0x13f: {  	v31 =	vld [tilespmem:s22+$0xAB50]  }
0x140: {  	v32 =	vld [tilespmem:s16+$0xFFFFFF90]  }
0x141: {  	v33 =	vld [tilespmem:s22+$0x10B50]  }
0x142: {  	v34 =	vld [tilespmem:s22+$0xAB60]  }
0x143: {  	v35 =	vld [tilespmem:s16+$0xFFFFFFA0]  }
0x144: {  	v36 =	vld [tilespmem:s22+$0x10B60]  }
0x145: {  	v37 =	vld [tilespmem:s16+$0xFFFFFFB0];
	v2 =	vadd.f32 v3, v2  }
0x146: {  	v38 =	vld [tilespmem:s22+$0x10B70]  }
0x147: {  	v1 =	vmul.f32 v2, v1;
	v2 =	vadd.f32 v33, v32  }
0x148: {  	v39 =	vld [tilespmem:s22+$0xAB70]  }
0x149: {  	v40 =	vadd.f32 v36, v35;
	v1 =	vadd.f32 $0.0e+00, v1;
	v2 =	vmul.f32 v2, v31;
	_ =	sdelay $0x1  }
0x14a: {  	v41 =	vadd.f32 v38, v37;
	v1 =	vadd.f32 v2, v1;
	v2 =	vmul.f32 v40, v34;
	_ =	sdelay $0x1  }
0x14b: {  	v1 =	vadd.f32 v2, v1;
	v2 =	vmul.f32 v41, v39;
	_ =	sdelay $0x1  }
0x14c: {  	v1 =	vadd.f32 v2, v1;
	_ =	sdelay $0x1  }
0x14d: {  	v1 =	vmul.f32 $1.250000000e-01, v1;
	_ =	sdelay $0x1  }
0x14e: {  	(xrf2) =	vadd.scan.msk.f32 $0xffff, v1;
	_ =	sdelay $0x9  }
0x14f: {  	v1, _, _ =	vpop (xrf2)  }
0x150: {  	v1 =	vmul.f32 $1.442695020e+00, v1;
	_ =	sdelay $0x1  }
0x151: {  	v1 =	vbroadcast v1, $0xF;
	_ =	sdelay $0x1  }
0x152: {  	(erf) = vpow2.f32 v1;
	_ =	sdelay $0x2  }
0x153: {  	v1 =	vld [tilespmem:s16+$0xFFFFFFC0];
	_ =	sdelay $0x4  }
0x154: {  	v1 =	vadd.f32 v1, v3  }
0x155: {  	v2 =	vpop (erf)  }
0x156: {  	v1 =	vmul.f32 v2, v1;
	_ =	sdelay $0x1  }
0x157: {  	[tilespmem:s22+$0x12B40] =	vst v1  }
0x158: {  	v1 =	vld [tilespmem:s16+$0xFFFFFFD0];
	_ =	sdelay $0x4  }
0x159: {  	v1 =	vadd.f32 v33, v1;
	_ =	sdelay $0x1  }
0x15a: {  	v1 =	vmul.f32 v2, v1;
	_ =	sdelay $0x1  }
0x15b: {  	[tilespmem:s22+$0x12B50] =	vst v1  }
0x15c: {  	v1 =	vld [tilespmem:s16+$0xFFFFFFE0];
	_ =	sdelay $0x4  }
0x15d: {  	v1 =	vadd.f32 v36, v1;
	_ =	sdelay $0x1  }
0x15e: {  	v1 =	vmul.f32 v2, v1;
	_ =	sdelay $0x1  }
0x15f: {  	[tilespmem:s22+$0x12B60] =	vst v1  }
0x160: {  	v1 =	vld [tilespmem:s16+$0xFFFFFFF0];
	_ =	sdelay $0x4  }
0x161: {  	v1 =	vadd.f32 v38, v1;
	_ =	sdelay $0x1  }
0x162: {  	v1 =	vmul.f32 v1, v2  }
0x163: {  	v2 =	vmul.f32 v0, v2  }
0x164: {  	[tilespmem:s22+$0x12B70] =	vst v1  }
0x165: {  	[tilespmem:s14+$0xFFFFFFF0] =	vst v2  }
0x166: {  	v1 =	vld [tilespmem:s22+$0xAB80]  }
0x167: {  	v2 =	vld [tilespmem:s16+$0x0]  }
0x168: {  	v3 =	vld [tilespmem:s22+$0x10B80]  }
0x169: {  	v42 =	vld [tilespmem:s22+$0xAB90]  }
0x16a: {  	v43 =	vld [tilespmem:s16+$0x10]  }
0x16b: {  	v44 =	vld [tilespmem:s22+$0x10B90]  }
0x16c: {  	v45 =	vld [tilespmem:s22+$0xABA0]  }
0x16d: {  	v46 =	vld [tilespmem:s16+$0x20]  }
0x16e: {  	v47 =	vld [tilespmem:s22+$0x10BA0]  }
0x16f: {  	v48 =	vld [tilespmem:s16+$0x30];
	v2 =	vadd.f32 v3, v2  }
0x170: {  	v49 =	vld [tilespmem:s22+$0x10BB0]  }
0x171: {  	v1 =	vmul.f32 v2, v1;
	v2 =	vadd.f32 v44, v43  }
0x172: {  	v50 =	vld [tilespmem:s22+$0xABB0]  }
0x173: {  	v51 =	vadd.f32 v47, v46;
	v1 =	vadd.f32 $0.0e+00, v1;
	v2 =	vmul.f32 v2, v42;
	_ =	sdelay $0x1  }
0x174: {  	v52 =	vadd.f32 v49, v48;
	v1 =	vadd.f32 v2, v1;
	v2 =	vmul.f32 v51, v45;
	_ =	sdelay $0x1  }
0x175: {  	v1 =	vadd.f32 v2, v1;
	v2 =	vmul.f32 v52, v50;
	_ =	sdelay $0x1  }
0x176: {  	v1 =	vadd.f32 v2, v1;
	_ =	sdelay $0x1  }
0x177: {  	v1 =	vmul.f32 $1.250000000e-01, v1;
	_ =	sdelay $0x1  }
0x178: {  	(xrf2) =	vadd.scan.msk.f32 $0xffff, v1;
	_ =	sdelay $0x9  }
0x179: {  	v1, _, _ =	vpop (xrf2)  }
0x17a: {  	v1 =	vmul.f32 $1.442695020e+00, v1;
	_ =	sdelay $0x1  }
0x17b: {  	v1 =	vbroadcast v1, $0xF;
	_ =	sdelay $0x1  }
0x17c: {  	(erf) = vpow2.f32 v1;
	_ =	sdelay $0x2  }
0x17d: {  	v1 =	vld [tilespmem:s16+$0x40];
	_ =	sdelay $0x4  }
0x17e: {  	v1 =	vadd.f32 v1, v3  }
0x17f: {  	v2 =	vpop (erf)  }
0x180: {  	v1 =	vmul.f32 v2, v1;
	_ =	sdelay $0x1  }
0x181: {  	[tilespmem:s22+$0x12B80] =	vst v1  }
0x182: {  	v1 =	vld [tilespmem:s16+$0x50];
	_ =	sdelay $0x4  }
0x183: {  	v1 =	vadd.f32 v44, v1;
	_ =	sdelay $0x1  }
0x184: {  	v1 =	vmul.f32 v2, v1;
	_ =	sdelay $0x1  }
0x185: {  	[tilespmem:s22+$0x12B90] =	vst v1  }
0x186: {  	v1 =	vld [tilespmem:s16+$0x60];
	_ =	sdelay $0x4  }
0x187: {  	v1 =	vadd.f32 v47, v1;
	_ =	sdelay $0x1  }
0x188: {  	v1 =	vmul.f32 v2, v1;
	_ =	sdelay $0x1  }
0x189: {  	[tilespmem:s22+$0x12BA0] =	vst v1  }
0x18a: {  	v1 =	vld [tilespmem:s16+$0x70];
	_ =	sdelay $0x4  }
0x18b: {  	v1 =	vadd.f32 v49, v1;
	_ =	sdelay $0x1  }
0x18c: {  	v1 =	vmul.f32 v1, v2  }
0x18d: {  	v2 =	vmul.f32 v0, v2  }
0x18e: {  	[tilespmem:s22+$0x12BB0] =	vst v1  }
0x18f: {  	[tilespmem:s14+$0x0] =	vst v2  }
0x190: {  	v1 =	vld [tilespmem:s22+$0xABC0]  }
0x191: {  	v2 =	vld [tilespmem:s16+$0x80]  }
0x192: {  	v3 =	vld [tilespmem:s22+$0x10BC0]  }
0x193: {  	v53 =	vld [tilespmem:s22+$0xABD0]  }
0x194: {  	v54 =	vld [tilespmem:s16+$0x90]  }
0x195: {  	v55 =	vld [tilespmem:s22+$0x10BD0]  }
0x196: {  	v56 =	vld [tilespmem:s22+$0xABE0]  }
0x197: {  	v57 =	vld [tilespmem:s16+$0xA0]  }
0x198: {  	v58 =	vld [tilespmem:s22+$0x10BE0]  }
0x199: {  	v59 =	vld [tilespmem:s16+$0xB0];
	v2 =	vadd.f32 v3, v2  }
0x19a: {  	v60 =	vld [tilespmem:s22+$0x10BF0]  }
0x19b: {  	v1 =	vmul.f32 v2, v1;
	v2 =	vadd.f32 v55, v54  }
0x19c: {  	v61 =	vld [tilespmem:s22+$0xABF0]  }
0x19d: {  	v62 =	vadd.f32 v58, v57;
	v2 =	vmul.f32 v2, v53;
	v1 =	vadd.f32 $0.0e+00, v1;
	_ =	sdelay $0x1  }
0x19e: {  	v63 =	vadd.f32 v60, v59;
	v1 =	vadd.f32 v2, v1;
	v2 =	vmul.f32 v62, v56;
	_ =	sdelay $0x1  }
0x19f: {  	v1 =	vadd.f32 v2, v1;
	v2 =	vmul.f32 v63, v61;
	_ =	sdelay $0x1  }
0x1a0: {  	v1 =	vadd.f32 v2, v1;
	_ =	sdelay $0x1  }
0x1a1: {  	v1 =	vmul.f32 $1.250000000e-01, v1;
	_ =	sdelay $0x1  }
0x1a2: {  	(xrf2) =	vadd.scan.msk.f32 $0xffff, v1;
	_ =	sdelay $0x9  }
0x1a3: {  	v1, _, _ =	vpop (xrf2)  }
0x1a4: {  	v1 =	vmul.f32 $1.442695020e+00, v1;
	_ =	sdelay $0x1  }
0x1a5: {  	v1 =	vbroadcast v1, $0xF;
	_ =	sdelay $0x1  }
0x1a6: {  	(erf) = vpow2.f32 v1;
	_ =	sdelay $0x2  }
0x1a7: {  	v1 =	vld [tilespmem:s16+$0xC0];
	_ =	sdelay $0x4  }
0x1a8: {  	v1 =	vadd.f32 v1, v3  }
0x1a9: {  	v2 =	vpop (erf)  }
0x1aa: {  	v1 =	vmul.f32 v2, v1;
	_ =	sdelay $0x1  }
0x1ab: {  	[tilespmem:s22+$0x12BC0] =	vst v1  }
0x1ac: {  	v1 =	vld [tilespmem:s16+$0xD0];
	_ =	sdelay $0x4  }
0x1ad: {  	v1 =	vadd.f32 v55, v1;
	_ =	sdelay $0x1  }
0x1ae: {  	v1 =	vmul.f32 v2, v1;
	_ =	sdelay $0x1  }
0x1af: {  	[tilespmem:s22+$0x12BD0] =	vst v1  }
0x1b0: {  	v1 =	vld [tilespmem:s16+$0xE0];
	_ =	sdelay $0x4  }
0x1b1: {  	v1 =	vadd.f32 v58, v1;
	_ =	sdelay $0x1  }
0x1b2: {  	v1 =	vmul.f32 v2, v1;
	_ =	sdelay $0x1  }
0x1b3: {  	[tilespmem:s22+$0x12BE0] =	vst v1  }
0x1b4: {  	v1 =	vld [tilespmem:s16+$0xF0];
	_ =	sdelay $0x4  }
0x1b5: {  	p0 =	sne.s32 s13, $0x7C00;
	v1 =	vadd.f32 v60, v1  }
.Ltmp1:
0x1b6: {  	_ = 	snop;
	(pc) =	sbr.rel @p0 .LBB2_5-.Ltmp1, $4  }
0x1b7: {  	v1 =	vmul.f32 v1, v2  }
0x1b8: {  	v2 =	vmul.f32 v0, v2  }
0x1b9: {  	[tilespmem:s22+$0x12BF0] =	vst v1  }
0x1ba: {  	s13 =	sadd.s32 $0x400, s13;
	s16 =	sadd.s32 $0x200, s16;
	[tilespmem:s14+$0x10] =	vst v2;
	s14 =	sadd.s32 $0x40, s14  }
0x1bb: {  	s13 =	sshll.u32 s12, $0x3  }
0x1bc: {  	s13 =	sand.u32 $0x1FFFFC00, s13  }
0x1bd: {  	s13 =	sadd.s32 s10, s13  }
0x1be: {  	[hbm4b:s13+s3] =	stream.linear.scatter [tilespmem:s20], [sflag:$0x3], $0x2000, $0x38;
	[tilespmem:$0x15300] =	vst v63  }
0x1bf: {  	s26 =	sshll.u32 s12, $0x1;
	s19 =	sadd.s32 $0x1, s19;
	_ =	swait.ge [sflag:s17], $0x2000  }
0x1c0: {  	s12 =	sand.u32 $0x1FFFFF00, s26;
	p0 =	sne.s32 s19, $0x62;
	[sflag:s17] =	ssyncset.done $0x0  }
.Ltmp2:
0x1c1: {  	s12 =	sadd.s32 s11, s12;
	[sflag:s17] =	ssyncadd.s32 $0xFFFFE000;
	(pc) =	sbr.rel @p0 .LBB2_2-.Ltmp2, $4  }
0x1c2: {  	[hbm4b:s12+s3] =	stream.linear.scatter [tilespmem:s21], [sflag:$0x3], $0x800, $0x38;
	[tilespmem:$0x15300] =	vst v63  }
0x1c3: {  	_ =	swait.ge [sflag:s17], $0x800  }
0x1c4: {  	[sflag:s17] =	ssyncset.done $0x0  }
0x1c5: {  	[sflag:s17] =	ssyncadd.s32 $0xFFFFF800  }
0x1c6: {  	s13 =	rddreg [dreg:$0x7]  }
0x1c7: {  	s12 =	rddreg [dreg:$0x6];
	s13 =	sadd.s32 $0x1, s13  }
0x1c8: {  	p0 =	sne.s32 s13, s12  }
.Ltmp3:
0x1c9: {  	_ = 	snop;
	(pc) =	sbr.rel @p0 .LBB2_1-.Ltmp3, $1  }
0x1ca: {  	_ =	sdelay $0x3  }
0x1cb: {  	_ =	sfence.sel $0x180000  }
0x1cc: {  	[bflag:$0x0] =	sbarrier.arrive $0xFFFF  }
0x1cd: {  	_ =	strace $0x9000004A  }
0x1ce: {  	s0 =	stileid.u32;
	[bflag:$0x2] =	sbarrier.arrive $0xFFFF  }
0x1cf: {  	p0 =	sne.s32 s0, $0x0;
	s0 =	rddreg [dreg:$0x2]  }
0x1d0: {  	s0 =	sadd.s32 @!p0 $0x100000, s0  }
0x1d1: {  	[sflag:s0] =	ssyncadd.tile.s32 @!p0 $0x1;
	_ =	shalt  }
.Lfunc_end2:
_tile_overlayer_lowered:
.L_overlay_start_2:
0x1d2: {  	(tag) =	ssettag $0x2  }
0x1d3: {  	s0 =	rddreg [dreg:$0x0];
	s2 =	stileid.u32  }
0x1d4: {  	s1 =	rddreg [dreg:$0x1];
	p0 =	sne.s32 s2, $0x0  }
0x1d5: {  	s3 =	rddreg [dreg:$0x2];
	[bflag:$0x3] =	sbarrier.arrive $0xFFFF;
	s2 =	simm.s32 @!p0 $0x1C03  }
0x1d6: {  	[timem:s3], [sflag:s2] =	dma.local @!p0 [hbm:s0], s1  }
0x1d7: {  	s0 =	simm.s32 @!p0 $0x3  }
0x1d8: {  	_ =	swait.ge @!p0 [sflag:s0], s1  }
0x1d9: {  	s1 =	ssub.s32 @!p0 $0x0, s1;
	[sflag:s0] =	ssyncset.done @!p0 $0x0  }
0x1da: {  	[sflag:s0] =	ssyncadd.s32 @!p0 s1  }
0x1db: {  	[bflag:$0x3] =	sbarrier.arrive $0xFFFF  }
0x1dc: {  	_ =	shalt  }

// kernel: kernel.19.cloned.1.call-start
scs
__scs_entry_jumppad:
0x0: {  	(pc) =	sbr.rel $0x88, $3  }
0x1: {  	(tag) =	ssettag $0x0;
	lr =	simm.s32 $0x1  }
0x2: {  	[smem:$0x3F86] =	sst lr;
	_ =	strace $0xD0000000  }
0x3: {  	_ = 	snop  }
0x4: {  	_ = 	snop  }
0x5: {  	_ = 	snop  }
0x6: {  	_ = 	snop  }
0x7: {  	_ = 	snop  }
__scs_overlays_trampoline_lowered:
0x8: {  	[smem:$0x3F95] =	sst s0  }
0x9: {  	[smem:$0x3F96] =	sst s1  }
0xa: {  	[smem:$0x3F97] =	sst s2  }
0xb: {  	[smem:$0x3F98] =	sst s3  }
0xc: {  	[smem:$0x3F99] =	sst s4  }
0xd: {  	[smem:$0x3F9A] =	sst s5  }
0xe: {  	[smem:$0x3F9B] =	sst s6  }
0xf: {  	[smem:$0x3F9C] =	sst s7  }
0x10: {  	[smem:$0x3F9D] =	sst s8  }
0x11: {  	[smem:$0x3F9E] =	sst s9;
	s0 =	simm.s32 @!p0 $0x0  }
0x12: {  	s1 =	sld [smem:$0x3F84];
	s0 =	simm.s32 @p0 $0x1  }
0x13: {  	[smem:$0x3F9F] =	sst s0;
	s0 =	simm.s32 @!p1 $0x0  }
0x14: {  	s2 =	sld [smem:$0x3F83];
	s0 =	simm.s32 @p1 $0x1  }
0x15: {  	[smem:$0x3FA0] =	sst s0;
	s0 =	simm.s32 @!p2 $0x0  }
0x16: {  	s3 =	sld [smem:$0x3FDB];
	s0 =	simm.s32 @p2 $0x1  }
0x17: {  	s4 =	simm.s32 $0x1BF5;
	[smem:$0x3FA2] =	sst s0  }
0x18: {  	s0 =	sld [smem:$0x3F85];
	_ =	swait.ge [sflag:s4], $0x0  }
0x19: {  	s7 =	sld [smem:$0x3F86]  }
0x1a: {  	s8 =	sadd.s32 $0xFFFFE003, lr  }
0x1b: {  	s9 =	sadd.s32 $0xFFFFFEF7, lr;
	s5 =	simm.s32 $0xFFFFFFFF;
	p2 =	slt.u32 s8, $0xFFFFF086  }
0x1c: {  	p1 =	slt.u32 s9, $0xF7A;
	s5 =	simm.s32 @!p2 $0x0  }
0x1d: {  	s5 =	simm.s32 @p1 $0x1;
	p0 =	seq.s32 s7, s2  }
0x1e: {  	s7 =	smul.u32 @!p0 $0xF7A, s2;
	p2 =	seq.s32 @!p0 s5, $0x0  }
0x1f: {  	s9 =	smul.u32 $0xF7A, s1;
	s8 =	simm.s32 @!p0 $0x1BF5;
	p2 =	por !p2, p0  }
0x20: {  	[sflag:s8] =	ssyncset.s32 @!p0 $0xFFFFF086;
	s6 =	sadd.s32 @!p0 s3, s7;
	s7 =	simm.s32 @!p0 $0x108  }
0x21: {  	s3 =	sadd.s32 s3, s9;
	s6 =	sadd.s32 @!p0 $0x88, s6;
	s7 =	simm.s32 @p2 $0x1082  }
0x22: {  	[simem:s7], [sflag:s8] =	dma.local @!p0 [hbm:s6], $0xF7A  }
0x23: {  	s9 =	sor.u32 $0xD0000000, s2;
	s6 =	simm.s32 $0x108;
	_ =	swait.ge @!p0 [sflag:s8], $0x0  }
0x24: {  	s3 =	sadd.s32 $0x88, s3;
	s6 =	simm.s32 @!p1 $0x1082;
	[sflag:s4] =	ssyncset.s32 $0xFFFFF086  }
0x25: {  	[simem:s6], [sflag:s4] =	dma.local [hbm:s3], $0xF7A  }
0x26: {  	[smem:$0x3F86] =	sst s1;
	(tag) =	ssettag s2;
	_ =	strace s9  }
0x27: {  	s1 =	sld [smem:$0x3F96]  }
0x28: {  	s2 =	sld [smem:$0x3F97]  }
0x29: {  	s4 =	sld [smem:$0x3F99]  }
0x2a: {  	p0 =	seq.s32 s5, $0x0;
	s5 =	sld [smem:$0x3F9A]  }
0x2b: {  	s6 =	sld [smem:$0x3F9B]  }
0x2c: {  	s7 =	sld [smem:$0x3F9C]  }
0x2d: {  	s3 =	simm.s32 $0x108;
	s8 =	sld [smem:$0x3F9D]  }
0x2e: {  	s3 =	simm.s32 @!p0 $0x1082;
	s9 =	sld [smem:$0x3F9E]  }
0x2f: {  	lr =	sadd.s32 s0, s3;
	s0 =	sld [smem:$0x3F95]  }
0x30: {  	s3 =	sld [smem:$0x3F98]  }
0x31: {  	[smem:$0x3FA1] =	sst s10  }
0x32: {  	s10 =	sld [smem:$0x3F9F];
	_ =	sdelay $0x3  }
0x33: {  	p0 =	seq.s32 s10, $0x1;
	s10 =	sld [smem:$0x3FA1];
	_ =	sdelay $0x3  }
0x34: {  	[smem:$0x3FA1] =	sst s10  }
0x35: {  	s10 =	sld [smem:$0x3FA0];
	_ =	sdelay $0x3  }
0x36: {  	p1 =	seq.s32 s10, $0x1;
	s10 =	sld [smem:$0x3FA1];
	_ =	sdelay $0x3  }
0x37: {  	[smem:$0x3FA1] =	sst s10  }
0x38: {  	s10 =	sld [smem:$0x3FA2]  }
0x39: {  	_ = 	snop;
	(pc) =	sbr.ind lr, $3  }
0x3a: {  	_ = 	snop  }
0x3b: {  	_ = 	snop  }
0x3c: {  	p2 =	seq.s32 s10, $0x1;
	s10 =	sld [smem:$0x3FA1]  }
0x3d: {  	_ =	shalt  }
0x3e: {  	_ =	shalt  }
0x3f: {  	_ =	shalt  }
0x40: {  	_ =	shalt  }
0x41: {  	_ =	shalt  }
0x42: {  	_ =	shalt  }
0x43: {  	_ =	shalt  }
0x44: {  	_ =	shalt  }
0x45: {  	_ =	shalt  }
0x46: {  	_ =	shalt  }
0x47: {  	_ =	shalt  }
0x48: {  	_ =	shalt  }
0x49: {  	_ =	shalt  }
0x4a: {  	_ =	shalt  }
0x4b: {  	_ =	shalt  }
0x4c: {  	_ =	shalt  }
0x4d: {  	_ =	shalt  }
0x4e: {  	_ =	shalt  }
0x4f: {  	_ =	shalt  }
0x50: {  	_ =	shalt  }
0x51: {  	_ =	shalt  }
0x52: {  	_ =	shalt  }
0x53: {  	_ =	shalt  }
0x54: {  	_ =	shalt  }
0x55: {  	_ =	shalt  }
0x56: {  	_ =	shalt  }
0x57: {  	_ =	shalt  }
0x58: {  	_ =	shalt  }
0x59: {  	_ =	shalt  }
0x5a: {  	_ =	shalt  }
0x5b: {  	_ =	shalt  }
0x5c: {  	_ =	shalt  }
0x5d: {  	_ =	shalt  }
0x5e: {  	_ =	shalt  }
0x5f: {  	_ =	shalt  }
0x60: {  	_ =	shalt  }
0x61: {  	_ =	shalt  }
0x62: {  	_ =	shalt  }
0x63: {  	_ =	shalt  }
0x64: {  	_ =	shalt  }
0x65: {  	_ =	shalt  }
0x66: {  	_ =	shalt  }
0x67: {  	_ =	shalt  }
0x68: {  	_ =	shalt  }
0x69: {  	_ =	shalt  }
0x6a: {  	_ =	shalt  }
0x6b: {  	_ =	shalt  }
0x6c: {  	_ =	shalt  }
0x6d: {  	_ =	shalt  }
0x6e: {  	_ =	shalt  }
0x6f: {  	_ =	shalt  }
0x70: {  	_ =	shalt  }
0x71: {  	_ =	shalt  }
0x72: {  	_ =	shalt  }
0x73: {  	_ =	shalt  }
0x74: {  	_ =	shalt  }
0x75: {  	_ =	shalt  }
0x76: {  	_ =	shalt  }
0x77: {  	_ =	shalt  }
0x78: {  	_ =	shalt  }
0x79: {  	_ =	shalt  }
0x7a: {  	_ =	shalt  }
0x7b: {  	_ =	shalt  }
0x7c: {  	_ =	shalt  }
0x7d: {  	_ =	shalt  }
0x7e: {  	_ =	shalt  }
0x7f: {  	_ =	shalt  }
0x80: {  	_ =	shalt  }
0x81: {  	_ =	shalt  }
0x82: {  	_ =	shalt  }
0x83: {  	_ =	shalt  }
0x84: {  	_ =	shalt  }
0x85: {  	_ =	shalt  }
0x86: {  	_ =	shalt  }
0x87: {  	_ =	shalt  }
.Lfunc_end0:
.L_simem_size_0:
called_computation.3_lowered:
.L_overlay_start_0:
0x88: {  	s2 =	sld [smem:$0x3FD9]  }
0x89: {  	s3 =	sld [smem:$0x3FFE];
	_ =	sdelay $0x1  }
0x8a: {  	s1 =	srdreg.scid  }
0x8b: {  	s0 =	sand.u32 $0x1, s1  }
0x8c: {  	s17 =	sshll.u32 s0, $0xA;
	s2 =	sadd.s32 s3, s2  }
0x8d: {  	s2 =	sadd.s32 s2, s17  }
0x8e: {  	[smem:$0x3FAD] =	sst s2  }
0x8f: {  	_ = 	snop  }
0x90: {  	s2 =	sld [smem:$0x3FD0];
	(tm) =	ssettm $0x1  }
0x91: {  	s18 =	sld [smem:$0x3FFB];
	_ =	sdelay $0x3  }
0x92: {  	_ =	strace s18  }
0x93: {  	s3 =	sld [smem:$0x3FFC];
	_ =	sdelay $0x3  }
0x94: {  	_ =	strace s3  }
0x95: {  	s3 =	sld [smem:$0x3FFD];
	_ =	sdelay $0x3  }
0x96: {  	_ =	strace s3  }
0x97: {  	_ =	strace $0x8FFFFFFF  }
0x98: {  	s19 =	sld [smem:$0x3FDB];
	_ =	sdelay $0x1  }
0x99: {  	s4 =	simm.s32 $_scs_section_size  }
0x9a: {  	s5 =	simm.s32 $_size__tile_overlayer_lowered;
	s6 =	simm.s32 $_tile_overlayer_lowered  }
0x9b: {  	s22 =	simm.s32 $0x1BFF;
	s21 =	sshll.u32 s6, $0x1;
	s3 =	sadd.s32 s4, s19  }
0x9c: {  	s7 =	simm.s32 $0x0;
	s20 =	sshll.u32 s5, $0x1;
	s5 =	sadd.s32 s21, s3  }
0x9d: {  	[timem:s7], [sflag:s22] =	dma.local [hbm:s5], s20  }
0x9e: {  	_ =	swait.ge [sflag:s22], s20  }
0x9f: {  	s4 =	ssub.s32 $0x0, s20;
	[sflag:s22] =	ssyncset.done $0x0  }
0xa0: {  	[sflag:s22] =	ssyncadd.s32 s4;
	_ =	sdelay $0x1  }
0xa1: {  	s23 =	simm.s32 $0x1B8B  }
0xa2: {  	_ =	swait.ge [sflag:s23], $0x1  }
0xa3: {  	[sflag:s23] =	ssyncset.done $0x0  }
0xa4: {  	s25 =	simm.s32 $0x1B8E;
	s24 =	sld [smem:$0x3FFE];
	[sflag:s23] =	ssyncadd.s32 $0xFFFFFFFF  }
0xa5: {  	s26 =	simm.s32 $execute0_lowered;
	[smem:$0x3FD2] =	sst s25  }
0xa6: {  	s5 =	sshll.u32 s26, $0x1;
	_ =	strace $0x8000004C;
	[dreg:$0x1] =	wrdreg $0xFFFFFFFF  }
0xa7: {  	s28 =	simm.s32 $_size_execute0_lowered;
	s3 =	sadd.s32 s3, s5;
	[dreg:$0x0] =	wrdreg $0x0  }
0xa8: {  	s5 =	sshll.u32 s28, $0x1;
	[dreg:$0x2] =	wrdreg s3  }
0xa9: {  	[dreg:$0x3] =	wrdreg s5  }
0xaa: {  	[dreg:$0x4] =	wrdreg $0xC0  }
0xab: {  	_ =	task [dreg:s7], $0x5FFFF  }
0xac: {  	[dreg:$0x1] =	wrdreg $0xFFFFFFFF  }
0xad: {  	[dreg:$0x0] =	wrdreg $0x60  }
0xae: {  	[dreg:$0x2] =	wrdreg s24  }
0xaf: {  	[dreg:$0x3] =	wrdreg s2  }
0xb0: {  	[dreg:$0x4] =	wrdreg $0x14800  }
0xb1: {  	[dreg:$0x5] =	wrdreg $0x19C800  }
0xb2: {  	[dreg:$0x6] =	wrdreg $0x9  }
0xb3: {  	_ =	task.clear_ibuf [dreg:s7], $0x7FFFF;
	_ =	strace $0x9000004C  }
0xb4: {  	s29 =	simm.s32 $0x9;
	_ =	strace $0x8000004E  }
0xb5: {  	_ =	swait.ge [sflag:s29], $0x1  }
0xb6: {  	[sflag:s29] =	ssyncadd.s32 $0xFFFFFFFF  }
0xb7: {  	_ =	strace $0x9000004E  }
0xb8: {  	_ =	sfence  }
0xb9: {  	s30 =	sld [smem:$0x0];
	_ =	sdelay $0x2  }
0xba: {  	s31 =	sshll.u32 s1, $0xD;
	s1 =	sshrl.u32 s1, $0x2  }
0xbb: {  	s3 =	sand.u32 $0x4000, s31;
	s1 =	sadd.s32 s1, s30  }
0xbc: {  	s0 =	sor.u32 s3, s0;
	s1 =	sshll.u32 s1, $0x11  }
0xbd: {  	s0 =	sor.u32 s1, s0  }
0xbe: {  	s0 =	sadd.s32 $0x8F2B, s0  }
0xbf: {  	[sflag:s0] =	ssyncadd.remote.s32 $0x1  }
0xc0: {  	_ =	sfence.sel $0xFFFF  }
0xc1: {  	[dreg:$0x0] =	wrdreg $0xFFFFFFFF;
	(pc) =	sbr.abs _section_cstart, $3  }
0xc2: {  	[dreg:$0x1] =	wrdreg $0xFFFFFFFF  }
0xc3: {  	_ =	task.clear_ibuf [dreg:s7], $0x2FFFF;
	_ =	strace $0x9FFFFFFF  }
0xc4: {  	(tm) =	ssettm $0x7FFFFFFF  }
0xc5: {  	_ =	shalt  }
tec
execute0_lowered:
.L_overlay_start_1:
0x0: {  	(tag) =	ssettag $0x1  }
0x1: {  	s1 =	stileid.u32  }
0x2: {  	s5 =	rddreg [dreg:$0x0];
	s6 =	smul.u32 $0x1880, s1  }
0x3: {  	s12 =	rddreg [dreg:$0x1];
	s7 =	smul.u32 $0x62000, s1  }
0x4: {  	s2 =	rddreg [dreg:$0x2];
	s9 =	smul.u32 $0x18800, s1  }
0x5: {  	s3 =	rddreg [dreg:$0x3];
	s25 =	smul.u32 $0xFA, s1  }
0x6: {  	s0 =	rddreg [dreg:$0x4];
	s28 =	smul.u32 $0x3E8, s1  }
0x7: {  	s8 =	srdreg.scid;
	s18 =	smul.u32 $0x7D00, s1  }
0x8: {  	s4 =	simm.s32 $0x0;
	s8 =	sand.u32 $0x1, s8;
	s30 =	smul.u32 $0x1F40, s1  }
0x9: {  	s19 =	simm.s32 $0x0;
	[smem:$0x7FF] =	sst s4;
	s22 =	smul.u32 $0xC350, s8  }
0xa: {  	_ =	strace $0x8000004D;
	s14 =	ssub.s32 $0x2, s8;
	s17 =	smul.u32 $0x61A8, s8  }
0xb: {  	s16 =	smul.u32 $0x30D40, s8;
	s10 =	sadd.s32 s6, s5;
	s11 =	sadd.s32 s7, s5  }
0xc: {  	s13 =	sadd.s32 s9, s5;
	s23 =	sshrl.u32 s14, $0x1;
	s24 =	sshrl.u32 s9, $0x2  }
0xd: {  	s26 =	sshrl.u32 s7, $0x2;
	s31 =	sshrl.u32 s18, $0x2;
	s18 =	simm.s32 $0x40  }
0xe: {  	s15 =	sadd.s32 s22, s5;
	s5 =	ssub.s32 s14, s23;
	s6 =	sadd.s32 s24, s3  }
0xf: {  	s7 =	sadd.s32 $0xABDC00, s13;
	s8 =	sadd.s32 s26, s2;
	s9 =	sadd.s32 $0x49DC00, s11  }
0x10: {  	s10 =	sadd.s32 $0xB4600, s10;
	s12 =	sadd.s32 s16, s12;
	s13 =	sadd.s32 s31, s2  }
0x11: {  	s14 =	sshrl.u32 s30, $0x2;
	s16 =	simm.s32 $0x1;
	v0 =	vmov s17;
	s17 =	simm.s32 $0x1080  }
0x12: {  	s5 =	smax.u32 s5, $0x1;
	s29 =	sadd.s32 s25, s15;
	s12 =	sadd.s32 s28, s12  }
0x13: {  	v1 =	vimm.f32 $0.0e+00;
	s14 =	sadd.s32 s14, s3;
	s15 =	simm.s32 $0x80;
	s11 =	sadd.s32 $0x4C00, s29  }
.LBB2_1:
0x14: {  	s20 =	simm.s32 $0xA0;
	s21 =	simm.s32 $0x0  }
.LBB2_2:
0x15: {  	p0 =	sne.s32 s21, $0xFC0  }
.Ltmp0:
0x16: {  	[tilespmem:s20+$0xFFFFFFE0] =	vst v1;
	(pc) =	sbr.rel @p0 .LBB2_2-.Ltmp0, $4  }
0x17: {  	[tilespmem:s20+$0xFFFFFFF0] =	vst v1  }
0x18: {  	[tilespmem:s20+$0x0] =	vst v1  }
0x19: {  	[tilespmem:s20+$0x10] =	vst v1;
	s22 =	sshra.s32 s21, $0x2  }
0x1a: {  	s20 =	sadd.s32 $0x40, s20;
	s21 =	sadd.s32 $0x40, s21;
	[tilespmem:s22+$0x1080] =	vst v1  }
0x1b: {  	[spmem:s8] =	stream.linear.scatter [tilespmem:s15], [sflag:$0x1], $0xE00, $0x38;
	[tilespmem:$0x1FE80] =	vst v63  }
0x1c: {  	_ =	swait.ge [sflag:s16], $0xE00  }
0x1d: {  	[sflag:s16] =	ssyncset.done $0x0  }
0x1e: {  	s20 =	sadd.s32 $0x0, s6;
	[sflag:s16] =	ssyncadd.s32 $0xFFFFF200  }
0x1f: {  	[spmem:s20] =	stream.linear.scatter [tilespmem:s17], [sflag:$0x1], $0x380, $0x38;
	[tilespmem:$0x1FE80] =	vst v63  }
0x20: {  	_ =	swait.ge [sflag:s16], $0x380  }
0x21: {  	s21 =	smov.u32 s8;
	s20 =	simm.s32 $0xE00;
	[sflag:s16] =	ssyncset.done $0x0  }
.LBB2_4:
0x22: {  	p0 =	sne.s32 s20, $0x17A00;
	[sflag:s16] =	ssyncadd.s32 $0xFFFFFC80;
	s21 =	sadd.s32 $0xE00, s21  }
0x23: {  	[spmem:s21] =	stream.linear.scatter [tilespmem:s15], [sflag:$0x1], $0xE00, $0x38;
	[tilespmem:$0x1FE80] =	vst v63  }
0x24: {  	s22 =	smov.u32 s20;
	s20 =	sadd.s32 $0xE00, s20;
	_ =	swait.ge [sflag:s16], $0xE00  }
.Ltmp1:
0x25: {  	s22 =	sshra.s32 s22, $0x2;
	[sflag:s16] =	ssyncset.done $0x0;
	(pc) =	sbr.rel @p0 .LBB2_4-.Ltmp1, $4  }
0x26: {  	s22 =	sadd.s32 s22, s6;
	[sflag:s16] =	ssyncadd.s32 $0xFFFFF200  }
0x27: {  	[spmem:s22] =	stream.linear.scatter [tilespmem:s17], [sflag:$0x1], $0x380, $0x38;
	[tilespmem:$0x1FE80] =	vst v63  }
0x28: {  	_ =	swait.ge [sflag:s16], $0x380  }
0x29: {  	[sflag:s16] =	ssyncset.done $0x0  }
0x2a: {  	[sflag:s16] =	ssyncadd.s32 $0xFFFFFC80  }
0x2b: {  	s20 =	sadd.s32 $0x0, s10;
	[bflag:$0x0] =	sbarrier.arrive $0xFFFF  }
0x2c: {  	[tilespmem:s4], [sflag:$0x1] =	stream.linear.gather [hbm4b:s20+s4], $0x40, $0x38;
	[tilespmem:$0x1FE80] =	vst v63  }
0x2d: {  	_ =	swait.ge [sflag:s16], $0x40  }
0x2e: {  	[sflag:s16] =	ssyncset.done $0x0  }
0x2f: {  	[sflag:s16] =	ssyncadd.s32 $0xFFFFFFC0  }
0x30: {  	[tilespmem:s15], [sflag:$0x1] =	stream.linear.gather [hbm4b:s9+s4], $0x1000, $0x38;
	[tilespmem:$0x1FE80] =	vst v63  }
0x31: {  	_ =	swait.ge [sflag:s16], $0x1000  }
0x32: {  	[sflag:s16] =	ssyncset.done $0x0  }
0x33: {  	[sflag:s16] =	ssyncadd.s32 $0xFFFFF000  }
0x34: {  	[tilespmem:s17], [sflag:$0x1] =	stream.linear.gather [hbm4b:s7+s4], $0x400, $0x38;
	[tilespmem:$0x1FE80] =	vst v63  }
0x35: {  	_ =	swait.ge [sflag:s16], $0x400  }
0x36: {  	[sflag:s16] =	ssyncset.done $0x0  }
0x37: {  	[sflag:s16] =	ssyncadd.s32 $0xFFFFFC00  }
0x38: {  	v2 =	vld [tilespmem:$0x30]  }
0x39: {  	v3 =	vld [tilespmem:$0x20]  }
0x3a: {  	v4 =	vld [tilespmem:$0x10]  }
0x3b: {  	v5 =	vld [tilespmem:$0x0];
	_ =	sdelay $0x1  }
0x3c: {  	v2 =	vsub.s32 v2, v0  }
0x3d: {  	v3 =	vsub.s32 v3, v0;
	vm0 =	vlt.u32 v2, $0x61A8  }
0x3e: {  	v4 =	vsub.s32 v4, v0;
	vm1 =	vlt.u32 v3, $0x61A8;
	v2 =	vnsel vm0, $0x61F8, v2  }
0x3f: {  	v5 =	vsub.s32 v5, v0;
	vm14 =	vlt.u32 v4, $0x61A8;
	v3 =	vnsel vm1, $0x61F8, v3;
	[tilespmem:$0x70] =	vst v2  }
0x40: {  	vm15 =	vlt.u32 v5, $0x61A8;
	v2 =	vnsel vm14, $0x61F8, v4;
	[tilespmem:$0x60] =	vst v3  }
0x41: {  	v3 =	vnsel vm15, $0x61F8, v5;
	[tilespmem:$0x50] =	vst v2  }
0x42: {  	[tilespmem:$0x40] =	vst v3  }
0x43: {  	[spmem:s2] =	stream.indirect.scatter.add.f32 [tilespmem:s15], [sflag:$0x1], $0x40, s18, s18, $0xb8;
	[tilespmem:$0x1FE80] =	vst v63  }
0x44: {  	_ =	swait.ge [sflag:s16], $0x1000  }
0x45: {  	s21 =	sadd.s32 $0x80, s7;
	[sflag:s16] =	ssyncset.done $0x0  }
0x46: {  	s22 =	sadd.s32 $0x200, s9;
	s20 =	simm.s32 $0x8;
	[sflag:s16] =	ssyncadd.s32 $0xFFFFF000  }
.LBB2_6:
0x47: {  	[spmem:s3] =	stream.indirect.scatter.add.f32 [tilespmem:s17], [sflag:$0x1], $0x10, s18, s18, $0xb8;
	[tilespmem:$0x1FE80] =	vst v63  }
0x48: {  	s23 =	smov.u32 s20  }
0x49: {  	p0 =	sne.s32 s20, $0x1878;
	s20 =	sadd.s32 $0x8, s20;
	_ =	swait.ge [sflag:s16], $0x400  }
0x4a: {  	[sflag:s16] =	ssyncset.done $0x0  }
0x4b: {  	s23 =	sadd.s32 s23, s10;
	[sflag:s16] =	ssyncadd.s32 $0xFFFFFC00  }
0x4c: {  	[tilespmem:s4], [sflag:$0x1] =	stream.linear.gather [hbm4b:s23+s4], $0x40, $0x38;
	[tilespmem:$0x1FE80] =	vst v63  }
0x4d: {  	_ =	swait.ge [sflag:s16], $0x40  }
0x4e: {  	[sflag:s16] =	ssyncset.done $0x0  }
0x4f: {  	[sflag:s16] =	ssyncadd.s32 $0xFFFFFFC0  }
0x50: {  	[tilespmem:s15], [sflag:$0x1] =	stream.linear.gather [hbm4b:s22+s4], $0x1000, $0x38;
	[tilespmem:$0x1FE80] =	vst v63  }
0x51: {  	_ =	swait.ge [sflag:s16], $0x1000  }
0x52: {  	[sflag:s16] =	ssyncset.done $0x0  }
0x53: {  	[sflag:s16] =	ssyncadd.s32 $0xFFFFF000  }
0x54: {  	[tilespmem:s17], [sflag:$0x1] =	stream.linear.gather [hbm4b:s21+s4], $0x400, $0x38;
	[tilespmem:$0x1FE80] =	vst v63  }
0x55: {  	_ =	swait.ge [sflag:s16], $0x400  }
0x56: {  	[sflag:s16] =	ssyncset.done $0x0  }
0x57: {  	[sflag:s16] =	ssyncadd.s32 $0xFFFFFC00  }
0x58: {  	v2 =	vld [tilespmem:$0x30]  }
0x59: {  	v3 =	vld [tilespmem:$0x20]  }
0x5a: {  	v4 =	vld [tilespmem:$0x10]  }
0x5b: {  	v5 =	vld [tilespmem:$0x0];
	_ =	sdelay $0x1  }
0x5c: {  	v2 =	vsub.s32 v2, v0  }
0x5d: {  	v3 =	vsub.s32 v3, v0;
	vm0 =	vlt.u32 v2, $0x61A8  }
0x5e: {  	v4 =	vsub.s32 v4, v0;
	vm1 =	vlt.u32 v3, $0x61A8;
	v2 =	vnsel vm0, $0x61F8, v2  }
0x5f: {  	v5 =	vsub.s32 v5, v0;
	vm0 =	vlt.u32 v4, $0x61A8;
	v3 =	vnsel vm1, $0x61F8, v3;
	[tilespmem:$0x70] =	vst v2  }
0x60: {  	vm1 =	vlt.u32 v5, $0x61A8;
	v2 =	vnsel vm0, $0x61F8, v4;
	[tilespmem:$0x60] =	vst v3  }
0x61: {  	v3 =	vnsel vm1, $0x61F8, v5;
	[tilespmem:$0x50] =	vst v2  }
.Ltmp2:
0x62: {  	[tilespmem:$0x40] =	vst v3;
	(pc) =	sbr.rel @p0 .LBB2_6-.Ltmp2, $4  }
0x63: {  	[spmem:s2] =	stream.indirect.scatter.add.f32 [tilespmem:s15], [sflag:$0x1], $0x40, s18, s18, $0xb8;
	[tilespmem:$0x1FE80] =	vst v63  }
0x64: {  	_ =	swait.ge [sflag:s16], $0x1000  }
0x65: {  	[sflag:s16] =	ssyncset.done $0x0  }
0x66: {  	s22 =	sadd.s32 $0x200, s22;
	s21 =	sadd.s32 $0x80, s21;
	[sflag:s16] =	ssyncadd.s32 $0xFFFFF000  }
0x67: {  	[spmem:s3] =	stream.indirect.scatter.add.f32 [tilespmem:s17], [sflag:$0x1], $0x10, s18, s18, $0xb8;
	[tilespmem:$0x1FE80] =	vst v63  }
0x68: {  	s20 =	sadd.s32 $0x0, s1;
	_ =	swait.ge [sflag:s16], $0x400  }
0x69: {  	p0 =	sgt.u32 s20, $0xC7;
	[sflag:s16] =	ssyncset.done $0x0  }
0x6a: {  	s20 =	sshll.u32 @!p0 s1, $0x6;
	s22 =	sshrl.u32 @!p0 s13, $0x3;
	[sflag:s16] =	ssyncadd.s32 $0xFFFFFC00  }
0x6b: {  	s23 =	simm.s32 @!p0 $0x2;
	s21 =	sor.u32 @!p0 $0x1C02, s20;
	[bflag:$0x0] =	sbarrier.arrive $0xFFFF  }
0x6c: {  	[hbm:s12], [sflag:s21] =	dma.local @!p0 [spmem:s22], $0x3E8  }
0x6d: {  	s24 =	sadd.s32 $0x1F400, s13;
	_ =	swait.ge @!p0 [sflag:s23], $0x3E8  }
0x6e: {  	s26 =	sadd.s32 $0x10, s1;
	s25 =	simm.s32 @!p0 $0x1;
	[sflag:s23] =	ssyncset.done @!p0 $0x0  }
0x6f: {  	s21 =	sor.u32 @!p0 $0x1C01, s20;
	[sflag:s23] =	ssyncadd.s32 @!p0 $0xFFFFFC18;
	s23 =	sshrl.u32 @!p0 s14, $0x3  }
0x70: {  	[hbm:s11], [sflag:s21] =	dma.local @!p0 [spmem:s23], $0xFA  }
0x71: {  	s22 =	simm.s32 $0x20;
	s20 =	sadd.s32 $0x7D00, s14;
	_ =	swait.ge @!p0 [sflag:s25], $0xFA  }
0x72: {  	s23 =	sadd.s32 $0x3E80, s12;
	s21 =	sadd.s32 $0xFA0, s11;
	[sflag:s25] =	ssyncset.done @!p0 $0x0  }
.LBB2_8:
0x73: {  	[sflag:s25] =	ssyncadd.s32 @!p0 $0xFFFFFF06;
	p0 =	sgt.u32 s26, $0xC7  }
0x74: {  	s26 =	smov.u32 s22;
	s22 =	sadd.s32 $0x10, s22;
	s25 =	smov.u32 s20  }
0x75: {  	p1 =	sne.s32 s22, $0xD0;
	s28 =	sshll.u32 @!p0 s1, $0x6  }
0x76: {  	s30 =	sshrl.u32 @!p0 s24, $0x3;
	s31 =	simm.s32 @!p0 $0x2;
	s29 =	sor.u32 @!p0 $0x1C02, s28  }
0x77: {  	[hbm:s23], [sflag:s29] =	dma.local @!p0 [spmem:s30], $0x3E8  }
0x78: {  	s28 =	sor.u32 @!p0 $0x1C01, s28;
	_ =	swait.ge @!p0 [sflag:s31], $0x3E8  }
.Ltmp3:
0x79: {  	s20 =	sadd.s32 $0x7D00, s20;
	[sflag:s31] =	ssyncset.done @!p0 $0x0;
	(pc) =	sbr.rel @p1 .LBB2_8-.Ltmp3, $4  }
0x7a: {  	s29 =	sshrl.u32 @!p0 s25, $0x3;
	s25 =	simm.s32 @!p0 $0x1;
	[sflag:s31] =	ssyncadd.s32 @!p0 $0xFFFFFC18  }
0x7b: {  	[hbm:s21], [sflag:s28] =	dma.local @!p0 [spmem:s29], $0xFA  }
0x7c: {  	s24 =	sadd.s32 $0x1F400, s24;
	s23 =	sadd.s32 $0x3E80, s23;
	_ =	swait.ge @!p0 [sflag:s25], $0xFA  }
0x7d: {  	s26 =	sadd.s32 s26, s1;
	s21 =	sadd.s32 $0xFA0, s21;
	[sflag:s25] =	ssyncset.done @!p0 $0x0  }
0x7e: {  	p1 =	sgt.u32 s26, $0xC7  }
0x7f: {  	[sflag:s25] =	ssyncadd.s32 @!p0 $0xFFFFFF06;
	s22 =	sshll.u32 @!p1 s1, $0x6  }
0x80: {  	s24 =	sshrl.u32 @!p1 s24, $0x3;
	s26 =	simm.s32 @!p1 $0x2;
	s25 =	sor.u32 @!p1 $0x1C02, s22  }
0x81: {  	[hbm:s23], [sflag:s25] =	dma.local @!p1 [spmem:s24], $0x3E8  }
0x82: {  	s19 =	sadd.s32 $0x1, s19;
	s20 =	sshrl.u32 @!p1 s20, $0x3;
	_ =	swait.ge @!p1 [sflag:s26], $0x3E8  }
0x83: {  	p0 =	sne.s32 s19, s5;
	s22 =	sor.u32 @!p1 $0x1C01, s22;
	[sflag:s26] =	ssyncset.done @!p1 $0x0  }
.Ltmp4:
0x84: {  	s23 =	simm.s32 @!p1 $0x1;
	[sflag:s26] =	ssyncadd.s32 @!p1 $0xFFFFFC18;
	(pc) =	sbr.rel @p0 .LBB2_1-.Ltmp4, $4  }
0x85: {  	[hbm:s21], [sflag:s22] =	dma.local @!p1 [spmem:s20], $0xFA  }
0x86: {  	_ =	swait.ge @!p1 [sflag:s23], $0xFA  }
0x87: {  	[sflag:s23] =	ssyncset.done @!p1 $0x0  }
0x88: {  	[sflag:s23] =	ssyncadd.s32 @!p1 $0xFFFFFF06  }
0x89: {  	_ =	sfence.sel $0x180000  }
0x8a: {  	[bflag:$0x0] =	sbarrier.arrive $0xFFFF  }
0x8b: {  	p0 =	sne.s32 s1, $0x0;
	_ =	strace $0x9000004D  }
0x8c: {  	s0 =	sadd.s32 @!p0 $0x100000, s0;
	[bflag:$0x2] =	sbarrier.arrive $0xFFFF  }
0x8d: {  	[sflag:s0] =	ssyncadd.tile.s32 @!p0 $0x1;
	_ =	shalt  }
.Lfunc_end2:
_tile_overlayer_lowered:
.L_overlay_start_2:
0x8e: {  	(tag) =	ssettag $0x2  }
0x8f: {  	s0 =	rddreg [dreg:$0x0];
	s2 =	stileid.u32  }
0x90: {  	s1 =	rddreg [dreg:$0x1];
	p0 =	sne.s32 s2, $0x0  }
0x91: {  	s3 =	rddreg [dreg:$0x2];
	[bflag:$0x3] =	sbarrier.arrive $0xFFFF;
	s2 =	simm.s32 @!p0 $0x1C01  }
0x92: {  	[timem:s3], [sflag:s2] =	dma.local @!p0 [hbm:s0], s1  }
0x93: {  	s0 =	simm.s32 @!p0 $0x1  }
0x94: {  	_ =	swait.ge @!p0 [sflag:s0], s1  }
0x95: {  	s1 =	ssub.s32 @!p0 $0x0, s1;
	[sflag:s0] =	ssyncset.done @!p0 $0x0  }
0x96: {  	[sflag:s0] =	ssyncadd.s32 @!p0 s1  }
0x97: {  	[bflag:$0x3] =	sbarrier.arrive $0xFFFF  }
0x98: {  	_ =	shalt  }

// kernel: kernel.22.cloned.1.call-start
scs
__scs_entry_jumppad:
0x0: {  	(pc) =	sbr.rel $0x88, $3  }
0x1: {  	(tag) =	ssettag $0x0;
	lr =	simm.s32 $0x1  }
0x2: {  	[smem:$0x3F86] =	sst lr;
	_ =	strace $0xD0000000  }
0x3: {  	_ = 	snop  }
0x4: {  	_ = 	snop  }
0x5: {  	_ = 	snop  }
0x6: {  	_ = 	snop  }
0x7: {  	_ = 	snop  }
__scs_overlays_trampoline_lowered:
0x8: {  	[smem:$0x3F95] =	sst s0  }
0x9: {  	[smem:$0x3F96] =	sst s1  }
0xa: {  	[smem:$0x3F97] =	sst s2  }
0xb: {  	[smem:$0x3F98] =	sst s3  }
0xc: {  	[smem:$0x3F99] =	sst s4  }
0xd: {  	[smem:$0x3F9A] =	sst s5  }
0xe: {  	[smem:$0x3F9B] =	sst s6  }
0xf: {  	[smem:$0x3F9C] =	sst s7  }
0x10: {  	[smem:$0x3F9D] =	sst s8  }
0x11: {  	[smem:$0x3F9E] =	sst s9;
	s0 =	simm.s32 @!p0 $0x0  }
0x12: {  	s1 =	sld [smem:$0x3F84];
	s0 =	simm.s32 @p0 $0x1  }
0x13: {  	[smem:$0x3F9F] =	sst s0;
	s0 =	simm.s32 @!p1 $0x0  }
0x14: {  	s2 =	sld [smem:$0x3F83];
	s0 =	simm.s32 @p1 $0x1  }
0x15: {  	[smem:$0x3FA0] =	sst s0;
	s0 =	simm.s32 @!p2 $0x0  }
0x16: {  	s3 =	sld [smem:$0x3FDB];
	s0 =	simm.s32 @p2 $0x1  }
0x17: {  	s4 =	simm.s32 $0x1BF5;
	[smem:$0x3FA2] =	sst s0  }
0x18: {  	s0 =	sld [smem:$0x3F85];
	_ =	swait.ge [sflag:s4], $0x0  }
0x19: {  	s7 =	sld [smem:$0x3F86]  }
0x1a: {  	s8 =	sadd.s32 $0xFFFFE003, lr  }
0x1b: {  	s9 =	sadd.s32 $0xFFFFFEF7, lr;
	s5 =	simm.s32 $0xFFFFFFFF;
	p2 =	slt.u32 s8, $0xFFFFF086  }
0x1c: {  	p1 =	slt.u32 s9, $0xF7A;
	s5 =	simm.s32 @!p2 $0x0  }
0x1d: {  	s5 =	simm.s32 @p1 $0x1;
	p0 =	seq.s32 s7, s2  }
0x1e: {  	s7 =	smul.u32 @!p0 $0xF7A, s2;
	p2 =	seq.s32 @!p0 s5, $0x0  }
0x1f: {  	s9 =	smul.u32 $0xF7A, s1;
	s8 =	simm.s32 @!p0 $0x1BF5;
	p2 =	por !p2, p0  }
0x20: {  	[sflag:s8] =	ssyncset.s32 @!p0 $0xFFFFF086;
	s6 =	sadd.s32 @!p0 s3, s7;
	s7 =	simm.s32 @!p0 $0x108  }
0x21: {  	s3 =	sadd.s32 s3, s9;
	s6 =	sadd.s32 @!p0 $0x88, s6;
	s7 =	simm.s32 @p2 $0x1082  }
0x22: {  	[simem:s7], [sflag:s8] =	dma.local @!p0 [hbm:s6], $0xF7A  }
0x23: {  	s9 =	sor.u32 $0xD0000000, s2;
	s6 =	simm.s32 $0x108;
	_ =	swait.ge @!p0 [sflag:s8], $0x0  }
0x24: {  	s3 =	sadd.s32 $0x88, s3;
	s6 =	simm.s32 @!p1 $0x1082;
	[sflag:s4] =	ssyncset.s32 $0xFFFFF086  }
0x25: {  	[simem:s6], [sflag:s4] =	dma.local [hbm:s3], $0xF7A  }
0x26: {  	[smem:$0x3F86] =	sst s1;
	(tag) =	ssettag s2;
	_ =	strace s9  }
0x27: {  	s1 =	sld [smem:$0x3F96]  }
0x28: {  	s2 =	sld [smem:$0x3F97]  }
0x29: {  	s4 =	sld [smem:$0x3F99]  }
0x2a: {  	p0 =	seq.s32 s5, $0x0;
	s5 =	sld [smem:$0x3F9A]  }
0x2b: {  	s6 =	sld [smem:$0x3F9B]  }
0x2c: {  	s7 =	sld [smem:$0x3F9C]  }
0x2d: {  	s3 =	simm.s32 $0x108;
	s8 =	sld [smem:$0x3F9D]  }
0x2e: {  	s3 =	simm.s32 @!p0 $0x1082;
	s9 =	sld [smem:$0x3F9E]  }
0x2f: {  	lr =	sadd.s32 s0, s3;
	s0 =	sld [smem:$0x3F95]  }
0x30: {  	s3 =	sld [smem:$0x3F98]  }
0x31: {  	[smem:$0x3FA1] =	sst s10  }
0x32: {  	s10 =	sld [smem:$0x3F9F];
	_ =	sdelay $0x3  }
0x33: {  	p0 =	seq.s32 s10, $0x1;
	s10 =	sld [smem:$0x3FA1];
	_ =	sdelay $0x3  }
0x34: {  	[smem:$0x3FA1] =	sst s10  }
0x35: {  	s10 =	sld [smem:$0x3FA0];
	_ =	sdelay $0x3  }
0x36: {  	p1 =	seq.s32 s10, $0x1;
	s10 =	sld [smem:$0x3FA1];
	_ =	sdelay $0x3  }
0x37: {  	[smem:$0x3FA1] =	sst s10  }
0x38: {  	s10 =	sld [smem:$0x3FA2]  }
0x39: {  	_ = 	snop;
	(pc) =	sbr.ind lr, $3  }
0x3a: {  	_ = 	snop  }
0x3b: {  	_ = 	snop  }
0x3c: {  	p2 =	seq.s32 s10, $0x1;
	s10 =	sld [smem:$0x3FA1]  }
0x3d: {  	_ =	shalt  }
0x3e: {  	_ =	shalt  }
0x3f: {  	_ =	shalt  }
0x40: {  	_ =	shalt  }
0x41: {  	_ =	shalt  }
0x42: {  	_ =	shalt  }
0x43: {  	_ =	shalt  }
0x44: {  	_ =	shalt  }
0x45: {  	_ =	shalt  }
0x46: {  	_ =	shalt  }
0x47: {  	_ =	shalt  }
0x48: {  	_ =	shalt  }
0x49: {  	_ =	shalt  }
0x4a: {  	_ =	shalt  }
0x4b: {  	_ =	shalt  }
0x4c: {  	_ =	shalt  }
0x4d: {  	_ =	shalt  }
0x4e: {  	_ =	shalt  }
0x4f: {  	_ =	shalt  }
0x50: {  	_ =	shalt  }
0x51: {  	_ =	shalt  }
0x52: {  	_ =	shalt  }
0x53: {  	_ =	shalt  }
0x54: {  	_ =	shalt  }
0x55: {  	_ =	shalt  }
0x56: {  	_ =	shalt  }
0x57: {  	_ =	shalt  }
0x58: {  	_ =	shalt  }
0x59: {  	_ =	shalt  }
0x5a: {  	_ =	shalt  }
0x5b: {  	_ =	shalt  }
0x5c: {  	_ =	shalt  }
0x5d: {  	_ =	shalt  }
0x5e: {  	_ =	shalt  }
0x5f: {  	_ =	shalt  }
0x60: {  	_ =	shalt  }
0x61: {  	_ =	shalt  }
0x62: {  	_ =	shalt  }
0x63: {  	_ =	shalt  }
0x64: {  	_ =	shalt  }
0x65: {  	_ =	shalt  }
0x66: {  	_ =	shalt  }
0x67: {  	_ =	shalt  }
0x68: {  	_ =	shalt  }
0x69: {  	_ =	shalt  }
0x6a: {  	_ =	shalt  }
0x6b: {  	_ =	shalt  }
0x6c: {  	_ =	shalt  }
0x6d: {  	_ =	shalt  }
0x6e: {  	_ =	shalt  }
0x6f: {  	_ =	shalt  }
0x70: {  	_ =	shalt  }
0x71: {  	_ =	shalt  }
0x72: {  	_ =	shalt  }
0x73: {  	_ =	shalt  }
0x74: {  	_ =	shalt  }
0x75: {  	_ =	shalt  }
0x76: {  	_ =	shalt  }
0x77: {  	_ =	shalt  }
0x78: {  	_ =	shalt  }
0x79: {  	_ =	shalt  }
0x7a: {  	_ =	shalt  }
0x7b: {  	_ =	shalt  }
0x7c: {  	_ =	shalt  }
0x7d: {  	_ =	shalt  }
0x7e: {  	_ =	shalt  }
0x7f: {  	_ =	shalt  }
0x80: {  	_ =	shalt  }
0x81: {  	_ =	shalt  }
0x82: {  	_ =	shalt  }
0x83: {  	_ =	shalt  }
0x84: {  	_ =	shalt  }
0x85: {  	_ =	shalt  }
0x86: {  	_ =	shalt  }
0x87: {  	_ =	shalt  }
.Lfunc_end0:
.L_simem_size_0:
called_computation.4_lowered:
.L_overlay_start_0:
0x88: {  	s2 =	sld [smem:$0x3FD9]  }
0x89: {  	s3 =	sld [smem:$0x3FFE];
	_ =	sdelay $0x1  }
0x8a: {  	s1 =	srdreg.scid  }
0x8b: {  	s0 =	sand.u32 $0x1, s1  }
0x8c: {  	s16 =	sshll.u32 s0, $0xA;
	s2 =	sadd.s32 s3, s2  }
0x8d: {  	s2 =	sadd.s32 s2, s16  }
0x8e: {  	[smem:$0x3FAD] =	sst s2  }
0x8f: {  	_ = 	snop  }
0x90: {  	(tm) =	ssettm $0x1  }
0x91: {  	s17 =	sld [smem:$0x3FFB];
	_ =	sdelay $0x3  }
0x92: {  	_ =	strace s17  }
0x93: {  	s2 =	sld [smem:$0x3FFC];
	_ =	sdelay $0x3  }
0x94: {  	_ =	strace s2  }
0x95: {  	s2 =	sld [smem:$0x3FFD];
	_ =	sdelay $0x3  }
0x96: {  	_ =	strace s2  }
0x97: {  	_ =	strace $0x8FFFFFFF  }
0x98: {  	s18 =	sld [smem:$0x3FDB];
	_ =	sdelay $0x1  }
0x99: {  	s19 =	simm.s32 $_scs_section_size  }
0x9a: {  	s4 =	simm.s32 $_size__tile_overlayer_lowered;
	s5 =	simm.s32 $_tile_overlayer_lowered  }
0x9b: {  	s22 =	simm.s32 $0x1BFF;
	s21 =	sshll.u32 s5, $0x1;
	s2 =	sadd.s32 s19, s18  }
0x9c: {  	s6 =	simm.s32 $0x0;
	s20 =	sshll.u32 s4, $0x1;
	s4 =	sadd.s32 s21, s2  }
0x9d: {  	[timem:s6], [sflag:s22] =	dma.local [hbm:s4], s20  }
0x9e: {  	_ =	swait.ge [sflag:s22], s20  }
0x9f: {  	s3 =	ssub.s32 $0x0, s20;
	[sflag:s22] =	ssyncset.done $0x0  }
0xa0: {  	[sflag:s22] =	ssyncadd.s32 s3;
	_ =	sdelay $0x1  }
0xa1: {  	s23 =	simm.s32 $0x1B8B  }
0xa2: {  	_ =	swait.ge [sflag:s23], $0x1  }
0xa3: {  	[sflag:s23] =	ssyncset.done $0x0  }
0xa4: {  	s25 =	simm.s32 $0x1B8E;
	s24 =	sld [smem:$0x3FFE];
	[sflag:s23] =	ssyncadd.s32 $0xFFFFFFFF  }
0xa5: {  	s26 =	simm.s32 $execute0_lowered;
	[smem:$0x3FD2] =	sst s25  }
0xa6: {  	s4 =	sshll.u32 s26, $0x1;
	_ =	strace $0x8000004F;
	[dreg:$0x1] =	wrdreg $0xFFFFFFFF  }
0xa7: {  	s28 =	simm.s32 $_size_execute0_lowered;
	s2 =	sadd.s32 s2, s4;
	[dreg:$0x0] =	wrdreg $0x0  }
0xa8: {  	s4 =	sshll.u32 s28, $0x1;
	[dreg:$0x2] =	wrdreg s2  }
0xa9: {  	[dreg:$0x3] =	wrdreg s4  }
0xaa: {  	[dreg:$0x4] =	wrdreg $0xC0  }
0xab: {  	_ =	task [dreg:s6], $0x5FFFF  }
0xac: {  	[dreg:$0x1] =	wrdreg $0xFFFFFFFF  }
0xad: {  	[dreg:$0x0] =	wrdreg $0x60  }
0xae: {  	[dreg:$0x2] =	wrdreg s24  }
0xaf: {  	[dreg:$0x3] =	wrdreg $0x9  }
0xb0: {  	_ =	task.clear_ibuf [dreg:s6], $0x4FFFF;
	_ =	strace $0x9000004F  }
0xb1: {  	s29 =	simm.s32 $0x9;
	_ =	strace $0x80000051  }
0xb2: {  	_ =	swait.ge [sflag:s29], $0x1  }
0xb3: {  	[sflag:s29] =	ssyncadd.s32 $0xFFFFFFFF  }
0xb4: {  	_ =	strace $0x90000051  }
0xb5: {  	_ =	sfence  }
0xb6: {  	s30 =	sld [smem:$0x0];
	_ =	sdelay $0x2  }
0xb7: {  	s31 =	sshll.u32 s1, $0xD;
	s1 =	sshrl.u32 s1, $0x2  }
0xb8: {  	s3 =	sand.u32 $0x4000, s31;
	s1 =	sadd.s32 s1, s30  }
0xb9: {  	s0 =	sor.u32 s3, s0;
	s1 =	sshll.u32 s1, $0x11  }
0xba: {  	s0 =	sor.u32 s1, s0  }
0xbb: {  	s0 =	sadd.s32 $0x8F2B, s0  }
0xbc: {  	[sflag:s0] =	ssyncadd.remote.s32 $0x1  }
0xbd: {  	_ =	sfence.sel $0xFFFF  }
0xbe: {  	[dreg:$0x0] =	wrdreg $0xFFFFFFFF;
	(pc) =	sbr.abs _section_cstart, $3  }
0xbf: {  	[dreg:$0x1] =	wrdreg $0xFFFFFFFF  }
0xc0: {  	_ =	task.clear_ibuf [dreg:s6], $0x2FFFF;
	_ =	strace $0x9FFFFFFF  }
0xc1: {  	(tm) =	ssettm $0x7FFFFFFF  }
tec
execute0_lowered:
.L_overlay_start_1:
0x0: {  	(tag) =	ssettag $0x1  }
0x1: {  	s0 =	rddreg [dreg:$0x0];
	s1 =	simm.s32 $0x0;
	s2 =	srdreg.scid  }
0x2: {  	s5 =	stileid.u32;
	s17 =	simm.s32 $0x3;
	s18 =	simm.s32 $0x80  }
0x3: {  	s28 =	simm.s32 $0xCB00;
	s29 =	simm.s32 $0x10B00;
	s30 =	simm.s32 $0x1  }
0x4: {  	s31 =	simm.s32 $0x8180;
	s20 =	simm.s32 $0x12B00;
	s21 =	simm.s32 $0x14B00  }
0x5: {  	s13 =	simm.s32 $0x0;
	[smem:$0x7FF] =	sst s1;
	s3 =	sadd.s32 $0x9BE00, s0  }
0x6: {  	s4 =	sadd.s32 $0x6A200, s0;
	s2 =	sand.u32 $0x1, s2;
	s7 =	sshll.u32 s5, $0x1  }
0x7: {  	s5 =	sadd.s32 $0x82A00, s0;
	s6 =	sadd.s32 $0x4C00, s0;
	s9 =	sadd.s32 $0x9B200, s0  }
0x8: {  	s10 =	sadd.s32 $0x49DC00, s0;
	s8 =	sor.u32 s2, s7;
	s2 =	ssub.s32 $0x2, s2  }
0x9: {  	s11 =	sadd.s32 $0xABDC00, s0;
	s8 =	smul.u32 $0x6200, s8;
	s12 =	sshrl.u32 s2, $0x1  }
0xa: {  	_ =	strace $0x80000050;
	s7 =	sadd.s32 $0x253A00, s0;
	s23 =	ssub.s32 s2, s12  }
0xb: {  	s24 =	sshrl.u32 s8, $0x3;
	s15 =	sor.u32 $0x100, s8;
	s0 =	smax.u32 s23, $0x1  }
0xc: {  	s23 =	simm.s32 $0xA980;
	s25 =	sadd.s32 s3, s24;
	[dreg:$0x5] =	wrdreg s0  }
0xd: {  	s26 =	sadd.s32 s4, s24;
	s2 =	sadd.s32 s5, s24;
	[dreg:$0x2] =	wrdreg s25  }
0xe: {  	v0 =	vimm.f32 $0.0e+00;
	vm0 =	vcmask $0x300;
	s24 =	simm.s32 $0xAA00;
	s0 =	simm.s32 $0xA180;
	[dreg:$0x3] =	wrdreg s26  }
0xf: {  	v0 =	vsel vm0, $0x3F800000, v0;
	[dreg:$0x4] =	wrdreg s2;
	s25 =	simm.s32 $0xAA80;
	s2 =	simm.s32 $0x2  }
.LBB2_1:
0x10: {  	[dreg:$0x6] =	wrdreg s13  }
0x11: {  	s12 =	rddreg [dreg:$0x2]  }
0x12: {  	[tilespmem:s1], [sflag:$0x3] =	stream.linear.gather [hbm4b:s12+s1], $0x80, $0x38;
	[tilespmem:$0x15300] =	vst v63  }
0x13: {  	_ =	swait.ge [sflag:s17], $0x80  }
0x14: {  	[sflag:s17] =	ssyncset.done $0x0  }
0x15: {  	s13 =	rddreg [dreg:$0x3];
	[sflag:s17] =	ssyncadd.s32 $0xFFFFFF80  }
0x16: {  	[tilespmem:s18], [sflag:$0x3] =	stream.linear.gather [hbm4b:s13+s1], $0x80, $0x38;
	[tilespmem:$0x15300] =	vst v63  }
0x17: {  	_ =	swait.ge [sflag:s17], $0x80  }
0x18: {  	[sflag:s17] =	ssyncset.done $0x0  }
0x19: {  	s16 =	simm.s32 $0x100;
	s14 =	rddreg [dreg:$0x4];
	[sflag:s17] =	ssyncadd.s32 $0xFFFFFF80  }
0x1a: {  	[tilespmem:s16], [sflag:$0x3] =	stream.linear.gather [hbm4b:s14+s1], $0x80, $0x38;
	[tilespmem:$0x15300] =	vst v63  }
0x1b: {  	_ =	swait.ge [sflag:s17], $0x80  }
0x1c: {  	[sflag:s17] =	ssyncset.done $0x0  }
0x1d: {  	s19 =	simm.s32 $0x180;
	[sflag:s17] =	ssyncadd.s32 $0xFFFFFF80  }
0x1e: {  	[tilespmem:s19], [sflag:$0x1] =	stream.indirect.gather [hbm4b:s6+s18], $0x40, s1, s18, $0xb8;
	[tilespmem:$0x15300] =	vst v63  }
0x1f: {  	s22 =	simm.s32 $0x2180  }
0x20: {  	[tilespmem:s22], [sflag:$0x1] =	stream.indirect.gather [hbm4b:s7+s18], $0x80, s18, s18, $0xb8;
	[tilespmem:$0x15300] =	vst v63  }
0x21: {  	s26 =	simm.s32 $0x6180;
	s19 =	simm.s32 $0x0  }
0x22: {  	[tilespmem:s26], [sflag:$0x1] =	stream.indirect.gather [hbm4b:s9+s18], $0x40, s16, s18, $0xb8;
	[tilespmem:$0x15300] =	vst v63  }
.LBB2_2:
0x23: {  	s13 =	sshll.u32 s19, $0x8  }
0x24: {  	s12 =	sadd.s32 s13, s8  }
0x25: {  	s12 =	sadd.s32 $0x80, s12  }
0x26: {  	s16 =	sshrl.u32 s12, $0x3  }
0x27: {  	s14 =	simm.s32 $0x0;
	s22 =	sadd.s32 s3, s16  }
0x28: {  	[tilespmem:s23], [sflag:$0x3] =	stream.linear.gather [hbm4b:s22+s14], $0x80, $0x38;
	[tilespmem:$0x15300] =	vst v63  }
0x29: {  	_ =	swait.ge [sflag:s17], $0x80  }
0x2a: {  	[sflag:s17] =	ssyncset.done $0x0  }
0x2b: {  	s26 =	sadd.s32 s4, s16;
	[sflag:s17] =	ssyncadd.s32 $0xFFFFFF80  }
0x2c: {  	[tilespmem:s24], [sflag:$0x3] =	stream.linear.gather [hbm4b:s26+s14], $0x80, $0x38;
	[tilespmem:$0x15300] =	vst v63  }
0x2d: {  	_ =	swait.ge [sflag:s17], $0x80  }
0x2e: {  	[sflag:s17] =	ssyncset.done $0x0  }
0x2f: {  	s16 =	sadd.s32 s5, s16;
	[sflag:s17] =	ssyncadd.s32 $0xFFFFFF80  }
0x30: {  	[tilespmem:s25], [sflag:$0x3] =	stream.linear.gather [hbm4b:s16+s14], $0x80, $0x38;
	[tilespmem:$0x15300] =	vst v63  }
0x31: {  	_ =	swait.ge [sflag:s17], $0x80  }
0x32: {  	[sflag:s17] =	ssyncset.done $0x0  }
0x33: {  	s26 =	simm.s32 $0xAB00;
	[sflag:s17] =	ssyncadd.s32 $0xFFFFFF80  }
0x34: {  	[tilespmem:s26], [sflag:$0x2] =	stream.indirect.gather [hbm4b:s6+s18], $0x40, s23, s18, $0xb8;
	[tilespmem:$0x15300] =	vst v63  }
0x35: {  	_ = 	snop  }
0x36: {  	[tilespmem:s28], [sflag:$0x2] =	stream.indirect.gather [hbm4b:s7+s18], $0x80, s24, s18, $0xb8;
	[tilespmem:$0x15300] =	vst v63  }
0x37: {  	_ = 	snop  }
0x38: {  	[tilespmem:s29], [sflag:$0x2] =	stream.indirect.gather [hbm4b:s9+s18], $0x40, s25, s18, $0xb8;
	[tilespmem:$0x15300] =	vst v63  }
0x39: {  	_ =	swait.ge [sflag:s30], $0x2000  }
0x3a: {  	[sflag:s30] =	ssyncset.done $0x0  }
0x3b: {  	[sflag:s30] =	ssyncadd.s32 $0xFFFFE000  }
0x3c: {  	_ =	swait.ge [sflag:s30], $0x4000  }
0x3d: {  	[sflag:s30] =	ssyncset.done $0x0  }
0x3e: {  	[sflag:s30] =	ssyncadd.s32 $0xFFFFC000  }
0x3f: {  	_ =	swait.ge [sflag:s30], $0x2000  }
0x40: {  	[sflag:s30] =	ssyncset.done $0x0  }
0x41: {  	s22 =	simm.s32 $0x2280;
	s16 =	simm.s32 $0xA1A0;
	[sflag:s30] =	ssyncadd.s32 $0xFFFFE000  }
.LBB2_3:
0x42: {  	v2 =	vld [tilespmem:s22+$0xFFFFFF00]  }
0x43: {  	v5 =	vld [tilespmem:s22+$0xFFFFFF10]  }
0x44: {  	v8 =	vld [tilespmem:s22+$0xFFFFFF20]  }
0x45: {  	s26 =	sshra.s32 s14, $0x2;
	v10 =	vld [tilespmem:s22+$0xFFFFFF30]  }
0x46: {  	v3 =	vld [tilespmem:s26+$0x6180]  }
0x47: {  	v1 =	vld [tilespmem:s26+$0x180]  }
0x48: {  	v6 =	vld [tilespmem:s26+$0x6190]  }
0x49: {  	v4 =	vld [tilespmem:s26+$0x190]  }
0x4a: {  	v9 =	vld [tilespmem:s26+$0x61A0]  }
0x4b: {  	v7 =	vld [tilespmem:s26+$0x1A0];
	v2 =	vadd.f32 v3, v2  }
0x4c: {  	v11 =	vld [tilespmem:s26+$0x61B0]  }
0x4d: {  	v1 =	vmul.f32 v2, v1;
	v2 =	vadd.f32 v6, v5  }
0x4e: {  	v28 =	vld [tilespmem:s26+$0x1B0]  }
0x4f: {  	v29 =	vadd.f32 v9, v8;
	v1 =	vadd.f32 $0.0e+00, v1;
	v2 =	vmul.f32 v2, v4;
	_ =	sdelay $0x1  }
0x50: {  	v30 =	vadd.f32 v11, v10;
	v1 =	vadd.f32 v2, v1;
	v2 =	vmul.f32 v29, v7;
	_ =	sdelay $0x1  }
0x51: {  	v1 =	vadd.f32 v2, v1;
	v2 =	vmul.f32 v30, v28;
	_ =	sdelay $0x1  }
0x52: {  	v1 =	vadd.f32 v2, v1;
	_ =	sdelay $0x1  }
0x53: {  	v1 =	vmul.f32 $1.250000000e-01, v1;
	_ =	sdelay $0x1  }
0x54: {  	(xrf2) =	vadd.scan.msk.f32 $0xffff, v1;
	_ =	sdelay $0x9  }
0x55: {  	v1, _, _ =	vpop (xrf2)  }
0x56: {  	v1 =	vmul.f32 $1.442695020e+00, v1;
	_ =	sdelay $0x1  }
0x57: {  	v1 =	vbroadcast v1, $0xF;
	_ =	sdelay $0x1  }
0x58: {  	(erf) = vpow2.f32 v1;
	_ =	sdelay $0x2  }
0x59: {  	v1 =	vld [tilespmem:s22+$0xFFFFFF40];
	_ =	sdelay $0x4  }
0x5a: {  	v1 =	vadd.f32 v1, v3  }
0x5b: {  	v2 =	vpop (erf)  }
0x5c: {  	v1 =	vmul.f32 v2, v1;
	_ =	sdelay $0x1  }
0x5d: {  	[tilespmem:s26+$0x8180] =	vst v1  }
0x5e: {  	v1 =	vld [tilespmem:s22+$0xFFFFFF50];
	_ =	sdelay $0x4  }
0x5f: {  	v1 =	vadd.f32 v6, v1;
	_ =	sdelay $0x1  }
0x60: {  	v1 =	vmul.f32 v2, v1;
	_ =	sdelay $0x1  }
0x61: {  	[tilespmem:s26+$0x8190] =	vst v1  }
0x62: {  	v1 =	vld [tilespmem:s22+$0xFFFFFF60];
	_ =	sdelay $0x4  }
0x63: {  	v1 =	vadd.f32 v9, v1;
	_ =	sdelay $0x1  }
0x64: {  	v1 =	vmul.f32 v2, v1;
	_ =	sdelay $0x1  }
0x65: {  	[tilespmem:s26+$0x81A0] =	vst v1  }
0x66: {  	v1 =	vld [tilespmem:s22+$0xFFFFFF70];
	_ =	sdelay $0x4  }
0x67: {  	v1 =	vadd.f32 v11, v1;
	_ =	sdelay $0x1  }
0x68: {  	v1 =	vmul.f32 v1, v2  }
0x69: {  	v2 =	vmul.f32 v0, v2  }
0x6a: {  	[tilespmem:s26+$0x81B0] =	vst v1  }
0x6b: {  	[tilespmem:s16+$0xFFFFFFE0] =	vst v2  }
0x6c: {  	v1 =	vld [tilespmem:s26+$0x1C0]  }
0x6d: {  	v2 =	vld [tilespmem:s22+$0xFFFFFF80]  }
0x6e: {  	v3 =	vld [tilespmem:s26+$0x61C0]  }
0x6f: {  	v31 =	vld [tilespmem:s26+$0x1D0]  }
0x70: {  	v32 =	vld [tilespmem:s22+$0xFFFFFF90]  }
0x71: {  	v33 =	vld [tilespmem:s26+$0x61D0]  }
0x72: {  	v34 =	vld [tilespmem:s26+$0x1E0]  }
0x73: {  	v35 =	vld [tilespmem:s22+$0xFFFFFFA0]  }
0x74: {  	v36 =	vld [tilespmem:s26+$0x61E0]  }
0x75: {  	v37 =	vld [tilespmem:s22+$0xFFFFFFB0];
	v2 =	vadd.f32 v3, v2  }
0x76: {  	v38 =	vld [tilespmem:s26+$0x61F0]  }
0x77: {  	v1 =	vmul.f32 v2, v1;
	v2 =	vadd.f32 v33, v32  }
0x78: {  	v39 =	vld [tilespmem:s26+$0x1F0]  }
0x79: {  	v40 =	vadd.f32 v36, v35;
	v1 =	vadd.f32 $0.0e+00, v1;
	v2 =	vmul.f32 v2, v31;
	_ =	sdelay $0x1  }
0x7a: {  	v41 =	vadd.f32 v38, v37;
	v1 =	vadd.f32 v2, v1;
	v2 =	vmul.f32 v40, v34;
	_ =	sdelay $0x1  }
0x7b: {  	v1 =	vadd.f32 v2, v1;
	v2 =	vmul.f32 v41, v39;
	_ =	sdelay $0x1  }
0x7c: {  	v1 =	vadd.f32 v2, v1;
	_ =	sdelay $0x1  }
0x7d: {  	v1 =	vmul.f32 $1.250000000e-01, v1;
	_ =	sdelay $0x1  }
0x7e: {  	(xrf2) =	vadd.scan.msk.f32 $0xffff, v1;
	_ =	sdelay $0x9  }
0x7f: {  	v1, _, _ =	vpop (xrf2)  }
0x80: {  	v1 =	vmul.f32 $1.442695020e+00, v1;
	_ =	sdelay $0x1  }
0x81: {  	v1 =	vbroadcast v1, $0xF;
	_ =	sdelay $0x1  }
0x82: {  	(erf) = vpow2.f32 v1;
	_ =	sdelay $0x2  }
0x83: {  	v1 =	vld [tilespmem:s22+$0xFFFFFFC0];
	_ =	sdelay $0x4  }
0x84: {  	v1 =	vadd.f32 v1, v3  }
0x85: {  	v2 =	vpop (erf)  }
0x86: {  	v1 =	vmul.f32 v2, v1;
	_ =	sdelay $0x1  }
0x87: {  	[tilespmem:s26+$0x81C0] =	vst v1  }
0x88: {  	v1 =	vld [tilespmem:s22+$0xFFFFFFD0];
	_ =	sdelay $0x4  }
0x89: {  	v1 =	vadd.f32 v33, v1;
	_ =	sdelay $0x1  }
0x8a: {  	v1 =	vmul.f32 v2, v1;
	_ =	sdelay $0x1  }
0x8b: {  	[tilespmem:s26+$0x81D0] =	vst v1  }
0x8c: {  	v1 =	vld [tilespmem:s22+$0xFFFFFFE0];
	_ =	sdelay $0x4  }
0x8d: {  	v1 =	vadd.f32 v36, v1;
	_ =	sdelay $0x1  }
0x8e: {  	v1 =	vmul.f32 v2, v1;
	_ =	sdelay $0x1  }
0x8f: {  	[tilespmem:s26+$0x81E0] =	vst v1  }
0x90: {  	v1 =	vld [tilespmem:s22+$0xFFFFFFF0];
	_ =	sdelay $0x4  }
0x91: {  	v1 =	vadd.f32 v38, v1;
	_ =	sdelay $0x1  }
0x92: {  	v1 =	vmul.f32 v1, v2  }
0x93: {  	v2 =	vmul.f32 v0, v2  }
0x94: {  	[tilespmem:s26+$0x81F0] =	vst v1  }
0x95: {  	[tilespmem:s16+$0xFFFFFFF0] =	vst v2  }
0x96: {  	v1 =	vld [tilespmem:s26+$0x200]  }
0x97: {  	v2 =	vld [tilespmem:s22+$0x0]  }
0x98: {  	v3 =	vld [tilespmem:s26+$0x6200]  }
0x99: {  	v42 =	vld [tilespmem:s26+$0x210]  }
0x9a: {  	v43 =	vld [tilespmem:s22+$0x10]  }
0x9b: {  	v44 =	vld [tilespmem:s26+$0x6210]  }
0x9c: {  	v45 =	vld [tilespmem:s26+$0x220]  }
0x9d: {  	v46 =	vld [tilespmem:s22+$0x20]  }
0x9e: {  	v47 =	vld [tilespmem:s26+$0x6220]  }
0x9f: {  	v48 =	vld [tilespmem:s22+$0x30];
	v2 =	vadd.f32 v3, v2  }
0xa0: {  	v49 =	vld [tilespmem:s26+$0x6230]  }
0xa1: {  	v1 =	vmul.f32 v2, v1;
	v2 =	vadd.f32 v44, v43  }
0xa2: {  	v50 =	vld [tilespmem:s26+$0x230]  }
0xa3: {  	v51 =	vadd.f32 v47, v46;
	v1 =	vadd.f32 $0.0e+00, v1;
	v2 =	vmul.f32 v2, v42;
	_ =	sdelay $0x1  }
0xa4: {  	v52 =	vadd.f32 v49, v48;
	v1 =	vadd.f32 v2, v1;
	v2 =	vmul.f32 v51, v45;
	_ =	sdelay $0x1  }
0xa5: {  	v1 =	vadd.f32 v2, v1;
	v2 =	vmul.f32 v52, v50;
	_ =	sdelay $0x1  }
0xa6: {  	v1 =	vadd.f32 v2, v1;
	_ =	sdelay $0x1  }
0xa7: {  	v1 =	vmul.f32 $1.250000000e-01, v1;
	_ =	sdelay $0x1  }
0xa8: {  	(xrf2) =	vadd.scan.msk.f32 $0xffff, v1;
	_ =	sdelay $0x9  }
0xa9: {  	v1, _, _ =	vpop (xrf2)  }
0xaa: {  	v1 =	vmul.f32 $1.442695020e+00, v1;
	_ =	sdelay $0x1  }
0xab: {  	v1 =	vbroadcast v1, $0xF;
	_ =	sdelay $0x1  }
0xac: {  	(erf) = vpow2.f32 v1;
	_ =	sdelay $0x2  }
0xad: {  	v1 =	vld [tilespmem:s22+$0x40];
	_ =	sdelay $0x4  }
0xae: {  	v1 =	vadd.f32 v1, v3  }
0xaf: {  	v2 =	vpop (erf)  }
0xb0: {  	v1 =	vmul.f32 v2, v1;
	_ =	sdelay $0x1  }
0xb1: {  	[tilespmem:s26+$0x8200] =	vst v1  }
0xb2: {  	v1 =	vld [tilespmem:s22+$0x50];
	_ =	sdelay $0x4  }
0xb3: {  	v1 =	vadd.f32 v44, v1;
	_ =	sdelay $0x1  }
0xb4: {  	v1 =	vmul.f32 v2, v1;
	_ =	sdelay $0x1  }
0xb5: {  	[tilespmem:s26+$0x8210] =	vst v1  }
0xb6: {  	v1 =	vld [tilespmem:s22+$0x60];
	_ =	sdelay $0x4  }
0xb7: {  	v1 =	vadd.f32 v47, v1;
	_ =	sdelay $0x1  }
0xb8: {  	v1 =	vmul.f32 v2, v1;
	_ =	sdelay $0x1  }
0xb9: {  	[tilespmem:s26+$0x8220] =	vst v1  }
0xba: {  	v1 =	vld [tilespmem:s22+$0x70];
	_ =	sdelay $0x4  }
0xbb: {  	v1 =	vadd.f32 v49, v1;
	_ =	sdelay $0x1  }
0xbc: {  	v1 =	vmul.f32 v1, v2  }
0xbd: {  	v2 =	vmul.f32 v0, v2  }
0xbe: {  	[tilespmem:s26+$0x8230] =	vst v1  }
0xbf: {  	[tilespmem:s16+$0x0] =	vst v2  }
0xc0: {  	v1 =	vld [tilespmem:s26+$0x240]  }
0xc1: {  	v2 =	vld [tilespmem:s22+$0x80]  }
0xc2: {  	v3 =	vld [tilespmem:s26+$0x6240]  }
0xc3: {  	v53 =	vld [tilespmem:s26+$0x250]  }
0xc4: {  	v54 =	vld [tilespmem:s22+$0x90]  }
0xc5: {  	v55 =	vld [tilespmem:s26+$0x6250]  }
0xc6: {  	v56 =	vld [tilespmem:s26+$0x260]  }
0xc7: {  	v57 =	vld [tilespmem:s22+$0xA0]  }
0xc8: {  	v58 =	vld [tilespmem:s26+$0x6260]  }
0xc9: {  	v59 =	vld [tilespmem:s22+$0xB0];
	v2 =	vadd.f32 v3, v2  }
0xca: {  	v60 =	vld [tilespmem:s26+$0x6270]  }
0xcb: {  	v1 =	vmul.f32 v2, v1;
	v2 =	vadd.f32 v55, v54  }
0xcc: {  	v61 =	vld [tilespmem:s26+$0x270]  }
0xcd: {  	v62 =	vadd.f32 v58, v57;
	v2 =	vmul.f32 v2, v53;
	v1 =	vadd.f32 $0.0e+00, v1;
	_ =	sdelay $0x1  }
0xce: {  	v63 =	vadd.f32 v60, v59;
	v1 =	vadd.f32 v2, v1;
	v2 =	vmul.f32 v62, v56;
	_ =	sdelay $0x1  }
0xcf: {  	v1 =	vadd.f32 v2, v1;
	v2 =	vmul.f32 v63, v61;
	_ =	sdelay $0x1  }
0xd0: {  	v1 =	vadd.f32 v2, v1;
	_ =	sdelay $0x1  }
0xd1: {  	v1 =	vmul.f32 $1.250000000e-01, v1;
	_ =	sdelay $0x1  }
0xd2: {  	(xrf2) =	vadd.scan.msk.f32 $0xffff, v1;
	_ =	sdelay $0x9  }
0xd3: {  	v1, _, _ =	vpop (xrf2)  }
0xd4: {  	v1 =	vmul.f32 $1.442695020e+00, v1;
	_ =	sdelay $0x1  }
0xd5: {  	v1 =	vbroadcast v1, $0xF;
	_ =	sdelay $0x1  }
0xd6: {  	(erf) = vpow2.f32 v1;
	_ =	sdelay $0x2  }
0xd7: {  	v1 =	vld [tilespmem:s22+$0xC0];
	_ =	sdelay $0x4  }
0xd8: {  	v1 =	vadd.f32 v1, v3  }
0xd9: {  	v2 =	vpop (erf)  }
0xda: {  	v1 =	vmul.f32 v2, v1;
	_ =	sdelay $0x1  }
0xdb: {  	[tilespmem:s26+$0x8240] =	vst v1  }
0xdc: {  	v1 =	vld [tilespmem:s22+$0xD0];
	_ =	sdelay $0x4  }
0xdd: {  	v1 =	vadd.f32 v55, v1;
	_ =	sdelay $0x1  }
0xde: {  	v1 =	vmul.f32 v2, v1;
	_ =	sdelay $0x1  }
0xdf: {  	[tilespmem:s26+$0x8250] =	vst v1  }
0xe0: {  	v1 =	vld [tilespmem:s22+$0xE0];
	_ =	sdelay $0x4  }
0xe1: {  	v1 =	vadd.f32 v58, v1;
	_ =	sdelay $0x1  }
0xe2: {  	v1 =	vmul.f32 v2, v1;
	_ =	sdelay $0x1  }
0xe3: {  	[tilespmem:s26+$0x8260] =	vst v1  }
0xe4: {  	v1 =	vld [tilespmem:s22+$0xF0];
	_ =	sdelay $0x4  }
0xe5: {  	p0 =	sne.s32 s14, $0x7C00;
	v1 =	vadd.f32 v60, v1  }
.Ltmp0:
0xe6: {  	_ = 	snop;
	(pc) =	sbr.rel @p0 .LBB2_3-.Ltmp0, $4  }
0xe7: {  	v1 =	vmul.f32 v1, v2  }
0xe8: {  	v2 =	vmul.f32 v0, v2  }
0xe9: {  	[tilespmem:s26+$0x8270] =	vst v1  }
0xea: {  	s14 =	sadd.s32 $0x400, s14;
	s22 =	sadd.s32 $0x200, s22;
	[tilespmem:s16+$0x10] =	vst v2;
	s16 =	sadd.s32 $0x40, s16  }
0xeb: {  	s14 =	sadd.s32 s8, s13  }
0xec: {  	s16 =	sshll.u32 s14, $0x3  }
0xed: {  	s16 =	sadd.s32 s10, s16  }
0xee: {  	[hbm4b:s16+s1] =	stream.linear.scatter [tilespmem:s31], [sflag:$0x3], $0x2000, $0x38;
	[tilespmem:$0x15300] =	vst v63  }
0xef: {  	_ =	swait.ge [sflag:s17], $0x2000  }
0xf0: {  	s14 =	sshll.u32 s14, $0x1;
	[sflag:s17] =	ssyncset.done $0x0  }
0xf1: {  	p0 =	seq.s32 s19, $0x61;
	s14 =	sadd.s32 s11, s14;
	[sflag:s17] =	ssyncadd.s32 $0xFFFFE000  }
0xf2: {  	[hbm4b:s14+s1] =	stream.linear.scatter [tilespmem:s0], [sflag:$0x3], $0x800, $0x38;
	[tilespmem:$0x15300] =	vst v63  }
0xf3: {  	s13 =	sadd.s32 @!p0 s13, s15;
	_ =	swait.ge [sflag:s17], $0x800  }
0xf4: {  	s13 =	sshrl.u32 @!p0 s13, $0x3;
	[sflag:s17] =	ssyncset.done $0x0  }
0xf5: {  	s16 =	simm.s32 @!p0 $0x0;
	s14 =	sadd.s32 @!p0 s3, s13;
	[sflag:s17] =	ssyncadd.s32 $0xFFFFF800  }
0xf6: {  	[tilespmem:s16], [sflag:$0x3] =	stream.linear.gather @!p0 [hbm4b:s14+s16], $0x80, $0x38;
	[tilespmem:$0x15300] =	vst v63  }
0xf7: {  	s14 =	simm.s32 @!p0 $0x3  }
0xf8: {  	_ =	swait.ge @!p0 [sflag:s14], $0x80  }
0xf9: {  	[sflag:s14] =	ssyncset.done @!p0 $0x0  }
0xfa: {  	s26 =	simm.s32 @!p0 $0x80;
	s22 =	sadd.s32 @!p0 s4, s13;
	[sflag:s14] =	ssyncadd.s32 @!p0 $0xFFFFFF80  }
0xfb: {  	[tilespmem:s26], [sflag:$0x3] =	stream.linear.gather @!p0 [hbm4b:s22+s16], $0x80, $0x38;
	[tilespmem:$0x15300] =	vst v63  }
0xfc: {  	_ =	swait.ge @!p0 [sflag:s14], $0x80  }
0xfd: {  	[sflag:s14] =	ssyncset.done @!p0 $0x0  }
0xfe: {  	s13 =	sadd.s32 @!p0 s5, s13;
	s22 =	simm.s32 @!p0 $0x100;
	[sflag:s14] =	ssyncadd.s32 @!p0 $0xFFFFFF80  }
0xff: {  	[tilespmem:s22], [sflag:$0x3] =	stream.linear.gather @!p0 [hbm4b:s13+s16], $0x80, $0x38;
	[tilespmem:$0x15300] =	vst v63  }
0x100: {  	_ =	swait.ge @!p0 [sflag:s14], $0x80  }
0x101: {  	[sflag:s14] =	ssyncset.done @!p0 $0x0  }
0x102: {  	s13 =	simm.s32 @!p0 $0x180;
	[sflag:s14] =	ssyncadd.s32 @!p0 $0xFFFFFF80  }
0x103: {  	[tilespmem:s13], [sflag:$0x1] =	stream.indirect.gather @!p0 [hbm4b:s6+s26], $0x40, s16, s26, $0xb8;
	[tilespmem:$0x15300] =	vst v63  }
0x104: {  	s13 =	simm.s32 @!p0 $0x2180  }
0x105: {  	[tilespmem:s13], [sflag:$0x1] =	stream.indirect.gather @!p0 [hbm4b:s7+s26], $0x80, s26, s26, $0xb8;
	[tilespmem:$0x15300] =	vst v63  }
0x106: {  	s13 =	simm.s32 @!p0 $0x6180  }
0x107: {  	[tilespmem:s13], [sflag:$0x1] =	stream.indirect.gather @!p0 [hbm4b:s9+s26], $0x40, s22, s26, $0xb8;
	[tilespmem:$0x15300] =	vst v63  }
0x108: {  	_ =	swait.ge [sflag:s2], $0x2000  }
0x109: {  	[sflag:s2] =	ssyncset.done $0x0  }
0x10a: {  	[sflag:s2] =	ssyncadd.s32 $0xFFFFE000  }
0x10b: {  	_ =	swait.ge [sflag:s2], $0x4000  }
0x10c: {  	[sflag:s2] =	ssyncset.done $0x0  }
0x10d: {  	[sflag:s2] =	ssyncadd.s32 $0xFFFFC000  }
0x10e: {  	_ =	swait.ge [sflag:s2], $0x2000  }
0x10f: {  	s14 =	simm.s32 $0x14B20;
	[sflag:s2] =	ssyncset.done $0x0  }
0x110: {  	s16 =	simm.s32 $0xCC00;
	s13 =	simm.s32 $0x0;
	[sflag:s2] =	ssyncadd.s32 $0xFFFFE000  }
.LBB2_5:
0x111: {  	v2 =	vld [tilespmem:s16+$0xFFFFFF00]  }
0x112: {  	v5 =	vld [tilespmem:s16+$0xFFFFFF10]  }
0x113: {  	v8 =	vld [tilespmem:s16+$0xFFFFFF20]  }
0x114: {  	s22 =	sshra.s32 s13, $0x2;
	v10 =	vld [tilespmem:s16+$0xFFFFFF30]  }
0x115: {  	v3 =	vld [tilespmem:s22+$0x10B00]  }
0x116: {  	v1 =	vld [tilespmem:s22+$0xAB00]  }
0x117: {  	v6 =	vld [tilespmem:s22+$0x10B10]  }
0x118: {  	v4 =	vld [tilespmem:s22+$0xAB10]  }
0x119: {  	v9 =	vld [tilespmem:s22+$0x10B20]  }
0x11a: {  	v7 =	vld [tilespmem:s22+$0xAB20];
	v2 =	vadd.f32 v3, v2  }
0x11b: {  	v11 =	vld [tilespmem:s22+$0x10B30]  }
0x11c: {  	v1 =	vmul.f32 v2, v1;
	v2 =	vadd.f32 v6, v5  }
0x11d: {  	v28 =	vld [tilespmem:s22+$0xAB30]  }
0x11e: {  	v29 =	vadd.f32 v9, v8;
	v1 =	vadd.f32 $0.0e+00, v1;
	v2 =	vmul.f32 v2, v4;
	_ =	sdelay $0x1  }
0x11f: {  	v30 =	vadd.f32 v11, v10;
	v1 =	vadd.f32 v2, v1;
	v2 =	vmul.f32 v29, v7;
	_ =	sdelay $0x1  }
0x120: {  	v1 =	vadd.f32 v2, v1;
	v2 =	vmul.f32 v30, v28;
	_ =	sdelay $0x1  }
0x121: {  	v1 =	vadd.f32 v2, v1;
	_ =	sdelay $0x1  }
0x122: {  	v1 =	vmul.f32 $1.250000000e-01, v1;
	_ =	sdelay $0x1  }
0x123: {  	(xrf2) =	vadd.scan.msk.f32 $0xffff, v1;
	_ =	sdelay $0x9  }
0x124: {  	v1, _, _ =	vpop (xrf2)  }
0x125: {  	v1 =	vmul.f32 $1.442695020e+00, v1;
	_ =	sdelay $0x1  }
0x126: {  	v1 =	vbroadcast v1, $0xF;
	_ =	sdelay $0x1  }
0x127: {  	(erf) = vpow2.f32 v1;
	_ =	sdelay $0x2  }
0x128: {  	v1 =	vld [tilespmem:s16+$0xFFFFFF40];
	_ =	sdelay $0x4  }
0x129: {  	v1 =	vadd.f32 v1, v3  }
0x12a: {  	v2 =	vpop (erf)  }
0x12b: {  	v1 =	vmul.f32 v2, v1;
	_ =	sdelay $0x1  }
0x12c: {  	[tilespmem:s22+$0x12B00] =	vst v1  }
0x12d: {  	v1 =	vld [tilespmem:s16+$0xFFFFFF50];
	_ =	sdelay $0x4  }
0x12e: {  	v1 =	vadd.f32 v6, v1;
	_ =	sdelay $0x1  }
0x12f: {  	v1 =	vmul.f32 v2, v1;
	_ =	sdelay $0x1  }
0x130: {  	[tilespmem:s22+$0x12B10] =	vst v1  }
0x131: {  	v1 =	vld [tilespmem:s16+$0xFFFFFF60];
	_ =	sdelay $0x4  }
0x132: {  	v1 =	vadd.f32 v9, v1;
	_ =	sdelay $0x1  }
0x133: {  	v1 =	vmul.f32 v2, v1;
	_ =	sdelay $0x1  }
0x134: {  	[tilespmem:s22+$0x12B20] =	vst v1  }
0x135: {  	v1 =	vld [tilespmem:s16+$0xFFFFFF70];
	_ =	sdelay $0x4  }
0x136: {  	v1 =	vadd.f32 v11, v1;
	_ =	sdelay $0x1  }
0x137: {  	v1 =	vmul.f32 v1, v2  }
0x138: {  	v2 =	vmul.f32 v0, v2  }
0x139: {  	[tilespmem:s22+$0x12B30] =	vst v1  }
0x13a: {  	[tilespmem:s14+$0xFFFFFFE0] =	vst v2  }
0x13b: {  	v1 =	vld [tilespmem:s22+$0xAB40]  }
0x13c: {  	v2 =	vld [tilespmem:s16+$0xFFFFFF80]  }
0x13d: {  	v3 =	vld [tilespmem:s22+$0x10B40]  }
0x13e: {  	v31 =	vld [tilespmem:s22+$0xAB50]  }
0x13f: {  	v32 =	vld [tilespmem:s16+$0xFFFFFF90]  }
0x140: {  	v33 =	vld [tilespmem:s22+$0x10B50]  }
0x141: {  	v34 =	vld [tilespmem:s22+$0xAB60]  }
0x142: {  	v35 =	vld [tilespmem:s16+$0xFFFFFFA0]  }
0x143: {  	v36 =	vld [tilespmem:s22+$0x10B60]  }
0x144: {  	v37 =	vld [tilespmem:s16+$0xFFFFFFB0];
	v2 =	vadd.f32 v3, v2  }
0x145: {  	v38 =	vld [tilespmem:s22+$0x10B70]  }
0x146: {  	v1 =	vmul.f32 v2, v1;
	v2 =	vadd.f32 v33, v32  }
0x147: {  	v39 =	vld [tilespmem:s22+$0xAB70]  }
0x148: {  	v40 =	vadd.f32 v36, v35;
	v1 =	vadd.f32 $0.0e+00, v1;
	v2 =	vmul.f32 v2, v31;
	_ =	sdelay $0x1  }
0x149: {  	v41 =	vadd.f32 v38, v37;
	v1 =	vadd.f32 v2, v1;
	v2 =	vmul.f32 v40, v34;
	_ =	sdelay $0x1  }
0x14a: {  	v1 =	vadd.f32 v2, v1;
	v2 =	vmul.f32 v41, v39;
	_ =	sdelay $0x1  }
0x14b: {  	v1 =	vadd.f32 v2, v1;
	_ =	sdelay $0x1  }
0x14c: {  	v1 =	vmul.f32 $1.250000000e-01, v1;
	_ =	sdelay $0x1  }
0x14d: {  	(xrf2) =	vadd.scan.msk.f32 $0xffff, v1;
	_ =	sdelay $0x9  }
0x14e: {  	v1, _, _ =	vpop (xrf2)  }
0x14f: {  	v1 =	vmul.f32 $1.442695020e+00, v1;
	_ =	sdelay $0x1  }
0x150: {  	v1 =	vbroadcast v1, $0xF;
	_ =	sdelay $0x1  }
0x151: {  	(erf) = vpow2.f32 v1;
	_ =	sdelay $0x2  }
0x152: {  	v1 =	vld [tilespmem:s16+$0xFFFFFFC0];
	_ =	sdelay $0x4  }
0x153: {  	v1 =	vadd.f32 v1, v3  }
0x154: {  	v2 =	vpop (erf)  }
0x155: {  	v1 =	vmul.f32 v2, v1;
	_ =	sdelay $0x1  }
0x156: {  	[tilespmem:s22+$0x12B40] =	vst v1  }
0x157: {  	v1 =	vld [tilespmem:s16+$0xFFFFFFD0];
	_ =	sdelay $0x4  }
0x158: {  	v1 =	vadd.f32 v33, v1;
	_ =	sdelay $0x1  }
0x159: {  	v1 =	vmul.f32 v2, v1;
	_ =	sdelay $0x1  }
0x15a: {  	[tilespmem:s22+$0x12B50] =	vst v1  }
0x15b: {  	v1 =	vld [tilespmem:s16+$0xFFFFFFE0];
	_ =	sdelay $0x4  }
0x15c: {  	v1 =	vadd.f32 v36, v1;
	_ =	sdelay $0x1  }
0x15d: {  	v1 =	vmul.f32 v2, v1;
	_ =	sdelay $0x1  }
0x15e: {  	[tilespmem:s22+$0x12B60] =	vst v1  }
0x15f: {  	v1 =	vld [tilespmem:s16+$0xFFFFFFF0];
	_ =	sdelay $0x4  }
0x160: {  	v1 =	vadd.f32 v38, v1;
	_ =	sdelay $0x1  }
0x161: {  	v1 =	vmul.f32 v1, v2  }
0x162: {  	v2 =	vmul.f32 v0, v2  }
0x163: {  	[tilespmem:s22+$0x12B70] =	vst v1  }
0x164: {  	[tilespmem:s14+$0xFFFFFFF0] =	vst v2  }
0x165: {  	v1 =	vld [tilespmem:s22+$0xAB80]  }
0x166: {  	v2 =	vld [tilespmem:s16+$0x0]  }
0x167: {  	v3 =	vld [tilespmem:s22+$0x10B80]  }
0x168: {  	v42 =	vld [tilespmem:s22+$0xAB90]  }
0x169: {  	v43 =	vld [tilespmem:s16+$0x10]  }
0x16a: {  	v44 =	vld [tilespmem:s22+$0x10B90]  }
0x16b: {  	v45 =	vld [tilespmem:s22+$0xABA0]  }
0x16c: {  	v46 =	vld [tilespmem:s16+$0x20]  }
0x16d: {  	v47 =	vld [tilespmem:s22+$0x10BA0]  }
0x16e: {  	v48 =	vld [tilespmem:s16+$0x30];
	v2 =	vadd.f32 v3, v2  }
0x16f: {  	v49 =	vld [tilespmem:s22+$0x10BB0]  }
0x170: {  	v1 =	vmul.f32 v2, v1;
	v2 =	vadd.f32 v44, v43  }
0x171: {  	v50 =	vld [tilespmem:s22+$0xABB0]  }
0x172: {  	v51 =	vadd.f32 v47, v46;
	v1 =	vadd.f32 $0.0e+00, v1;
	v2 =	vmul.f32 v2, v42;
	_ =	sdelay $0x1  }
0x173: {  	v52 =	vadd.f32 v49, v48;
	v1 =	vadd.f32 v2, v1;
	v2 =	vmul.f32 v51, v45;
	_ =	sdelay $0x1  }
0x174: {  	v1 =	vadd.f32 v2, v1;
	v2 =	vmul.f32 v52, v50;
	_ =	sdelay $0x1  }
0x175: {  	v1 =	vadd.f32 v2, v1;
	_ =	sdelay $0x1  }
0x176: {  	v1 =	vmul.f32 $1.250000000e-01, v1;
	_ =	sdelay $0x1  }
0x177: {  	(xrf2) =	vadd.scan.msk.f32 $0xffff, v1;
	_ =	sdelay $0x9  }
0x178: {  	v1, _, _ =	vpop (xrf2)  }
0x179: {  	v1 =	vmul.f32 $1.442695020e+00, v1;
	_ =	sdelay $0x1  }
0x17a: {  	v1 =	vbroadcast v1, $0xF;
	_ =	sdelay $0x1  }
0x17b: {  	(erf) = vpow2.f32 v1;
	_ =	sdelay $0x2  }
0x17c: {  	v1 =	vld [tilespmem:s16+$0x40];
	_ =	sdelay $0x4  }
0x17d: {  	v1 =	vadd.f32 v1, v3  }
0x17e: {  	v2 =	vpop (erf)  }
0x17f: {  	v1 =	vmul.f32 v2, v1;
	_ =	sdelay $0x1  }
0x180: {  	[tilespmem:s22+$0x12B80] =	vst v1  }
0x181: {  	v1 =	vld [tilespmem:s16+$0x50];
	_ =	sdelay $0x4  }
0x182: {  	v1 =	vadd.f32 v44, v1;
	_ =	sdelay $0x1  }
0x183: {  	v1 =	vmul.f32 v2, v1;
	_ =	sdelay $0x1  }
0x184: {  	[tilespmem:s22+$0x12B90] =	vst v1  }
0x185: {  	v1 =	vld [tilespmem:s16+$0x60];
	_ =	sdelay $0x4  }
0x186: {  	v1 =	vadd.f32 v47, v1;
	_ =	sdelay $0x1  }
0x187: {  	v1 =	vmul.f32 v2, v1;
	_ =	sdelay $0x1  }
0x188: {  	[tilespmem:s22+$0x12BA0] =	vst v1  }
0x189: {  	v1 =	vld [tilespmem:s16+$0x70];
	_ =	sdelay $0x4  }
0x18a: {  	v1 =	vadd.f32 v49, v1;
	_ =	sdelay $0x1  }
0x18b: {  	v1 =	vmul.f32 v1, v2  }
0x18c: {  	v2 =	vmul.f32 v0, v2  }
0x18d: {  	[tilespmem:s22+$0x12BB0] =	vst v1  }
0x18e: {  	[tilespmem:s14+$0x0] =	vst v2  }
0x18f: {  	v1 =	vld [tilespmem:s22+$0xABC0]  }
0x190: {  	v2 =	vld [tilespmem:s16+$0x80]  }
0x191: {  	v3 =	vld [tilespmem:s22+$0x10BC0]  }
0x192: {  	v53 =	vld [tilespmem:s22+$0xABD0]  }
0x193: {  	v54 =	vld [tilespmem:s16+$0x90]  }
0x194: {  	v55 =	vld [tilespmem:s22+$0x10BD0]  }
0x195: {  	v56 =	vld [tilespmem:s22+$0xABE0]  }
0x196: {  	v57 =	vld [tilespmem:s16+$0xA0]  }
0x197: {  	v58 =	vld [tilespmem:s22+$0x10BE0]  }
0x198: {  	v59 =	vld [tilespmem:s16+$0xB0];
	v2 =	vadd.f32 v3, v2  }
0x199: {  	v60 =	vld [tilespmem:s22+$0x10BF0]  }
0x19a: {  	v1 =	vmul.f32 v2, v1;
	v2 =	vadd.f32 v55, v54  }
0x19b: {  	v61 =	vld [tilespmem:s22+$0xABF0]  }
0x19c: {  	v62 =	vadd.f32 v58, v57;
	v2 =	vmul.f32 v2, v53;
	v1 =	vadd.f32 $0.0e+00, v1;
	_ =	sdelay $0x1  }
0x19d: {  	v63 =	vadd.f32 v60, v59;
	v1 =	vadd.f32 v2, v1;
	v2 =	vmul.f32 v62, v56;
	_ =	sdelay $0x1  }
0x19e: {  	v1 =	vadd.f32 v2, v1;
	v2 =	vmul.f32 v63, v61;
	_ =	sdelay $0x1  }
0x19f: {  	v1 =	vadd.f32 v2, v1;
	_ =	sdelay $0x1  }
0x1a0: {  	v1 =	vmul.f32 $1.250000000e-01, v1;
	_ =	sdelay $0x1  }
0x1a1: {  	(xrf2) =	vadd.scan.msk.f32 $0xffff, v1;
	_ =	sdelay $0x9  }
0x1a2: {  	v1, _, _ =	vpop (xrf2)  }
0x1a3: {  	v1 =	vmul.f32 $1.442695020e+00, v1;
	_ =	sdelay $0x1  }
0x1a4: {  	v1 =	vbroadcast v1, $0xF;
	_ =	sdelay $0x1  }
0x1a5: {  	(erf) = vpow2.f32 v1;
	_ =	sdelay $0x2  }
0x1a6: {  	v1 =	vld [tilespmem:s16+$0xC0];
	_ =	sdelay $0x4  }
0x1a7: {  	v1 =	vadd.f32 v1, v3  }
0x1a8: {  	v2 =	vpop (erf)  }
0x1a9: {  	v1 =	vmul.f32 v2, v1;
	_ =	sdelay $0x1  }
0x1aa: {  	[tilespmem:s22+$0x12BC0] =	vst v1  }
0x1ab: {  	v1 =	vld [tilespmem:s16+$0xD0];
	_ =	sdelay $0x4  }
0x1ac: {  	v1 =	vadd.f32 v55, v1;
	_ =	sdelay $0x1  }
0x1ad: {  	v1 =	vmul.f32 v2, v1;
	_ =	sdelay $0x1  }
0x1ae: {  	[tilespmem:s22+$0x12BD0] =	vst v1  }
0x1af: {  	v1 =	vld [tilespmem:s16+$0xE0];
	_ =	sdelay $0x4  }
0x1b0: {  	v1 =	vadd.f32 v58, v1;
	_ =	sdelay $0x1  }
0x1b1: {  	v1 =	vmul.f32 v2, v1;
	_ =	sdelay $0x1  }
0x1b2: {  	[tilespmem:s22+$0x12BE0] =	vst v1  }
0x1b3: {  	v1 =	vld [tilespmem:s16+$0xF0];
	_ =	sdelay $0x4  }
0x1b4: {  	p0 =	sne.s32 s13, $0x7C00;
	v1 =	vadd.f32 v60, v1  }
.Ltmp1:
0x1b5: {  	_ = 	snop;
	(pc) =	sbr.rel @p0 .LBB2_5-.Ltmp1, $4  }
0x1b6: {  	v1 =	vmul.f32 v1, v2  }
0x1b7: {  	v2 =	vmul.f32 v0, v2  }
0x1b8: {  	[tilespmem:s22+$0x12BF0] =	vst v1  }
0x1b9: {  	s13 =	sadd.s32 $0x400, s13;
	s16 =	sadd.s32 $0x200, s16;
	[tilespmem:s14+$0x10] =	vst v2;
	s14 =	sadd.s32 $0x40, s14  }
0x1ba: {  	s13 =	sshll.u32 s12, $0x3  }
0x1bb: {  	s13 =	sand.u32 $0x1FFFFC00, s13  }
0x1bc: {  	s13 =	sadd.s32 s10, s13  }
0x1bd: {  	[hbm4b:s13+s1] =	stream.linear.scatter [tilespmem:s20], [sflag:$0x3], $0x2000, $0x38;
	[tilespmem:$0x15300] =	vst v63  }
0x1be: {  	s26 =	sshll.u32 s12, $0x1;
	s19 =	sadd.s32 $0x1, s19;
	_ =	swait.ge [sflag:s17], $0x2000  }
0x1bf: {  	s12 =	sand.u32 $0x1FFFFF00, s26;
	p0 =	sne.s32 s19, $0x62;
	[sflag:s17] =	ssyncset.done $0x0  }
.Ltmp2:
0x1c0: {  	s12 =	sadd.s32 s11, s12;
	[sflag:s17] =	ssyncadd.s32 $0xFFFFE000;
	(pc) =	sbr.rel @p0 .LBB2_2-.Ltmp2, $4  }
0x1c1: {  	[hbm4b:s12+s1] =	stream.linear.scatter [tilespmem:s21], [sflag:$0x3], $0x800, $0x38;
	[tilespmem:$0x15300] =	vst v63  }
0x1c2: {  	_ =	swait.ge [sflag:s17], $0x800  }
0x1c3: {  	[sflag:s17] =	ssyncset.done $0x0  }
0x1c4: {  	[sflag:s17] =	ssyncadd.s32 $0xFFFFF800  }
0x1c5: {  	s13 =	rddreg [dreg:$0x6]  }
0x1c6: {  	s12 =	rddreg [dreg:$0x5];
	s13 =	sadd.s32 $0x1, s13  }
0x1c7: {  	p0 =	sne.s32 s13, s12  }
.Ltmp3:
0x1c8: {  	_ = 	snop;
	(pc) =	sbr.rel @p0 .LBB2_1-.Ltmp3, $1  }
0x1c9: {  	_ =	sdelay $0x3  }
0x1ca: {  	_ =	sfence.sel $0x180000  }
0x1cb: {  	[bflag:$0x0] =	sbarrier.arrive $0xFFFF  }
0x1cc: {  	_ =	strace $0x90000050  }
0x1cd: {  	s0 =	stileid.u32;
	[bflag:$0x2] =	sbarrier.arrive $0xFFFF  }
0x1ce: {  	p0 =	sne.s32 s0, $0x0;
	s0 =	rddreg [dreg:$0x1]  }
0x1cf: {  	s0 =	sadd.s32 @!p0 $0x100000, s0  }
0x1d0: {  	[sflag:s0] =	ssyncadd.tile.s32 @!p0 $0x1;
	_ =	shalt  }
.Lfunc_end2:
_tile_overlayer_lowered:
.L_overlay_start_2:
0x1d1: {  	(tag) =	ssettag $0x2  }
0x1d2: {  	s0 =	rddreg [dreg:$0x0];
	s2 =	stileid.u32  }
0x1d3: {  	s1 =	rddreg [dreg:$0x1];
	p0 =	sne.s32 s2, $0x0  }
0x1d4: {  	s3 =	rddreg [dreg:$0x2];
	[bflag:$0x3] =	sbarrier.arrive $0xFFFF;
	s2 =	simm.s32 @!p0 $0x1C03  }
0x1d5: {  	[timem:s3], [sflag:s2] =	dma.local @!p0 [hbm:s0], s1  }
0x1d6: {  	s0 =	simm.s32 @!p0 $0x3  }
0x1d7: {  	_ =	swait.ge @!p0 [sflag:s0], s1  }
0x1d8: {  	s1 =	ssub.s32 @!p0 $0x0, s1;
	[sflag:s0] =	ssyncset.done @!p0 $0x0  }
0x1d9: {  	[sflag:s0] =	ssyncadd.s32 @!p0 s1  }
0x1da: {  	[bflag:$0x3] =	sbarrier.arrive $0xFFFF  }
0x1db: {  	_ =	shalt  }

// kernel: kernel.25.cloned.1.call-start
scs
__scs_entry_jumppad:
0x0: {  	(pc) =	sbr.rel $0x88, $3  }
0x1: {  	(tag) =	ssettag $0x0;
	lr =	simm.s32 $0x1  }
0x2: {  	[smem:$0x3F86] =	sst lr;
	_ =	strace $0xD0000000  }
0x3: {  	_ = 	snop  }
0x4: {  	_ = 	snop  }
0x5: {  	_ = 	snop  }
0x6: {  	_ = 	snop  }
0x7: {  	_ = 	snop  }
__scs_overlays_trampoline_lowered:
0x8: {  	[smem:$0x3F95] =	sst s0  }
0x9: {  	[smem:$0x3F96] =	sst s1  }
0xa: {  	[smem:$0x3F97] =	sst s2  }
0xb: {  	[smem:$0x3F98] =	sst s3  }
0xc: {  	[smem:$0x3F99] =	sst s4  }
0xd: {  	[smem:$0x3F9A] =	sst s5  }
0xe: {  	[smem:$0x3F9B] =	sst s6  }
0xf: {  	[smem:$0x3F9C] =	sst s7  }
0x10: {  	[smem:$0x3F9D] =	sst s8  }
0x11: {  	[smem:$0x3F9E] =	sst s9;
	s0 =	simm.s32 @!p0 $0x0  }
0x12: {  	s1 =	sld [smem:$0x3F84];
	s0 =	simm.s32 @p0 $0x1  }
0x13: {  	[smem:$0x3F9F] =	sst s0;
	s0 =	simm.s32 @!p1 $0x0  }
0x14: {  	s2 =	sld [smem:$0x3F83];
	s0 =	simm.s32 @p1 $0x1  }
0x15: {  	[smem:$0x3FA0] =	sst s0;
	s0 =	simm.s32 @!p2 $0x0  }
0x16: {  	s3 =	sld [smem:$0x3FDB];
	s0 =	simm.s32 @p2 $0x1  }
0x17: {  	s4 =	simm.s32 $0x1BF5;
	[smem:$0x3FA2] =	sst s0  }
0x18: {  	s0 =	sld [smem:$0x3F85];
	_ =	swait.ge [sflag:s4], $0x0  }
0x19: {  	s7 =	sld [smem:$0x3F86]  }
0x1a: {  	s8 =	sadd.s32 $0xFFFFE003, lr  }
0x1b: {  	s9 =	sadd.s32 $0xFFFFFEF7, lr;
	s5 =	simm.s32 $0xFFFFFFFF;
	p2 =	slt.u32 s8, $0xFFFFF086  }
0x1c: {  	p1 =	slt.u32 s9, $0xF7A;
	s5 =	simm.s32 @!p2 $0x0  }
0x1d: {  	s5 =	simm.s32 @p1 $0x1;
	p0 =	seq.s32 s7, s2  }
0x1e: {  	s7 =	smul.u32 @!p0 $0xF7A, s2;
	p2 =	seq.s32 @!p0 s5, $0x0  }
0x1f: {  	s9 =	smul.u32 $0xF7A, s1;
	s8 =	simm.s32 @!p0 $0x1BF5;
	p2 =	por !p2, p0  }
0x20: {  	[sflag:s8] =	ssyncset.s32 @!p0 $0xFFFFF086;
	s6 =	sadd.s32 @!p0 s3, s7;
	s7 =	simm.s32 @!p0 $0x108  }
0x21: {  	s3 =	sadd.s32 s3, s9;
	s6 =	sadd.s32 @!p0 $0x88, s6;
	s7 =	simm.s32 @p2 $0x1082  }
0x22: {  	[simem:s7], [sflag:s8] =	dma.local @!p0 [hbm:s6], $0xF7A  }
0x23: {  	s9 =	sor.u32 $0xD0000000, s2;
	s6 =	simm.s32 $0x108;
	_ =	swait.ge @!p0 [sflag:s8], $0x0  }
0x24: {  	s3 =	sadd.s32 $0x88, s3;
	s6 =	simm.s32 @!p1 $0x1082;
	[sflag:s4] =	ssyncset.s32 $0xFFFFF086  }
0x25: {  	[simem:s6], [sflag:s4] =	dma.local [hbm:s3], $0xF7A  }
0x26: {  	[smem:$0x3F86] =	sst s1;
	(tag) =	ssettag s2;
	_ =	strace s9  }
0x27: {  	s1 =	sld [smem:$0x3F96]  }
0x28: {  	s2 =	sld [smem:$0x3F97]  }
0x29: {  	s4 =	sld [smem:$0x3F99]  }
0x2a: {  	p0 =	seq.s32 s5, $0x0;
	s5 =	sld [smem:$0x3F9A]  }
0x2b: {  	s6 =	sld [smem:$0x3F9B]  }
0x2c: {  	s7 =	sld [smem:$0x3F9C]  }
0x2d: {  	s3 =	simm.s32 $0x108;
	s8 =	sld [smem:$0x3F9D]  }
0x2e: {  	s3 =	simm.s32 @!p0 $0x1082;
	s9 =	sld [smem:$0x3F9E]  }
0x2f: {  	lr =	sadd.s32 s0, s3;
	s0 =	sld [smem:$0x3F95]  }
0x30: {  	s3 =	sld [smem:$0x3F98]  }
0x31: {  	[smem:$0x3FA1] =	sst s10  }
0x32: {  	s10 =	sld [smem:$0x3F9F];
	_ =	sdelay $0x3  }
0x33: {  	p0 =	seq.s32 s10, $0x1;
	s10 =	sld [smem:$0x3FA1];
	_ =	sdelay $0x3  }
0x34: {  	[smem:$0x3FA1] =	sst s10  }
0x35: {  	s10 =	sld [smem:$0x3FA0];
	_ =	sdelay $0x3  }
0x36: {  	p1 =	seq.s32 s10, $0x1;
	s10 =	sld [smem:$0x3FA1];
	_ =	sdelay $0x3  }
0x37: {  	[smem:$0x3FA1] =	sst s10  }
0x38: {  	s10 =	sld [smem:$0x3FA2]  }
0x39: {  	_ = 	snop;
	(pc) =	sbr.ind lr, $3  }
0x3a: {  	_ = 	snop  }
0x3b: {  	_ = 	snop  }
0x3c: {  	p2 =	seq.s32 s10, $0x1;
	s10 =	sld [smem:$0x3FA1]  }
0x3d: {  	_ =	shalt  }
0x3e: {  	_ =	shalt  }
0x3f: {  	_ =	shalt  }
0x40: {  	_ =	shalt  }
0x41: {  	_ =	shalt  }
0x42: {  	_ =	shalt  }
0x43: {  	_ =	shalt  }
0x44: {  	_ =	shalt  }
0x45: {  	_ =	shalt  }
0x46: {  	_ =	shalt  }
0x47: {  	_ =	shalt  }
0x48: {  	_ =	shalt  }
0x49: {  	_ =	shalt  }
0x4a: {  	_ =	shalt  }
0x4b: {  	_ =	shalt  }
0x4c: {  	_ =	shalt  }
0x4d: {  	_ =	shalt  }
0x4e: {  	_ =	shalt  }
0x4f: {  	_ =	shalt  }
0x50: {  	_ =	shalt  }
0x51: {  	_ =	shalt  }
0x52: {  	_ =	shalt  }
0x53: {  	_ =	shalt  }
0x54: {  	_ =	shalt  }
0x55: {  	_ =	shalt  }
0x56: {  	_ =	shalt  }
0x57: {  	_ =	shalt  }
0x58: {  	_ =	shalt  }
0x59: {  	_ =	shalt  }
0x5a: {  	_ =	shalt  }
0x5b: {  	_ =	shalt  }
0x5c: {  	_ =	shalt  }
0x5d: {  	_ =	shalt  }
0x5e: {  	_ =	shalt  }
0x5f: {  	_ =	shalt  }
0x60: {  	_ =	shalt  }
0x61: {  	_ =	shalt  }
0x62: {  	_ =	shalt  }
0x63: {  	_ =	shalt  }
0x64: {  	_ =	shalt  }
0x65: {  	_ =	shalt  }
0x66: {  	_ =	shalt  }
0x67: {  	_ =	shalt  }
0x68: {  	_ =	shalt  }
0x69: {  	_ =	shalt  }
0x6a: {  	_ =	shalt  }
0x6b: {  	_ =	shalt  }
0x6c: {  	_ =	shalt  }
0x6d: {  	_ =	shalt  }
0x6e: {  	_ =	shalt  }
0x6f: {  	_ =	shalt  }
0x70: {  	_ =	shalt  }
0x71: {  	_ =	shalt  }
0x72: {  	_ =	shalt  }
0x73: {  	_ =	shalt  }
0x74: {  	_ =	shalt  }
0x75: {  	_ =	shalt  }
0x76: {  	_ =	shalt  }
0x77: {  	_ =	shalt  }
0x78: {  	_ =	shalt  }
0x79: {  	_ =	shalt  }
0x7a: {  	_ =	shalt  }
0x7b: {  	_ =	shalt  }
0x7c: {  	_ =	shalt  }
0x7d: {  	_ =	shalt  }
0x7e: {  	_ =	shalt  }
0x7f: {  	_ =	shalt  }
0x80: {  	_ =	shalt  }
0x81: {  	_ =	shalt  }
0x82: {  	_ =	shalt  }
0x83: {  	_ =	shalt  }
0x84: {  	_ =	shalt  }
0x85: {  	_ =	shalt  }
0x86: {  	_ =	shalt  }
0x87: {  	_ =	shalt  }
.Lfunc_end0:
.L_simem_size_0:
called_computation.5_lowered:
.L_overlay_start_0:
0x88: {  	s2 =	sld [smem:$0x3FD9]  }
0x89: {  	s3 =	sld [smem:$0x3FFE];
	_ =	sdelay $0x1  }
0x8a: {  	s1 =	srdreg.scid  }
0x8b: {  	s0 =	sand.u32 $0x1, s1  }
0x8c: {  	s16 =	sshll.u32 s0, $0xA;
	s2 =	sadd.s32 s3, s2  }
0x8d: {  	s2 =	sadd.s32 s2, s16  }
0x8e: {  	[smem:$0x3FAD] =	sst s2  }
0x8f: {  	_ = 	snop  }
0x90: {  	(tm) =	ssettm $0x1  }
0x91: {  	s17 =	sld [smem:$0x3FFB];
	_ =	sdelay $0x3  }
0x92: {  	_ =	strace s17  }
0x93: {  	s2 =	sld [smem:$0x3FFC];
	_ =	sdelay $0x3  }
0x94: {  	_ =	strace s2  }
0x95: {  	s2 =	sld [smem:$0x3FFD];
	_ =	sdelay $0x3  }
0x96: {  	_ =	strace s2  }
0x97: {  	_ =	strace $0x8FFFFFFF  }
0x98: {  	s18 =	sld [smem:$0x3FDB];
	_ =	sdelay $0x1  }
0x99: {  	s19 =	simm.s32 $_scs_section_size  }
0x9a: {  	s4 =	simm.s32 $_size__tile_overlayer_lowered;
	s5 =	simm.s32 $_tile_overlayer_lowered  }
0x9b: {  	s22 =	simm.s32 $0x1BFF;
	s21 =	sshll.u32 s5, $0x1;
	s2 =	sadd.s32 s19, s18  }
0x9c: {  	s6 =	simm.s32 $0x0;
	s20 =	sshll.u32 s4, $0x1;
	s4 =	sadd.s32 s21, s2  }
0x9d: {  	[timem:s6], [sflag:s22] =	dma.local [hbm:s4], s20  }
0x9e: {  	_ =	swait.ge [sflag:s22], s20  }
0x9f: {  	s3 =	ssub.s32 $0x0, s20;
	[sflag:s22] =	ssyncset.done $0x0  }
0xa0: {  	[sflag:s22] =	ssyncadd.s32 s3;
	_ =	sdelay $0x1  }
0xa1: {  	s23 =	simm.s32 $0x1B8B  }
0xa2: {  	_ =	swait.ge [sflag:s23], $0x1  }
0xa3: {  	[sflag:s23] =	ssyncset.done $0x0  }
0xa4: {  	s25 =	simm.s32 $0x1B8E;
	s24 =	sld [smem:$0x3FFE];
	[sflag:s23] =	ssyncadd.s32 $0xFFFFFFFF  }
0xa5: {  	s26 =	simm.s32 $execute0_lowered;
	[smem:$0x3FD2] =	sst s25  }
0xa6: {  	s4 =	sshll.u32 s26, $0x1;
	_ =	strace $0x80000052;
	[dreg:$0x1] =	wrdreg $0xFFFFFFFF  }
0xa7: {  	s28 =	simm.s32 $_size_execute0_lowered;
	s2 =	sadd.s32 s2, s4;
	[dreg:$0x0] =	wrdreg $0x0  }
0xa8: {  	s4 =	sshll.u32 s28, $0x1;
	[dreg:$0x2] =	wrdreg s2  }
0xa9: {  	[dreg:$0x3] =	wrdreg s4  }
0xaa: {  	[dreg:$0x4] =	wrdreg $0xC0  }
0xab: {  	_ =	task [dreg:s6], $0x5FFFF  }
0xac: {  	[dreg:$0x1] =	wrdreg $0xFFFFFFFF  }
0xad: {  	[dreg:$0x0] =	wrdreg $0x60  }
0xae: {  	[dreg:$0x2] =	wrdreg s24  }
0xaf: {  	[dreg:$0x3] =	wrdreg $0x14800  }
0xb0: {  	[dreg:$0x4] =	wrdreg $0x19C800  }
0xb1: {  	[dreg:$0x5] =	wrdreg $0x9  }
0xb2: {  	_ =	task.clear_ibuf [dreg:s6], $0x6FFFF;
	_ =	strace $0x90000052  }
0xb3: {  	s29 =	simm.s32 $0x9;
	_ =	strace $0x80000054  }
0xb4: {  	_ =	swait.ge [sflag:s29], $0x1  }
0xb5: {  	[sflag:s29] =	ssyncadd.s32 $0xFFFFFFFF  }
0xb6: {  	_ =	strace $0x90000054  }
0xb7: {  	_ =	sfence  }
0xb8: {  	s30 =	sld [smem:$0x0];
	_ =	sdelay $0x2  }
0xb9: {  	s31 =	sshll.u32 s1, $0xD;
	s1 =	sshrl.u32 s1, $0x2  }
0xba: {  	s3 =	sand.u32 $0x4000, s31;
	s1 =	sadd.s32 s1, s30  }
0xbb: {  	s0 =	sor.u32 s3, s0;
	s1 =	sshll.u32 s1, $0x11  }
0xbc: {  	s0 =	sor.u32 s1, s0  }
0xbd: {  	s0 =	sadd.s32 $0x8F2B, s0  }
0xbe: {  	[sflag:s0] =	ssyncadd.remote.s32 $0x1  }
0xbf: {  	_ =	sfence.sel $0xFFFF  }
0xc0: {  	[dreg:$0x0] =	wrdreg $0xFFFFFFFF;
	(pc) =	sbr.abs _section_cstart, $3  }
0xc1: {  	[dreg:$0x1] =	wrdreg $0xFFFFFFFF  }
0xc2: {  	_ =	task.clear_ibuf [dreg:s6], $0x2FFFF;
	_ =	strace $0x9FFFFFFF  }
0xc3: {  	(tm) =	ssettm $0x7FFFFFFF  }
tec
execute0_lowered:
.L_overlay_start_1:
0x0: {  	(tag) =	ssettag $0x1  }
0x1: {  	s1 =	stileid.u32  }
0x2: {  	s6 =	smul.u32 $0x1880, s1  }
0x3: {  	s5 =	rddreg [dreg:$0x0];
	s7 =	smul.u32 $0x62000, s1  }
0x4: {  	s2 =	rddreg [dreg:$0x1];
	s9 =	smul.u32 $0x18800, s1  }
0x5: {  	s3 =	rddreg [dreg:$0x2];
	s24 =	smul.u32 $0xFA, s1  }
0x6: {  	s0 =	rddreg [dreg:$0x3];
	s26 =	smul.u32 $0x3E8, s1  }
0x7: {  	s8 =	srdreg.scid;
	s4 =	simm.s32 $0x0;
	s28 =	smul.u32 $0x7D00, s1  }
0x8: {  	s18 =	simm.s32 $0x40;
	s8 =	sand.u32 $0x1, s8;
	s30 =	smul.u32 $0x1F40, s1  }
0x9: {  	s19 =	simm.s32 $0x0;
	[smem:$0x7FF] =	sst s4;
	s10 =	smul.u32 $0x30D40, s8  }
0xa: {  	_ =	strace $0x80000053;
	s21 =	smul.u32 $0xC350, s8;
	s14 =	ssub.s32 $0x2, s8  }
0xb: {  	s17 =	smul.u32 $0x61A8, s8;
	s11 =	sadd.s32 s6, s5;
	s12 =	sadd.s32 s7, s5  }
0xc: {  	s13 =	sadd.s32 s9, s5;
	s22 =	sshrl.u32 s14, $0x1;
	s23 =	sshrl.u32 s9, $0x2  }
0xd: {  	s25 =	sshrl.u32 s7, $0x2;
	s31 =	sshrl.u32 s28, $0x2;
	s15 =	sadd.s32 s10, s5  }
0xe: {  	s16 =	sadd.s32 s21, s5;
	s5 =	ssub.s32 s14, s22;
	s6 =	sadd.s32 s23, s3  }
0xf: {  	s7 =	sadd.s32 $0xABDC00, s13;
	s8 =	sadd.s32 s25, s2;
	s9 =	sadd.s32 $0x49DC00, s12  }
0x10: {  	s10 =	sadd.s32 $0xB4600, s11;
	s14 =	sshrl.u32 s30, $0x2;
	v0 =	vmov s17;
	s17 =	simm.s32 $0x1080  }
0x11: {  	s5 =	smax.u32 s5, $0x1;
	s29 =	sadd.s32 s24, s16;
	s13 =	sadd.s32 s26, s15  }
0x12: {  	s14 =	sadd.s32 s14, s3;
	s15 =	simm.s32 $0x80;
	s16 =	simm.s32 $0x1  }
0x13: {  	v1 =	vimm.f32 $0.0e+00;
	s11 =	sadd.s32 $0x4C00, s29;
	s12 =	sadd.s32 $0x1D400, s13;
	s13 =	sadd.s32 s31, s2  }
.LBB2_1:
0x14: {  	s20 =	simm.s32 $0xA0;
	s21 =	simm.s32 $0x0  }
.LBB2_2:
0x15: {  	p0 =	sne.s32 s21, $0xFC0  }
.Ltmp0:
0x16: {  	[tilespmem:s20+$0xFFFFFFE0] =	vst v1;
	(pc) =	sbr.rel @p0 .LBB2_2-.Ltmp0, $4  }
0x17: {  	[tilespmem:s20+$0xFFFFFFF0] =	vst v1  }
0x18: {  	[tilespmem:s20+$0x0] =	vst v1  }
0x19: {  	[tilespmem:s20+$0x10] =	vst v1;
	s22 =	sshra.s32 s21, $0x2  }
0x1a: {  	s20 =	sadd.s32 $0x40, s20;
	s21 =	sadd.s32 $0x40, s21;
	[tilespmem:s22+$0x1080] =	vst v1  }
0x1b: {  	[spmem:s8] =	stream.linear.scatter [tilespmem:s15], [sflag:$0x1], $0xE00, $0x38;
	[tilespmem:$0x1FE80] =	vst v63  }
0x1c: {  	_ =	swait.ge [sflag:s16], $0xE00  }
0x1d: {  	[sflag:s16] =	ssyncset.done $0x0  }
0x1e: {  	s20 =	sadd.s32 $0x0, s6;
	[sflag:s16] =	ssyncadd.s32 $0xFFFFF200  }
0x1f: {  	[spmem:s20] =	stream.linear.scatter [tilespmem:s17], [sflag:$0x1], $0x380, $0x38;
	[tilespmem:$0x1FE80] =	vst v63  }
0x20: {  	_ =	swait.ge [sflag:s16], $0x380  }
0x21: {  	s21 =	smov.u32 s8;
	s20 =	simm.s32 $0xE00;
	[sflag:s16] =	ssyncset.done $0x0  }
.LBB2_4:
0x22: {  	p0 =	sne.s32 s20, $0x17A00;
	[sflag:s16] =	ssyncadd.s32 $0xFFFFFC80;
	s21 =	sadd.s32 $0xE00, s21  }
0x23: {  	[spmem:s21] =	stream.linear.scatter [tilespmem:s15], [sflag:$0x1], $0xE00, $0x38;
	[tilespmem:$0x1FE80] =	vst v63  }
0x24: {  	s22 =	smov.u32 s20;
	s20 =	sadd.s32 $0xE00, s20;
	_ =	swait.ge [sflag:s16], $0xE00  }
.Ltmp1:
0x25: {  	s22 =	sshra.s32 s22, $0x2;
	[sflag:s16] =	ssyncset.done $0x0;
	(pc) =	sbr.rel @p0 .LBB2_4-.Ltmp1, $4  }
0x26: {  	s22 =	sadd.s32 s22, s6;
	[sflag:s16] =	ssyncadd.s32 $0xFFFFF200  }
0x27: {  	[spmem:s22] =	stream.linear.scatter [tilespmem:s17], [sflag:$0x1], $0x380, $0x38;
	[tilespmem:$0x1FE80] =	vst v63  }
0x28: {  	_ =	swait.ge [sflag:s16], $0x380  }
0x29: {  	[sflag:s16] =	ssyncset.done $0x0  }
0x2a: {  	[sflag:s16] =	ssyncadd.s32 $0xFFFFFC80  }
0x2b: {  	s20 =	sadd.s32 $0x0, s10;
	[bflag:$0x0] =	sbarrier.arrive $0xFFFF  }
0x2c: {  	[tilespmem:s4], [sflag:$0x1] =	stream.linear.gather [hbm4b:s20+s4], $0x40, $0x38;
	[tilespmem:$0x1FE80] =	vst v63  }
0x2d: {  	_ =	swait.ge [sflag:s16], $0x40  }
0x2e: {  	[sflag:s16] =	ssyncset.done $0x0  }
0x2f: {  	[sflag:s16] =	ssyncadd.s32 $0xFFFFFFC0  }
0x30: {  	[tilespmem:s15], [sflag:$0x1] =	stream.linear.gather [hbm4b:s9+s4], $0x1000, $0x38;
	[tilespmem:$0x1FE80] =	vst v63  }
0x31: {  	_ =	swait.ge [sflag:s16], $0x1000  }
0x32: {  	[sflag:s16] =	ssyncset.done $0x0  }
0x33: {  	[sflag:s16] =	ssyncadd.s32 $0xFFFFF000  }
0x34: {  	[tilespmem:s17], [sflag:$0x1] =	stream.linear.gather [hbm4b:s7+s4], $0x400, $0x38;
	[tilespmem:$0x1FE80] =	vst v63  }
0x35: {  	_ =	swait.ge [sflag:s16], $0x400  }
0x36: {  	[sflag:s16] =	ssyncset.done $0x0  }
0x37: {  	[sflag:s16] =	ssyncadd.s32 $0xFFFFFC00  }
0x38: {  	v2 =	vld [tilespmem:$0x30]  }
0x39: {  	v3 =	vld [tilespmem:$0x20]  }
0x3a: {  	v4 =	vld [tilespmem:$0x10]  }
0x3b: {  	v5 =	vld [tilespmem:$0x0];
	_ =	sdelay $0x1  }
0x3c: {  	v2 =	vsub.s32 v2, v0  }
0x3d: {  	v3 =	vsub.s32 v3, v0;
	vm0 =	vlt.u32 v2, $0x61A8  }
0x3e: {  	v4 =	vsub.s32 v4, v0;
	vm1 =	vlt.u32 v3, $0x61A8;
	v2 =	vnsel vm0, $0x61F8, v2  }
0x3f: {  	v5 =	vsub.s32 v5, v0;
	vm14 =	vlt.u32 v4, $0x61A8;
	v3 =	vnsel vm1, $0x61F8, v3;
	[tilespmem:$0x70] =	vst v2  }
0x40: {  	vm15 =	vlt.u32 v5, $0x61A8;
	v2 =	vnsel vm14, $0x61F8, v4;
	[tilespmem:$0x60] =	vst v3  }
0x41: {  	v3 =	vnsel vm15, $0x61F8, v5;
	[tilespmem:$0x50] =	vst v2  }
0x42: {  	[tilespmem:$0x40] =	vst v3  }
0x43: {  	[spmem:s2] =	stream.indirect.scatter.add.f32 [tilespmem:s15], [sflag:$0x1], $0x40, s18, s18, $0xb8;
	[tilespmem:$0x1FE80] =	vst v63  }
0x44: {  	_ =	swait.ge [sflag:s16], $0x1000  }
0x45: {  	s21 =	sadd.s32 $0x80, s7;
	[sflag:s16] =	ssyncset.done $0x0  }
0x46: {  	s22 =	sadd.s32 $0x200, s9;
	s20 =	simm.s32 $0x8;
	[sflag:s16] =	ssyncadd.s32 $0xFFFFF000  }
.LBB2_6:
0x47: {  	[spmem:s3] =	stream.indirect.scatter.add.f32 [tilespmem:s17], [sflag:$0x1], $0x10, s18, s18, $0xb8;
	[tilespmem:$0x1FE80] =	vst v63  }
0x48: {  	s23 =	smov.u32 s20  }
0x49: {  	p0 =	sne.s32 s20, $0x1878;
	s20 =	sadd.s32 $0x8, s20;
	_ =	swait.ge [sflag:s16], $0x400  }
0x4a: {  	[sflag:s16] =	ssyncset.done $0x0  }
0x4b: {  	s23 =	sadd.s32 s23, s10;
	[sflag:s16] =	ssyncadd.s32 $0xFFFFFC00  }
0x4c: {  	[tilespmem:s4], [sflag:$0x1] =	stream.linear.gather [hbm4b:s23+s4], $0x40, $0x38;
	[tilespmem:$0x1FE80] =	vst v63  }
0x4d: {  	_ =	swait.ge [sflag:s16], $0x40  }
0x4e: {  	[sflag:s16] =	ssyncset.done $0x0  }
0x4f: {  	[sflag:s16] =	ssyncadd.s32 $0xFFFFFFC0  }
0x50: {  	[tilespmem:s15], [sflag:$0x1] =	stream.linear.gather [hbm4b:s22+s4], $0x1000, $0x38;
	[tilespmem:$0x1FE80] =	vst v63  }
0x51: {  	_ =	swait.ge [sflag:s16], $0x1000  }
0x52: {  	[sflag:s16] =	ssyncset.done $0x0  }
0x53: {  	[sflag:s16] =	ssyncadd.s32 $0xFFFFF000  }
0x54: {  	[tilespmem:s17], [sflag:$0x1] =	stream.linear.gather [hbm4b:s21+s4], $0x400, $0x38;
	[tilespmem:$0x1FE80] =	vst v63  }
0x55: {  	_ =	swait.ge [sflag:s16], $0x400  }
0x56: {  	[sflag:s16] =	ssyncset.done $0x0  }
0x57: {  	[sflag:s16] =	ssyncadd.s32 $0xFFFFFC00  }
0x58: {  	v2 =	vld [tilespmem:$0x30]  }
0x59: {  	v3 =	vld [tilespmem:$0x20]  }
0x5a: {  	v4 =	vld [tilespmem:$0x10]  }
0x5b: {  	v5 =	vld [tilespmem:$0x0];
	_ =	sdelay $0x1  }
0x5c: {  	v2 =	vsub.s32 v2, v0  }
0x5d: {  	v3 =	vsub.s32 v3, v0;
	vm0 =	vlt.u32 v2, $0x61A8  }
0x5e: {  	v4 =	vsub.s32 v4, v0;
	vm1 =	vlt.u32 v3, $0x61A8;
	v2 =	vnsel vm0, $0x61F8, v2  }
0x5f: {  	v5 =	vsub.s32 v5, v0;
	vm0 =	vlt.u32 v4, $0x61A8;
	v3 =	vnsel vm1, $0x61F8, v3;
	[tilespmem:$0x70] =	vst v2  }
0x60: {  	vm1 =	vlt.u32 v5, $0x61A8;
	v2 =	vnsel vm0, $0x61F8, v4;
	[tilespmem:$0x60] =	vst v3  }
0x61: {  	v3 =	vnsel vm1, $0x61F8, v5;
	[tilespmem:$0x50] =	vst v2  }
.Ltmp2:
0x62: {  	[tilespmem:$0x40] =	vst v3;
	(pc) =	sbr.rel @p0 .LBB2_6-.Ltmp2, $4  }
0x63: {  	[spmem:s2] =	stream.indirect.scatter.add.f32 [tilespmem:s15], [sflag:$0x1], $0x40, s18, s18, $0xb8;
	[tilespmem:$0x1FE80] =	vst v63  }
0x64: {  	_ =	swait.ge [sflag:s16], $0x1000  }
0x65: {  	[sflag:s16] =	ssyncset.done $0x0  }
0x66: {  	s22 =	sadd.s32 $0x200, s22;
	s21 =	sadd.s32 $0x80, s21;
	[sflag:s16] =	ssyncadd.s32 $0xFFFFF000  }
0x67: {  	[spmem:s3] =	stream.indirect.scatter.add.f32 [tilespmem:s17], [sflag:$0x1], $0x10, s18, s18, $0xb8;
	[tilespmem:$0x1FE80] =	vst v63  }
0x68: {  	s20 =	sadd.s32 $0x0, s1;
	_ =	swait.ge [sflag:s16], $0x400  }
0x69: {  	p0 =	sgt.u32 s20, $0xC7;
	[sflag:s16] =	ssyncset.done $0x0  }
0x6a: {  	s20 =	sshll.u32 @!p0 s1, $0x6;
	s22 =	sshrl.u32 @!p0 s13, $0x3;
	[sflag:s16] =	ssyncadd.s32 $0xFFFFFC00  }
0x6b: {  	s23 =	simm.s32 @!p0 $0x2;
	s21 =	sor.u32 @!p0 $0x1C02, s20;
	[bflag:$0x0] =	sbarrier.arrive $0xFFFF  }
0x6c: {  	[hbm:s12], [sflag:s21] =	dma.local @!p0 [spmem:s22], $0x3E8  }
0x6d: {  	s24 =	sadd.s32 $0x1F400, s13;
	_ =	swait.ge @!p0 [sflag:s23], $0x3E8  }
0x6e: {  	s26 =	sadd.s32 $0x10, s1;
	s25 =	simm.s32 @!p0 $0x1;
	[sflag:s23] =	ssyncset.done @!p0 $0x0  }
0x6f: {  	s21 =	sor.u32 @!p0 $0x1C01, s20;
	[sflag:s23] =	ssyncadd.s32 @!p0 $0xFFFFFC18;
	s23 =	sshrl.u32 @!p0 s14, $0x3  }
0x70: {  	[hbm:s11], [sflag:s21] =	dma.local @!p0 [spmem:s23], $0xFA  }
0x71: {  	s22 =	simm.s32 $0x20;
	s20 =	sadd.s32 $0x7D00, s14;
	_ =	swait.ge @!p0 [sflag:s25], $0xFA  }
0x72: {  	s23 =	sadd.s32 $0x3E80, s12;
	s21 =	sadd.s32 $0xFA0, s11;
	[sflag:s25] =	ssyncset.done @!p0 $0x0  }
.LBB2_8:
0x73: {  	[sflag:s25] =	ssyncadd.s32 @!p0 $0xFFFFFF06;
	p0 =	sgt.u32 s26, $0xC7  }
0x74: {  	s26 =	smov.u32 s22;
	s22 =	sadd.s32 $0x10, s22;
	s25 =	smov.u32 s20  }
0x75: {  	p1 =	sne.s32 s22, $0xD0;
	s28 =	sshll.u32 @!p0 s1, $0x6  }
0x76: {  	s30 =	sshrl.u32 @!p0 s24, $0x3;
	s31 =	simm.s32 @!p0 $0x2;
	s29 =	sor.u32 @!p0 $0x1C02, s28  }
0x77: {  	[hbm:s23], [sflag:s29] =	dma.local @!p0 [spmem:s30], $0x3E8  }
0x78: {  	s28 =	sor.u32 @!p0 $0x1C01, s28;
	_ =	swait.ge @!p0 [sflag:s31], $0x3E8  }
.Ltmp3:
0x79: {  	s20 =	sadd.s32 $0x7D00, s20;
	[sflag:s31] =	ssyncset.done @!p0 $0x0;
	(pc) =	sbr.rel @p1 .LBB2_8-.Ltmp3, $4  }
0x7a: {  	s29 =	sshrl.u32 @!p0 s25, $0x3;
	s25 =	simm.s32 @!p0 $0x1;
	[sflag:s31] =	ssyncadd.s32 @!p0 $0xFFFFFC18  }
0x7b: {  	[hbm:s21], [sflag:s28] =	dma.local @!p0 [spmem:s29], $0xFA  }
0x7c: {  	s24 =	sadd.s32 $0x1F400, s24;
	s23 =	sadd.s32 $0x3E80, s23;
	_ =	swait.ge @!p0 [sflag:s25], $0xFA  }
0x7d: {  	s26 =	sadd.s32 s26, s1;
	s21 =	sadd.s32 $0xFA0, s21;
	[sflag:s25] =	ssyncset.done @!p0 $0x0  }
0x7e: {  	p1 =	sgt.u32 s26, $0xC7  }
0x7f: {  	[sflag:s25] =	ssyncadd.s32 @!p0 $0xFFFFFF06;
	s22 =	sshll.u32 @!p1 s1, $0x6  }
0x80: {  	s24 =	sshrl.u32 @!p1 s24, $0x3;
	s26 =	simm.s32 @!p1 $0x2;
	s25 =	sor.u32 @!p1 $0x1C02, s22  }
0x81: {  	[hbm:s23], [sflag:s25] =	dma.local @!p1 [spmem:s24], $0x3E8  }
0x82: {  	s19 =	sadd.s32 $0x1, s19;
	s20 =	sshrl.u32 @!p1 s20, $0x3;
	_ =	swait.ge @!p1 [sflag:s26], $0x3E8  }
0x83: {  	p0 =	sne.s32 s19, s5;
	s22 =	sor.u32 @!p1 $0x1C01, s22;
	[sflag:s26] =	ssyncset.done @!p1 $0x0  }
.Ltmp4:
0x84: {  	s23 =	simm.s32 @!p1 $0x1;
	[sflag:s26] =	ssyncadd.s32 @!p1 $0xFFFFFC18;
	(pc) =	sbr.rel @p0 .LBB2_1-.Ltmp4, $4  }
0x85: {  	[hbm:s21], [sflag:s22] =	dma.local @!p1 [spmem:s20], $0xFA  }
0x86: {  	_ =	swait.ge @!p1 [sflag:s23], $0xFA  }
0x87: {  	[sflag:s23] =	ssyncset.done @!p1 $0x0  }
0x88: {  	[sflag:s23] =	ssyncadd.s32 @!p1 $0xFFFFFF06  }
0x89: {  	_ =	sfence.sel $0x180000  }
0x8a: {  	[bflag:$0x0] =	sbarrier.arrive $0xFFFF  }
0x8b: {  	p0 =	sne.s32 s1, $0x0;
	_ =	strace $0x90000053  }
0x8c: {  	s0 =	sadd.s32 @!p0 $0x100000, s0;
	[bflag:$0x2] =	sbarrier.arrive $0xFFFF  }
0x8d: {  	[sflag:s0] =	ssyncadd.tile.s32 @!p0 $0x1;
	_ =	shalt  }
.Lfunc_end2:
_tile_overlayer_lowered:
.L_overlay_start_2:
0x8e: {  	(tag) =	ssettag $0x2  }
0x8f: {  	s0 =	rddreg [dreg:$0x0];
	s2 =	stileid.u32  }
0x90: {  	s1 =	rddreg [dreg:$0x1];
	p0 =	sne.s32 s2, $0x0  }
0x91: {  	s3 =	rddreg [dreg:$0x2];
	[bflag:$0x3] =	sbarrier.arrive $0xFFFF;
	s2 =	simm.s32 @!p0 $0x1C01  }
0x92: {  	[timem:s3], [sflag:s2] =	dma.local @!p0 [hbm:s0], s1  }
0x93: {  	s0 =	simm.s32 @!p0 $0x1  }
0x94: {  	_ =	swait.ge @!p0 [sflag:s0], s1  }
0x95: {  	s1 =	ssub.s32 @!p0 $0x0, s1;
	[sflag:s0] =	ssyncset.done @!p0 $0x0  }
0x96: {  	[sflag:s0] =	ssyncadd.s32 @!p0 s1  }
0x97: {  	[bflag:$0x3] =	sbarrier.arrive $0xFFFF  }
0x98: {  	_ =	shalt  }

// kernel: sparse-core-data-format-call.cloned.1.call-start
scs
called_computation_lowered:
.L_overlay_start_0:
0x0: {  	s2 =	sld [smem:$0x3FD9]  }
0x1: {  	s3 =	sld [smem:$0x3FFE];
	_ =	sdelay $0x1  }
0x2: {  	s1 =	srdreg.scid  }
0x3: {  	s0 =	sand.u32 $0x1, s1  }
0x4: {  	s18 =	sshll.u32 s0, $0xA;
	s2 =	sadd.s32 s3, s2  }
0x5: {  	s2 =	sadd.s32 s2, s18  }
0x6: {  	[smem:$0x3FAD] =	sst s2  }
0x7: {  	_ = 	snop  }
0x8: {  	s2 =	sld [smem:$0x3FD0];
	(tm) =	ssettm $0x1  }
0x9: {  	s19 =	sld [smem:$0x3FFB];
	_ =	sdelay $0x3  }
0xa: {  	_ =	strace s19  }
0xb: {  	s3 =	sld [smem:$0x3FFC];
	_ =	sdelay $0x3  }
0xc: {  	_ =	strace s3  }
0xd: {  	s3 =	sld [smem:$0x3FFD];
	_ =	sdelay $0x3  }
0xe: {  	_ =	strace s3  }
0xf: {  	_ =	strace $0x8FFFFFFF  }
0x10: {  	s20 =	sld [smem:$0x3FDB];
	_ =	sdelay $0x1  }
0x11: {  	s4 =	simm.s32 $_scs_section_size  }
0x12: {  	s5 =	simm.s32 $_size__tile_overlayer_lowered;
	s6 =	simm.s32 $_tile_overlayer_lowered  }
0x13: {  	s23 =	simm.s32 $0x1BFF;
	s22 =	sshll.u32 s6, $0x1;
	s3 =	sadd.s32 s4, s20  }
0x14: {  	s7 =	simm.s32 $0x0;
	s21 =	sshll.u32 s5, $0x1;
	s5 =	sadd.s32 s22, s3  }
0x15: {  	[timem:s7], [sflag:s23] =	dma.local [hbm:s5], s21  }
0x16: {  	_ =	swait.ge [sflag:s23], s21  }
0x17: {  	s4 =	ssub.s32 $0x0, s21;
	[sflag:s23] =	ssyncset.done $0x0  }
0x18: {  	[sflag:s23] =	ssyncadd.s32 s4;
	_ =	sdelay $0x1  }
0x19: {  	s24 =	simm.s32 $0x1B8B  }
0x1a: {  	_ =	swait.ge [sflag:s24], $0x1  }
0x1b: {  	[sflag:s24] =	ssyncset.done $0x0  }
0x1c: {  	s26 =	simm.s32 $0x1B8E;
	s25 =	sld [smem:$0x3FFE];
	[sflag:s24] =	ssyncadd.s32 $0xFFFFFFFF  }
0x1d: {  	s27 =	simm.s32 $execute0_lowered;
	[smem:$0x3FD2] =	sst s26  }
0x1e: {  	s5 =	sshll.u32 s27, $0x1;
	_ =	strace $0x80000055;
	[dreg:$0x1] =	wrdreg $0xFFFFFFFF  }
0x1f: {  	s28 =	simm.s32 $_size_execute0_lowered;
	s3 =	sadd.s32 s3, s5;
	[dreg:$0x0] =	wrdreg $0x0  }
0x20: {  	s5 =	sshll.u32 s28, $0x1;
	[dreg:$0x2] =	wrdreg s3  }
0x21: {  	[dreg:$0x3] =	wrdreg s5  }
0x22: {  	[dreg:$0x4] =	wrdreg $0xC0  }
0x23: {  	_ =	task [dreg:s7], $0x5FFFF  }
0x24: {  	[dreg:$0x1] =	wrdreg $0xFFFFFFFF  }
0x25: {  	[dreg:$0x0] =	wrdreg $0x60  }
0x26: {  	[dreg:$0x2] =	wrdreg s25  }
0x27: {  	[dreg:$0x3] =	wrdreg s2  }
0x28: {  	[dreg:$0x4] =	wrdreg $0x9  }
0x29: {  	_ =	task.clear_ibuf [dreg:s7], $0x5FFFF;
	_ =	strace $0x90000055  }
0x2a: {  	s29 =	simm.s32 $0x9;
	_ =	strace $0x80000057  }
0x2b: {  	_ =	swait.ge [sflag:s29], $0x1  }
0x2c: {  	[sflag:s29] =	ssyncadd.s32 $0xFFFFFFFF  }
0x2d: {  	_ =	strace $0x90000057  }
0x2e: {  	_ =	sfence  }
0x2f: {  	s30 =	sld [smem:$0x0];
	_ =	sdelay $0x2  }
0x30: {  	s31 =	sshll.u32 s1, $0xD;
	s1 =	sshrl.u32 s1, $0x2  }
0x31: {  	s3 =	sand.u32 $0x4000, s31;
	s1 =	sadd.s32 s1, s30  }
0x32: {  	s0 =	sor.u32 s3, s0;
	s1 =	sshll.u32 s1, $0x11  }
0x33: {  	s0 =	sor.u32 s1, s0  }
0x34: {  	s0 =	sadd.s32 $0x8F2B, s0  }
0x35: {  	[sflag:s0] =	ssyncadd.remote.s32 $0x1  }
0x36: {  	_ =	sfence.sel $0xFFFF  }
0x37: {  	[dreg:$0x0] =	wrdreg $0xFFFFFFFF;
	(pc) =	sbr.abs _section_cstart, $3  }
0x38: {  	[dreg:$0x1] =	wrdreg $0xFFFFFFFF  }
0x39: {  	_ =	task.clear_ibuf [dreg:s7], $0x2FFFF;
	_ =	strace $0x9FFFFFFF  }
0x3a: {  	(tm) =	ssettm $0x7FFFFFFF  }
0x3b: {  	_ =	shalt  }
tec
execute0_lowered:
.L_overlay_start_1:
0x0: {  	(tag) =	ssettag $0x1  }
0x1: {  	s3 =	rddreg [dreg:$0x0]  }
0x2: {  	s2 =	rddreg [dreg:$0x1]  }
0x3: {  	s0 =	rddreg [dreg:$0x2];
	_ =	strace $0x80000056;
	s1 =	stileid.u32  }
0x4: {  	s5 =	srdreg.scid;
	s6 =	simm.s32 $0x1;
	s8 =	simm.s32 $0x2  }
0x5: {  	s15 =	simm.s32 $0x0;
	s10 =	simm.s32 $0x61C00;
	s16 =	simm.s32 $0x0  }
.Ltmp0:
0x6: {  	s11 =	simm.s32 $0x0;
	s13 =	simm.s32 $0x0;
	(pc) =	sbr.rel .LBB1_1-.Ltmp0, $4  }
0x7: {  	s14 =	simm.s32 $0x0;
	s3 =	sadd.s32 $0x253A00, s3;
	s4 =	sshll.u32 s1, $0x7  }
0x8: {  	s5 =	sshll.u32 s5, $0x7;
	[sflag:s6] =	ssyncpa.u1 $0x0;
	s7 =	ssub.s32 $0xC300, s4  }
0x9: {  	s5 =	sand.u32 $0x80, s5;
	[sflag:s8] =	ssyncpa.u1 $0x0;
	s7 =	sshrl.u32 s7, $0xB  }
0xa: {  	s12 =	smov.u32 s4;
	s8 =	sshll.u32 s5, $0x3;
	s9 =	sadd.s32 $0x2, s7  }
.LBB1_7:
0xb: {  	s19 =	sshrl.u32 s11, $0x3  }
0xc: {  	s20 =	sshll.u32 s13, $0x3;
	s19 =	smul.u32 $0x61C00, s19  }
0xd: {  	s20 =	sand.u32 $0xFFFFFC00, s20  }
0xe: {  	s21 =	sand.u32 $0x7F, s13;
	p0 =	sgt.s32 s13, $0xC300;
	s19 =	sadd.s32 s20, s19  }
0xf: {  	s20 =	sor.u32 s21, s19;
	s19 =	smulhi.u32 $0xA79C7B17, s19;
	s21 =	smov.u32 s13  }
0x10: {  	s22 =	smulhi.u32 $0xA79C7B17, s20;
	s21 =	simm.s32 @!p0 $0xC300  }
0x11: {  	p0 =	sgt.s32 s11, $0x40;
	s19 =	sshrl.u32 s19, $0xF;
	s17 =	sadd.s32 s17, s21  }
0x12: {  	s30 =	sshrl.u32 s22, $0xF;
	s31 =	smulhi.u32 $0x1555556, s19;
	s23 =	sadd.s32 $0xFFFF3D00, s17  }
0x13: {  	s21 =	smul.u32 $0xC380, s30;
	p1 =	sgt.s32 s23, $0x7F;
	s23 =	smov.u32 s11  }
0x14: {  	s17 =	ssub.s32 $0xC380, s17;
	s23 =	simm.s32 @!p0 $0x40;
	s22 =	smul.u32 $0xC0, s31  }
0x15: {  	s17 =	simm.s32 @p1 $0x0;
	s23 =	ssub.s32 $0xC0, s23  }
0x16: {  	s20 =	ssub.s32 s20, s21;
	s19 =	ssub.s32 s19, s22;
	s17 =	smul.u32 s23, s17  }
0x17: {  	s21 =	sshrl.u32 s20, $0x3;
	s20 =	sand.u32 $0x7, s20;
	s19 =	smul.u32 $0x1870, s19  }
0x18: {  	s18 =	sor.u32 $0x8000, s18;
	s21 =	sadd.s32 s2, s21;
	s20 =	sshll.u32 s20, $0x12  }
0x19: {  	s17 =	sand.u32 $0x3FFFFFC0, s17;
	s20 =	sor.u32 $0x400, s20;
	s19 =	sadd.s32 s19, s21  }
0x1a: {  	[hbm4b:s19+s20] =	stream.strided.scatter [tilespmem:s18], [sflag:$0x2], s17, s10, s20, $0x20;
	[tilespmem:$0x10100] =	vst v63  }
.LBB1_8:
0x1b: {  	p0 =	slt.u32 s14, $0x2  }
0x1c: {  	p1 =	sgt.s32 @!p0 s16, $0xC300  }
0x1d: {  	s17 =	smov.u32 s16;
	s18 =	sshra.s32 @!p0 s16, $0x1F;
	p1 =	por !p1, p0  }
0x1e: {  	s16 =	sand.u32 @!p0 s18, s16;
	s17 =	simm.s32 @p1 $0xC300  }
0x1f: {  	s16 =	ssub.s32 @!p0 s17, s16  }
0x20: {  	p1 =	sgt.s32 @!p0 s15, $0x40;
	s17 =	sadd.s32 @!p0 $0xFFFF3D00, s16  }
0x21: {  	s18 =	sadd.s32 $0x800, s12;
	p1 =	por !p1, p0;
	p2 =	sgt.s32 @!p0 s17, $0x7F  }
0x22: {  	s15 =	simm.s32 @p1 $0x40;
	s16 =	ssub.s32 @!p0 $0xC380, s16;
	p1 =	por !p2, p0  }
0x23: {  	s15 =	ssub.s32 @!p0 $0xC0, s15;
	s16 =	simm.s32 @!p1 $0x0;
	p1 =	sgt.s32 s18, $0xC34F  }
0x24: {  	s15 =	smul.u32 @!p0 s15, s16;
	s18 =	smov.u32 @p1 s4;
	p1 =	sne.s32 s14, s9  }
.Ltmp1:
0x25: {  	s20 =	sadd.s32 $0x1, s14;
	(pc) =	sbr.rel @!p1 .LBB1_9-.Ltmp1, $4  }
0x26: {  	s17 =	simm.s32 @!p0 $0x2;
	s16 =	smov.u32 s13;
	s15 =	sand.u32 @!p0 $0x3FFFFFFF, s15  }
0x27: {  	s13 =	smov.u32 s12;
	s14 =	smov.u32 s20;
	_ =	swait.ge @!p0 [sflag:s17], s15  }
0x28: {  	s12 =	smov.u32 s18;
	s19 =	ssub.s32 @!p0 $0x0, s15;
	[sflag:s17] =	ssyncset.done @!p0 $0x0  }
0x29: {  	s15 =	smov.u32 s11;
	s11 =	smov.u32 s5;
	[sflag:s17] =	ssyncadd.s32 @!p0 s19  }
.LBB1_1:
0x2a: {  	p0 =	sgt.u32 s14, s7  }
0x2b: {  	s17 =	sshll.u32 @!p0 s12, $0x8  }
0x2c: {  	s18 =	sshll.u32 @!p0 s12, $0x7;
	s17 =	sand.u32 @!p0 $0xFFFFF800, s17  }
0x2d: {  	s18 =	sand.u32 @!p0 $0x300, s18;
	s17 =	sor.u32 @!p0 s8, s17  }
0x2e: {  	s17 =	sor.u32 @!p0 s18, s17  }
0x2f: {  	s19 =	smov.u32 s12;
	p1 =	sgt.s32 @!p0 s12, $0xC2D0;
	s17 =	sshrl.u32 @!p0 s17, $0x8  }
0x30: {  	s20 =	sshra.s32 @!p0 s12, $0x1F;
	p1 =	por !p1, p0;
	s18 =	smulhi.u32 @!p0 $0x14F8B59, s17  }
0x31: {  	s20 =	sand.u32 @!p0 s20, s12;
	s19 =	simm.s32 @p1 $0xC2D0  }
0x32: {  	s21 =	sxor.u32 @!p0 $0xFFFFFFFF, s14;
	s19 =	ssub.s32 @!p0 s19, s20;
	s18 =	sshrl.u32 @!p0 s18, $0x8  }
0x33: {  	s20 =	sshll.u32 @!p0 s21, $0xE;
	s19 =	sadd.s32 @!p0 $0xFFFF3D30, s19;
	s18 =	smul.u32 @!p0 $0xC350, s18  }
0x34: {  	s21 =	simm.s32 @!p0 $0x800;
	s20 =	sand.u32 @!p0 $0x4000, s20;
	p1 =	sgt.s32 @!p0 s19, $0x7F  }
0x35: {  	s17 =	ssub.s32 @!p0 s17, s18;
	s18 =	sshll.u32 @!p0 s19, $0x7;
	s19 =	sshll.u32 @!p0 s12, $0x4  }
0x36: {  	p1 =	por !p1, p0;
	s18 =	ssub.s32 @!p0 $0x4000, s18;
	s19 =	sand.u32 @!p0 $0x10, s19  }
0x37: {  	s17 =	sshll.u32 @!p0 s17, $0x5;
	s18 =	sand.u32 @!p0 $0x3FFFFF80, s18;
	s19 =	sadd.s32 @!p0 s3, s19  }
0x38: {  	s18 =	simm.s32 @!p1 $0x0;
	s17 =	sadd.s32 @!p0 s17, s19;
	s19 =	simm.s32 @!p0 $0x400  }
0x39: {  	[tilespmem:s20], [sflag:$0x1] =	stream.strided.gather @!p0 [hbm4b:s17+s19], s18, s21, s19, $0x38;
	[tilespmem:$0x10100] =	vst v63  }
0x3a: {  	p0 =	seq.s32 s14, $0x0  }
0x3b: {  	p1 =	sge.u32 @!p0 s14, s9  }
0x3c: {  	p0 =	por p0, p1  }
.Ltmp2:
0x3d: {  	_ = 	snop;
	(pc) =	sbr.rel @p0 .LBB1_8-.Ltmp2, $1  }
0x3e: {  	_ =	sdelay $0x3  }
0x3f: {  	s17 =	ssub.s32 $0x0, s13  }
0x40: {  	s18 =	sshra.s32 s13, $0x1F;
	p0 =	sgt.s32 s13, $0xC2D0;
	s19 =	smov.u32 s13  }
0x41: {  	s17 =	sand.u32 s17, s18;
	s19 =	simm.s32 @!p0 $0xC2D0  }
0x42: {  	s18 =	sadd.s32 s17, s19;
	s19 =	sadd.s32 $0x80, s13  }
0x43: {  	s21 =	smov.u32 s11;
	p0 =	slt.s32 s19, $0xC350  }
0x44: {  	s18 =	sadd.s32 $0xFFFF3D30, s18;
	s19 =	simm.s32 @!p0 $0xC350;
	p0 =	slt.s32 s11, $0x40  }
0x45: {  	s20 =	sshll.u32 s18, $0x7;
	p1 =	sgt.s32 s18, $0x7F;
	s21 =	simm.s32 @!p0 $0x40  }
0x46: {  	s30 =	ssub.s32 $0x4000, s20;
	s19 =	ssub.s32 s19, s13;
	s31 =	ssub.s32 s21, s11  }
0x47: {  	s18 =	sand.u32 $0x3FFFFF80, s30;
	p0 =	slt.s32 s19, $0x1;
	s20 =	sadd.s32 $0x80, s31  }
0x48: {  	s18 =	simm.s32 @p1 $0x0;
	p1 =	seq.s32 @!p0 s20, $0x0  }
0x49: {  	p1 =	por p0, p1  }
.Ltmp3:
0x4a: {  	_ = 	snop;
	(pc) =	sbr.rel @p1 .LBB1_7-.Ltmp3, $4  }
0x4b: {  	_ = 	snop  }
0x4c: {  	_ =	swait.ge [sflag:s6], s18  }
0x4d: {  	s21 =	sand.u32 $0x1, s14;
	s18 =	ssub.s32 $0x0, s18;
	[sflag:s6] =	ssyncset.done $0x0  }
0x4e: {  	[sflag:s6] =	ssyncadd.s32 s18;
	s18 =	smul.u32 $0x4080, s21  }
0x4f: {  	_ = 	snop  }
0x50: {  	s21 =	sshll.u32 @!p0 s21, $0xE;
	s23 =	simm.s32 $0x0;
	s22 =	sor.u32 @!p0 $0x8000, s18  }
.LBB1_4:
0x51: {  	s24 =	sshll.u32 s23, $0x7;
	s25 =	sshrl.u32 s23, $0x4  }
0x52: {  	s27 =	sand.u32 $0x7F, s23;
	s28 =	simm.s32 $0x0;
	s26 =	sand.u32 $0x380, s24  }
0x53: {  	s29 =	simm.s32 $0x0;
	s27 =	sadd.s32 s27, s22;
	s26 =	sadd.s32 s26, s21  }
.LBB1_5:
0x54: {  	s30 =	sand.u32 $0x3C00, s28  }
0x55: {  	s30 =	sadd.s32 s24, s30  }
0x56: {  	s30 =	sand.u32 $0x3C00, s30  }
0x57: {  	s31 =	sand.u32 $0x70, s29;
	s30 =	sadd.s32 s30, s26  }
0x58: {  	s30 =	sadd.s32 s31, s30;
	s31 =	sadd.s32 s29, s25  }
0x59: {  	s29 =	sadd.s32 $0x10, s29;
	s31 =	sand.u32 $0x78, s31  }
0x5a: {  	v0 =	vld [tilespmem:s30+$0x0];
	p0 =	slt.u32 s29, s20;
	s30 =	smul.u32 $0x204, s31  }
.Ltmp4:
0x5b: {  	_ = 	snop;
	(pc) =	sbr.rel @p0 .LBB1_5-.Ltmp4, $4  }
0x5c: {  	_ = 	snop  }
0x5d: {  	s30 =	sshrl.u32 s30, $0x2  }
0x5e: {  	s30 =	sadd.s32 s30, s27  }
0x5f: {  	s28 =	sadd.s32 $0x80, s28;
	[tilespmem:s30+$0x0 ss:$0x81] =	vst.msk $0xffff, v0  }
0x60: {  	s23 =	sadd.s32 $0x1, s23  }
0x61: {  	p0 =	sne.s32 s23, s19  }
.Ltmp5:
0x62: {  	_ = 	snop;
	(pc) =	sbr.rel @p0 .LBB1_4-.Ltmp5, $4  }
.Ltmp6:
0x63: {  	_ = 	snop;
	(pc) =	sbr.rel @!p0 .LBB1_7-.Ltmp6, $4  }
0x64: {  	_ = 	snop  }
0x65: {  	_ = 	snop  }
0x66: {  	_ = 	snop  }
0x67: {  	_ = 	snop  }
.LBB1_9:
0x68: {  	_ =	sfence.sel $0x180000  }
0x69: {  	s2 =	simm.s32 $0x1;
	[bflag:$0x0] =	sbarrier.arrive $0xFFFF  }
0x6a: {  	s31 =	simm.s32 $0x2;
	[sflag:s2] =	ssyncpa.u1 $0x1  }
0x6b: {  	[sflag:s31] =	ssyncpa.u1 $0x1  }
0x6c: {  	p0 =	sne.s32 s1, $0x0;
	_ =	strace $0x90000056  }
0x6d: {  	s0 =	sadd.s32 @!p0 $0x100000, s0;
	[bflag:$0x2] =	sbarrier.arrive $0xFFFF  }
0x6e: {  	[sflag:s0] =	ssyncadd.tile.s32 @!p0 $0x1;
	_ =	shalt  }
.Lfunc_end1:
_tile_overlayer_lowered:
.L_overlay_start_2:
0x6f: {  	(tag) =	ssettag $0x2  }
0x70: {  	s0 =	rddreg [dreg:$0x0];
	s2 =	stileid.u32  }
0x71: {  	s1 =	rddreg [dreg:$0x1];
	p0 =	sne.s32 s2, $0x0  }
0x72: {  	s3 =	rddreg [dreg:$0x2];
	[bflag:$0x3] =	sbarrier.arrive $0xFFFF;
	s2 =	simm.s32 @!p0 $0x1C01  }
0x73: {  	[timem:s3], [sflag:s2] =	dma.local @!p0 [hbm:s0], s1  }
0x74: {  	s0 =	simm.s32 @!p0 $0x1  }
0x75: {  	_ =	swait.ge @!p0 [sflag:s0], s1  }
0x76: {  	s1 =	ssub.s32 @!p0 $0x0, s1;
	[sflag:s0] =	ssyncset.done @!p0 $0x0  }
0x77: {  	[sflag:s0] =	ssyncadd.s32 @!p0 s1  }
0x78: {  	[bflag:$0x3] =	sbarrier.arrive $0xFFFF  }
0x79: {  	_ =	shalt  }

</sc_bundles>
